<compile_context>
chip_gen: v7x
topology: tpu7x:2x2x1
jax: 0.10.2.dev20260603
libtpu: 0.0.44.dev20260713+nightly
codegen_flags: <defaults>
</compile_context>

<pallas_src>
import functools

import jax
import jax.numpy as jnp
from jax import lax
from jax.experimental import pallas as pl
from jax.experimental.pallas import tpu as pltpu
from jax.experimental.pallas import tpu_sc as plsc


def _sc_gather_elem(HT1, idx_flat, N, F, D, B):
    TOT = idx_flat.shape[0]
    info = plsc.get_sparse_core_info()
    NC, NS, L = info.num_cores, info.num_subcores, info.num_lanes
    NW = NC * NS
    per_w = TOT // NW
    b_per_w = per_w // F
    BCH = 8
    n_chunks = b_per_w // BCH
    PCH = BCH * F
    ECH = PCH * D
    NT = ECH // 128
    assert per_w % L == 0 and PCH % L == 0 and b_per_w % BCH == 0

    mesh = plsc.VectorSubcoreMesh(core_axis_name="c", subcore_axis_name="s")

    @functools.partial(
        pl.kernel,
        out_type=jax.ShapeDtypeStruct((B, F * D), jnp.float32),
        mesh=mesh,
        compiler_params=pltpu.CompilerParams(needs_layout_passes=False),
        scratch_types=[
            pltpu.VMEM((per_w,), jnp.int32),
            pltpu.VMEM((ECH,), jnp.int32),
            pltpu.VMEM((ECH,), jnp.int32),
            pltpu.VMEM((BCH, F * D), jnp.float32),
            pltpu.VMEM((BCH, F * D), jnp.float32),
            pltpu.SemaphoreType.DMA,
            pltpu.SemaphoreType.DMA,
            pltpu.SemaphoreType.DMA,
            pltpu.SemaphoreType.DMA,
        ],
    )
    def k(h_hbm, idx_hbm, out_hbm, idxraw_v, eidx0_v, eidx1_v,
          data0_v, data1_v, sem0, sem1, osem0, osem1):
        eidx_b = (eidx0_v, eidx1_v)
        data_b = (data0_v, data1_v)
        wid = lax.axis_index("s") * NC + lax.axis_index("c")
        base = wid * per_w
        b0 = wid * b_per_w
        iota = lax.broadcasted_iota(jnp.int32, (L,), 0)
        pltpu.sync_copy(idx_hbm.at[pl.ds(base, per_w)], idxraw_v)

        def gen(cc, buf):
            def gen16(t2, carry2):
                pos = cc * PCH + t2 * L
                n_vec = idxraw_v[pl.ds(pos, L)]
                b_vec = b0 + lax.div(pos + iota, F)
                src0 = (n_vec * (8 * 32768)
                        + lax.shift_right_logical(b_vec, 7) * 1024
                        + lax.bitwise_and(b_vec, 127))
                dst0 = t2 * (L * D) + iota * D

                def dloop(dd, carry3):
                    d = dd * 4
                    for kk in range(4):
                        doff = (lax.shift_right_logical(d + kk, 3) * 32768
                                + lax.bitwise_and(d + kk, 7) * 128)
                        plsc.store_scatter(eidx_b[buf],
                                           [dst0 + d + kk], src0 + doff)
                    return carry3

                lax.fori_loop(0, D // 4, dloop, 0)
                return carry2

            lax.fori_loop(0, PCH // L, gen16, 0)

        def fire(buf, sem):
            for j in range(NT):
                pltpu.async_copy(
                    h_hbm.at[eidx_b[buf].at[pl.ds(j * 128, 128)]],
                    data_b[buf].at[j // (F * D // 128),
                                   pl.ds((j % (F * D // 128)) * 128, 128)],
                    sem)

        def drain(buf, sem):
            pltpu.make_async_copy(out_hbm.at[pl.ds(0, BCH)],
                                  data_b[buf], sem).wait()

        osem_b = (osem0, osem1)

        def copyout(cc, buf):
            pltpu.async_copy(data_b[buf],
                             out_hbm.at[pl.ds(b0 + cc * BCH, BCH)],
                             osem_b[buf])

        def copyout_wait(buf):
            pltpu.make_async_copy(data_b[buf], out_hbm.at[pl.ds(0, BCH)],
                                  osem_b[buf]).wait()

        gen(0, 0)
        fire(0, sem0)

        def pipelined(cc2, carry):
            c = cc2 * 2
            gen(c + 1, 1)

            @pl.when(cc2 > 0)
            def _():
                copyout_wait(1)

            fire(1, sem1)
            drain(0, sem0)
            copyout(c, 0)

            @pl.when(cc2 < n_chunks // 2 - 1)
            def _():
                gen(c + 2, 0)
                copyout_wait(0)
                fire(0, sem0)

            drain(1, sem1)
            copyout(c + 1, 1)
            return carry

        lax.fori_loop(0, n_chunks // 2, pipelined, 0)
        copyout_wait(0)
        copyout_wait(1)

    return k(HT1, idx_flat)


def _tc_mean_t(HT, N):
    Nn, D, B = HT.shape
    Nb = 8

    def body(h_ref, o_ref):
        i = pl.program_id(0)
        s = jnp.sum(h_ref[...], axis=0)

        @pl.when(i == 0)
        def _():
            o_ref[...] = s * (1.0 / N)

        @pl.when(i > 0)
        def _():
            o_ref[...] += s * (1.0 / N)

    return pl.pallas_call(
        body,
        grid=(Nn // Nb,),
        in_specs=[pl.BlockSpec((Nb, D, B), lambda i: (i, 0, 0))],
        out_specs=pl.BlockSpec((D, B), lambda i: (0, 0)),
        out_shape=jax.ShapeDtypeStruct((D, B), jnp.float32),
    )(HT)


def _tc_dense(g2d, meanv, W):
    B, FD = g2d.shape
    D = meanv.shape[1]

    Bb = 512
    dims = (((1,), (0,)), ((), ()))

    def body(g_ref, m_ref, w_ref, o_ref):
        g = jnp.maximum(g_ref[...], 0.0)
        acc = lax.dot_general(g, w_ref[0:FD, :], dims,
                              preferred_element_type=jnp.float32)
        acc = acc + lax.dot_general(m_ref[...], w_ref[FD:FD + D, :], dims,
                                    preferred_element_type=jnp.float32)
        o_ref[...] = jnp.maximum(acc, 0.0)

    return pl.pallas_call(
        body,
        grid=(B // Bb,),
        in_specs=[
            pl.BlockSpec((Bb, FD), lambda i: (i, 0)),
            pl.BlockSpec((Bb, D), lambda i: (i, 0)),
            pl.BlockSpec((FD + D, D), lambda i: (0, 0)),
        ],
        out_specs=pl.BlockSpec((Bb, D), lambda i: (i, 0)),
        out_shape=jax.ShapeDtypeStruct((B, D), jnp.float32),
    )(g2d, meanv, W)


def kernel(H, indice, W):
    B, N, D = H.shape
    F = indice.shape[1]
    idx_flat = indice.astype(jnp.int32).reshape(B * F)

    HT = jnp.transpose(H, (1, 2, 0))
    meanv = _tc_mean_t(HT, N).T
    Hphys = HT.reshape(N, D // 8, 8, B // 128, 128)
    Hphys = Hphys.transpose(0, 1, 3, 2, 4).reshape(N * D * B)
    gathered = _sc_gather_elem(Hphys, idx_flat, N, F, D, B)
    out = _tc_dense(gathered, meanv, W)
    return out[:, None, :]

# --- scband reference (transcript-rebuilt; emitter-appended) ---
"""Pipeline reference for scband-wouter-source-generator-13434657702539 (READ-ONLY COPY).

The authoritative reference and input builder live on the scoring server;
editing this copy changes nothing except your own understanding.
"""

import jax, jax.numpy as jnp
import numpy as np

B, N, D, F = 4096, 200, 64, 26


def setup_inputs(seed: int = 0) -> dict:
    key = jax.random.key(seed)
    k1, k2, k3 = jax.random.split(key, 3)
    H = jax.random.normal(k1, (B, N, D), dtype=jnp.float32)
    indice = jax.random.randint(k2, (B, F), 0, N).astype(jnp.int64)
    # Dense(D, use_bias=False) built on flattened (F+1)*D features
    W = (jax.random.normal(k3, ((F + 1) * D, D), dtype=jnp.float32)
         * (1.0 / np.sqrt((F + 1) * D))).astype(jnp.float32)
    return {"H": H, "indice": indice, "W": W}


def reference(H, indice, W):
    # _indice_embedding: one_hot(indice, N)[..., None] * H broadcast, then
    # reduce_max over the N axis. Since all off-index entries are exactly 0,
    # this equals elementwise max(0, H[b, indice[b, f], :]) -- identical math,
    # implemented as a gather (take_along_axis) + maximum with 0.
    idx = indice.astype(jnp.int32)
    idx3 = jnp.broadcast_to(idx[:, :, None], (H.shape[0], idx.shape[1], H.shape[-1]))
    gathered = jnp.take_along_axis(H, idx3, axis=1)            # (B, F, D)
    indice_embedding = jnp.maximum(gathered, 0.0)               # (B, F, D)
    graph_embedding = jnp.mean(H, axis=-2, keepdims=True)       # (B, 1, D)
    embedding = jnp.concatenate([indice_embedding, graph_embedding], axis=-2)  # (B, F+1, D)
    embedding = embedding.reshape(embedding.shape[0], -1)       # (B, (F+1)*D)
    embedding = jax.nn.relu(embedding @ W)                      # (B, D)
    return embedding[:, None, :]                                # (B, 1, D)

if __name__ == "__main__":
    import jax
    _d = setup_inputs()
    print(jax.jit(kernel)(*tuple(_d.values())))

</pallas_src>

<mosaic_0001>
#map = affine_map<(d0, d1) -> (0)>
#map1 = affine_map<(d0, d1) -> (0, 0)>
module attributes {stable_mosaic.version = 14 : i64} {
  func.func @k(%arg0: i32, %arg1: i32, %arg2: memref<52428800xf32, #tpu.memory_space<hbm>>, %arg3: memref<106496xi32, #tpu.memory_space<hbm>>, %arg4: memref<4096x1664xf32, #tpu.memory_space<hbm>>, %arg5: memref<3328xi32, #tpu.memory_space<vmem>>, %arg6: memref<13312xi32, #tpu.memory_space<vmem>>, %arg7: memref<13312xi32, #tpu.memory_space<vmem>>, %arg8: memref<8x1664xf32, #tpu.memory_space<vmem>>, %arg9: memref<8x1664xf32, #tpu.memory_space<vmem>>, %arg10: memref<!tpu.dma_semaphore, #tpu.memory_space<semaphore_mem>>, %arg11: memref<!tpu.dma_semaphore, #tpu.memory_space<semaphore_mem>>, %arg12: memref<!tpu.dma_semaphore, #tpu.memory_space<semaphore_mem>>, %arg13: memref<!tpu.dma_semaphore, #tpu.memory_space<semaphore_mem>>) attributes {dimension_semantics = [#tpu.dimension_semantics<core_parallel>, #tpu.dimension_semantics<subcore_parallel>], iteration_bounds = array<i64: 2, 16>, scalar_prefetch = 0 : i64, scratch_operands = 9 : i64, tpu.core_type = #tpu.core_type<sc_vector_subcore>, window_params = [{transform_indices = #map}, {transform_indices = #map}, {transform_indices = #map1}]} {
    %mul3A = arith.constant 2 : i32
    %mul3A_0 = arith.muli %arg1, %mul3A : i32
    %add3A = arith.addi %mul3A_0, %arg0 : i32
    %mul3A_1 = arith.constant 3328 : i32
    %mul3A_2 = arith.muli %add3A, %mul3A_1 : i32
    %mul3A_3 = arith.constant 128 : i32
    %mul3A_4 = arith.muli %add3A, %mul3A_3 : i32
    %iota3A = tpu.iota {dimensions = array<i32: 0>} : vector<16xi32>
    "tpu.region"() ({
      %run_scoped3A = tpu.sem_alloc : memref<!tpu.dma_semaphore, #tpu.memory_space<semaphore_mem>>
      %dma_start3A_858 = tpu.memref_slice %arg3[%mul3A_2] : memref<106496xi32, #tpu.memory_space<hbm>> -> memref<3328xi32, #tpu.memory_space<hbm>>
      %dma_start3A_859 = tpu.memref_slice %arg3[%mul3A_2] : memref<106496xi32, #tpu.memory_space<hbm>> -> memref<3328xi32, #tpu.memory_space<hbm>>
      tpu.enqueue_dma source(%dma_start3A_859 : memref<3328xi32, #tpu.memory_space<hbm>>) target(%arg5 : memref<3328xi32, #tpu.memory_space<vmem>>) target_semaphore(%run_scoped3A : memref<!tpu.dma_semaphore, #tpu.memory_space<semaphore_mem>>)
      %dma_wait3A_860 = tpu.memref_slice %arg3[%mul3A_2] : memref<106496xi32, #tpu.memory_space<hbm>> -> memref<3328xi32, #tpu.memory_space<hbm>>
      %dma_wait3A_861 = tpu.memref_slice %arg3[%mul3A_2] : memref<106496xi32, #tpu.memory_space<hbm>> -> memref<3328xi32, #tpu.memory_space<hbm>>
      tpu.wait_dma2 semaphore(%run_scoped3A : memref<!tpu.dma_semaphore, #tpu.memory_space<semaphore_mem>>) src(%dma_wait3A_861 : memref<3328xi32, #tpu.memory_space<hbm>>) dst(%arg5 : memref<3328xi32, #tpu.memory_space<vmem>>)
      tpu.yield
    }) : () -> ()
    %scan3A = arith.constant 0 : i32
    %scan3A_5 = arith.constant 0 : i32
    %scan3A_6 = arith.constant 13 : i32
    %scan3A_7 = arith.addi %scan3A_5, %scan3A_6 : i32
    %scan3A_8 = arith.constant 1 : i32
    scf.for %scan3A_858 = %scan3A_5 to %scan3A_7 step %scan3A_8  : i32 {
      %mul3A_859 = arith.constant 16 : i32
      %mul3A_860 = arith.muli %scan3A_858, %mul3A_859 : i32
      %add3A_861 = arith.constant 0 : i32
      %add3A_862 = arith.addi %add3A_861, %mul3A_860 : i32
      %get3A = arith.index_cast %add3A_862 : i32 to index
      %get3A_863 = tpu.vector_load %arg5[%get3A] {strides = array<i32>} : memref<3328xi32, #tpu.memory_space<vmem>>, vector<16xi32>,
      %add3A_864 = vector.broadcast %add3A_862 : i32 to vector<16xi32>
      %add3A_865 = arith.addi %add3A_864, %iota3A : vector<16xi32>
      %div3A = arith.constant 26 : i32
      %div3A_866 = vector.broadcast %div3A : i32 to vector<16xi32>
      %div3A_867 = arith.divsi %add3A_865, %div3A_866 : vector<16xi32>
      %add3A_868 = vector.broadcast %mul3A_4 : i32 to vector<16xi32>
      %add3A_869 = arith.addi %add3A_868, %div3A_867 : vector<16xi32>
      %mul3A_870 = arith.constant 262144 : i32
      %mul3A_871 = vector.broadcast %mul3A_870 : i32 to vector<16xi32>
      %mul3A_872 = arith.muli %get3A_863, %mul3A_871 : vector<16xi32>
      %shift_right_logical3A = arith.constant 7 : i32
      %shift_right_logical3A_873 = vector.broadcast %shift_right_logical3A : i32 to vector<16xi32>
      %shift_right_logical3A_874 = arith.shrui %add3A_869, %shift_right_logical3A_873 : vector<16xi32>
      %mul3A_875 = arith.constant 1024 : i32
      %mul3A_876 = vector.broadcast %mul3A_875 : i32 to vector<16xi32>
      %mul3A_877 = arith.muli %shift_right_logical3A_874, %mul3A_876 : vector<16xi32>
      %add3A_878 = arith.addi %mul3A_872, %mul3A_877 : vector<16xi32>
      %and3A = arith.constant 127 : i32
      %and3A_879 = vector.broadcast %and3A : i32 to vector<16xi32>
      %and3A_880 = arith.andi %add3A_869, %and3A_879 : vector<16xi32>
      %add3A_881 = arith.addi %add3A_878, %and3A_880 : vector<16xi32>
      %mul3A_882 = arith.constant 1024 : i32
      %mul3A_883 = arith.muli %scan3A_858, %mul3A_882 : i32
      %mul3A_884 = arith.constant 64 : i32
      %mul3A_885 = vector.broadcast %mul3A_884 : i32 to vector<16xi32>
      %mul3A_886 = arith.muli %iota3A, %mul3A_885 : vector<16xi32>
      %add3A_887 = vector.broadcast %mul3A_883 : i32 to vector<16xi32>
      %add3A_888 = arith.addi %add3A_887, %mul3A_886 : vector<16xi32>
      %scan3A_889 = arith.constant 0 : i32
      %scan3A_890 = arith.constant 0 : i32
      %scan3A_891 = arith.constant 16 : i32
      %scan3A_892 = arith.addi %scan3A_890, %scan3A_891 : i32
      %scan3A_893 = arith.constant 1 : i32
      scf.for %scan3A_895 = %scan3A_890 to %scan3A_892 step %scan3A_893  : i32 {
        %mul3A_896 = arith.constant 4 : i32
        %mul3A_897 = arith.muli %scan3A_895, %mul3A_896 : i32
        %add3A_898 = arith.constant 0 : i32
        %add3A_899 = arith.addi %mul3A_897, %add3A_898 : i32
        %shift_right_logical3A_900 = arith.constant 3 : i32
        %shift_right_logical3A_901 = arith.shrui %add3A_899, %shift_right_logical3A_900 : i32
        %mul3A_902 = arith.constant 32768 : i32
        %mul3A_903 = arith.muli %shift_right_logical3A_901, %mul3A_902 : i32
        %add3A_904 = arith.constant 0 : i32
        %add3A_905 = arith.addi %mul3A_897, %add3A_904 : i32
        %and3A_906 = arith.constant 7 : i32
        %and3A_907 = arith.andi %add3A_905, %and3A_906 : i32
        %mul3A_908 = arith.constant 128 : i32
        %mul3A_909 = arith.muli %and3A_907, %mul3A_908 : i32
        %add3A_910 = arith.addi %mul3A_903, %mul3A_909 : i32
        %add3A_911 = vector.broadcast %mul3A_897 : i32 to vector<16xi32>
        %add3A_912 = arith.addi %add3A_888, %add3A_911 : vector<16xi32>
        %add3A_913 = arith.constant 0 : i32
        %add3A_914 = vector.broadcast %add3A_913 : i32 to vector<16xi32>
        %add3A_915 = arith.addi %add3A_912, %add3A_914 : vector<16xi32>
        %add3A_916 = vector.broadcast %add3A_910 : i32 to vector<16xi32>
        %add3A_917 = arith.addi %add3A_881, %add3A_916 : vector<16xi32>
        tpu.vector_store_idx %arg6[%add3A_915], %add3A_917 : memref<13312xi32, #tpu.memory_space<vmem>>[vector<16xi32>], vector<16xi32>,
        %add3A_918 = arith.constant 1 : i32
        %add3A_919 = arith.addi %mul3A_897, %add3A_918 : i32
        %shift_right_logical3A_920 = arith.constant 3 : i32
        %shift_right_logical3A_921 = arith.shrui %add3A_919, %shift_right_logical3A_920 : i32
        %mul3A_922 = arith.constant 32768 : i32
        %mul3A_923 = arith.muli %shift_right_logical3A_921, %mul3A_922 : i32
        %add3A_924 = arith.constant 1 : i32
        %add3A_925 = arith.addi %mul3A_897, %add3A_924 : i32
        %and3A_926 = arith.constant 7 : i32
        %and3A_927 = arith.andi %add3A_925, %and3A_926 : i32
        %mul3A_928 = arith.constant 128 : i32
        %mul3A_929 = arith.muli %and3A_927, %mul3A_928 : i32
        %add3A_930 = arith.addi %mul3A_923, %mul3A_929 : i32
        %add3A_931 = vector.broadcast %mul3A_897 : i32 to vector<16xi32>
        %add3A_932 = arith.addi %add3A_888, %add3A_931 : vector<16xi32>
        %add3A_933 = arith.constant 1 : i32
        %add3A_934 = vector.broadcast %add3A_933 : i32 to vector<16xi32>
        %add3A_935 = arith.addi %add3A_932, %add3A_934 : vector<16xi32>
        %add3A_936 = vector.broadcast %add3A_930 : i32 to vector<16xi32>
        %add3A_937 = arith.addi %add3A_881, %add3A_936 : vector<16xi32>
        tpu.vector_store_idx %arg6[%add3A_935], %add3A_937 : memref<13312xi32, #tpu.memory_space<vmem>>[vector<16xi32>], vector<16xi32>,
        %add3A_938 = arith.constant 2 : i32
        %add3A_939 = arith.addi %mul3A_897, %add3A_938 : i32
        %shift_right_logical3A_940 = arith.constant 3 : i32
        %shift_right_logical3A_941 = arith.shrui %add3A_939, %shift_right_logical3A_940 : i32
        %mul3A_942 = arith.constant 32768 : i32
        %mul3A_943 = arith.muli %shift_right_logical3A_941, %mul3A_942 : i32
        %add3A_944 = arith.constant 2 : i32
        %add3A_945 = arith.addi %mul3A_897, %add3A_944 : i32
        %and3A_946 = arith.constant 7 : i32
        %and3A_947 = arith.andi %add3A_945, %and3A_946 : i32
        %mul3A_948 = arith.constant 128 : i32
        %mul3A_949 = arith.muli %and3A_947, %mul3A_948 : i32
        %add3A_950 = arith.addi %mul3A_943, %mul3A_949 : i32
        %add3A_951 = vector.broadcast %mul3A_897 : i32 to vector<16xi32>
        %add3A_952 = arith.addi %add3A_888, %add3A_951 : vector<16xi32>
        %add3A_953 = arith.constant 2 : i32
        %add3A_954 = vector.broadcast %add3A_953 : i32 to vector<16xi32>
        %add3A_955 = arith.addi %add3A_952, %add3A_954 : vector<16xi32>
        %add3A_956 = vector.broadcast %add3A_950 : i32 to vector<16xi32>
        %add3A_957 = arith.addi %add3A_881, %add3A_956 : vector<16xi32>
        tpu.vector_store_idx %arg6[%add3A_955], %add3A_957 : memref<13312xi32, #tpu.memory_space<vmem>>[vector<16xi32>], vector<16xi32>,
        %add3A_958 = arith.constant 3 : i32
        %add3A_959 = arith.addi %mul3A_897, %add3A_958 : i32
        %shift_right_logical3A_960 = arith.constant 3 : i32
        %shift_right_logical3A_961 = arith.shrui %add3A_959, %shift_right_logical3A_960 : i32
        %mul3A_962 = arith.constant 32768 : i32
        %mul3A_963 = arith.muli %shift_right_logical3A_961, %mul3A_962 : i32
        %add3A_964 = arith.constant 3 : i32
        %add3A_965 = arith.addi %mul3A_897, %add3A_964 : i32
        %and3A_966 = arith.constant 7 : i32
        %and3A_967 = arith.andi %add3A_965, %and3A_966 : i32
        %mul3A_968 = arith.constant 128 : i32
        %mul3A_969 = arith.muli %and3A_967, %mul3A_968 : i32
        %add3A_970 = arith.addi %mul3A_963, %mul3A_969 : i32
        %add3A_971 = vector.broadcast %mul3A_897 : i32 to vector<16xi32>
        %add3A_972 = arith.addi %add3A_888, %add3A_971 : vector<16xi32>
        %add3A_973 = arith.constant 3 : i32
        %add3A_974 = vector.broadcast %add3A_973 : i32 to vector<16xi32>
        %add3A_975 = arith.addi %add3A_972, %add3A_974 : vector<16xi32>
        %add3A_976 = vector.broadcast %add3A_970 : i32 to vector<16xi32>
        %add3A_977 = arith.addi %add3A_881, %add3A_976 : vector<16xi32>
        tpu.vector_store_idx %arg6[%add3A_975], %add3A_977 : memref<13312xi32, #tpu.memory_space<vmem>>[vector<16xi32>], vector<16xi32>,
      }
      %scan3A_894 = arith.constant 16 : i32
    }
    %scan3A_9 = arith.constant 13 : i32
    %dma_start3A = arith.constant 0 : i32
    %dma_start3A_10 = arith.constant 0 : i32
    %dma_start3A_11 = tpu.memref_slice %arg8[%dma_start3A, %dma_start3A_10] : memref<8x1664xf32, #tpu.memory_space<vmem>> -> memref<1x128xf32, #tpu.memory_space<vmem>>
    %dma_start3A_12 = tpu.memref_squeeze %dma_start3A_11 : memref<1x128xf32, #tpu.memory_space<vmem>> -> memref<128xf32, #tpu.memory_space<vmem>>
    %dma_start3A_13 = arith.constant 0 : i32
    %dma_start3A_14 = tpu.memref_slice %arg6[%dma_start3A_13] : memref<13312xi32, #tpu.memory_space<vmem>> -> memref<128xi32, #tpu.memory_space<vmem>>
    %dma_start3A_15 = arith.constant 0 : i32
    %dma_start3A_16 = tpu.memref_slice %arg2[%dma_start3A_15] : memref<52428800xf32, #tpu.memory_space<hbm>> -> memref<52428800xf32, #tpu.memory_space<hbm>>
    tpu.enqueue_indirect_dma source(%dma_start3A_16 : memref<52428800xf32, #tpu.memory_space<hbm>>) target(%dma_start3A_12 : memref<128xf32, #tpu.memory_space<vmem>>) offsets(%dma_start3A_14 : memref<128xi32, #tpu.memory_space<vmem>>) semaphore(%arg10 : memref<!tpu.dma_semaphore, #tpu.memory_space<semaphore_mem>>)
    %dma_start3A_17 = arith.constant 0 : i32
    %dma_start3A_18 = arith.constant 128 : i32
    %dma_start3A_19 = tpu.memref_slice %arg8[%dma_start3A_17, %dma_start3A_18] : memref<8x1664xf32, #tpu.memory_space<vmem>> -> memref<1x128xf32, #tpu.memory_space<vmem>>
    %dma_start3A_20 = tpu.memref_squeeze %dma_start3A_19 : memref<1x128xf32, #tpu.memory_space<vmem>> -> memref<128xf32, #tpu.memory_space<vmem>>
    %dma_start3A_21 = arith.constant 128 : i32
    %dma_start3A_22 = tpu.memref_slice %arg6[%dma_start3A_21] : memref<13312xi32, #tpu.memory_space<vmem>> -> memref<128xi32, #tpu.memory_space<vmem>>
    %dma_start3A_23 = arith.constant 0 : i32
    %dma_start3A_24 = tpu.memref_slice %arg2[%dma_start3A_23] : memref<52428800xf32, #tpu.memory_space<hbm>> -> memref<52428800xf32, #tpu.memory_space<hbm>>
    tpu.enqueue_indirect_dma source(%dma_start3A_24 : memref<52428800xf32, #tpu.memory_space<hbm>>) target(%dma_start3A_20 : memref<128xf32, #tpu.memory_space<vmem>>) offsets(%dma_start3A_22 : memref<128xi32, #tpu.memory_space<vmem>>) semaphore(%arg10 : memref<!tpu.dma_semaphore, #tpu.memory_space<semaphore_mem>>)
    %dma_start3A_25 = arith.constant 0 : i32
    %dma_start3A_26 = arith.constant 256 : i32
    %dma_start3A_27 = tpu.memref_slice %arg8[%dma_start3A_25, %dma_start3A_26] : memref<8x1664xf32, #tpu.memory_space<vmem>> -> memref<1x128xf32, #tpu.memory_space<vmem>>
    %dma_start3A_28 = tpu.memref_squeeze %dma_start3A_27 : memref<1x128xf32, #tpu.memory_space<vmem>> -> memref<128xf32, #tpu.memory_space<vmem>>
    %dma_start3A_29 = arith.constant 256 : i32
    %dma_start3A_30 = tpu.memref_slice %arg6[%dma_start3A_29] : memref<13312xi32, #tpu.memory_space<vmem>> -> memref<128xi32, #tpu.memory_space<vmem>>
    %dma_start3A_31 = arith.constant 0 : i32
    %dma_start3A_32 = tpu.memref_slice %arg2[%dma_start3A_31] : memref<52428800xf32, #tpu.memory_space<hbm>> -> memref<52428800xf32, #tpu.memory_space<hbm>>
    tpu.enqueue_indirect_dma source(%dma_start3A_32 : memref<52428800xf32, #tpu.memory_space<hbm>>) target(%dma_start3A_28 : memref<128xf32, #tpu.memory_space<vmem>>) offsets(%dma_start3A_30 : memref<128xi32, #tpu.memory_space<vmem>>) semaphore(%arg10 : memref<!tpu.dma_semaphore, #tpu.memory_space<semaphore_mem>>)
    %dma_start3A_33 = arith.constant 0 : i32
    %dma_start3A_34 = arith.constant 384 : i32
    %dma_start3A_35 = tpu.memref_slice %arg8[%dma_start3A_33, %dma_start3A_34] : memref<8x1664xf32, #tpu.memory_space<vmem>> -> memref<1x128xf32, #tpu.memory_space<vmem>>
    %dma_start3A_36 = tpu.memref_squeeze %dma_start3A_35 : memref<1x128xf32, #tpu.memory_space<vmem>> -> memref<128xf32, #tpu.memory_space<vmem>>
    %dma_start3A_37 = arith.constant 384 : i32
    %dma_start3A_38 = tpu.memref_slice %arg6[%dma_start3A_37] : memref<13312xi32, #tpu.memory_space<vmem>> -> memref<128xi32, #tpu.memory_space<vmem>>
    %dma_start3A_39 = arith.constant 0 : i32
    %dma_start3A_40 = tpu.memref_slice %arg2[%dma_start3A_39] : memref<52428800xf32, #tpu.memory_space<hbm>> -> memref<52428800xf32, #tpu.memory_space<hbm>>
    tpu.enqueue_indirect_dma source(%dma_start3A_40 : memref<52428800xf32, #tpu.memory_space<hbm>>) target(%dma_start3A_36 : memref<128xf32, #tpu.memory_space<vmem>>) offsets(%dma_start3A_38 : memref<128xi32, #tpu.memory_space<vmem>>) semaphore(%arg10 : memref<!tpu.dma_semaphore, #tpu.memory_space<semaphore_mem>>)
    %dma_start3A_41 = arith.constant 0 : i32
    %dma_start3A_42 = arith.constant 512 : i32
    %dma_start3A_43 = tpu.memref_slice %arg8[%dma_start3A_41, %dma_start3A_42] : memref<8x1664xf32, #tpu.memory_space<vmem>> -> memref<1x128xf32, #tpu.memory_space<vmem>>
    %dma_start3A_44 = tpu.memref_squeeze %dma_start3A_43 : memref<1x128xf32, #tpu.memory_space<vmem>> -> memref<128xf32, #tpu.memory_space<vmem>>
    %dma_start3A_45 = arith.constant 512 : i32
    %dma_start3A_46 = tpu.memref_slice %arg6[%dma_start3A_45] : memref<13312xi32, #tpu.memory_space<vmem>> -> memref<128xi32, #tpu.memory_space<vmem>>
    %dma_start3A_47 = arith.constant 0 : i32
    %dma_start3A_48 = tpu.memref_slice %arg2[%dma_start3A_47] : memref<52428800xf32, #tpu.memory_space<hbm>> -> memref<52428800xf32, #tpu.memory_space<hbm>>
    tpu.enqueue_indirect_dma source(%dma_start3A_48 : memref<52428800xf32, #tpu.memory_space<hbm>>) target(%dma_start3A_44 : memref<128xf32, #tpu.memory_space<vmem>>) offsets(%dma_start3A_46 : memref<128xi32, #tpu.memory_space<vmem>>) semaphore(%arg10 : memref<!tpu.dma_semaphore, #tpu.memory_space<semaphore_mem>>)
    %dma_start3A_49 = arith.constant 0 : i32
    %dma_start3A_50 = arith.constant 640 : i32
    %dma_start3A_51 = tpu.memref_slice %arg8[%dma_start3A_49, %dma_start3A_50] : memref<8x1664xf32, #tpu.memory_space<vmem>> -> memref<1x128xf32, #tpu.memory_space<vmem>>
    %dma_start3A_52 = tpu.memref_squeeze %dma_start3A_51 : memref<1x128xf32, #tpu.memory_space<vmem>> -> memref<128xf32, #tpu.memory_space<vmem>>
    %dma_start3A_53 = arith.constant 640 : i32
    %dma_start3A_54 = tpu.memref_slice %arg6[%dma_start3A_53] : memref<13312xi32, #tpu.memory_space<vmem>> -> memref<128xi32, #tpu.memory_space<vmem>>
    %dma_start3A_55 = arith.constant 0 : i32
    %dma_start3A_56 = tpu.memref_slice %arg2[%dma_start3A_55] : memref<52428800xf32, #tpu.memory_space<hbm>> -> memref<52428800xf32, #tpu.memory_space<hbm>>
    tpu.enqueue_indirect_dma source(%dma_start3A_56 : memref<52428800xf32, #tpu.memory_space<hbm>>) target(%dma_start3A_52 : memref<128xf32, #tpu.memory_space<vmem>>) offsets(%dma_start3A_54 : memref<128xi32, #tpu.memory_space<vmem>>) semaphore(%arg10 : memref<!tpu.dma_semaphore, #tpu.memory_space<semaphore_mem>>)
    %dma_start3A_57 = arith.constant 0 : i32
    %dma_start3A_58 = arith.constant 768 : i32
    %dma_start3A_59 = tpu.memref_slice %arg8[%dma_start3A_57, %dma_start3A_58] : memref<8x1664xf32, #tpu.memory_space<vmem>> -> memref<1x128xf32, #tpu.memory_space<vmem>>
    %dma_start3A_60 = tpu.memref_squeeze %dma_start3A_59 : memref<1x128xf32, #tpu.memory_space<vmem>> -> memref<128xf32, #tpu.memory_space<vmem>>
    %dma_start3A_61 = arith.constant 768 : i32
    %dma_start3A_62 = tpu.memref_slice %arg6[%dma_start3A_61] : memref<13312xi32, #tpu.memory_space<vmem>> -> memref<128xi32, #tpu.memory_space<vmem>>
    %dma_start3A_63 = arith.constant 0 : i32
    %dma_start3A_64 = tpu.memref_slice %arg2[%dma_start3A_63] : memref<52428800xf32, #tpu.memory_space<hbm>> -> memref<52428800xf32, #tpu.memory_space<hbm>>
    tpu.enqueue_indirect_dma source(%dma_start3A_64 : memref<52428800xf32, #tpu.memory_space<hbm>>) target(%dma_start3A_60 : memref<128xf32, #tpu.memory_space<vmem>>) offsets(%dma_start3A_62 : memref<128xi32, #tpu.memory_space<vmem>>) semaphore(%arg10 : memref<!tpu.dma_semaphore, #tpu.memory_space<semaphore_mem>>)
    %dma_start3A_65 = arith.constant 0 : i32
    %dma_start3A_66 = arith.constant 896 : i32
    %dma_start3A_67 = tpu.memref_slice %arg8[%dma_start3A_65, %dma_start3A_66] : memref<8x1664xf32, #tpu.memory_space<vmem>> -> memref<1x128xf32, #tpu.memory_space<vmem>>
    %dma_start3A_68 = tpu.memref_squeeze %dma_start3A_67 : memref<1x128xf32, #tpu.memory_space<vmem>> -> memref<128xf32, #tpu.memory_space<vmem>>
    %dma_start3A_69 = arith.constant 896 : i32
    %dma_start3A_70 = tpu.memref_slice %arg6[%dma_start3A_69] : memref<13312xi32, #tpu.memory_space<vmem>> -> memref<128xi32, #tpu.memory_space<vmem>>
    %dma_start3A_71 = arith.constant 0 : i32
    %dma_start3A_72 = tpu.memref_slice %arg2[%dma_start3A_71] : memref<52428800xf32, #tpu.memory_space<hbm>> -> memref<52428800xf32, #tpu.memory_space<hbm>>
    tpu.enqueue_indirect_dma source(%dma_start3A_72 : memref<52428800xf32, #tpu.memory_space<hbm>>) target(%dma_start3A_68 : memref<128xf32, #tpu.memory_space<vmem>>) offsets(%dma_start3A_70 : memref<128xi32, #tpu.memory_space<vmem>>) semaphore(%arg10 : memref<!tpu.dma_semaphore, #tpu.memory_space<semaphore_mem>>)
    %dma_start3A_73 = arith.constant 0 : i32
    %dma_start3A_74 = arith.constant 1024 : i32
    %dma_start3A_75 = tpu.memref_slice %arg8[%dma_start3A_73, %dma_start3A_74] : memref<8x1664xf32, #tpu.memory_space<vmem>> -> memref<1x128xf32, #tpu.memory_space<vmem>>
    %dma_start3A_76 = tpu.memref_squeeze %dma_start3A_75 : memref<1x128xf32, #tpu.memory_space<vmem>> -> memref<128xf32, #tpu.memory_space<vmem>>
    %dma_start3A_77 = arith.constant 1024 : i32
    %dma_start3A_78 = tpu.memref_slice %arg6[%dma_start3A_77] : memref<13312xi32, #tpu.memory_space<vmem>> -> memref<128xi32, #tpu.memory_space<vmem>>
    %dma_start3A_79 = arith.constant 0 : i32
    %dma_start3A_80 = tpu.memref_slice %arg2[%dma_start3A_79] : memref<52428800xf32, #tpu.memory_space<hbm>> -> memref<52428800xf32, #tpu.memory_space<hbm>>
    tpu.enqueue_indirect_dma source(%dma_start3A_80 : memref<52428800xf32, #tpu.memory_space<hbm>>) target(%dma_start3A_76 : memref<128xf32, #tpu.memory_space<vmem>>) offsets(%dma_start3A_78 : memref<128xi32, #tpu.memory_space<vmem>>) semaphore(%arg10 : memref<!tpu.dma_semaphore, #tpu.memory_space<semaphore_mem>>)
    %dma_start3A_81 = arith.constant 0 : i32
    %dma_start3A_82 = arith.constant 1152 : i32
    %dma_start3A_83 = tpu.memref_slice %arg8[%dma_start3A_81, %dma_start3A_82] : memref<8x1664xf32, #tpu.memory_space<vmem>> -> memref<1x128xf32, #tpu.memory_space<vmem>>
    %dma_start3A_84 = tpu.memref_squeeze %dma_start3A_83 : memref<1x128xf32, #tpu.memory_space<vmem>> -> memref<128xf32, #tpu.memory_space<vmem>>
    %dma_start3A_85 = arith.constant 1152 : i32
    %dma_start3A_86 = tpu.memref_slice %arg6[%dma_start3A_85] : memref<13312xi32, #tpu.memory_space<vmem>> -> memref<128xi32, #tpu.memory_space<vmem>>
    %dma_start3A_87 = arith.constant 0 : i32
    %dma_start3A_88 = tpu.memref_slice %arg2[%dma_start3A_87] : memref<52428800xf32, #tpu.memory_space<hbm>> -> memref<52428800xf32, #tpu.memory_space<hbm>>
    tpu.enqueue_indirect_dma source(%dma_start3A_88 : memref<52428800xf32, #tpu.memory_space<hbm>>) target(%dma_start3A_84 : memref<128xf32, #tpu.memory_space<vmem>>) offsets(%dma_start3A_86 : memref<128xi32, #tpu.memory_space<vmem>>) semaphore(%arg10 : memref<!tpu.dma_semaphore, #tpu.memory_space<semaphore_mem>>)
    %dma_start3A_89 = arith.constant 0 : i32
    %dma_start3A_90 = arith.constant 1280 : i32
    %dma_start3A_91 = tpu.memref_slice %arg8[%dma_start3A_89, %dma_start3A_90] : memref<8x1664xf32, #tpu.memory_space<vmem>> -> memref<1x128xf32, #tpu.memory_space<vmem>>
    %dma_start3A_92 = tpu.memref_squeeze %dma_start3A_91 : memref<1x128xf32, #tpu.memory_space<vmem>> -> memref<128xf32, #tpu.memory_space<vmem>>
    %dma_start3A_93 = arith.constant 1280 : i32
    %dma_start3A_94 = tpu.memref_slice %arg6[%dma_start3A_93] : memref<13312xi32, #tpu.memory_space<vmem>> -> memref<128xi32, #tpu.memory_space<vmem>>
    %dma_start3A_95 = arith.constant 0 : i32
    %dma_start3A_96 = tpu.memref_slice %arg2[%dma_start3A_95] : memref<52428800xf32, #tpu.memory_space<hbm>> -> memref<52428800xf32, #tpu.memory_space<hbm>>
    tpu.enqueue_indirect_dma source(%dma_start3A_96 : memref<52428800xf32, #tpu.memory_space<hbm>>) target(%dma_start3A_92 : memref<128xf32, #tpu.memory_space<vmem>>) offsets(%dma_start3A_94 : memref<128xi32, #tpu.memory_space<vmem>>) semaphore(%arg10 : memref<!tpu.dma_semaphore, #tpu.memory_space<semaphore_mem>>)
    %dma_start3A_97 = arith.constant 0 : i32
    %dma_start3A_98 = arith.constant 1408 : i32
    %dma_start3A_99 = tpu.memref_slice %arg8[%dma_start3A_97, %dma_start3A_98] : memref<8x1664xf32, #tpu.memory_space<vmem>> -> memref<1x128xf32, #tpu.memory_space<vmem>>
    %dma_start3A_100 = tpu.memref_squeeze %dma_start3A_99 : memref<1x128xf32, #tpu.memory_space<vmem>> -> memref<128xf32, #tpu.memory_space<vmem>>
    %dma_start3A_101 = arith.constant 1408 : i32
    %dma_start3A_102 = tpu.memref_slice %arg6[%dma_start3A_101] : memref<13312xi32, #tpu.memory_space<vmem>> -> memref<128xi32, #tpu.memory_space<vmem>>
    %dma_start3A_103 = arith.constant 0 : i32
    %dma_start3A_104 = tpu.memref_slice %arg2[%dma_start3A_103] : memref<52428800xf32, #tpu.memory_space<hbm>> -> memref<52428800xf32, #tpu.memory_space<hbm>>
    tpu.enqueue_indirect_dma source(%dma_start3A_104 : memref<52428800xf32, #tpu.memory_space<hbm>>) target(%dma_start3A_100 : memref<128xf32, #tpu.memory_space<vmem>>) offsets(%dma_start3A_102 : memref<128xi32, #tpu.memory_space<vmem>>) semaphore(%arg10 : memref<!tpu.dma_semaphore, #tpu.memory_space<semaphore_mem>>)
    %dma_start3A_105 = arith.constant 0 : i32
    %dma_start3A_106 = arith.constant 1536 : i32
    %dma_start3A_107 = tpu.memref_slice %arg8[%dma_start3A_105, %dma_start3A_106] : memref<8x1664xf32, #tpu.memory_space<vmem>> -> memref<1x128xf32, #tpu.memory_space<vmem>>
    %dma_start3A_108 = tpu.memref_squeeze %dma_start3A_107 : memref<1x128xf32, #tpu.memory_space<vmem>> -> memref<128xf32, #tpu.memory_space<vmem>>
    %dma_start3A_109 = arith.constant 1536 : i32
    %dma_start3A_110 = tpu.memref_slice %arg6[%dma_start3A_109] : memref<13312xi32, #tpu.memory_space<vmem>> -> memref<128xi32, #tpu.memory_space<vmem>>
    %dma_start3A_111 = arith.constant 0 : i32
    %dma_start3A_112 = tpu.memref_slice %arg2[%dma_start3A_111] : memref<52428800xf32, #tpu.memory_space<hbm>> -> memref<52428800xf32, #tpu.memory_space<hbm>>
    tpu.enqueue_indirect_dma source(%dma_start3A_112 : memref<52428800xf32, #tpu.memory_space<hbm>>) target(%dma_start3A_108 : memref<128xf32, #tpu.memory_space<vmem>>) offsets(%dma_start3A_110 : memref<128xi32, #tpu.memory_space<vmem>>) semaphore(%arg10 : memref<!tpu.dma_semaphore, #tpu.memory_space<semaphore_mem>>)
    %dma_start3A_113 = arith.constant 1 : i32
    %dma_start3A_114 = arith.constant 0 : i32
    %dma_start3A_115 = tpu.memref_slice %arg8[%dma_start3A_113, %dma_start3A_114] : memref<8x1664xf32, #tpu.memory_space<vmem>> -> memref<1x128xf32, #tpu.memory_space<vmem>>
    %dma_start3A_116 = tpu.memref_squeeze %dma_start3A_115 : memref<1x128xf32, #tpu.memory_space<vmem>> -> memref<128xf32, #tpu.memory_space<vmem>>
    %dma_start3A_117 = arith.constant 1664 : i32
    %dma_start3A_118 = tpu.memref_slice %arg6[%dma_start3A_117] : memref<13312xi32, #tpu.memory_space<vmem>> -> memref<128xi32, #tpu.memory_space<vmem>>
    %dma_start3A_119 = arith.constant 0 : i32
    %dma_start3A_120 = tpu.memref_slice %arg2[%dma_start3A_119] : memref<52428800xf32, #tpu.memory_space<hbm>> -> memref<52428800xf32, #tpu.memory_space<hbm>>
    tpu.enqueue_indirect_dma source(%dma_start3A_120 : memref<52428800xf32, #tpu.memory_space<hbm>>) target(%dma_start3A_116 : memref<128xf32, #tpu.memory_space<vmem>>) offsets(%dma_start3A_118 : memref<128xi32, #tpu.memory_space<vmem>>) semaphore(%arg10 : memref<!tpu.dma_semaphore, #tpu.memory_space<semaphore_mem>>)
    %dma_start3A_121 = arith.constant 1 : i32
    %dma_start3A_122 = arith.constant 128 : i32
    %dma_start3A_123 = tpu.memref_slice %arg8[%dma_start3A_121, %dma_start3A_122] : memref<8x1664xf32, #tpu.memory_space<vmem>> -> memref<1x128xf32, #tpu.memory_space<vmem>>
    %dma_start3A_124 = tpu.memref_squeeze %dma_start3A_123 : memref<1x128xf32, #tpu.memory_space<vmem>> -> memref<128xf32, #tpu.memory_space<vmem>>
    %dma_start3A_125 = arith.constant 1792 : i32
    %dma_start3A_126 = tpu.memref_slice %arg6[%dma_start3A_125] : memref<13312xi32, #tpu.memory_space<vmem>> -> memref<128xi32, #tpu.memory_space<vmem>>
    %dma_start3A_127 = arith.constant 0 : i32
    %dma_start3A_128 = tpu.memref_slice %arg2[%dma_start3A_127] : memref<52428800xf32, #tpu.memory_space<hbm>> -> memref<52428800xf32, #tpu.memory_space<hbm>>
    tpu.enqueue_indirect_dma source(%dma_start3A_128 : memref<52428800xf32, #tpu.memory_space<hbm>>) target(%dma_start3A_124 : memref<128xf32, #tpu.memory_space<vmem>>) offsets(%dma_start3A_126 : memref<128xi32, #tpu.memory_space<vmem>>) semaphore(%arg10 : memref<!tpu.dma_semaphore, #tpu.memory_space<semaphore_mem>>)
    %dma_start3A_129 = arith.constant 1 : i32
    %dma_start3A_130 = arith.constant 256 : i32
    %dma_start3A_131 = tpu.memref_slice %arg8[%dma_start3A_129, %dma_start3A_130] : memref<8x1664xf32, #tpu.memory_space<vmem>> -> memref<1x128xf32, #tpu.memory_space<vmem>>
    %dma_start3A_132 = tpu.memref_squeeze %dma_start3A_131 : memref<1x128xf32, #tpu.memory_space<vmem>> -> memref<128xf32, #tpu.memory_space<vmem>>
    %dma_start3A_133 = arith.constant 1920 : i32
    %dma_start3A_134 = tpu.memref_slice %arg6[%dma_start3A_133] : memref<13312xi32, #tpu.memory_space<vmem>> -> memref<128xi32, #tpu.memory_space<vmem>>
    %dma_start3A_135 = arith.constant 0 : i32
    %dma_start3A_136 = tpu.memref_slice %arg2[%dma_start3A_135] : memref<52428800xf32, #tpu.memory_space<hbm>> -> memref<52428800xf32, #tpu.memory_space<hbm>>
    tpu.enqueue_indirect_dma source(%dma_start3A_136 : memref<52428800xf32, #tpu.memory_space<hbm>>) target(%dma_start3A_132 : memref<128xf32, #tpu.memory_space<vmem>>) offsets(%dma_start3A_134 : memref<128xi32, #tpu.memory_space<vmem>>) semaphore(%arg10 : memref<!tpu.dma_semaphore, #tpu.memory_space<semaphore_mem>>)
    %dma_start3A_137 = arith.constant 1 : i32
    %dma_start3A_138 = arith.constant 384 : i32
    %dma_start3A_139 = tpu.memref_slice %arg8[%dma_start3A_137, %dma_start3A_138] : memref<8x1664xf32, #tpu.memory_space<vmem>> -> memref<1x128xf32, #tpu.memory_space<vmem>>
    %dma_start3A_140 = tpu.memref_squeeze %dma_start3A_139 : memref<1x128xf32, #tpu.memory_space<vmem>> -> memref<128xf32, #tpu.memory_space<vmem>>
    %dma_start3A_141 = arith.constant 2048 : i32
    %dma_start3A_142 = tpu.memref_slice %arg6[%dma_start3A_141] : memref<13312xi32, #tpu.memory_space<vmem>> -> memref<128xi32, #tpu.memory_space<vmem>>
    %dma_start3A_143 = arith.constant 0 : i32
    %dma_start3A_144 = tpu.memref_slice %arg2[%dma_start3A_143] : memref<52428800xf32, #tpu.memory_space<hbm>> -> memref<52428800xf32, #tpu.memory_space<hbm>>
    tpu.enqueue_indirect_dma source(%dma_start3A_144 : memref<52428800xf32, #tpu.memory_space<hbm>>) target(%dma_start3A_140 : memref<128xf32, #tpu.memory_space<vmem>>) offsets(%dma_start3A_142 : memref<128xi32, #tpu.memory_space<vmem>>) semaphore(%arg10 : memref<!tpu.dma_semaphore, #tpu.memory_space<semaphore_mem>>)
    %dma_start3A_145 = arith.constant 1 : i32
    %dma_start3A_146 = arith.constant 512 : i32
    %dma_start3A_147 = tpu.memref_slice %arg8[%dma_start3A_145, %dma_start3A_146] : memref<8x1664xf32, #tpu.memory_space<vmem>> -> memref<1x128xf32, #tpu.memory_space<vmem>>
    %dma_start3A_148 = tpu.memref_squeeze %dma_start3A_147 : memref<1x128xf32, #tpu.memory_space<vmem>> -> memref<128xf32, #tpu.memory_space<vmem>>
    %dma_start3A_149 = arith.constant 2176 : i32
    %dma_start3A_150 = tpu.memref_slice %arg6[%dma_start3A_149] : memref<13312xi32, #tpu.memory_space<vmem>> -> memref<128xi32, #tpu.memory_space<vmem>>
    %dma_start3A_151 = arith.constant 0 : i32
    %dma_start3A_152 = tpu.memref_slice %arg2[%dma_start3A_151] : memref<52428800xf32, #tpu.memory_space<hbm>> -> memref<52428800xf32, #tpu.memory_space<hbm>>
    tpu.enqueue_indirect_dma source(%dma_start3A_152 : memref<52428800xf32, #tpu.memory_space<hbm>>) target(%dma_start3A_148 : memref<128xf32, #tpu.memory_space<vmem>>) offsets(%dma_start3A_150 : memref<128xi32, #tpu.memory_space<vmem>>) semaphore(%arg10 : memref<!tpu.dma_semaphore, #tpu.memory_space<semaphore_mem>>)
    %dma_start3A_153 = arith.constant 1 : i32
    %dma_start3A_154 = arith.constant 640 : i32
    %dma_start3A_155 = tpu.memref_slice %arg8[%dma_start3A_153, %dma_start3A_154] : memref<8x1664xf32, #tpu.memory_space<vmem>> -> memref<1x128xf32, #tpu.memory_space<vmem>>
    %dma_start3A_156 = tpu.memref_squeeze %dma_start3A_155 : memref<1x128xf32, #tpu.memory_space<vmem>> -> memref<128xf32, #tpu.memory_space<vmem>>
    %dma_start3A_157 = arith.constant 2304 : i32
    %dma_start3A_158 = tpu.memref_slice %arg6[%dma_start3A_157] : memref<13312xi32, #tpu.memory_space<vmem>> -> memref<128xi32, #tpu.memory_space<vmem>>
    %dma_start3A_159 = arith.constant 0 : i32
    %dma_start3A_160 = tpu.memref_slice %arg2[%dma_start3A_159] : memref<52428800xf32, #tpu.memory_space<hbm>> -> memref<52428800xf32, #tpu.memory_space<hbm>>
    tpu.enqueue_indirect_dma source(%dma_start3A_160 : memref<52428800xf32, #tpu.memory_space<hbm>>) target(%dma_start3A_156 : memref<128xf32, #tpu.memory_space<vmem>>) offsets(%dma_start3A_158 : memref<128xi32, #tpu.memory_space<vmem>>) semaphore(%arg10 : memref<!tpu.dma_semaphore, #tpu.memory_space<semaphore_mem>>)
    %dma_start3A_161 = arith.constant 1 : i32
    %dma_start3A_162 = arith.constant 768 : i32
    %dma_start3A_163 = tpu.memref_slice %arg8[%dma_start3A_161, %dma_start3A_162] : memref<8x1664xf32, #tpu.memory_space<vmem>> -> memref<1x128xf32, #tpu.memory_space<vmem>>
    %dma_start3A_164 = tpu.memref_squeeze %dma_start3A_163 : memref<1x128xf32, #tpu.memory_space<vmem>> -> memref<128xf32, #tpu.memory_space<vmem>>
    %dma_start3A_165 = arith.constant 2432 : i32
    %dma_start3A_166 = tpu.memref_slice %arg6[%dma_start3A_165] : memref<13312xi32, #tpu.memory_space<vmem>> -> memref<128xi32, #tpu.memory_space<vmem>>
    %dma_start3A_167 = arith.constant 0 : i32
    %dma_start3A_168 = tpu.memref_slice %arg2[%dma_start3A_167] : memref<52428800xf32, #tpu.memory_space<hbm>> -> memref<52428800xf32, #tpu.memory_space<hbm>>
    tpu.enqueue_indirect_dma source(%dma_start3A_168 : memref<52428800xf32, #tpu.memory_space<hbm>>) target(%dma_start3A_164 : memref<128xf32, #tpu.memory_space<vmem>>) offsets(%dma_start3A_166 : memref<128xi32, #tpu.memory_space<vmem>>) semaphore(%arg10 : memref<!tpu.dma_semaphore, #tpu.memory_space<semaphore_mem>>)
    %dma_start3A_169 = arith.constant 1 : i32
    %dma_start3A_170 = arith.constant 896 : i32
    %dma_start3A_171 = tpu.memref_slice %arg8[%dma_start3A_169, %dma_start3A_170] : memref<8x1664xf32, #tpu.memory_space<vmem>> -> memref<1x128xf32, #tpu.memory_space<vmem>>
    %dma_start3A_172 = tpu.memref_squeeze %dma_start3A_171 : memref<1x128xf32, #tpu.memory_space<vmem>> -> memref<128xf32, #tpu.memory_space<vmem>>
    %dma_start3A_173 = arith.constant 2560 : i32
    %dma_start3A_174 = tpu.memref_slice %arg6[%dma_start3A_173] : memref<13312xi32, #tpu.memory_space<vmem>> -> memref<128xi32, #tpu.memory_space<vmem>>
    %dma_start3A_175 = arith.constant 0 : i32
    %dma_start3A_176 = tpu.memref_slice %arg2[%dma_start3A_175] : memref<52428800xf32, #tpu.memory_space<hbm>> -> memref<52428800xf32, #tpu.memory_space<hbm>>
    tpu.enqueue_indirect_dma source(%dma_start3A_176 : memref<52428800xf32, #tpu.memory_space<hbm>>) target(%dma_start3A_172 : memref<128xf32, #tpu.memory_space<vmem>>) offsets(%dma_start3A_174 : memref<128xi32, #tpu.memory_space<vmem>>) semaphore(%arg10 : memref<!tpu.dma_semaphore, #tpu.memory_space<semaphore_mem>>)
    %dma_start3A_177 = arith.constant 1 : i32
    %dma_start3A_178 = arith.constant 1024 : i32
    %dma_start3A_179 = tpu.memref_slice %arg8[%dma_start3A_177, %dma_start3A_178] : memref<8x1664xf32, #tpu.memory_space<vmem>> -> memref<1x128xf32, #tpu.memory_space<vmem>>
    %dma_start3A_180 = tpu.memref_squeeze %dma_start3A_179 : memref<1x128xf32, #tpu.memory_space<vmem>> -> memref<128xf32, #tpu.memory_space<vmem>>
    %dma_start3A_181 = arith.constant 2688 : i32
    %dma_start3A_182 = tpu.memref_slice %arg6[%dma_start3A_181] : memref<13312xi32, #tpu.memory_space<vmem>> -> memref<128xi32, #tpu.memory_space<vmem>>
    %dma_start3A_183 = arith.constant 0 : i32
    %dma_start3A_184 = tpu.memref_slice %arg2[%dma_start3A_183] : memref<52428800xf32, #tpu.memory_space<hbm>> -> memref<52428800xf32, #tpu.memory_space<hbm>>
    tpu.enqueue_indirect_dma source(%dma_start3A_184 : memref<52428800xf32, #tpu.memory_space<hbm>>) target(%dma_start3A_180 : memref<128xf32, #tpu.memory_space<vmem>>) offsets(%dma_start3A_182 : memref<128xi32, #tpu.memory_space<vmem>>) semaphore(%arg10 : memref<!tpu.dma_semaphore, #tpu.memory_space<semaphore_mem>>)
    %dma_start3A_185 = arith.constant 1 : i32
    %dma_start3A_186 = arith.constant 1152 : i32
    %dma_start3A_187 = tpu.memref_slice %arg8[%dma_start3A_185, %dma_start3A_186] : memref<8x1664xf32, #tpu.memory_space<vmem>> -> memref<1x128xf32, #tpu.memory_space<vmem>>
    %dma_start3A_188 = tpu.memref_squeeze %dma_start3A_187 : memref<1x128xf32, #tpu.memory_space<vmem>> -> memref<128xf32, #tpu.memory_space<vmem>>
    %dma_start3A_189 = arith.constant 2816 : i32
    %dma_start3A_190 = tpu.memref_slice %arg6[%dma_start3A_189] : memref<13312xi32, #tpu.memory_space<vmem>> -> memref<128xi32, #tpu.memory_space<vmem>>
    %dma_start3A_191 = arith.constant 0 : i32
    %dma_start3A_192 = tpu.memref_slice %arg2[%dma_start3A_191] : memref<52428800xf32, #tpu.memory_space<hbm>> -> memref<52428800xf32, #tpu.memory_space<hbm>>
    tpu.enqueue_indirect_dma source(%dma_start3A_192 : memref<52428800xf32, #tpu.memory_space<hbm>>) target(%dma_start3A_188 : memref<128xf32, #tpu.memory_space<vmem>>) offsets(%dma_start3A_190 : memref<128xi32, #tpu.memory_space<vmem>>) semaphore(%arg10 : memref<!tpu.dma_semaphore, #tpu.memory_space<semaphore_mem>>)
    %dma_start3A_193 = arith.constant 1 : i32
    %dma_start3A_194 = arith.constant 1280 : i32
    %dma_start3A_195 = tpu.memref_slice %arg8[%dma_start3A_193, %dma_start3A_194] : memref<8x1664xf32, #tpu.memory_space<vmem>> -> memref<1x128xf32, #tpu.memory_space<vmem>>
    %dma_start3A_196 = tpu.memref_squeeze %dma_start3A_195 : memref<1x128xf32, #tpu.memory_space<vmem>> -> memref<128xf32, #tpu.memory_space<vmem>>
    %dma_start3A_197 = arith.constant 2944 : i32
    %dma_start3A_198 = tpu.memref_slice %arg6[%dma_start3A_197] : memref<13312xi32, #tpu.memory_space<vmem>> -> memref<128xi32, #tpu.memory_space<vmem>>
    %dma_start3A_199 = arith.constant 0 : i32
    %dma_start3A_200 = tpu.memref_slice %arg2[%dma_start3A_199] : memref<52428800xf32, #tpu.memory_space<hbm>> -> memref<52428800xf32, #tpu.memory_space<hbm>>
    tpu.enqueue_indirect_dma source(%dma_start3A_200 : memref<52428800xf32, #tpu.memory_space<hbm>>) target(%dma_start3A_196 : memref<128xf32, #tpu.memory_space<vmem>>) offsets(%dma_start3A_198 : memref<128xi32, #tpu.memory_space<vmem>>) semaphore(%arg10 : memref<!tpu.dma_semaphore, #tpu.memory_space<semaphore_mem>>)
    %dma_start3A_201 = arith.constant 1 : i32
    %dma_start3A_202 = arith.constant 1408 : i32
    %dma_start3A_203 = tpu.memref_slice %arg8[%dma_start3A_201, %dma_start3A_202] : memref<8x1664xf32, #tpu.memory_space<vmem>> -> memref<1x128xf32, #tpu.memory_space<vmem>>
    %dma_start3A_204 = tpu.memref_squeeze %dma_start3A_203 : memref<1x128xf32, #tpu.memory_space<vmem>> -> memref<128xf32, #tpu.memory_space<vmem>>
    %dma_start3A_205 = arith.constant 3072 : i32
    %dma_start3A_206 = tpu.memref_slice %arg6[%dma_start3A_205] : memref<13312xi32, #tpu.memory_space<vmem>> -> memref<128xi32, #tpu.memory_space<vmem>>
    %dma_start3A_207 = arith.constant 0 : i32
    %dma_start3A_208 = tpu.memref_slice %arg2[%dma_start3A_207] : memref<52428800xf32, #tpu.memory_space<hbm>> -> memref<52428800xf32, #tpu.memory_space<hbm>>
    tpu.enqueue_indirect_dma source(%dma_start3A_208 : memref<52428800xf32, #tpu.memory_space<hbm>>) target(%dma_start3A_204 : memref<128xf32, #tpu.memory_space<vmem>>) offsets(%dma_start3A_206 : memref<128xi32, #tpu.memory_space<vmem>>) semaphore(%arg10 : memref<!tpu.dma_semaphore, #tpu.memory_space<semaphore_mem>>)
    %dma_start3A_209 = arith.constant 1 : i32
    %dma_start3A_210 = arith.constant 1536 : i32
    %dma_start3A_211 = tpu.memref_slice %arg8[%dma_start3A_209, %dma_start3A_210] : memref<8x1664xf32, #tpu.memory_space<vmem>> -> memref<1x128xf32, #tpu.memory_space<vmem>>
    %dma_start3A_212 = tpu.memref_squeeze %dma_start3A_211 : memref<1x128xf32, #tpu.memory_space<vmem>> -> memref<128xf32, #tpu.memory_space<vmem>>
    %dma_start3A_213 = arith.constant 3200 : i32
    %dma_start3A_214 = tpu.memref_slice %arg6[%dma_start3A_213] : memref<13312xi32, #tpu.memory_space<vmem>> -> memref<128xi32, #tpu.memory_space<vmem>>
    %dma_start3A_215 = arith.constant 0 : i32
    %dma_start3A_216 = tpu.memref_slice %arg2[%dma_start3A_215] : memref<52428800xf32, #tpu.memory_space<hbm>> -> memref<52428800xf32, #tpu.memory_space<hbm>>
    tpu.enqueue_indirect_dma source(%dma_start3A_216 : memref<52428800xf32, #tpu.memory_space<hbm>>) target(%dma_start3A_212 : memref<128xf32, #tpu.memory_space<vmem>>) offsets(%dma_start3A_214 : memref<128xi32, #tpu.memory_space<vmem>>) semaphore(%arg10 : memref<!tpu.dma_semaphore, #tpu.memory_space<semaphore_mem>>)
    %dma_start3A_217 = arith.constant 2 : i32
    %dma_start3A_218 = arith.constant 0 : i32
    %dma_start3A_219 = tpu.memref_slice %arg8[%dma_start3A_217, %dma_start3A_218] : memref<8x1664xf32, #tpu.memory_space<vmem>> -> memref<1x128xf32, #tpu.memory_space<vmem>>
    %dma_start3A_220 = tpu.memref_squeeze %dma_start3A_219 : memref<1x128xf32, #tpu.memory_space<vmem>> -> memref<128xf32, #tpu.memory_space<vmem>>
    %dma_start3A_221 = arith.constant 3328 : i32
    %dma_start3A_222 = tpu.memref_slice %arg6[%dma_start3A_221] : memref<13312xi32, #tpu.memory_space<vmem>> -> memref<128xi32, #tpu.memory_space<vmem>>
    %dma_start3A_223 = arith.constant 0 : i32
    %dma_start3A_224 = tpu.memref_slice %arg2[%dma_start3A_223] : memref<52428800xf32, #tpu.memory_space<hbm>> -> memref<52428800xf32, #tpu.memory_space<hbm>>
    tpu.enqueue_indirect_dma source(%dma_start3A_224 : memref<52428800xf32, #tpu.memory_space<hbm>>) target(%dma_start3A_220 : memref<128xf32, #tpu.memory_space<vmem>>) offsets(%dma_start3A_222 : memref<128xi32, #tpu.memory_space<vmem>>) semaphore(%arg10 : memref<!tpu.dma_semaphore, #tpu.memory_space<semaphore_mem>>)
    %dma_start3A_225 = arith.constant 2 : i32
    %dma_start3A_226 = arith.constant 128 : i32
    %dma_start3A_227 = tpu.memref_slice %arg8[%dma_start3A_225, %dma_start3A_226] : memref<8x1664xf32, #tpu.memory_space<vmem>> -> memref<1x128xf32, #tpu.memory_space<vmem>>
    %dma_start3A_228 = tpu.memref_squeeze %dma_start3A_227 : memref<1x128xf32, #tpu.memory_space<vmem>> -> memref<128xf32, #tpu.memory_space<vmem>>
    %dma_start3A_229 = arith.constant 3456 : i32
    %dma_start3A_230 = tpu.memref_slice %arg6[%dma_start3A_229] : memref<13312xi32, #tpu.memory_space<vmem>> -> memref<128xi32, #tpu.memory_space<vmem>>
    %dma_start3A_231 = arith.constant 0 : i32
    %dma_start3A_232 = tpu.memref_slice %arg2[%dma_start3A_231] : memref<52428800xf32, #tpu.memory_space<hbm>> -> memref<52428800xf32, #tpu.memory_space<hbm>>
    tpu.enqueue_indirect_dma source(%dma_start3A_232 : memref<52428800xf32, #tpu.memory_space<hbm>>) target(%dma_start3A_228 : memref<128xf32, #tpu.memory_space<vmem>>) offsets(%dma_start3A_230 : memref<128xi32, #tpu.memory_space<vmem>>) semaphore(%arg10 : memref<!tpu.dma_semaphore, #tpu.memory_space<semaphore_mem>>)
    %dma_start3A_233 = arith.constant 2 : i32
    %dma_start3A_234 = arith.constant 256 : i32
    %dma_start3A_235 = tpu.memref_slice %arg8[%dma_start3A_233, %dma_start3A_234] : memref<8x1664xf32, #tpu.memory_space<vmem>> -> memref<1x128xf32, #tpu.memory_space<vmem>>
    %dma_start3A_236 = tpu.memref_squeeze %dma_start3A_235 : memref<1x128xf32, #tpu.memory_space<vmem>> -> memref<128xf32, #tpu.memory_space<vmem>>
    %dma_start3A_237 = arith.constant 3584 : i32
    %dma_start3A_238 = tpu.memref_slice %arg6[%dma_start3A_237] : memref<13312xi32, #tpu.memory_space<vmem>> -> memref<128xi32, #tpu.memory_space<vmem>>
    %dma_start3A_239 = arith.constant 0 : i32
    %dma_start3A_240 = tpu.memref_slice %arg2[%dma_start3A_239] : memref<52428800xf32, #tpu.memory_space<hbm>> -> memref<52428800xf32, #tpu.memory_space<hbm>>
    tpu.enqueue_indirect_dma source(%dma_start3A_240 : memref<52428800xf32, #tpu.memory_space<hbm>>) target(%dma_start3A_236 : memref<128xf32, #tpu.memory_space<vmem>>) offsets(%dma_start3A_238 : memref<128xi32, #tpu.memory_space<vmem>>) semaphore(%arg10 : memref<!tpu.dma_semaphore, #tpu.memory_space<semaphore_mem>>)
    %dma_start3A_241 = arith.constant 2 : i32
    %dma_start3A_242 = arith.constant 384 : i32
    %dma_start3A_243 = tpu.memref_slice %arg8[%dma_start3A_241, %dma_start3A_242] : memref<8x1664xf32, #tpu.memory_space<vmem>> -> memref<1x128xf32, #tpu.memory_space<vmem>>
    %dma_start3A_244 = tpu.memref_squeeze %dma_start3A_243 : memref<1x128xf32, #tpu.memory_space<vmem>> -> memref<128xf32, #tpu.memory_space<vmem>>
    %dma_start3A_245 = arith.constant 3712 : i32
    %dma_start3A_246 = tpu.memref_slice %arg6[%dma_start3A_245] : memref<13312xi32, #tpu.memory_space<vmem>> -> memref<128xi32, #tpu.memory_space<vmem>>
    %dma_start3A_247 = arith.constant 0 : i32
    %dma_start3A_248 = tpu.memref_slice %arg2[%dma_start3A_247] : memref<52428800xf32, #tpu.memory_space<hbm>> -> memref<52428800xf32, #tpu.memory_space<hbm>>
    tpu.enqueue_indirect_dma source(%dma_start3A_248 : memref<52428800xf32, #tpu.memory_space<hbm>>) target(%dma_start3A_244 : memref<128xf32, #tpu.memory_space<vmem>>) offsets(%dma_start3A_246 : memref<128xi32, #tpu.memory_space<vmem>>) semaphore(%arg10 : memref<!tpu.dma_semaphore, #tpu.memory_space<semaphore_mem>>)
    %dma_start3A_249 = arith.constant 2 : i32
    %dma_start3A_250 = arith.constant 512 : i32
    %dma_start3A_251 = tpu.memref_slice %arg8[%dma_start3A_249, %dma_start3A_250] : memref<8x1664xf32, #tpu.memory_space<vmem>> -> memref<1x128xf32, #tpu.memory_space<vmem>>
    %dma_start3A_252 = tpu.memref_squeeze %dma_start3A_251 : memref<1x128xf32, #tpu.memory_space<vmem>> -> memref<128xf32, #tpu.memory_space<vmem>>
    %dma_start3A_253 = arith.constant 3840 : i32
    %dma_start3A_254 = tpu.memref_slice %arg6[%dma_start3A_253] : memref<13312xi32, #tpu.memory_space<vmem>> -> memref<128xi32, #tpu.memory_space<vmem>>
    %dma_start3A_255 = arith.constant 0 : i32
    %dma_start3A_256 = tpu.memref_slice %arg2[%dma_start3A_255] : memref<52428800xf32, #tpu.memory_space<hbm>> -> memref<52428800xf32, #tpu.memory_space<hbm>>
    tpu.enqueue_indirect_dma source(%dma_start3A_256 : memref<52428800xf32, #tpu.memory_space<hbm>>) target(%dma_start3A_252 : memref<128xf32, #tpu.memory_space<vmem>>) offsets(%dma_start3A_254 : memref<128xi32, #tpu.memory_space<vmem>>) semaphore(%arg10 : memref<!tpu.dma_semaphore, #tpu.memory_space<semaphore_mem>>)
    %dma_start3A_257 = arith.constant 2 : i32
    %dma_start3A_258 = arith.constant 640 : i32
    %dma_start3A_259 = tpu.memref_slice %arg8[%dma_start3A_257, %dma_start3A_258] : memref<8x1664xf32, #tpu.memory_space<vmem>> -> memref<1x128xf32, #tpu.memory_space<vmem>>
    %dma_start3A_260 = tpu.memref_squeeze %dma_start3A_259 : memref<1x128xf32, #tpu.memory_space<vmem>> -> memref<128xf32, #tpu.memory_space<vmem>>
    %dma_start3A_261 = arith.constant 3968 : i32
    %dma_start3A_262 = tpu.memref_slice %arg6[%dma_start3A_261] : memref<13312xi32, #tpu.memory_space<vmem>> -> memref<128xi32, #tpu.memory_space<vmem>>
    %dma_start3A_263 = arith.constant 0 : i32
    %dma_start3A_264 = tpu.memref_slice %arg2[%dma_start3A_263] : memref<52428800xf32, #tpu.memory_space<hbm>> -> memref<52428800xf32, #tpu.memory_space<hbm>>
    tpu.enqueue_indirect_dma source(%dma_start3A_264 : memref<52428800xf32, #tpu.memory_space<hbm>>) target(%dma_start3A_260 : memref<128xf32, #tpu.memory_space<vmem>>) offsets(%dma_start3A_262 : memref<128xi32, #tpu.memory_space<vmem>>) semaphore(%arg10 : memref<!tpu.dma_semaphore, #tpu.memory_space<semaphore_mem>>)
    %dma_start3A_265 = arith.constant 2 : i32
    %dma_start3A_266 = arith.constant 768 : i32
    %dma_start3A_267 = tpu.memref_slice %arg8[%dma_start3A_265, %dma_start3A_266] : memref<8x1664xf32, #tpu.memory_space<vmem>> -> memref<1x128xf32, #tpu.memory_space<vmem>>
    %dma_start3A_268 = tpu.memref_squeeze %dma_start3A_267 : memref<1x128xf32, #tpu.memory_space<vmem>> -> memref<128xf32, #tpu.memory_space<vmem>>
    %dma_start3A_269 = arith.constant 4096 : i32
    %dma_start3A_270 = tpu.memref_slice %arg6[%dma_start3A_269] : memref<13312xi32, #tpu.memory_space<vmem>> -> memref<128xi32, #tpu.memory_space<vmem>>
    %dma_start3A_271 = arith.constant 0 : i32
    %dma_start3A_272 = tpu.memref_slice %arg2[%dma_start3A_271] : memref<52428800xf32, #tpu.memory_space<hbm>> -> memref<52428800xf32, #tpu.memory_space<hbm>>
    tpu.enqueue_indirect_dma source(%dma_start3A_272 : memref<52428800xf32, #tpu.memory_space<hbm>>) target(%dma_start3A_268 : memref<128xf32, #tpu.memory_space<vmem>>) offsets(%dma_start3A_270 : memref<128xi32, #tpu.memory_space<vmem>>) semaphore(%arg10 : memref<!tpu.dma_semaphore, #tpu.memory_space<semaphore_mem>>)
    %dma_start3A_273 = arith.constant 2 : i32
    %dma_start3A_274 = arith.constant 896 : i32
    %dma_start3A_275 = tpu.memref_slice %arg8[%dma_start3A_273, %dma_start3A_274] : memref<8x1664xf32, #tpu.memory_space<vmem>> -> memref<1x128xf32, #tpu.memory_space<vmem>>
    %dma_start3A_276 = tpu.memref_squeeze %dma_start3A_275 : memref<1x128xf32, #tpu.memory_space<vmem>> -> memref<128xf32, #tpu.memory_space<vmem>>
    %dma_start3A_277 = arith.constant 4224 : i32
    %dma_start3A_278 = tpu.memref_slice %arg6[%dma_start3A_277] : memref<13312xi32, #tpu.memory_space<vmem>> -> memref<128xi32, #tpu.memory_space<vmem>>
    %dma_start3A_279 = arith.constant 0 : i32
    %dma_start3A_280 = tpu.memref_slice %arg2[%dma_start3A_279] : memref<52428800xf32, #tpu.memory_space<hbm>> -> memref<52428800xf32, #tpu.memory_space<hbm>>
    tpu.enqueue_indirect_dma source(%dma_start3A_280 : memref<52428800xf32, #tpu.memory_space<hbm>>) target(%dma_start3A_276 : memref<128xf32, #tpu.memory_space<vmem>>) offsets(%dma_start3A_278 : memref<128xi32, #tpu.memory_space<vmem>>) semaphore(%arg10 : memref<!tpu.dma_semaphore, #tpu.memory_space<semaphore_mem>>)
    %dma_start3A_281 = arith.constant 2 : i32
    %dma_start3A_282 = arith.constant 1024 : i32
    %dma_start3A_283 = tpu.memref_slice %arg8[%dma_start3A_281, %dma_start3A_282] : memref<8x1664xf32, #tpu.memory_space<vmem>> -> memref<1x128xf32, #tpu.memory_space<vmem>>
    %dma_start3A_284 = tpu.memref_squeeze %dma_start3A_283 : memref<1x128xf32, #tpu.memory_space<vmem>> -> memref<128xf32, #tpu.memory_space<vmem>>
    %dma_start3A_285 = arith.constant 4352 : i32
    %dma_start3A_286 = tpu.memref_slice %arg6[%dma_start3A_285] : memref<13312xi32, #tpu.memory_space<vmem>> -> memref<128xi32, #tpu.memory_space<vmem>>
    %dma_start3A_287 = arith.constant 0 : i32
    %dma_start3A_288 = tpu.memref_slice %arg2[%dma_start3A_287] : memref<52428800xf32, #tpu.memory_space<hbm>> -> memref<52428800xf32, #tpu.memory_space<hbm>>
    tpu.enqueue_indirect_dma source(%dma_start3A_288 : memref<52428800xf32, #tpu.memory_space<hbm>>) target(%dma_start3A_284 : memref<128xf32, #tpu.memory_space<vmem>>) offsets(%dma_start3A_286 : memref<128xi32, #tpu.memory_space<vmem>>) semaphore(%arg10 : memref<!tpu.dma_semaphore, #tpu.memory_space<semaphore_mem>>)
    %dma_start3A_289 = arith.constant 2 : i32
    %dma_start3A_290 = arith.constant 1152 : i32
    %dma_start3A_291 = tpu.memref_slice %arg8[%dma_start3A_289, %dma_start3A_290] : memref<8x1664xf32, #tpu.memory_space<vmem>> -> memref<1x128xf32, #tpu.memory_space<vmem>>
    %dma_start3A_292 = tpu.memref_squeeze %dma_start3A_291 : memref<1x128xf32, #tpu.memory_space<vmem>> -> memref<128xf32, #tpu.memory_space<vmem>>
    %dma_start3A_293 = arith.constant 4480 : i32
    %dma_start3A_294 = tpu.memref_slice %arg6[%dma_start3A_293] : memref<13312xi32, #tpu.memory_space<vmem>> -> memref<128xi32, #tpu.memory_space<vmem>>
    %dma_start3A_295 = arith.constant 0 : i32
    %dma_start3A_296 = tpu.memref_slice %arg2[%dma_start3A_295] : memref<52428800xf32, #tpu.memory_space<hbm>> -> memref<52428800xf32, #tpu.memory_space<hbm>>
    tpu.enqueue_indirect_dma source(%dma_start3A_296 : memref<52428800xf32, #tpu.memory_space<hbm>>) target(%dma_start3A_292 : memref<128xf32, #tpu.memory_space<vmem>>) offsets(%dma_start3A_294 : memref<128xi32, #tpu.memory_space<vmem>>) semaphore(%arg10 : memref<!tpu.dma_semaphore, #tpu.memory_space<semaphore_mem>>)
    %dma_start3A_297 = arith.constant 2 : i32
    %dma_start3A_298 = arith.constant 1280 : i32
    %dma_start3A_299 = tpu.memref_slice %arg8[%dma_start3A_297, %dma_start3A_298] : memref<8x1664xf32, #tpu.memory_space<vmem>> -> memref<1x128xf32, #tpu.memory_space<vmem>>
    %dma_start3A_300 = tpu.memref_squeeze %dma_start3A_299 : memref<1x128xf32, #tpu.memory_space<vmem>> -> memref<128xf32, #tpu.memory_space<vmem>>
    %dma_start3A_301 = arith.constant 4608 : i32
    %dma_start3A_302 = tpu.memref_slice %arg6[%dma_start3A_301] : memref<13312xi32, #tpu.memory_space<vmem>> -> memref<128xi32, #tpu.memory_space<vmem>>
    %dma_start3A_303 = arith.constant 0 : i32
    %dma_start3A_304 = tpu.memref_slice %arg2[%dma_start3A_303] : memref<52428800xf32, #tpu.memory_space<hbm>> -> memref<52428800xf32, #tpu.memory_space<hbm>>
    tpu.enqueue_indirect_dma source(%dma_start3A_304 : memref<52428800xf32, #tpu.memory_space<hbm>>) target(%dma_start3A_300 : memref<128xf32, #tpu.memory_space<vmem>>) offsets(%dma_start3A_302 : memref<128xi32, #tpu.memory_space<vmem>>) semaphore(%arg10 : memref<!tpu.dma_semaphore, #tpu.memory_space<semaphore_mem>>)
    %dma_start3A_305 = arith.constant 2 : i32
    %dma_start3A_306 = arith.constant 1408 : i32
    %dma_start3A_307 = tpu.memref_slice %arg8[%dma_start3A_305, %dma_start3A_306] : memref<8x1664xf32, #tpu.memory_space<vmem>> -> memref<1x128xf32, #tpu.memory_space<vmem>>
    %dma_start3A_308 = tpu.memref_squeeze %dma_start3A_307 : memref<1x128xf32, #tpu.memory_space<vmem>> -> memref<128xf32, #tpu.memory_space<vmem>>
    %dma_start3A_309 = arith.constant 4736 : i32
    %dma_start3A_310 = tpu.memref_slice %arg6[%dma_start3A_309] : memref<13312xi32, #tpu.memory_space<vmem>> -> memref<128xi32, #tpu.memory_space<vmem>>
    %dma_start3A_311 = arith.constant 0 : i32
    %dma_start3A_312 = tpu.memref_slice %arg2[%dma_start3A_311] : memref<52428800xf32, #tpu.memory_space<hbm>> -> memref<52428800xf32, #tpu.memory_space<hbm>>
    tpu.enqueue_indirect_dma source(%dma_start3A_312 : memref<52428800xf32, #tpu.memory_space<hbm>>) target(%dma_start3A_308 : memref<128xf32, #tpu.memory_space<vmem>>) offsets(%dma_start3A_310 : memref<128xi32, #tpu.memory_space<vmem>>) semaphore(%arg10 : memref<!tpu.dma_semaphore, #tpu.memory_space<semaphore_mem>>)
    %dma_start3A_313 = arith.constant 2 : i32
    %dma_start3A_314 = arith.constant 1536 : i32
    %dma_start3A_315 = tpu.memref_slice %arg8[%dma_start3A_313, %dma_start3A_314] : memref<8x1664xf32, #tpu.memory_space<vmem>> -> memref<1x128xf32, #tpu.memory_space<vmem>>
    %dma_start3A_316 = tpu.memref_squeeze %dma_start3A_315 : memref<1x128xf32, #tpu.memory_space<vmem>> -> memref<128xf32, #tpu.memory_space<vmem>>
    %dma_start3A_317 = arith.constant 4864 : i32
    %dma_start3A_318 = tpu.memref_slice %arg6[%dma_start3A_317] : memref<13312xi32, #tpu.memory_space<vmem>> -> memref<128xi32, #tpu.memory_space<vmem>>
    %dma_start3A_319 = arith.constant 0 : i32
    %dma_start3A_320 = tpu.memref_slice %arg2[%dma_start3A_319] : memref<52428800xf32, #tpu.memory_space<hbm>> -> memref<52428800xf32, #tpu.memory_space<hbm>>
    tpu.enqueue_indirect_dma source(%dma_start3A_320 : memref<52428800xf32, #tpu.memory_space<hbm>>) target(%dma_start3A_316 : memref<128xf32, #tpu.memory_space<vmem>>) offsets(%dma_start3A_318 : memref<128xi32, #tpu.memory_space<vmem>>) semaphore(%arg10 : memref<!tpu.dma_semaphore, #tpu.memory_space<semaphore_mem>>)
    %dma_start3A_321 = arith.constant 3 : i32
    %dma_start3A_322 = arith.constant 0 : i32
    %dma_start3A_323 = tpu.memref_slice %arg8[%dma_start3A_321, %dma_start3A_322] : memref<8x1664xf32, #tpu.memory_space<vmem>> -> memref<1x128xf32, #tpu.memory_space<vmem>>
    %dma_start3A_324 = tpu.memref_squeeze %dma_start3A_323 : memref<1x128xf32, #tpu.memory_space<vmem>> -> memref<128xf32, #tpu.memory_space<vmem>>
    %dma_start3A_325 = arith.constant 4992 : i32
    %dma_start3A_326 = tpu.memref_slice %arg6[%dma_start3A_325] : memref<13312xi32, #tpu.memory_space<vmem>> -> memref<128xi32, #tpu.memory_space<vmem>>
    %dma_start3A_327 = arith.constant 0 : i32
    %dma_start3A_328 = tpu.memref_slice %arg2[%dma_start3A_327] : memref<52428800xf32, #tpu.memory_space<hbm>> -> memref<52428800xf32, #tpu.memory_space<hbm>>
    tpu.enqueue_indirect_dma source(%dma_start3A_328 : memref<52428800xf32, #tpu.memory_space<hbm>>) target(%dma_start3A_324 : memref<128xf32, #tpu.memory_space<vmem>>) offsets(%dma_start3A_326 : memref<128xi32, #tpu.memory_space<vmem>>) semaphore(%arg10 : memref<!tpu.dma_semaphore, #tpu.memory_space<semaphore_mem>>)
    %dma_start3A_329 = arith.constant 3 : i32
    %dma_start3A_330 = arith.constant 128 : i32
    %dma_start3A_331 = tpu.memref_slice %arg8[%dma_start3A_329, %dma_start3A_330] : memref<8x1664xf32, #tpu.memory_space<vmem>> -> memref<1x128xf32, #tpu.memory_space<vmem>>
    %dma_start3A_332 = tpu.memref_squeeze %dma_start3A_331 : memref<1x128xf32, #tpu.memory_space<vmem>> -> memref<128xf32, #tpu.memory_space<vmem>>
    %dma_start3A_333 = arith.constant 5120 : i32
    %dma_start3A_334 = tpu.memref_slice %arg6[%dma_start3A_333] : memref<13312xi32, #tpu.memory_space<vmem>> -> memref<128xi32, #tpu.memory_space<vmem>>
    %dma_start3A_335 = arith.constant 0 : i32
    %dma_start3A_336 = tpu.memref_slice %arg2[%dma_start3A_335] : memref<52428800xf32, #tpu.memory_space<hbm>> -> memref<52428800xf32, #tpu.memory_space<hbm>>
    tpu.enqueue_indirect_dma source(%dma_start3A_336 : memref<52428800xf32, #tpu.memory_space<hbm>>) target(%dma_start3A_332 : memref<128xf32, #tpu.memory_space<vmem>>) offsets(%dma_start3A_334 : memref<128xi32, #tpu.memory_space<vmem>>) semaphore(%arg10 : memref<!tpu.dma_semaphore, #tpu.memory_space<semaphore_mem>>)
    %dma_start3A_337 = arith.constant 3 : i32
    %dma_start3A_338 = arith.constant 256 : i32
    %dma_start3A_339 = tpu.memref_slice %arg8[%dma_start3A_337, %dma_start3A_338] : memref<8x1664xf32, #tpu.memory_space<vmem>> -> memref<1x128xf32, #tpu.memory_space<vmem>>
    %dma_start3A_340 = tpu.memref_squeeze %dma_start3A_339 : memref<1x128xf32, #tpu.memory_space<vmem>> -> memref<128xf32, #tpu.memory_space<vmem>>
    %dma_start3A_341 = arith.constant 5248 : i32
    %dma_start3A_342 = tpu.memref_slice %arg6[%dma_start3A_341] : memref<13312xi32, #tpu.memory_space<vmem>> -> memref<128xi32, #tpu.memory_space<vmem>>
    %dma_start3A_343 = arith.constant 0 : i32
    %dma_start3A_344 = tpu.memref_slice %arg2[%dma_start3A_343] : memref<52428800xf32, #tpu.memory_space<hbm>> -> memref<52428800xf32, #tpu.memory_space<hbm>>
    tpu.enqueue_indirect_dma source(%dma_start3A_344 : memref<52428800xf32, #tpu.memory_space<hbm>>) target(%dma_start3A_340 : memref<128xf32, #tpu.memory_space<vmem>>) offsets(%dma_start3A_342 : memref<128xi32, #tpu.memory_space<vmem>>) semaphore(%arg10 : memref<!tpu.dma_semaphore, #tpu.memory_space<semaphore_mem>>)
    %dma_start3A_345 = arith.constant 3 : i32
    %dma_start3A_346 = arith.constant 384 : i32
    %dma_start3A_347 = tpu.memref_slice %arg8[%dma_start3A_345, %dma_start3A_346] : memref<8x1664xf32, #tpu.memory_space<vmem>> -> memref<1x128xf32, #tpu.memory_space<vmem>>
    %dma_start3A_348 = tpu.memref_squeeze %dma_start3A_347 : memref<1x128xf32, #tpu.memory_space<vmem>> -> memref<128xf32, #tpu.memory_space<vmem>>
    %dma_start3A_349 = arith.constant 5376 : i32
    %dma_start3A_350 = tpu.memref_slice %arg6[%dma_start3A_349] : memref<13312xi32, #tpu.memory_space<vmem>> -> memref<128xi32, #tpu.memory_space<vmem>>
    %dma_start3A_351 = arith.constant 0 : i32
    %dma_start3A_352 = tpu.memref_slice %arg2[%dma_start3A_351] : memref<52428800xf32, #tpu.memory_space<hbm>> -> memref<52428800xf32, #tpu.memory_space<hbm>>
    tpu.enqueue_indirect_dma source(%dma_start3A_352 : memref<52428800xf32, #tpu.memory_space<hbm>>) target(%dma_start3A_348 : memref<128xf32, #tpu.memory_space<vmem>>) offsets(%dma_start3A_350 : memref<128xi32, #tpu.memory_space<vmem>>) semaphore(%arg10 : memref<!tpu.dma_semaphore, #tpu.memory_space<semaphore_mem>>)
    %dma_start3A_353 = arith.constant 3 : i32
    %dma_start3A_354 = arith.constant 512 : i32
    %dma_start3A_355 = tpu.memref_slice %arg8[%dma_start3A_353, %dma_start3A_354] : memref<8x1664xf32, #tpu.memory_space<vmem>> -> memref<1x128xf32, #tpu.memory_space<vmem>>
    %dma_start3A_356 = tpu.memref_squeeze %dma_start3A_355 : memref<1x128xf32, #tpu.memory_space<vmem>> -> memref<128xf32, #tpu.memory_space<vmem>>
    %dma_start3A_357 = arith.constant 5504 : i32
    %dma_start3A_358 = tpu.memref_slice %arg6[%dma_start3A_357] : memref<13312xi32, #tpu.memory_space<vmem>> -> memref<128xi32, #tpu.memory_space<vmem>>
    %dma_start3A_359 = arith.constant 0 : i32
    %dma_start3A_360 = tpu.memref_slice %arg2[%dma_start3A_359] : memref<52428800xf32, #tpu.memory_space<hbm>> -> memref<52428800xf32, #tpu.memory_space<hbm>>
    tpu.enqueue_indirect_dma source(%dma_start3A_360 : memref<52428800xf32, #tpu.memory_space<hbm>>) target(%dma_start3A_356 : memref<128xf32, #tpu.memory_space<vmem>>) offsets(%dma_start3A_358 : memref<128xi32, #tpu.memory_space<vmem>>) semaphore(%arg10 : memref<!tpu.dma_semaphore, #tpu.memory_space<semaphore_mem>>)
    %dma_start3A_361 = arith.constant 3 : i32
    %dma_start3A_362 = arith.constant 640 : i32
    %dma_start3A_363 = tpu.memref_slice %arg8[%dma_start3A_361, %dma_start3A_362] : memref<8x1664xf32, #tpu.memory_space<vmem>> -> memref<1x128xf32, #tpu.memory_space<vmem>>
    %dma_start3A_364 = tpu.memref_squeeze %dma_start3A_363 : memref<1x128xf32, #tpu.memory_space<vmem>> -> memref<128xf32, #tpu.memory_space<vmem>>
    %dma_start3A_365 = arith.constant 5632 : i32
    %dma_start3A_366 = tpu.memref_slice %arg6[%dma_start3A_365] : memref<13312xi32, #tpu.memory_space<vmem>> -> memref<128xi32, #tpu.memory_space<vmem>>
    %dma_start3A_367 = arith.constant 0 : i32
    %dma_start3A_368 = tpu.memref_slice %arg2[%dma_start3A_367] : memref<52428800xf32, #tpu.memory_space<hbm>> -> memref<52428800xf32, #tpu.memory_space<hbm>>
    tpu.enqueue_indirect_dma source(%dma_start3A_368 : memref<52428800xf32, #tpu.memory_space<hbm>>) target(%dma_start3A_364 : memref<128xf32, #tpu.memory_space<vmem>>) offsets(%dma_start3A_366 : memref<128xi32, #tpu.memory_space<vmem>>) semaphore(%arg10 : memref<!tpu.dma_semaphore, #tpu.memory_space<semaphore_mem>>)
    %dma_start3A_369 = arith.constant 3 : i32
    %dma_start3A_370 = arith.constant 768 : i32
    %dma_start3A_371 = tpu.memref_slice %arg8[%dma_start3A_369, %dma_start3A_370] : memref<8x1664xf32, #tpu.memory_space<vmem>> -> memref<1x128xf32, #tpu.memory_space<vmem>>
    %dma_start3A_372 = tpu.memref_squeeze %dma_start3A_371 : memref<1x128xf32, #tpu.memory_space<vmem>> -> memref<128xf32, #tpu.memory_space<vmem>>
    %dma_start3A_373 = arith.constant 5760 : i32
    %dma_start3A_374 = tpu.memref_slice %arg6[%dma_start3A_373] : memref<13312xi32, #tpu.memory_space<vmem>> -> memref<128xi32, #tpu.memory_space<vmem>>
    %dma_start3A_375 = arith.constant 0 : i32
    %dma_start3A_376 = tpu.memref_slice %arg2[%dma_start3A_375] : memref<52428800xf32, #tpu.memory_space<hbm>> -> memref<52428800xf32, #tpu.memory_space<hbm>>
    tpu.enqueue_indirect_dma source(%dma_start3A_376 : memref<52428800xf32, #tpu.memory_space<hbm>>) target(%dma_start3A_372 : memref<128xf32, #tpu.memory_space<vmem>>) offsets(%dma_start3A_374 : memref<128xi32, #tpu.memory_space<vmem>>) semaphore(%arg10 : memref<!tpu.dma_semaphore, #tpu.memory_space<semaphore_mem>>)
    %dma_start3A_377 = arith.constant 3 : i32
    %dma_start3A_378 = arith.constant 896 : i32
    %dma_start3A_379 = tpu.memref_slice %arg8[%dma_start3A_377, %dma_start3A_378] : memref<8x1664xf32, #tpu.memory_space<vmem>> -> memref<1x128xf32, #tpu.memory_space<vmem>>
    %dma_start3A_380 = tpu.memref_squeeze %dma_start3A_379 : memref<1x128xf32, #tpu.memory_space<vmem>> -> memref<128xf32, #tpu.memory_space<vmem>>
    %dma_start3A_381 = arith.constant 5888 : i32
    %dma_start3A_382 = tpu.memref_slice %arg6[%dma_start3A_381] : memref<13312xi32, #tpu.memory_space<vmem>> -> memref<128xi32, #tpu.memory_space<vmem>>
    %dma_start3A_383 = arith.constant 0 : i32
    %dma_start3A_384 = tpu.memref_slice %arg2[%dma_start3A_383] : memref<52428800xf32, #tpu.memory_space<hbm>> -> memref<52428800xf32, #tpu.memory_space<hbm>>
    tpu.enqueue_indirect_dma source(%dma_start3A_384 : memref<52428800xf32, #tpu.memory_space<hbm>>) target(%dma_start3A_380 : memref<128xf32, #tpu.memory_space<vmem>>) offsets(%dma_start3A_382 : memref<128xi32, #tpu.memory_space<vmem>>) semaphore(%arg10 : memref<!tpu.dma_semaphore, #tpu.memory_space<semaphore_mem>>)
    %dma_start3A_385 = arith.constant 3 : i32
    %dma_start3A_386 = arith.constant 1024 : i32
    %dma_start3A_387 = tpu.memref_slice %arg8[%dma_start3A_385, %dma_start3A_386] : memref<8x1664xf32, #tpu.memory_space<vmem>> -> memref<1x128xf32, #tpu.memory_space<vmem>>
    %dma_start3A_388 = tpu.memref_squeeze %dma_start3A_387 : memref<1x128xf32, #tpu.memory_space<vmem>> -> memref<128xf32, #tpu.memory_space<vmem>>
    %dma_start3A_389 = arith.constant 6016 : i32
    %dma_start3A_390 = tpu.memref_slice %arg6[%dma_start3A_389] : memref<13312xi32, #tpu.memory_space<vmem>> -> memref<128xi32, #tpu.memory_space<vmem>>
    %dma_start3A_391 = arith.constant 0 : i32
    %dma_start3A_392 = tpu.memref_slice %arg2[%dma_start3A_391] : memref<52428800xf32, #tpu.memory_space<hbm>> -> memref<52428800xf32, #tpu.memory_space<hbm>>
    tpu.enqueue_indirect_dma source(%dma_start3A_392 : memref<52428800xf32, #tpu.memory_space<hbm>>) target(%dma_start3A_388 : memref<128xf32, #tpu.memory_space<vmem>>) offsets(%dma_start3A_390 : memref<128xi32, #tpu.memory_space<vmem>>) semaphore(%arg10 : memref<!tpu.dma_semaphore, #tpu.memory_space<semaphore_mem>>)
    %dma_start3A_393 = arith.constant 3 : i32
    %dma_start3A_394 = arith.constant 1152 : i32
    %dma_start3A_395 = tpu.memref_slice %arg8[%dma_start3A_393, %dma_start3A_394] : memref<8x1664xf32, #tpu.memory_space<vmem>> -> memref<1x128xf32, #tpu.memory_space<vmem>>
    %dma_start3A_396 = tpu.memref_squeeze %dma_start3A_395 : memref<1x128xf32, #tpu.memory_space<vmem>> -> memref<128xf32, #tpu.memory_space<vmem>>
    %dma_start3A_397 = arith.constant 6144 : i32
    %dma_start3A_398 = tpu.memref_slice %arg6[%dma_start3A_397] : memref<13312xi32, #tpu.memory_space<vmem>> -> memref<128xi32, #tpu.memory_space<vmem>>
    %dma_start3A_399 = arith.constant 0 : i32
    %dma_start3A_400 = tpu.memref_slice %arg2[%dma_start3A_399] : memref<52428800xf32, #tpu.memory_space<hbm>> -> memref<52428800xf32, #tpu.memory_space<hbm>>
    tpu.enqueue_indirect_dma source(%dma_start3A_400 : memref<52428800xf32, #tpu.memory_space<hbm>>) target(%dma_start3A_396 : memref<128xf32, #tpu.memory_space<vmem>>) offsets(%dma_start3A_398 : memref<128xi32, #tpu.memory_space<vmem>>) semaphore(%arg10 : memref<!tpu.dma_semaphore, #tpu.memory_space<semaphore_mem>>)
    %dma_start3A_401 = arith.constant 3 : i32
    %dma_start3A_402 = arith.constant 1280 : i32
    %dma_start3A_403 = tpu.memref_slice %arg8[%dma_start3A_401, %dma_start3A_402] : memref<8x1664xf32, #tpu.memory_space<vmem>> -> memref<1x128xf32, #tpu.memory_space<vmem>>
    %dma_start3A_404 = tpu.memref_squeeze %dma_start3A_403 : memref<1x128xf32, #tpu.memory_space<vmem>> -> memref<128xf32, #tpu.memory_space<vmem>>
    %dma_start3A_405 = arith.constant 6272 : i32
    %dma_start3A_406 = tpu.memref_slice %arg6[%dma_start3A_405] : memref<13312xi32, #tpu.memory_space<vmem>> -> memref<128xi32, #tpu.memory_space<vmem>>
    %dma_start3A_407 = arith.constant 0 : i32
    %dma_start3A_408 = tpu.memref_slice %arg2[%dma_start3A_407] : memref<52428800xf32, #tpu.memory_space<hbm>> -> memref<52428800xf32, #tpu.memory_space<hbm>>
    tpu.enqueue_indirect_dma source(%dma_start3A_408 : memref<52428800xf32, #tpu.memory_space<hbm>>) target(%dma_start3A_404 : memref<128xf32, #tpu.memory_space<vmem>>) offsets(%dma_start3A_406 : memref<128xi32, #tpu.memory_space<vmem>>) semaphore(%arg10 : memref<!tpu.dma_semaphore, #tpu.memory_space<semaphore_mem>>)
    %dma_start3A_409 = arith.constant 3 : i32
    %dma_start3A_410 = arith.constant 1408 : i32
    %dma_start3A_411 = tpu.memref_slice %arg8[%dma_start3A_409, %dma_start3A_410] : memref<8x1664xf32, #tpu.memory_space<vmem>> -> memref<1x128xf32, #tpu.memory_space<vmem>>
    %dma_start3A_412 = tpu.memref_squeeze %dma_start3A_411 : memref<1x128xf32, #tpu.memory_space<vmem>> -> memref<128xf32, #tpu.memory_space<vmem>>
    %dma_start3A_413 = arith.constant 6400 : i32
    %dma_start3A_414 = tpu.memref_slice %arg6[%dma_start3A_413] : memref<13312xi32, #tpu.memory_space<vmem>> -> memref<128xi32, #tpu.memory_space<vmem>>
    %dma_start3A_415 = arith.constant 0 : i32
    %dma_start3A_416 = tpu.memref_slice %arg2[%dma_start3A_415] : memref<52428800xf32, #tpu.memory_space<hbm>> -> memref<52428800xf32, #tpu.memory_space<hbm>>
    tpu.enqueue_indirect_dma source(%dma_start3A_416 : memref<52428800xf32, #tpu.memory_space<hbm>>) target(%dma_start3A_412 : memref<128xf32, #tpu.memory_space<vmem>>) offsets(%dma_start3A_414 : memref<128xi32, #tpu.memory_space<vmem>>) semaphore(%arg10 : memref<!tpu.dma_semaphore, #tpu.memory_space<semaphore_mem>>)
    %dma_start3A_417 = arith.constant 3 : i32
    %dma_start3A_418 = arith.constant 1536 : i32
    %dma_start3A_419 = tpu.memref_slice %arg8[%dma_start3A_417, %dma_start3A_418] : memref<8x1664xf32, #tpu.memory_space<vmem>> -> memref<1x128xf32, #tpu.memory_space<vmem>>
    %dma_start3A_420 = tpu.memref_squeeze %dma_start3A_419 : memref<1x128xf32, #tpu.memory_space<vmem>> -> memref<128xf32, #tpu.memory_space<vmem>>
    %dma_start3A_421 = arith.constant 6528 : i32
    %dma_start3A_422 = tpu.memref_slice %arg6[%dma_start3A_421] : memref<13312xi32, #tpu.memory_space<vmem>> -> memref<128xi32, #tpu.memory_space<vmem>>
    %dma_start3A_423 = arith.constant 0 : i32
    %dma_start3A_424 = tpu.memref_slice %arg2[%dma_start3A_423] : memref<52428800xf32, #tpu.memory_space<hbm>> -> memref<52428800xf32, #tpu.memory_space<hbm>>
    tpu.enqueue_indirect_dma source(%dma_start3A_424 : memref<52428800xf32, #tpu.memory_space<hbm>>) target(%dma_start3A_420 : memref<128xf32, #tpu.memory_space<vmem>>) offsets(%dma_start3A_422 : memref<128xi32, #tpu.memory_space<vmem>>) semaphore(%arg10 : memref<!tpu.dma_semaphore, #tpu.memory_space<semaphore_mem>>)
    %dma_start3A_425 = arith.constant 4 : i32
    %dma_start3A_426 = arith.constant 0 : i32
    %dma_start3A_427 = tpu.memref_slice %arg8[%dma_start3A_425, %dma_start3A_426] : memref<8x1664xf32, #tpu.memory_space<vmem>> -> memref<1x128xf32, #tpu.memory_space<vmem>>
    %dma_start3A_428 = tpu.memref_squeeze %dma_start3A_427 : memref<1x128xf32, #tpu.memory_space<vmem>> -> memref<128xf32, #tpu.memory_space<vmem>>
    %dma_start3A_429 = arith.constant 6656 : i32
    %dma_start3A_430 = tpu.memref_slice %arg6[%dma_start3A_429] : memref<13312xi32, #tpu.memory_space<vmem>> -> memref<128xi32, #tpu.memory_space<vmem>>
    %dma_start3A_431 = arith.constant 0 : i32
    %dma_start3A_432 = tpu.memref_slice %arg2[%dma_start3A_431] : memref<52428800xf32, #tpu.memory_space<hbm>> -> memref<52428800xf32, #tpu.memory_space<hbm>>
    tpu.enqueue_indirect_dma source(%dma_start3A_432 : memref<52428800xf32, #tpu.memory_space<hbm>>) target(%dma_start3A_428 : memref<128xf32, #tpu.memory_space<vmem>>) offsets(%dma_start3A_430 : memref<128xi32, #tpu.memory_space<vmem>>) semaphore(%arg10 : memref<!tpu.dma_semaphore, #tpu.memory_space<semaphore_mem>>)
    %dma_start3A_433 = arith.constant 4 : i32
    %dma_start3A_434 = arith.constant 128 : i32
    %dma_start3A_435 = tpu.memref_slice %arg8[%dma_start3A_433, %dma_start3A_434] : memref<8x1664xf32, #tpu.memory_space<vmem>> -> memref<1x128xf32, #tpu.memory_space<vmem>>
    %dma_start3A_436 = tpu.memref_squeeze %dma_start3A_435 : memref<1x128xf32, #tpu.memory_space<vmem>> -> memref<128xf32, #tpu.memory_space<vmem>>
    %dma_start3A_437 = arith.constant 6784 : i32
    %dma_start3A_438 = tpu.memref_slice %arg6[%dma_start3A_437] : memref<13312xi32, #tpu.memory_space<vmem>> -> memref<128xi32, #tpu.memory_space<vmem>>
    %dma_start3A_439 = arith.constant 0 : i32
    %dma_start3A_440 = tpu.memref_slice %arg2[%dma_start3A_439] : memref<52428800xf32, #tpu.memory_space<hbm>> -> memref<52428800xf32, #tpu.memory_space<hbm>>
    tpu.enqueue_indirect_dma source(%dma_start3A_440 : memref<52428800xf32, #tpu.memory_space<hbm>>) target(%dma_start3A_436 : memref<128xf32, #tpu.memory_space<vmem>>) offsets(%dma_start3A_438 : memref<128xi32, #tpu.memory_space<vmem>>) semaphore(%arg10 : memref<!tpu.dma_semaphore, #tpu.memory_space<semaphore_mem>>)
    %dma_start3A_441 = arith.constant 4 : i32
    %dma_start3A_442 = arith.constant 256 : i32
    %dma_start3A_443 = tpu.memref_slice %arg8[%dma_start3A_441, %dma_start3A_442] : memref<8x1664xf32, #tpu.memory_space<vmem>> -> memref<1x128xf32, #tpu.memory_space<vmem>>
    %dma_start3A_444 = tpu.memref_squeeze %dma_start3A_443 : memref<1x128xf32, #tpu.memory_space<vmem>> -> memref<128xf32, #tpu.memory_space<vmem>>
    %dma_start3A_445 = arith.constant 6912 : i32
    %dma_start3A_446 = tpu.memref_slice %arg6[%dma_start3A_445] : memref<13312xi32, #tpu.memory_space<vmem>> -> memref<128xi32, #tpu.memory_space<vmem>>
    %dma_start3A_447 = arith.constant 0 : i32
    %dma_start3A_448 = tpu.memref_slice %arg2[%dma_start3A_447] : memref<52428800xf32, #tpu.memory_space<hbm>> -> memref<52428800xf32, #tpu.memory_space<hbm>>
    tpu.enqueue_indirect_dma source(%dma_start3A_448 : memref<52428800xf32, #tpu.memory_space<hbm>>) target(%dma_start3A_444 : memref<128xf32, #tpu.memory_space<vmem>>) offsets(%dma_start3A_446 : memref<128xi32, #tpu.memory_space<vmem>>) semaphore(%arg10 : memref<!tpu.dma_semaphore, #tpu.memory_space<semaphore_mem>>)
    %dma_start3A_449 = arith.constant 4 : i32
    %dma_start3A_450 = arith.constant 384 : i32
    %dma_start3A_451 = tpu.memref_slice %arg8[%dma_start3A_449, %dma_start3A_450] : memref<8x1664xf32, #tpu.memory_space<vmem>> -> memref<1x128xf32, #tpu.memory_space<vmem>>
    %dma_start3A_452 = tpu.memref_squeeze %dma_start3A_451 : memref<1x128xf32, #tpu.memory_space<vmem>> -> memref<128xf32, #tpu.memory_space<vmem>>
    %dma_start3A_453 = arith.constant 7040 : i32
    %dma_start3A_454 = tpu.memref_slice %arg6[%dma_start3A_453] : memref<13312xi32, #tpu.memory_space<vmem>> -> memref<128xi32, #tpu.memory_space<vmem>>
    %dma_start3A_455 = arith.constant 0 : i32
    %dma_start3A_456 = tpu.memref_slice %arg2[%dma_start3A_455] : memref<52428800xf32, #tpu.memory_space<hbm>> -> memref<52428800xf32, #tpu.memory_space<hbm>>
    tpu.enqueue_indirect_dma source(%dma_start3A_456 : memref<52428800xf32, #tpu.memory_space<hbm>>) target(%dma_start3A_452 : memref<128xf32, #tpu.memory_space<vmem>>) offsets(%dma_start3A_454 : memref<128xi32, #tpu.memory_space<vmem>>) semaphore(%arg10 : memref<!tpu.dma_semaphore, #tpu.memory_space<semaphore_mem>>)
    %dma_start3A_457 = arith.constant 4 : i32
    %dma_start3A_458 = arith.constant 512 : i32
    %dma_start3A_459 = tpu.memref_slice %arg8[%dma_start3A_457, %dma_start3A_458] : memref<8x1664xf32, #tpu.memory_space<vmem>> -> memref<1x128xf32, #tpu.memory_space<vmem>>
    %dma_start3A_460 = tpu.memref_squeeze %dma_start3A_459 : memref<1x128xf32, #tpu.memory_space<vmem>> -> memref<128xf32, #tpu.memory_space<vmem>>
    %dma_start3A_461 = arith.constant 7168 : i32
    %dma_start3A_462 = tpu.memref_slice %arg6[%dma_start3A_461] : memref<13312xi32, #tpu.memory_space<vmem>> -> memref<128xi32, #tpu.memory_space<vmem>>
    %dma_start3A_463 = arith.constant 0 : i32
    %dma_start3A_464 = tpu.memref_slice %arg2[%dma_start3A_463] : memref<52428800xf32, #tpu.memory_space<hbm>> -> memref<52428800xf32, #tpu.memory_space<hbm>>
    tpu.enqueue_indirect_dma source(%dma_start3A_464 : memref<52428800xf32, #tpu.memory_space<hbm>>) target(%dma_start3A_460 : memref<128xf32, #tpu.memory_space<vmem>>) offsets(%dma_start3A_462 : memref<128xi32, #tpu.memory_space<vmem>>) semaphore(%arg10 : memref<!tpu.dma_semaphore, #tpu.memory_space<semaphore_mem>>)
    %dma_start3A_465 = arith.constant 4 : i32
    %dma_start3A_466 = arith.constant 640 : i32
    %dma_start3A_467 = tpu.memref_slice %arg8[%dma_start3A_465, %dma_start3A_466] : memref<8x1664xf32, #tpu.memory_space<vmem>> -> memref<1x128xf32, #tpu.memory_space<vmem>>
    %dma_start3A_468 = tpu.memref_squeeze %dma_start3A_467 : memref<1x128xf32, #tpu.memory_space<vmem>> -> memref<128xf32, #tpu.memory_space<vmem>>
    %dma_start3A_469 = arith.constant 7296 : i32
    %dma_start3A_470 = tpu.memref_slice %arg6[%dma_start3A_469] : memref<13312xi32, #tpu.memory_space<vmem>> -> memref<128xi32, #tpu.memory_space<vmem>>
    %dma_start3A_471 = arith.constant 0 : i32
    %dma_start3A_472 = tpu.memref_slice %arg2[%dma_start3A_471] : memref<52428800xf32, #tpu.memory_space<hbm>> -> memref<52428800xf32, #tpu.memory_space<hbm>>
    tpu.enqueue_indirect_dma source(%dma_start3A_472 : memref<52428800xf32, #tpu.memory_space<hbm>>) target(%dma_start3A_468 : memref<128xf32, #tpu.memory_space<vmem>>) offsets(%dma_start3A_470 : memref<128xi32, #tpu.memory_space<vmem>>) semaphore(%arg10 : memref<!tpu.dma_semaphore, #tpu.memory_space<semaphore_mem>>)
    %dma_start3A_473 = arith.constant 4 : i32
    %dma_start3A_474 = arith.constant 768 : i32
    %dma_start3A_475 = tpu.memref_slice %arg8[%dma_start3A_473, %dma_start3A_474] : memref<8x1664xf32, #tpu.memory_space<vmem>> -> memref<1x128xf32, #tpu.memory_space<vmem>>
    %dma_start3A_476 = tpu.memref_squeeze %dma_start3A_475 : memref<1x128xf32, #tpu.memory_space<vmem>> -> memref<128xf32, #tpu.memory_space<vmem>>
    %dma_start3A_477 = arith.constant 7424 : i32
    %dma_start3A_478 = tpu.memref_slice %arg6[%dma_start3A_477] : memref<13312xi32, #tpu.memory_space<vmem>> -> memref<128xi32, #tpu.memory_space<vmem>>
    %dma_start3A_479 = arith.constant 0 : i32
    %dma_start3A_480 = tpu.memref_slice %arg2[%dma_start3A_479] : memref<52428800xf32, #tpu.memory_space<hbm>> -> memref<52428800xf32, #tpu.memory_space<hbm>>
    tpu.enqueue_indirect_dma source(%dma_start3A_480 : memref<52428800xf32, #tpu.memory_space<hbm>>) target(%dma_start3A_476 : memref<128xf32, #tpu.memory_space<vmem>>) offsets(%dma_start3A_478 : memref<128xi32, #tpu.memory_space<vmem>>) semaphore(%arg10 : memref<!tpu.dma_semaphore, #tpu.memory_space<semaphore_mem>>)
    %dma_start3A_481 = arith.constant 4 : i32
    %dma_start3A_482 = arith.constant 896 : i32
    %dma_start3A_483 = tpu.memref_slice %arg8[%dma_start3A_481, %dma_start3A_482] : memref<8x1664xf32, #tpu.memory_space<vmem>> -> memref<1x128xf32, #tpu.memory_space<vmem>>
    %dma_start3A_484 = tpu.memref_squeeze %dma_start3A_483 : memref<1x128xf32, #tpu.memory_space<vmem>> -> memref<128xf32, #tpu.memory_space<vmem>>
    %dma_start3A_485 = arith.constant 7552 : i32
    %dma_start3A_486 = tpu.memref_slice %arg6[%dma_start3A_485] : memref<13312xi32, #tpu.memory_space<vmem>> -> memref<128xi32, #tpu.memory_space<vmem>>
    %dma_start3A_487 = arith.constant 0 : i32
    %dma_start3A_488 = tpu.memref_slice %arg2[%dma_start3A_487] : memref<52428800xf32, #tpu.memory_space<hbm>> -> memref<52428800xf32, #tpu.memory_space<hbm>>
    tpu.enqueue_indirect_dma source(%dma_start3A_488 : memref<52428800xf32, #tpu.memory_space<hbm>>) target(%dma_start3A_484 : memref<128xf32, #tpu.memory_space<vmem>>) offsets(%dma_start3A_486 : memref<128xi32, #tpu.memory_space<vmem>>) semaphore(%arg10 : memref<!tpu.dma_semaphore, #tpu.memory_space<semaphore_mem>>)
    %dma_start3A_489 = arith.constant 4 : i32
    %dma_start3A_490 = arith.constant 1024 : i32
    %dma_start3A_491 = tpu.memref_slice %arg8[%dma_start3A_489, %dma_start3A_490] : memref<8x1664xf32, #tpu.memory_space<vmem>> -> memref<1x128xf32, #tpu.memory_space<vmem>>
    %dma_start3A_492 = tpu.memref_squeeze %dma_start3A_491 : memref<1x128xf32, #tpu.memory_space<vmem>> -> memref<128xf32, #tpu.memory_space<vmem>>
    %dma_start3A_493 = arith.constant 7680 : i32
    %dma_start3A_494 = tpu.memref_slice %arg6[%dma_start3A_493] : memref<13312xi32, #tpu.memory_space<vmem>> -> memref<128xi32, #tpu.memory_space<vmem>>
    %dma_start3A_495 = arith.constant 0 : i32
    %dma_start3A_496 = tpu.memref_slice %arg2[%dma_start3A_495] : memref<52428800xf32, #tpu.memory_space<hbm>> -> memref<52428800xf32, #tpu.memory_space<hbm>>
    tpu.enqueue_indirect_dma source(%dma_start3A_496 : memref<52428800xf32, #tpu.memory_space<hbm>>) target(%dma_start3A_492 : memref<128xf32, #tpu.memory_space<vmem>>) offsets(%dma_start3A_494 : memref<128xi32, #tpu.memory_space<vmem>>) semaphore(%arg10 : memref<!tpu.dma_semaphore, #tpu.memory_space<semaphore_mem>>)
    %dma_start3A_497 = arith.constant 4 : i32
    %dma_start3A_498 = arith.constant 1152 : i32
    %dma_start3A_499 = tpu.memref_slice %arg8[%dma_start3A_497, %dma_start3A_498] : memref<8x1664xf32, #tpu.memory_space<vmem>> -> memref<1x128xf32, #tpu.memory_space<vmem>>
    %dma_start3A_500 = tpu.memref_squeeze %dma_start3A_499 : memref<1x128xf32, #tpu.memory_space<vmem>> -> memref<128xf32, #tpu.memory_space<vmem>>
    %dma_start3A_501 = arith.constant 7808 : i32
    %dma_start3A_502 = tpu.memref_slice %arg6[%dma_start3A_501] : memref<13312xi32, #tpu.memory_space<vmem>> -> memref<128xi32, #tpu.memory_space<vmem>>
    %dma_start3A_503 = arith.constant 0 : i32
    %dma_start3A_504 = tpu.memref_slice %arg2[%dma_start3A_503] : memref<52428800xf32, #tpu.memory_space<hbm>> -> memref<52428800xf32, #tpu.memory_space<hbm>>
    tpu.enqueue_indirect_dma source(%dma_start3A_504 : memref<52428800xf32, #tpu.memory_space<hbm>>) target(%dma_start3A_500 : memref<128xf32, #tpu.memory_space<vmem>>) offsets(%dma_start3A_502 : memref<128xi32, #tpu.memory_space<vmem>>) semaphore(%arg10 : memref<!tpu.dma_semaphore, #tpu.memory_space<semaphore_mem>>)
    %dma_start3A_505 = arith.constant 4 : i32
    %dma_start3A_506 = arith.constant 1280 : i32
    %dma_start3A_507 = tpu.memref_slice %arg8[%dma_start3A_505, %dma_start3A_506] : memref<8x1664xf32, #tpu.memory_space<vmem>> -> memref<1x128xf32, #tpu.memory_space<vmem>>
    %dma_start3A_508 = tpu.memref_squeeze %dma_start3A_507 : memref<1x128xf32, #tpu.memory_space<vmem>> -> memref<128xf32, #tpu.memory_space<vmem>>
    %dma_start3A_509 = arith.constant 7936 : i32
    %dma_start3A_510 = tpu.memref_slice %arg6[%dma_start3A_509] : memref<13312xi32, #tpu.memory_space<vmem>> -> memref<128xi32, #tpu.memory_space<vmem>>
    %dma_start3A_511 = arith.constant 0 : i32
    %dma_start3A_512 = tpu.memref_slice %arg2[%dma_start3A_511] : memref<52428800xf32, #tpu.memory_space<hbm>> -> memref<52428800xf32, #tpu.memory_space<hbm>>
    tpu.enqueue_indirect_dma source(%dma_start3A_512 : memref<52428800xf32, #tpu.memory_space<hbm>>) target(%dma_start3A_508 : memref<128xf32, #tpu.memory_space<vmem>>) offsets(%dma_start3A_510 : memref<128xi32, #tpu.memory_space<vmem>>) semaphore(%arg10 : memref<!tpu.dma_semaphore, #tpu.memory_space<semaphore_mem>>)
    %dma_start3A_513 = arith.constant 4 : i32
    %dma_start3A_514 = arith.constant 1408 : i32
    %dma_start3A_515 = tpu.memref_slice %arg8[%dma_start3A_513, %dma_start3A_514] : memref<8x1664xf32, #tpu.memory_space<vmem>> -> memref<1x128xf32, #tpu.memory_space<vmem>>
    %dma_start3A_516 = tpu.memref_squeeze %dma_start3A_515 : memref<1x128xf32, #tpu.memory_space<vmem>> -> memref<128xf32, #tpu.memory_space<vmem>>
    %dma_start3A_517 = arith.constant 8064 : i32
    %dma_start3A_518 = tpu.memref_slice %arg6[%dma_start3A_517] : memref<13312xi32, #tpu.memory_space<vmem>> -> memref<128xi32, #tpu.memory_space<vmem>>
    %dma_start3A_519 = arith.constant 0 : i32
    %dma_start3A_520 = tpu.memref_slice %arg2[%dma_start3A_519] : memref<52428800xf32, #tpu.memory_space<hbm>> -> memref<52428800xf32, #tpu.memory_space<hbm>>
    tpu.enqueue_indirect_dma source(%dma_start3A_520 : memref<52428800xf32, #tpu.memory_space<hbm>>) target(%dma_start3A_516 : memref<128xf32, #tpu.memory_space<vmem>>) offsets(%dma_start3A_518 : memref<128xi32, #tpu.memory_space<vmem>>) semaphore(%arg10 : memref<!tpu.dma_semaphore, #tpu.memory_space<semaphore_mem>>)
    %dma_start3A_521 = arith.constant 4 : i32
    %dma_start3A_522 = arith.constant 1536 : i32
    %dma_start3A_523 = tpu.memref_slice %arg8[%dma_start3A_521, %dma_start3A_522] : memref<8x1664xf32, #tpu.memory_space<vmem>> -> memref<1x128xf32, #tpu.memory_space<vmem>>
    %dma_start3A_524 = tpu.memref_squeeze %dma_start3A_523 : memref<1x128xf32, #tpu.memory_space<vmem>> -> memref<128xf32, #tpu.memory_space<vmem>>
    %dma_start3A_525 = arith.constant 8192 : i32
    %dma_start3A_526 = tpu.memref_slice %arg6[%dma_start3A_525] : memref<13312xi32, #tpu.memory_space<vmem>> -> memref<128xi32, #tpu.memory_space<vmem>>
    %dma_start3A_527 = arith.constant 0 : i32
    %dma_start3A_528 = tpu.memref_slice %arg2[%dma_start3A_527] : memref<52428800xf32, #tpu.memory_space<hbm>> -> memref<52428800xf32, #tpu.memory_space<hbm>>
    tpu.enqueue_indirect_dma source(%dma_start3A_528 : memref<52428800xf32, #tpu.memory_space<hbm>>) target(%dma_start3A_524 : memref<128xf32, #tpu.memory_space<vmem>>) offsets(%dma_start3A_526 : memref<128xi32, #tpu.memory_space<vmem>>) semaphore(%arg10 : memref<!tpu.dma_semaphore, #tpu.memory_space<semaphore_mem>>)
    %dma_start3A_529 = arith.constant 5 : i32
    %dma_start3A_530 = arith.constant 0 : i32
    %dma_start3A_531 = tpu.memref_slice %arg8[%dma_start3A_529, %dma_start3A_530] : memref<8x1664xf32, #tpu.memory_space<vmem>> -> memref<1x128xf32, #tpu.memory_space<vmem>>
    %dma_start3A_532 = tpu.memref_squeeze %dma_start3A_531 : memref<1x128xf32, #tpu.memory_space<vmem>> -> memref<128xf32, #tpu.memory_space<vmem>>
    %dma_start3A_533 = arith.constant 8320 : i32
    %dma_start3A_534 = tpu.memref_slice %arg6[%dma_start3A_533] : memref<13312xi32, #tpu.memory_space<vmem>> -> memref<128xi32, #tpu.memory_space<vmem>>
    %dma_start3A_535 = arith.constant 0 : i32
    %dma_start3A_536 = tpu.memref_slice %arg2[%dma_start3A_535] : memref<52428800xf32, #tpu.memory_space<hbm>> -> memref<52428800xf32, #tpu.memory_space<hbm>>
    tpu.enqueue_indirect_dma source(%dma_start3A_536 : memref<52428800xf32, #tpu.memory_space<hbm>>) target(%dma_start3A_532 : memref<128xf32, #tpu.memory_space<vmem>>) offsets(%dma_start3A_534 : memref<128xi32, #tpu.memory_space<vmem>>) semaphore(%arg10 : memref<!tpu.dma_semaphore, #tpu.memory_space<semaphore_mem>>)
    %dma_start3A_537 = arith.constant 5 : i32
    %dma_start3A_538 = arith.constant 128 : i32
    %dma_start3A_539 = tpu.memref_slice %arg8[%dma_start3A_537, %dma_start3A_538] : memref<8x1664xf32, #tpu.memory_space<vmem>> -> memref<1x128xf32, #tpu.memory_space<vmem>>
    %dma_start3A_540 = tpu.memref_squeeze %dma_start3A_539 : memref<1x128xf32, #tpu.memory_space<vmem>> -> memref<128xf32, #tpu.memory_space<vmem>>
    %dma_start3A_541 = arith.constant 8448 : i32
    %dma_start3A_542 = tpu.memref_slice %arg6[%dma_start3A_541] : memref<13312xi32, #tpu.memory_space<vmem>> -> memref<128xi32, #tpu.memory_space<vmem>>
    %dma_start3A_543 = arith.constant 0 : i32
    %dma_start3A_544 = tpu.memref_slice %arg2[%dma_start3A_543] : memref<52428800xf32, #tpu.memory_space<hbm>> -> memref<52428800xf32, #tpu.memory_space<hbm>>
    tpu.enqueue_indirect_dma source(%dma_start3A_544 : memref<52428800xf32, #tpu.memory_space<hbm>>) target(%dma_start3A_540 : memref<128xf32, #tpu.memory_space<vmem>>) offsets(%dma_start3A_542 : memref<128xi32, #tpu.memory_space<vmem>>) semaphore(%arg10 : memref<!tpu.dma_semaphore, #tpu.memory_space<semaphore_mem>>)
    %dma_start3A_545 = arith.constant 5 : i32
    %dma_start3A_546 = arith.constant 256 : i32
    %dma_start3A_547 = tpu.memref_slice %arg8[%dma_start3A_545, %dma_start3A_546] : memref<8x1664xf32, #tpu.memory_space<vmem>> -> memref<1x128xf32, #tpu.memory_space<vmem>>
    %dma_start3A_548 = tpu.memref_squeeze %dma_start3A_547 : memref<1x128xf32, #tpu.memory_space<vmem>> -> memref<128xf32, #tpu.memory_space<vmem>>
    %dma_start3A_549 = arith.constant 8576 : i32
    %dma_start3A_550 = tpu.memref_slice %arg6[%dma_start3A_549] : memref<13312xi32, #tpu.memory_space<vmem>> -> memref<128xi32, #tpu.memory_space<vmem>>
    %dma_start3A_551 = arith.constant 0 : i32
    %dma_start3A_552 = tpu.memref_slice %arg2[%dma_start3A_551] : memref<52428800xf32, #tpu.memory_space<hbm>> -> memref<52428800xf32, #tpu.memory_space<hbm>>
    tpu.enqueue_indirect_dma source(%dma_start3A_552 : memref<52428800xf32, #tpu.memory_space<hbm>>) target(%dma_start3A_548 : memref<128xf32, #tpu.memory_space<vmem>>) offsets(%dma_start3A_550 : memref<128xi32, #tpu.memory_space<vmem>>) semaphore(%arg10 : memref<!tpu.dma_semaphore, #tpu.memory_space<semaphore_mem>>)
    %dma_start3A_553 = arith.constant 5 : i32
    %dma_start3A_554 = arith.constant 384 : i32
    %dma_start3A_555 = tpu.memref_slice %arg8[%dma_start3A_553, %dma_start3A_554] : memref<8x1664xf32, #tpu.memory_space<vmem>> -> memref<1x128xf32, #tpu.memory_space<vmem>>
    %dma_start3A_556 = tpu.memref_squeeze %dma_start3A_555 : memref<1x128xf32, #tpu.memory_space<vmem>> -> memref<128xf32, #tpu.memory_space<vmem>>
    %dma_start3A_557 = arith.constant 8704 : i32
    %dma_start3A_558 = tpu.memref_slice %arg6[%dma_start3A_557] : memref<13312xi32, #tpu.memory_space<vmem>> -> memref<128xi32, #tpu.memory_space<vmem>>
    %dma_start3A_559 = arith.constant 0 : i32
    %dma_start3A_560 = tpu.memref_slice %arg2[%dma_start3A_559] : memref<52428800xf32, #tpu.memory_space<hbm>> -> memref<52428800xf32, #tpu.memory_space<hbm>>
    tpu.enqueue_indirect_dma source(%dma_start3A_560 : memref<52428800xf32, #tpu.memory_space<hbm>>) target(%dma_start3A_556 : memref<128xf32, #tpu.memory_space<vmem>>) offsets(%dma_start3A_558 : memref<128xi32, #tpu.memory_space<vmem>>) semaphore(%arg10 : memref<!tpu.dma_semaphore, #tpu.memory_space<semaphore_mem>>)
    %dma_start3A_561 = arith.constant 5 : i32
    %dma_start3A_562 = arith.constant 512 : i32
    %dma_start3A_563 = tpu.memref_slice %arg8[%dma_start3A_561, %dma_start3A_562] : memref<8x1664xf32, #tpu.memory_space<vmem>> -> memref<1x128xf32, #tpu.memory_space<vmem>>
    %dma_start3A_564 = tpu.memref_squeeze %dma_start3A_563 : memref<1x128xf32, #tpu.memory_space<vmem>> -> memref<128xf32, #tpu.memory_space<vmem>>
    %dma_start3A_565 = arith.constant 8832 : i32
    %dma_start3A_566 = tpu.memref_slice %arg6[%dma_start3A_565] : memref<13312xi32, #tpu.memory_space<vmem>> -> memref<128xi32, #tpu.memory_space<vmem>>
    %dma_start3A_567 = arith.constant 0 : i32
    %dma_start3A_568 = tpu.memref_slice %arg2[%dma_start3A_567] : memref<52428800xf32, #tpu.memory_space<hbm>> -> memref<52428800xf32, #tpu.memory_space<hbm>>
    tpu.enqueue_indirect_dma source(%dma_start3A_568 : memref<52428800xf32, #tpu.memory_space<hbm>>) target(%dma_start3A_564 : memref<128xf32, #tpu.memory_space<vmem>>) offsets(%dma_start3A_566 : memref<128xi32, #tpu.memory_space<vmem>>) semaphore(%arg10 : memref<!tpu.dma_semaphore, #tpu.memory_space<semaphore_mem>>)
    %dma_start3A_569 = arith.constant 5 : i32
    %dma_start3A_570 = arith.constant 640 : i32
    %dma_start3A_571 = tpu.memref_slice %arg8[%dma_start3A_569, %dma_start3A_570] : memref<8x1664xf32, #tpu.memory_space<vmem>> -> memref<1x128xf32, #tpu.memory_space<vmem>>
    %dma_start3A_572 = tpu.memref_squeeze %dma_start3A_571 : memref<1x128xf32, #tpu.memory_space<vmem>> -> memref<128xf32, #tpu.memory_space<vmem>>
    %dma_start3A_573 = arith.constant 8960 : i32
    %dma_start3A_574 = tpu.memref_slice %arg6[%dma_start3A_573] : memref<13312xi32, #tpu.memory_space<vmem>> -> memref<128xi32, #tpu.memory_space<vmem>>
    %dma_start3A_575 = arith.constant 0 : i32
    %dma_start3A_576 = tpu.memref_slice %arg2[%dma_start3A_575] : memref<52428800xf32, #tpu.memory_space<hbm>> -> memref<52428800xf32, #tpu.memory_space<hbm>>
    tpu.enqueue_indirect_dma source(%dma_start3A_576 : memref<52428800xf32, #tpu.memory_space<hbm>>) target(%dma_start3A_572 : memref<128xf32, #tpu.memory_space<vmem>>) offsets(%dma_start3A_574 : memref<128xi32, #tpu.memory_space<vmem>>) semaphore(%arg10 : memref<!tpu.dma_semaphore, #tpu.memory_space<semaphore_mem>>)
    %dma_start3A_577 = arith.constant 5 : i32
    %dma_start3A_578 = arith.constant 768 : i32
    %dma_start3A_579 = tpu.memref_slice %arg8[%dma_start3A_577, %dma_start3A_578] : memref<8x1664xf32, #tpu.memory_space<vmem>> -> memref<1x128xf32, #tpu.memory_space<vmem>>
    %dma_start3A_580 = tpu.memref_squeeze %dma_start3A_579 : memref<1x128xf32, #tpu.memory_space<vmem>> -> memref<128xf32, #tpu.memory_space<vmem>>
    %dma_start3A_581 = arith.constant 9088 : i32
    %dma_start3A_582 = tpu.memref_slice %arg6[%dma_start3A_581] : memref<13312xi32, #tpu.memory_space<vmem>> -> memref<128xi32, #tpu.memory_space<vmem>>
    %dma_start3A_583 = arith.constant 0 : i32
    %dma_start3A_584 = tpu.memref_slice %arg2[%dma_start3A_583] : memref<52428800xf32, #tpu.memory_space<hbm>> -> memref<52428800xf32, #tpu.memory_space<hbm>>
    tpu.enqueue_indirect_dma source(%dma_start3A_584 : memref<52428800xf32, #tpu.memory_space<hbm>>) target(%dma_start3A_580 : memref<128xf32, #tpu.memory_space<vmem>>) offsets(%dma_start3A_582 : memref<128xi32, #tpu.memory_space<vmem>>) semaphore(%arg10 : memref<!tpu.dma_semaphore, #tpu.memory_space<semaphore_mem>>)
    %dma_start3A_585 = arith.constant 5 : i32
    %dma_start3A_586 = arith.constant 896 : i32
    %dma_start3A_587 = tpu.memref_slice %arg8[%dma_start3A_585, %dma_start3A_586] : memref<8x1664xf32, #tpu.memory_space<vmem>> -> memref<1x128xf32, #tpu.memory_space<vmem>>
    %dma_start3A_588 = tpu.memref_squeeze %dma_start3A_587 : memref<1x128xf32, #tpu.memory_space<vmem>> -> memref<128xf32, #tpu.memory_space<vmem>>
    %dma_start3A_589 = arith.constant 9216 : i32
    %dma_start3A_590 = tpu.memref_slice %arg6[%dma_start3A_589] : memref<13312xi32, #tpu.memory_space<vmem>> -> memref<128xi32, #tpu.memory_space<vmem>>
    %dma_start3A_591 = arith.constant 0 : i32
    %dma_start3A_592 = tpu.memref_slice %arg2[%dma_start3A_591] : memref<52428800xf32, #tpu.memory_space<hbm>> -> memref<52428800xf32, #tpu.memory_space<hbm>>
    tpu.enqueue_indirect_dma source(%dma_start3A_592 : memref<52428800xf32, #tpu.memory_space<hbm>>) target(%dma_start3A_588 : memref<128xf32, #tpu.memory_space<vmem>>) offsets(%dma_start3A_590 : memref<128xi32, #tpu.memory_space<vmem>>) semaphore(%arg10 : memref<!tpu.dma_semaphore, #tpu.memory_space<semaphore_mem>>)
    %dma_start3A_593 = arith.constant 5 : i32
    %dma_start3A_594 = arith.constant 1024 : i32
    %dma_start3A_595 = tpu.memref_slice %arg8[%dma_start3A_593, %dma_start3A_594] : memref<8x1664xf32, #tpu.memory_space<vmem>> -> memref<1x128xf32, #tpu.memory_space<vmem>>
    %dma_start3A_596 = tpu.memref_squeeze %dma_start3A_595 : memref<1x128xf32, #tpu.memory_space<vmem>> -> memref<128xf32, #tpu.memory_space<vmem>>
    %dma_start3A_597 = arith.constant 9344 : i32
    %dma_start3A_598 = tpu.memref_slice %arg6[%dma_start3A_597] : memref<13312xi32, #tpu.memory_space<vmem>> -> memref<128xi32, #tpu.memory_space<vmem>>
    %dma_start3A_599 = arith.constant 0 : i32
    %dma_start3A_600 = tpu.memref_slice %arg2[%dma_start3A_599] : memref<52428800xf32, #tpu.memory_space<hbm>> -> memref<52428800xf32, #tpu.memory_space<hbm>>
    tpu.enqueue_indirect_dma source(%dma_start3A_600 : memref<52428800xf32, #tpu.memory_space<hbm>>) target(%dma_start3A_596 : memref<128xf32, #tpu.memory_space<vmem>>) offsets(%dma_start3A_598 : memref<128xi32, #tpu.memory_space<vmem>>) semaphore(%arg10 : memref<!tpu.dma_semaphore, #tpu.memory_space<semaphore_mem>>)
    %dma_start3A_601 = arith.constant 5 : i32
    %dma_start3A_602 = arith.constant 1152 : i32
    %dma_start3A_603 = tpu.memref_slice %arg8[%dma_start3A_601, %dma_start3A_602] : memref<8x1664xf32, #tpu.memory_space<vmem>> -> memref<1x128xf32, #tpu.memory_space<vmem>>
    %dma_start3A_604 = tpu.memref_squeeze %dma_start3A_603 : memref<1x128xf32, #tpu.memory_space<vmem>> -> memref<128xf32, #tpu.memory_space<vmem>>
    %dma_start3A_605 = arith.constant 9472 : i32
    %dma_start3A_606 = tpu.memref_slice %arg6[%dma_start3A_605] : memref<13312xi32, #tpu.memory_space<vmem>> -> memref<128xi32, #tpu.memory_space<vmem>>
    %dma_start3A_607 = arith.constant 0 : i32
    %dma_start3A_608 = tpu.memref_slice %arg2[%dma_start3A_607] : memref<52428800xf32, #tpu.memory_space<hbm>> -> memref<52428800xf32, #tpu.memory_space<hbm>>
    tpu.enqueue_indirect_dma source(%dma_start3A_608 : memref<52428800xf32, #tpu.memory_space<hbm>>) target(%dma_start3A_604 : memref<128xf32, #tpu.memory_space<vmem>>) offsets(%dma_start3A_606 : memref<128xi32, #tpu.memory_space<vmem>>) semaphore(%arg10 : memref<!tpu.dma_semaphore, #tpu.memory_space<semaphore_mem>>)
    %dma_start3A_609 = arith.constant 5 : i32
    %dma_start3A_610 = arith.constant 1280 : i32
    %dma_start3A_611 = tpu.memref_slice %arg8[%dma_start3A_609, %dma_start3A_610] : memref<8x1664xf32, #tpu.memory_space<vmem>> -> memref<1x128xf32, #tpu.memory_space<vmem>>
    %dma_start3A_612 = tpu.memref_squeeze %dma_start3A_611 : memref<1x128xf32, #tpu.memory_space<vmem>> -> memref<128xf32, #tpu.memory_space<vmem>>
    %dma_start3A_613 = arith.constant 9600 : i32
    %dma_start3A_614 = tpu.memref_slice %arg6[%dma_start3A_613] : memref<13312xi32, #tpu.memory_space<vmem>> -> memref<128xi32, #tpu.memory_space<vmem>>
    %dma_start3A_615 = arith.constant 0 : i32
    %dma_start3A_616 = tpu.memref_slice %arg2[%dma_start3A_615] : memref<52428800xf32, #tpu.memory_space<hbm>> -> memref<52428800xf32, #tpu.memory_space<hbm>>
    tpu.enqueue_indirect_dma source(%dma_start3A_616 : memref<52428800xf32, #tpu.memory_space<hbm>>) target(%dma_start3A_612 : memref<128xf32, #tpu.memory_space<vmem>>) offsets(%dma_start3A_614 : memref<128xi32, #tpu.memory_space<vmem>>) semaphore(%arg10 : memref<!tpu.dma_semaphore, #tpu.memory_space<semaphore_mem>>)
    %dma_start3A_617 = arith.constant 5 : i32
    %dma_start3A_618 = arith.constant 1408 : i32
    %dma_start3A_619 = tpu.memref_slice %arg8[%dma_start3A_617, %dma_start3A_618] : memref<8x1664xf32, #tpu.memory_space<vmem>> -> memref<1x128xf32, #tpu.memory_space<vmem>>
    %dma_start3A_620 = tpu.memref_squeeze %dma_start3A_619 : memref<1x128xf32, #tpu.memory_space<vmem>> -> memref<128xf32, #tpu.memory_space<vmem>>
    %dma_start3A_621 = arith.constant 9728 : i32
    %dma_start3A_622 = tpu.memref_slice %arg6[%dma_start3A_621] : memref<13312xi32, #tpu.memory_space<vmem>> -> memref<128xi32, #tpu.memory_space<vmem>>
    %dma_start3A_623 = arith.constant 0 : i32
    %dma_start3A_624 = tpu.memref_slice %arg2[%dma_start3A_623] : memref<52428800xf32, #tpu.memory_space<hbm>> -> memref<52428800xf32, #tpu.memory_space<hbm>>
    tpu.enqueue_indirect_dma source(%dma_start3A_624 : memref<52428800xf32, #tpu.memory_space<hbm>>) target(%dma_start3A_620 : memref<128xf32, #tpu.memory_space<vmem>>) offsets(%dma_start3A_622 : memref<128xi32, #tpu.memory_space<vmem>>) semaphore(%arg10 : memref<!tpu.dma_semaphore, #tpu.memory_space<semaphore_mem>>)
    %dma_start3A_625 = arith.constant 5 : i32
    %dma_start3A_626 = arith.constant 1536 : i32
    %dma_start3A_627 = tpu.memref_slice %arg8[%dma_start3A_625, %dma_start3A_626] : memref<8x1664xf32, #tpu.memory_space<vmem>> -> memref<1x128xf32, #tpu.memory_space<vmem>>
    %dma_start3A_628 = tpu.memref_squeeze %dma_start3A_627 : memref<1x128xf32, #tpu.memory_space<vmem>> -> memref<128xf32, #tpu.memory_space<vmem>>
    %dma_start3A_629 = arith.constant 9856 : i32
    %dma_start3A_630 = tpu.memref_slice %arg6[%dma_start3A_629] : memref<13312xi32, #tpu.memory_space<vmem>> -> memref<128xi32, #tpu.memory_space<vmem>>
    %dma_start3A_631 = arith.constant 0 : i32
    %dma_start3A_632 = tpu.memref_slice %arg2[%dma_start3A_631] : memref<52428800xf32, #tpu.memory_space<hbm>> -> memref<52428800xf32, #tpu.memory_space<hbm>>
    tpu.enqueue_indirect_dma source(%dma_start3A_632 : memref<52428800xf32, #tpu.memory_space<hbm>>) target(%dma_start3A_628 : memref<128xf32, #tpu.memory_space<vmem>>) offsets(%dma_start3A_630 : memref<128xi32, #tpu.memory_space<vmem>>) semaphore(%arg10 : memref<!tpu.dma_semaphore, #tpu.memory_space<semaphore_mem>>)
    %dma_start3A_633 = arith.constant 6 : i32
    %dma_start3A_634 = arith.constant 0 : i32
    %dma_start3A_635 = tpu.memref_slice %arg8[%dma_start3A_633, %dma_start3A_634] : memref<8x1664xf32, #tpu.memory_space<vmem>> -> memref<1x128xf32, #tpu.memory_space<vmem>>
    %dma_start3A_636 = tpu.memref_squeeze %dma_start3A_635 : memref<1x128xf32, #tpu.memory_space<vmem>> -> memref<128xf32, #tpu.memory_space<vmem>>
    %dma_start3A_637 = arith.constant 9984 : i32
    %dma_start3A_638 = tpu.memref_slice %arg6[%dma_start3A_637] : memref<13312xi32, #tpu.memory_space<vmem>> -> memref<128xi32, #tpu.memory_space<vmem>>
    %dma_start3A_639 = arith.constant 0 : i32
    %dma_start3A_640 = tpu.memref_slice %arg2[%dma_start3A_639] : memref<52428800xf32, #tpu.memory_space<hbm>> -> memref<52428800xf32, #tpu.memory_space<hbm>>
    tpu.enqueue_indirect_dma source(%dma_start3A_640 : memref<52428800xf32, #tpu.memory_space<hbm>>) target(%dma_start3A_636 : memref<128xf32, #tpu.memory_space<vmem>>) offsets(%dma_start3A_638 : memref<128xi32, #tpu.memory_space<vmem>>) semaphore(%arg10 : memref<!tpu.dma_semaphore, #tpu.memory_space<semaphore_mem>>)
    %dma_start3A_641 = arith.constant 6 : i32
    %dma_start3A_642 = arith.constant 128 : i32
    %dma_start3A_643 = tpu.memref_slice %arg8[%dma_start3A_641, %dma_start3A_642] : memref<8x1664xf32, #tpu.memory_space<vmem>> -> memref<1x128xf32, #tpu.memory_space<vmem>>
    %dma_start3A_644 = tpu.memref_squeeze %dma_start3A_643 : memref<1x128xf32, #tpu.memory_space<vmem>> -> memref<128xf32, #tpu.memory_space<vmem>>
    %dma_start3A_645 = arith.constant 10112 : i32
    %dma_start3A_646 = tpu.memref_slice %arg6[%dma_start3A_645] : memref<13312xi32, #tpu.memory_space<vmem>> -> memref<128xi32, #tpu.memory_space<vmem>>
    %dma_start3A_647 = arith.constant 0 : i32
    %dma_start3A_648 = tpu.memref_slice %arg2[%dma_start3A_647] : memref<52428800xf32, #tpu.memory_space<hbm>> -> memref<52428800xf32, #tpu.memory_space<hbm>>
    tpu.enqueue_indirect_dma source(%dma_start3A_648 : memref<52428800xf32, #tpu.memory_space<hbm>>) target(%dma_start3A_644 : memref<128xf32, #tpu.memory_space<vmem>>) offsets(%dma_start3A_646 : memref<128xi32, #tpu.memory_space<vmem>>) semaphore(%arg10 : memref<!tpu.dma_semaphore, #tpu.memory_space<semaphore_mem>>)
    %dma_start3A_649 = arith.constant 6 : i32
    %dma_start3A_650 = arith.constant 256 : i32
    %dma_start3A_651 = tpu.memref_slice %arg8[%dma_start3A_649, %dma_start3A_650] : memref<8x1664xf32, #tpu.memory_space<vmem>> -> memref<1x128xf32, #tpu.memory_space<vmem>>
    %dma_start3A_652 = tpu.memref_squeeze %dma_start3A_651 : memref<1x128xf32, #tpu.memory_space<vmem>> -> memref<128xf32, #tpu.memory_space<vmem>>
    %dma_start3A_653 = arith.constant 10240 : i32
    %dma_start3A_654 = tpu.memref_slice %arg6[%dma_start3A_653] : memref<13312xi32, #tpu.memory_space<vmem>> -> memref<128xi32, #tpu.memory_space<vmem>>
    %dma_start3A_655 = arith.constant 0 : i32
    %dma_start3A_656 = tpu.memref_slice %arg2[%dma_start3A_655] : memref<52428800xf32, #tpu.memory_space<hbm>> -> memref<52428800xf32, #tpu.memory_space<hbm>>
    tpu.enqueue_indirect_dma source(%dma_start3A_656 : memref<52428800xf32, #tpu.memory_space<hbm>>) target(%dma_start3A_652 : memref<128xf32, #tpu.memory_space<vmem>>) offsets(%dma_start3A_654 : memref<128xi32, #tpu.memory_space<vmem>>) semaphore(%arg10 : memref<!tpu.dma_semaphore, #tpu.memory_space<semaphore_mem>>)
    %dma_start3A_657 = arith.constant 6 : i32
    %dma_start3A_658 = arith.constant 384 : i32
    %dma_start3A_659 = tpu.memref_slice %arg8[%dma_start3A_657, %dma_start3A_658] : memref<8x1664xf32, #tpu.memory_space<vmem>> -> memref<1x128xf32, #tpu.memory_space<vmem>>
    %dma_start3A_660 = tpu.memref_squeeze %dma_start3A_659 : memref<1x128xf32, #tpu.memory_space<vmem>> -> memref<128xf32, #tpu.memory_space<vmem>>
    %dma_start3A_661 = arith.constant 10368 : i32
    %dma_start3A_662 = tpu.memref_slice %arg6[%dma_start3A_661] : memref<13312xi32, #tpu.memory_space<vmem>> -> memref<128xi32, #tpu.memory_space<vmem>>
    %dma_start3A_663 = arith.constant 0 : i32
    %dma_start3A_664 = tpu.memref_slice %arg2[%dma_start3A_663] : memref<52428800xf32, #tpu.memory_space<hbm>> -> memref<52428800xf32, #tpu.memory_space<hbm>>
    tpu.enqueue_indirect_dma source(%dma_start3A_664 : memref<52428800xf32, #tpu.memory_space<hbm>>) target(%dma_start3A_660 : memref<128xf32, #tpu.memory_space<vmem>>) offsets(%dma_start3A_662 : memref<128xi32, #tpu.memory_space<vmem>>) semaphore(%arg10 : memref<!tpu.dma_semaphore, #tpu.memory_space<semaphore_mem>>)
    %dma_start3A_665 = arith.constant 6 : i32
    %dma_start3A_666 = arith.constant 512 : i32
    %dma_start3A_667 = tpu.memref_slice %arg8[%dma_start3A_665, %dma_start3A_666] : memref<8x1664xf32, #tpu.memory_space<vmem>> -> memref<1x128xf32, #tpu.memory_space<vmem>>
    %dma_start3A_668 = tpu.memref_squeeze %dma_start3A_667 : memref<1x128xf32, #tpu.memory_space<vmem>> -> memref<128xf32, #tpu.memory_space<vmem>>
    %dma_start3A_669 = arith.constant 10496 : i32
    %dma_start3A_670 = tpu.memref_slice %arg6[%dma_start3A_669] : memref<13312xi32, #tpu.memory_space<vmem>> -> memref<128xi32, #tpu.memory_space<vmem>>
    %dma_start3A_671 = arith.constant 0 : i32
    %dma_start3A_672 = tpu.memref_slice %arg2[%dma_start3A_671] : memref<52428800xf32, #tpu.memory_space<hbm>> -> memref<52428800xf32, #tpu.memory_space<hbm>>
    tpu.enqueue_indirect_dma source(%dma_start3A_672 : memref<52428800xf32, #tpu.memory_space<hbm>>) target(%dma_start3A_668 : memref<128xf32, #tpu.memory_space<vmem>>) offsets(%dma_start3A_670 : memref<128xi32, #tpu.memory_space<vmem>>) semaphore(%arg10 : memref<!tpu.dma_semaphore, #tpu.memory_space<semaphore_mem>>)
    %dma_start3A_673 = arith.constant 6 : i32
    %dma_start3A_674 = arith.constant 640 : i32
    %dma_start3A_675 = tpu.memref_slice %arg8[%dma_start3A_673, %dma_start3A_674] : memref<8x1664xf32, #tpu.memory_space<vmem>> -> memref<1x128xf32, #tpu.memory_space<vmem>>
    %dma_start3A_676 = tpu.memref_squeeze %dma_start3A_675 : memref<1x128xf32, #tpu.memory_space<vmem>> -> memref<128xf32, #tpu.memory_space<vmem>>
    %dma_start3A_677 = arith.constant 10624 : i32
    %dma_start3A_678 = tpu.memref_slice %arg6[%dma_start3A_677] : memref<13312xi32, #tpu.memory_space<vmem>> -> memref<128xi32, #tpu.memory_space<vmem>>
    %dma_start3A_679 = arith.constant 0 : i32
    %dma_start3A_680 = tpu.memref_slice %arg2[%dma_start3A_679] : memref<52428800xf32, #tpu.memory_space<hbm>> -> memref<52428800xf32, #tpu.memory_space<hbm>>
    tpu.enqueue_indirect_dma source(%dma_start3A_680 : memref<52428800xf32, #tpu.memory_space<hbm>>) target(%dma_start3A_676 : memref<128xf32, #tpu.memory_space<vmem>>) offsets(%dma_start3A_678 : memref<128xi32, #tpu.memory_space<vmem>>) semaphore(%arg10 : memref<!tpu.dma_semaphore, #tpu.memory_space<semaphore_mem>>)
    %dma_start3A_681 = arith.constant 6 : i32
    %dma_start3A_682 = arith.constant 768 : i32
    %dma_start3A_683 = tpu.memref_slice %arg8[%dma_start3A_681, %dma_start3A_682] : memref<8x1664xf32, #tpu.memory_space<vmem>> -> memref<1x128xf32, #tpu.memory_space<vmem>>
    %dma_start3A_684 = tpu.memref_squeeze %dma_start3A_683 : memref<1x128xf32, #tpu.memory_space<vmem>> -> memref<128xf32, #tpu.memory_space<vmem>>
    %dma_start3A_685 = arith.constant 10752 : i32
    %dma_start3A_686 = tpu.memref_slice %arg6[%dma_start3A_685] : memref<13312xi32, #tpu.memory_space<vmem>> -> memref<128xi32, #tpu.memory_space<vmem>>
    %dma_start3A_687 = arith.constant 0 : i32
    %dma_start3A_688 = tpu.memref_slice %arg2[%dma_start3A_687] : memref<52428800xf32, #tpu.memory_space<hbm>> -> memref<52428800xf32, #tpu.memory_space<hbm>>
    tpu.enqueue_indirect_dma source(%dma_start3A_688 : memref<52428800xf32, #tpu.memory_space<hbm>>) target(%dma_start3A_684 : memref<128xf32, #tpu.memory_space<vmem>>) offsets(%dma_start3A_686 : memref<128xi32, #tpu.memory_space<vmem>>) semaphore(%arg10 : memref<!tpu.dma_semaphore, #tpu.memory_space<semaphore_mem>>)
    %dma_start3A_689 = arith.constant 6 : i32
    %dma_start3A_690 = arith.constant 896 : i32
    %dma_start3A_691 = tpu.memref_slice %arg8[%dma_start3A_689, %dma_start3A_690] : memref<8x1664xf32, #tpu.memory_space<vmem>> -> memref<1x128xf32, #tpu.memory_space<vmem>>
    %dma_start3A_692 = tpu.memref_squeeze %dma_start3A_691 : memref<1x128xf32, #tpu.memory_space<vmem>> -> memref<128xf32, #tpu.memory_space<vmem>>
    %dma_start3A_693 = arith.constant 10880 : i32
    %dma_start3A_694 = tpu.memref_slice %arg6[%dma_start3A_693] : memref<13312xi32, #tpu.memory_space<vmem>> -> memref<128xi32, #tpu.memory_space<vmem>>
    %dma_start3A_695 = arith.constant 0 : i32
    %dma_start3A_696 = tpu.memref_slice %arg2[%dma_start3A_695] : memref<52428800xf32, #tpu.memory_space<hbm>> -> memref<52428800xf32, #tpu.memory_space<hbm>>
    tpu.enqueue_indirect_dma source(%dma_start3A_696 : memref<52428800xf32, #tpu.memory_space<hbm>>) target(%dma_start3A_692 : memref<128xf32, #tpu.memory_space<vmem>>) offsets(%dma_start3A_694 : memref<128xi32, #tpu.memory_space<vmem>>) semaphore(%arg10 : memref<!tpu.dma_semaphore, #tpu.memory_space<semaphore_mem>>)
    %dma_start3A_697 = arith.constant 6 : i32
    %dma_start3A_698 = arith.constant 1024 : i32
    %dma_start3A_699 = tpu.memref_slice %arg8[%dma_start3A_697, %dma_start3A_698] : memref<8x1664xf32, #tpu.memory_space<vmem>> -> memref<1x128xf32, #tpu.memory_space<vmem>>
    %dma_start3A_700 = tpu.memref_squeeze %dma_start3A_699 : memref<1x128xf32, #tpu.memory_space<vmem>> -> memref<128xf32, #tpu.memory_space<vmem>>
    %dma_start3A_701 = arith.constant 11008 : i32
    %dma_start3A_702 = tpu.memref_slice %arg6[%dma_start3A_701] : memref<13312xi32, #tpu.memory_space<vmem>> -> memref<128xi32, #tpu.memory_space<vmem>>
    %dma_start3A_703 = arith.constant 0 : i32
    %dma_start3A_704 = tpu.memref_slice %arg2[%dma_start3A_703] : memref<52428800xf32, #tpu.memory_space<hbm>> -> memref<52428800xf32, #tpu.memory_space<hbm>>
    tpu.enqueue_indirect_dma source(%dma_start3A_704 : memref<52428800xf32, #tpu.memory_space<hbm>>) target(%dma_start3A_700 : memref<128xf32, #tpu.memory_space<vmem>>) offsets(%dma_start3A_702 : memref<128xi32, #tpu.memory_space<vmem>>) semaphore(%arg10 : memref<!tpu.dma_semaphore, #tpu.memory_space<semaphore_mem>>)
    %dma_start3A_705 = arith.constant 6 : i32
    %dma_start3A_706 = arith.constant 1152 : i32
    %dma_start3A_707 = tpu.memref_slice %arg8[%dma_start3A_705, %dma_start3A_706] : memref<8x1664xf32, #tpu.memory_space<vmem>> -> memref<1x128xf32, #tpu.memory_space<vmem>>
    %dma_start3A_708 = tpu.memref_squeeze %dma_start3A_707 : memref<1x128xf32, #tpu.memory_space<vmem>> -> memref<128xf32, #tpu.memory_space<vmem>>
    %dma_start3A_709 = arith.constant 11136 : i32
    %dma_start3A_710 = tpu.memref_slice %arg6[%dma_start3A_709] : memref<13312xi32, #tpu.memory_space<vmem>> -> memref<128xi32, #tpu.memory_space<vmem>>
    %dma_start3A_711 = arith.constant 0 : i32
    %dma_start3A_712 = tpu.memref_slice %arg2[%dma_start3A_711] : memref<52428800xf32, #tpu.memory_space<hbm>> -> memref<52428800xf32, #tpu.memory_space<hbm>>
    tpu.enqueue_indirect_dma source(%dma_start3A_712 : memref<52428800xf32, #tpu.memory_space<hbm>>) target(%dma_start3A_708 : memref<128xf32, #tpu.memory_space<vmem>>) offsets(%dma_start3A_710 : memref<128xi32, #tpu.memory_space<vmem>>) semaphore(%arg10 : memref<!tpu.dma_semaphore, #tpu.memory_space<semaphore_mem>>)
    %dma_start3A_713 = arith.constant 6 : i32
    %dma_start3A_714 = arith.constant 1280 : i32
    %dma_start3A_715 = tpu.memref_slice %arg8[%dma_start3A_713, %dma_start3A_714] : memref<8x1664xf32, #tpu.memory_space<vmem>> -> memref<1x128xf32, #tpu.memory_space<vmem>>
    %dma_start3A_716 = tpu.memref_squeeze %dma_start3A_715 : memref<1x128xf32, #tpu.memory_space<vmem>> -> memref<128xf32, #tpu.memory_space<vmem>>
    %dma_start3A_717 = arith.constant 11264 : i32
    %dma_start3A_718 = tpu.memref_slice %arg6[%dma_start3A_717] : memref<13312xi32, #tpu.memory_space<vmem>> -> memref<128xi32, #tpu.memory_space<vmem>>
    %dma_start3A_719 = arith.constant 0 : i32
    %dma_start3A_720 = tpu.memref_slice %arg2[%dma_start3A_719] : memref<52428800xf32, #tpu.memory_space<hbm>> -> memref<52428800xf32, #tpu.memory_space<hbm>>
    tpu.enqueue_indirect_dma source(%dma_start3A_720 : memref<52428800xf32, #tpu.memory_space<hbm>>) target(%dma_start3A_716 : memref<128xf32, #tpu.memory_space<vmem>>) offsets(%dma_start3A_718 : memref<128xi32, #tpu.memory_space<vmem>>) semaphore(%arg10 : memref<!tpu.dma_semaphore, #tpu.memory_space<semaphore_mem>>)
    %dma_start3A_721 = arith.constant 6 : i32
    %dma_start3A_722 = arith.constant 1408 : i32
    %dma_start3A_723 = tpu.memref_slice %arg8[%dma_start3A_721, %dma_start3A_722] : memref<8x1664xf32, #tpu.memory_space<vmem>> -> memref<1x128xf32, #tpu.memory_space<vmem>>
    %dma_start3A_724 = tpu.memref_squeeze %dma_start3A_723 : memref<1x128xf32, #tpu.memory_space<vmem>> -> memref<128xf32, #tpu.memory_space<vmem>>
    %dma_start3A_725 = arith.constant 11392 : i32
    %dma_start3A_726 = tpu.memref_slice %arg6[%dma_start3A_725] : memref<13312xi32, #tpu.memory_space<vmem>> -> memref<128xi32, #tpu.memory_space<vmem>>
    %dma_start3A_727 = arith.constant 0 : i32
    %dma_start3A_728 = tpu.memref_slice %arg2[%dma_start3A_727] : memref<52428800xf32, #tpu.memory_space<hbm>> -> memref<52428800xf32, #tpu.memory_space<hbm>>
    tpu.enqueue_indirect_dma source(%dma_start3A_728 : memref<52428800xf32, #tpu.memory_space<hbm>>) target(%dma_start3A_724 : memref<128xf32, #tpu.memory_space<vmem>>) offsets(%dma_start3A_726 : memref<128xi32, #tpu.memory_space<vmem>>) semaphore(%arg10 : memref<!tpu.dma_semaphore, #tpu.memory_space<semaphore_mem>>)
    %dma_start3A_729 = arith.constant 6 : i32
    %dma_start3A_730 = arith.constant 1536 : i32
    %dma_start3A_731 = tpu.memref_slice %arg8[%dma_start3A_729, %dma_start3A_730] : memref<8x1664xf32, #tpu.memory_space<vmem>> -> memref<1x128xf32, #tpu.memory_space<vmem>>
    %dma_start3A_732 = tpu.memref_squeeze %dma_start3A_731 : memref<1x128xf32, #tpu.memory_space<vmem>> -> memref<128xf32, #tpu.memory_space<vmem>>
    %dma_start3A_733 = arith.constant 11520 : i32
    %dma_start3A_734 = tpu.memref_slice %arg6[%dma_start3A_733] : memref<13312xi32, #tpu.memory_space<vmem>> -> memref<128xi32, #tpu.memory_space<vmem>>
    %dma_start3A_735 = arith.constant 0 : i32
    %dma_start3A_736 = tpu.memref_slice %arg2[%dma_start3A_735] : memref<52428800xf32, #tpu.memory_space<hbm>> -> memref<52428800xf32, #tpu.memory_space<hbm>>
    tpu.enqueue_indirect_dma source(%dma_start3A_736 : memref<52428800xf32, #tpu.memory_space<hbm>>) target(%dma_start3A_732 : memref<128xf32, #tpu.memory_space<vmem>>) offsets(%dma_start3A_734 : memref<128xi32, #tpu.memory_space<vmem>>) semaphore(%arg10 : memref<!tpu.dma_semaphore, #tpu.memory_space<semaphore_mem>>)
    %dma_start3A_737 = arith.constant 7 : i32
    %dma_start3A_738 = arith.constant 0 : i32
    %dma_start3A_739 = tpu.memref_slice %arg8[%dma_start3A_737, %dma_start3A_738] : memref<8x1664xf32, #tpu.memory_space<vmem>> -> memref<1x128xf32, #tpu.memory_space<vmem>>
    %dma_start3A_740 = tpu.memref_squeeze %dma_start3A_739 : memref<1x128xf32, #tpu.memory_space<vmem>> -> memref<128xf32, #tpu.memory_space<vmem>>
    %dma_start3A_741 = arith.constant 11648 : i32
    %dma_start3A_742 = tpu.memref_slice %arg6[%dma_start3A_741] : memref<13312xi32, #tpu.memory_space<vmem>> -> memref<128xi32, #tpu.memory_space<vmem>>
    %dma_start3A_743 = arith.constant 0 : i32
    %dma_start3A_744 = tpu.memref_slice %arg2[%dma_start3A_743] : memref<52428800xf32, #tpu.memory_space<hbm>> -> memref<52428800xf32, #tpu.memory_space<hbm>>
    tpu.enqueue_indirect_dma source(%dma_start3A_744 : memref<52428800xf32, #tpu.memory_space<hbm>>) target(%dma_start3A_740 : memref<128xf32, #tpu.memory_space<vmem>>) offsets(%dma_start3A_742 : memref<128xi32, #tpu.memory_space<vmem>>) semaphore(%arg10 : memref<!tpu.dma_semaphore, #tpu.memory_space<semaphore_mem>>)
    %dma_start3A_745 = arith.constant 7 : i32
    %dma_start3A_746 = arith.constant 128 : i32
    %dma_start3A_747 = tpu.memref_slice %arg8[%dma_start3A_745, %dma_start3A_746] : memref<8x1664xf32, #tpu.memory_space<vmem>> -> memref<1x128xf32, #tpu.memory_space<vmem>>
    %dma_start3A_748 = tpu.memref_squeeze %dma_start3A_747 : memref<1x128xf32, #tpu.memory_space<vmem>> -> memref<128xf32, #tpu.memory_space<vmem>>
    %dma_start3A_749 = arith.constant 11776 : i32
    %dma_start3A_750 = tpu.memref_slice %arg6[%dma_start3A_749] : memref<13312xi32, #tpu.memory_space<vmem>> -> memref<128xi32, #tpu.memory_space<vmem>>
    %dma_start3A_751 = arith.constant 0 : i32
    %dma_start3A_752 = tpu.memref_slice %arg2[%dma_start3A_751] : memref<52428800xf32, #tpu.memory_space<hbm>> -> memref<52428800xf32, #tpu.memory_space<hbm>>
    tpu.enqueue_indirect_dma source(%dma_start3A_752 : memref<52428800xf32, #tpu.memory_space<hbm>>) target(%dma_start3A_748 : memref<128xf32, #tpu.memory_space<vmem>>) offsets(%dma_start3A_750 : memref<128xi32, #tpu.memory_space<vmem>>) semaphore(%arg10 : memref<!tpu.dma_semaphore, #tpu.memory_space<semaphore_mem>>)
    %dma_start3A_753 = arith.constant 7 : i32
    %dma_start3A_754 = arith.constant 256 : i32
    %dma_start3A_755 = tpu.memref_slice %arg8[%dma_start3A_753, %dma_start3A_754] : memref<8x1664xf32, #tpu.memory_space<vmem>> -> memref<1x128xf32, #tpu.memory_space<vmem>>
    %dma_start3A_756 = tpu.memref_squeeze %dma_start3A_755 : memref<1x128xf32, #tpu.memory_space<vmem>> -> memref<128xf32, #tpu.memory_space<vmem>>
    %dma_start3A_757 = arith.constant 11904 : i32
    %dma_start3A_758 = tpu.memref_slice %arg6[%dma_start3A_757] : memref<13312xi32, #tpu.memory_space<vmem>> -> memref<128xi32, #tpu.memory_space<vmem>>
    %dma_start3A_759 = arith.constant 0 : i32
    %dma_start3A_760 = tpu.memref_slice %arg2[%dma_start3A_759] : memref<52428800xf32, #tpu.memory_space<hbm>> -> memref<52428800xf32, #tpu.memory_space<hbm>>
    tpu.enqueue_indirect_dma source(%dma_start3A_760 : memref<52428800xf32, #tpu.memory_space<hbm>>) target(%dma_start3A_756 : memref<128xf32, #tpu.memory_space<vmem>>) offsets(%dma_start3A_758 : memref<128xi32, #tpu.memory_space<vmem>>) semaphore(%arg10 : memref<!tpu.dma_semaphore, #tpu.memory_space<semaphore_mem>>)
    %dma_start3A_761 = arith.constant 7 : i32
    %dma_start3A_762 = arith.constant 384 : i32
    %dma_start3A_763 = tpu.memref_slice %arg8[%dma_start3A_761, %dma_start3A_762] : memref<8x1664xf32, #tpu.memory_space<vmem>> -> memref<1x128xf32, #tpu.memory_space<vmem>>
    %dma_start3A_764 = tpu.memref_squeeze %dma_start3A_763 : memref<1x128xf32, #tpu.memory_space<vmem>> -> memref<128xf32, #tpu.memory_space<vmem>>
    %dma_start3A_765 = arith.constant 12032 : i32
    %dma_start3A_766 = tpu.memref_slice %arg6[%dma_start3A_765] : memref<13312xi32, #tpu.memory_space<vmem>> -> memref<128xi32, #tpu.memory_space<vmem>>
    %dma_start3A_767 = arith.constant 0 : i32
    %dma_start3A_768 = tpu.memref_slice %arg2[%dma_start3A_767] : memref<52428800xf32, #tpu.memory_space<hbm>> -> memref<52428800xf32, #tpu.memory_space<hbm>>
    tpu.enqueue_indirect_dma source(%dma_start3A_768 : memref<52428800xf32, #tpu.memory_space<hbm>>) target(%dma_start3A_764 : memref<128xf32, #tpu.memory_space<vmem>>) offsets(%dma_start3A_766 : memref<128xi32, #tpu.memory_space<vmem>>) semaphore(%arg10 : memref<!tpu.dma_semaphore, #tpu.memory_space<semaphore_mem>>)
    %dma_start3A_769 = arith.constant 7 : i32
    %dma_start3A_770 = arith.constant 512 : i32
    %dma_start3A_771 = tpu.memref_slice %arg8[%dma_start3A_769, %dma_start3A_770] : memref<8x1664xf32, #tpu.memory_space<vmem>> -> memref<1x128xf32, #tpu.memory_space<vmem>>
    %dma_start3A_772 = tpu.memref_squeeze %dma_start3A_771 : memref<1x128xf32, #tpu.memory_space<vmem>> -> memref<128xf32, #tpu.memory_space<vmem>>
    %dma_start3A_773 = arith.constant 12160 : i32
    %dma_start3A_774 = tpu.memref_slice %arg6[%dma_start3A_773] : memref<13312xi32, #tpu.memory_space<vmem>> -> memref<128xi32, #tpu.memory_space<vmem>>
    %dma_start3A_775 = arith.constant 0 : i32
    %dma_start3A_776 = tpu.memref_slice %arg2[%dma_start3A_775] : memref<52428800xf32, #tpu.memory_space<hbm>> -> memref<52428800xf32, #tpu.memory_space<hbm>>
    tpu.enqueue_indirect_dma source(%dma_start3A_776 : memref<52428800xf32, #tpu.memory_space<hbm>>) target(%dma_start3A_772 : memref<128xf32, #tpu.memory_space<vmem>>) offsets(%dma_start3A_774 : memref<128xi32, #tpu.memory_space<vmem>>) semaphore(%arg10 : memref<!tpu.dma_semaphore, #tpu.memory_space<semaphore_mem>>)
    %dma_start3A_777 = arith.constant 7 : i32
    %dma_start3A_778 = arith.constant 640 : i32
    %dma_start3A_779 = tpu.memref_slice %arg8[%dma_start3A_777, %dma_start3A_778] : memref<8x1664xf32, #tpu.memory_space<vmem>> -> memref<1x128xf32, #tpu.memory_space<vmem>>
    %dma_start3A_780 = tpu.memref_squeeze %dma_start3A_779 : memref<1x128xf32, #tpu.memory_space<vmem>> -> memref<128xf32, #tpu.memory_space<vmem>>
    %dma_start3A_781 = arith.constant 12288 : i32
    %dma_start3A_782 = tpu.memref_slice %arg6[%dma_start3A_781] : memref<13312xi32, #tpu.memory_space<vmem>> -> memref<128xi32, #tpu.memory_space<vmem>>
    %dma_start3A_783 = arith.constant 0 : i32
    %dma_start3A_784 = tpu.memref_slice %arg2[%dma_start3A_783] : memref<52428800xf32, #tpu.memory_space<hbm>> -> memref<52428800xf32, #tpu.memory_space<hbm>>
    tpu.enqueue_indirect_dma source(%dma_start3A_784 : memref<52428800xf32, #tpu.memory_space<hbm>>) target(%dma_start3A_780 : memref<128xf32, #tpu.memory_space<vmem>>) offsets(%dma_start3A_782 : memref<128xi32, #tpu.memory_space<vmem>>) semaphore(%arg10 : memref<!tpu.dma_semaphore, #tpu.memory_space<semaphore_mem>>)
    %dma_start3A_785 = arith.constant 7 : i32
    %dma_start3A_786 = arith.constant 768 : i32
    %dma_start3A_787 = tpu.memref_slice %arg8[%dma_start3A_785, %dma_start3A_786] : memref<8x1664xf32, #tpu.memory_space<vmem>> -> memref<1x128xf32, #tpu.memory_space<vmem>>
    %dma_start3A_788 = tpu.memref_squeeze %dma_start3A_787 : memref<1x128xf32, #tpu.memory_space<vmem>> -> memref<128xf32, #tpu.memory_space<vmem>>
    %dma_start3A_789 = arith.constant 12416 : i32
    %dma_start3A_790 = tpu.memref_slice %arg6[%dma_start3A_789] : memref<13312xi32, #tpu.memory_space<vmem>> -> memref<128xi32, #tpu.memory_space<vmem>>
    %dma_start3A_791 = arith.constant 0 : i32
    %dma_start3A_792 = tpu.memref_slice %arg2[%dma_start3A_791] : memref<52428800xf32, #tpu.memory_space<hbm>> -> memref<52428800xf32, #tpu.memory_space<hbm>>
    tpu.enqueue_indirect_dma source(%dma_start3A_792 : memref<52428800xf32, #tpu.memory_space<hbm>>) target(%dma_start3A_788 : memref<128xf32, #tpu.memory_space<vmem>>) offsets(%dma_start3A_790 : memref<128xi32, #tpu.memory_space<vmem>>) semaphore(%arg10 : memref<!tpu.dma_semaphore, #tpu.memory_space<semaphore_mem>>)
    %dma_start3A_793 = arith.constant 7 : i32
    %dma_start3A_794 = arith.constant 896 : i32
    %dma_start3A_795 = tpu.memref_slice %arg8[%dma_start3A_793, %dma_start3A_794] : memref<8x1664xf32, #tpu.memory_space<vmem>> -> memref<1x128xf32, #tpu.memory_space<vmem>>
    %dma_start3A_796 = tpu.memref_squeeze %dma_start3A_795 : memref<1x128xf32, #tpu.memory_space<vmem>> -> memref<128xf32, #tpu.memory_space<vmem>>
    %dma_start3A_797 = arith.constant 12544 : i32
    %dma_start3A_798 = tpu.memref_slice %arg6[%dma_start3A_797] : memref<13312xi32, #tpu.memory_space<vmem>> -> memref<128xi32, #tpu.memory_space<vmem>>
    %dma_start3A_799 = arith.constant 0 : i32
    %dma_start3A_800 = tpu.memref_slice %arg2[%dma_start3A_799] : memref<52428800xf32, #tpu.memory_space<hbm>> -> memref<52428800xf32, #tpu.memory_space<hbm>>
    tpu.enqueue_indirect_dma source(%dma_start3A_800 : memref<52428800xf32, #tpu.memory_space<hbm>>) target(%dma_start3A_796 : memref<128xf32, #tpu.memory_space<vmem>>) offsets(%dma_start3A_798 : memref<128xi32, #tpu.memory_space<vmem>>) semaphore(%arg10 : memref<!tpu.dma_semaphore, #tpu.memory_space<semaphore_mem>>)
    %dma_start3A_801 = arith.constant 7 : i32
    %dma_start3A_802 = arith.constant 1024 : i32
    %dma_start3A_803 = tpu.memref_slice %arg8[%dma_start3A_801, %dma_start3A_802] : memref<8x1664xf32, #tpu.memory_space<vmem>> -> memref<1x128xf32, #tpu.memory_space<vmem>>
    %dma_start3A_804 = tpu.memref_squeeze %dma_start3A_803 : memref<1x128xf32, #tpu.memory_space<vmem>> -> memref<128xf32, #tpu.memory_space<vmem>>
    %dma_start3A_805 = arith.constant 12672 : i32
    %dma_start3A_806 = tpu.memref_slice %arg6[%dma_start3A_805] : memref<13312xi32, #tpu.memory_space<vmem>> -> memref<128xi32, #tpu.memory_space<vmem>>
    %dma_start3A_807 = arith.constant 0 : i32
    %dma_start3A_808 = tpu.memref_slice %arg2[%dma_start3A_807] : memref<52428800xf32, #tpu.memory_space<hbm>> -> memref<52428800xf32, #tpu.memory_space<hbm>>
    tpu.enqueue_indirect_dma source(%dma_start3A_808 : memref<52428800xf32, #tpu.memory_space<hbm>>) target(%dma_start3A_804 : memref<128xf32, #tpu.memory_space<vmem>>) offsets(%dma_start3A_806 : memref<128xi32, #tpu.memory_space<vmem>>) semaphore(%arg10 : memref<!tpu.dma_semaphore, #tpu.memory_space<semaphore_mem>>)
    %dma_start3A_809 = arith.constant 7 : i32
    %dma_start3A_810 = arith.constant 1152 : i32
    %dma_start3A_811 = tpu.memref_slice %arg8[%dma_start3A_809, %dma_start3A_810] : memref<8x1664xf32, #tpu.memory_space<vmem>> -> memref<1x128xf32, #tpu.memory_space<vmem>>
    %dma_start3A_812 = tpu.memref_squeeze %dma_start3A_811 : memref<1x128xf32, #tpu.memory_space<vmem>> -> memref<128xf32, #tpu.memory_space<vmem>>
    %dma_start3A_813 = arith.constant 12800 : i32
    %dma_start3A_814 = tpu.memref_slice %arg6[%dma_start3A_813] : memref<13312xi32, #tpu.memory_space<vmem>> -> memref<128xi32, #tpu.memory_space<vmem>>
    %dma_start3A_815 = arith.constant 0 : i32
    %dma_start3A_816 = tpu.memref_slice %arg2[%dma_start3A_815] : memref<52428800xf32, #tpu.memory_space<hbm>> -> memref<52428800xf32, #tpu.memory_space<hbm>>
    tpu.enqueue_indirect_dma source(%dma_start3A_816 : memref<52428800xf32, #tpu.memory_space<hbm>>) target(%dma_start3A_812 : memref<128xf32, #tpu.memory_space<vmem>>) offsets(%dma_start3A_814 : memref<128xi32, #tpu.memory_space<vmem>>) semaphore(%arg10 : memref<!tpu.dma_semaphore, #tpu.memory_space<semaphore_mem>>)
    %dma_start3A_817 = arith.constant 7 : i32
    %dma_start3A_818 = arith.constant 1280 : i32
    %dma_start3A_819 = tpu.memref_slice %arg8[%dma_start3A_817, %dma_start3A_818] : memref<8x1664xf32, #tpu.memory_space<vmem>> -> memref<1x128xf32, #tpu.memory_space<vmem>>
    %dma_start3A_820 = tpu.memref_squeeze %dma_start3A_819 : memref<1x128xf32, #tpu.memory_space<vmem>> -> memref<128xf32, #tpu.memory_space<vmem>>
    %dma_start3A_821 = arith.constant 12928 : i32
    %dma_start3A_822 = tpu.memref_slice %arg6[%dma_start3A_821] : memref<13312xi32, #tpu.memory_space<vmem>> -> memref<128xi32, #tpu.memory_space<vmem>>
    %dma_start3A_823 = arith.constant 0 : i32
    %dma_start3A_824 = tpu.memref_slice %arg2[%dma_start3A_823] : memref<52428800xf32, #tpu.memory_space<hbm>> -> memref<52428800xf32, #tpu.memory_space<hbm>>
    tpu.enqueue_indirect_dma source(%dma_start3A_824 : memref<52428800xf32, #tpu.memory_space<hbm>>) target(%dma_start3A_820 : memref<128xf32, #tpu.memory_space<vmem>>) offsets(%dma_start3A_822 : memref<128xi32, #tpu.memory_space<vmem>>) semaphore(%arg10 : memref<!tpu.dma_semaphore, #tpu.memory_space<semaphore_mem>>)
    %dma_start3A_825 = arith.constant 7 : i32
    %dma_start3A_826 = arith.constant 1408 : i32
    %dma_start3A_827 = tpu.memref_slice %arg8[%dma_start3A_825, %dma_start3A_826] : memref<8x1664xf32, #tpu.memory_space<vmem>> -> memref<1x128xf32, #tpu.memory_space<vmem>>
    %dma_start3A_828 = tpu.memref_squeeze %dma_start3A_827 : memref<1x128xf32, #tpu.memory_space<vmem>> -> memref<128xf32, #tpu.memory_space<vmem>>
    %dma_start3A_829 = arith.constant 13056 : i32
    %dma_start3A_830 = tpu.memref_slice %arg6[%dma_start3A_829] : memref<13312xi32, #tpu.memory_space<vmem>> -> memref<128xi32, #tpu.memory_space<vmem>>
    %dma_start3A_831 = arith.constant 0 : i32
    %dma_start3A_832 = tpu.memref_slice %arg2[%dma_start3A_831] : memref<52428800xf32, #tpu.memory_space<hbm>> -> memref<52428800xf32, #tpu.memory_space<hbm>>
    tpu.enqueue_indirect_dma source(%dma_start3A_832 : memref<52428800xf32, #tpu.memory_space<hbm>>) target(%dma_start3A_828 : memref<128xf32, #tpu.memory_space<vmem>>) offsets(%dma_start3A_830 : memref<128xi32, #tpu.memory_space<vmem>>) semaphore(%arg10 : memref<!tpu.dma_semaphore, #tpu.memory_space<semaphore_mem>>)
    %dma_start3A_833 = arith.constant 7 : i32
    %dma_start3A_834 = arith.constant 1536 : i32
    %dma_start3A_835 = tpu.memref_slice %arg8[%dma_start3A_833, %dma_start3A_834] : memref<8x1664xf32, #tpu.memory_space<vmem>> -> memref<1x128xf32, #tpu.memory_space<vmem>>
    %dma_start3A_836 = tpu.memref_squeeze %dma_start3A_835 : memref<1x128xf32, #tpu.memory_space<vmem>> -> memref<128xf32, #tpu.memory_space<vmem>>
    %dma_start3A_837 = arith.constant 13184 : i32
    %dma_start3A_838 = tpu.memref_slice %arg6[%dma_start3A_837] : memref<13312xi32, #tpu.memory_space<vmem>> -> memref<128xi32, #tpu.memory_space<vmem>>
    %dma_start3A_839 = arith.constant 0 : i32
    %dma_start3A_840 = tpu.memref_slice %arg2[%dma_start3A_839] : memref<52428800xf32, #tpu.memory_space<hbm>> -> memref<52428800xf32, #tpu.memory_space<hbm>>
    tpu.enqueue_indirect_dma source(%dma_start3A_840 : memref<52428800xf32, #tpu.memory_space<hbm>>) target(%dma_start3A_836 : memref<128xf32, #tpu.memory_space<vmem>>) offsets(%dma_start3A_838 : memref<128xi32, #tpu.memory_space<vmem>>) semaphore(%arg10 : memref<!tpu.dma_semaphore, #tpu.memory_space<semaphore_mem>>)
    %scan3A_841 = arith.constant 0 : i32
    %scan3A_842 = arith.constant 0 : i32
    %scan3A_843 = arith.constant 8 : i32
    %scan3A_844 = arith.addi %scan3A_842, %scan3A_843 : i32
    %scan3A_845 = arith.constant 1 : i32
    scf.for %scan3A_858 = %scan3A_842 to %scan3A_844 step %scan3A_845  : i32 {
      %mul3A_859 = arith.constant 2 : i32
      %mul3A_860 = arith.muli %scan3A_858, %mul3A_859 : i32
      %add3A_861 = arith.constant 1 : i32
      %add3A_862 = arith.addi %mul3A_860, %add3A_861 : i32
      %scan3A_863 = arith.constant 0 : i32
      %scan3A_864 = arith.constant 0 : i32
      %scan3A_865 = arith.constant 13 : i32
      %scan3A_866 = arith.addi %scan3A_864, %scan3A_865 : i32
      %scan3A_867 = arith.constant 1 : i32
      scf.for %scan3A_1735 = %scan3A_864 to %scan3A_866 step %scan3A_867  : i32 {
        %mul3A_1736 = arith.constant 208 : i32
        %mul3A_1737 = arith.muli %add3A_862, %mul3A_1736 : i32
        %mul3A_1738 = arith.constant 16 : i32
        %mul3A_1739 = arith.muli %scan3A_1735, %mul3A_1738 : i32
        %add3A_1740 = arith.addi %mul3A_1737, %mul3A_1739 : i32
        %get3A = arith.index_cast %add3A_1740 : i32 to index
        %get3A_1741 = tpu.vector_load %arg5[%get3A] {strides = array<i32>} : memref<3328xi32, #tpu.memory_space<vmem>>, vector<16xi32>,
        %add3A_1742 = vector.broadcast %add3A_1740 : i32 to vector<16xi32>
        %add3A_1743 = arith.addi %add3A_1742, %iota3A : vector<16xi32>
        %div3A = arith.constant 26 : i32
        %div3A_1744 = vector.broadcast %div3A : i32 to vector<16xi32>
        %div3A_1745 = arith.divsi %add3A_1743, %div3A_1744 : vector<16xi32>
        %add3A_1746 = vector.broadcast %mul3A_4 : i32 to vector<16xi32>
        %add3A_1747 = arith.addi %add3A_1746, %div3A_1745 : vector<16xi32>
        %mul3A_1748 = arith.constant 262144 : i32
        %mul3A_1749 = vector.broadcast %mul3A_1748 : i32 to vector<16xi32>
        %mul3A_1750 = arith.muli %get3A_1741, %mul3A_1749 : vector<16xi32>
        %shift_right_logical3A = arith.constant 7 : i32
        %shift_right_logical3A_1751 = vector.broadcast %shift_right_logical3A : i32 to vector<16xi32>
        %shift_right_logical3A_1752 = arith.shrui %add3A_1747, %shift_right_logical3A_1751 : vector<16xi32>
        %mul3A_1753 = arith.constant 1024 : i32
        %mul3A_1754 = vector.broadcast %mul3A_1753 : i32 to vector<16xi32>
        %mul3A_1755 = arith.muli %shift_right_logical3A_1752, %mul3A_1754 : vector<16xi32>
        %add3A_1756 = arith.addi %mul3A_1750, %mul3A_1755 : vector<16xi32>
        %and3A = arith.constant 127 : i32
        %and3A_1757 = vector.broadcast %and3A : i32 to vector<16xi32>
        %and3A_1758 = arith.andi %add3A_1747, %and3A_1757 : vector<16xi32>
        %add3A_1759 = arith.addi %add3A_1756, %and3A_1758 : vector<16xi32>
        %mul3A_1760 = arith.constant 1024 : i32
        %mul3A_1761 = arith.muli %scan3A_1735, %mul3A_1760 : i32
        %mul3A_1762 = arith.constant 64 : i32
        %mul3A_1763 = vector.broadcast %mul3A_1762 : i32 to vector<16xi32>
        %mul3A_1764 = arith.muli %iota3A, %mul3A_1763 : vector<16xi32>
        %add3A_1765 = vector.broadcast %mul3A_1761 : i32 to vector<16xi32>
        %add3A_1766 = arith.addi %add3A_1765, %mul3A_1764 : vector<16xi32>
        %scan3A_1767 = arith.constant 0 : i32
        %scan3A_1768 = arith.constant 0 : i32
        %scan3A_1769 = arith.constant 16 : i32
        %scan3A_1770 = arith.addi %scan3A_1768, %scan3A_1769 : i32
        %scan3A_1771 = arith.constant 1 : i32
        scf.for %scan3A_1773 = %scan3A_1768 to %scan3A_1770 step %scan3A_1771  : i32 {
          %mul3A_1774 = arith.constant 4 : i32
          %mul3A_1775 = arith.muli %scan3A_1773, %mul3A_1774 : i32
          %add3A_1776 = arith.constant 0 : i32
          %add3A_1777 = arith.addi %mul3A_1775, %add3A_1776 : i32
          %shift_right_logical3A_1778 = arith.constant 3 : i32
          %shift_right_logical3A_1779 = arith.shrui %add3A_1777, %shift_right_logical3A_1778 : i32
          %mul3A_1780 = arith.constant 32768 : i32
          %mul3A_1781 = arith.muli %shift_right_logical3A_1779, %mul3A_1780 : i32
          %add3A_1782 = arith.constant 0 : i32
          %add3A_1783 = arith.addi %mul3A_1775, %add3A_1782 : i32
          %and3A_1784 = arith.constant 7 : i32
          %and3A_1785 = arith.andi %add3A_1783, %and3A_1784 : i32
          %mul3A_1786 = arith.constant 128 : i32
          %mul3A_1787 = arith.muli %and3A_1785, %mul3A_1786 : i32
          %add3A_1788 = arith.addi %mul3A_1781, %mul3A_1787 : i32
          %add3A_1789 = vector.broadcast %mul3A_1775 : i32 to vector<16xi32>
          %add3A_1790 = arith.addi %add3A_1766, %add3A_1789 : vector<16xi32>
          %add3A_1791 = arith.constant 0 : i32
          %add3A_1792 = vector.broadcast %add3A_1791 : i32 to vector<16xi32>
          %add3A_1793 = arith.addi %add3A_1790, %add3A_1792 : vector<16xi32>
          %add3A_1794 = vector.broadcast %add3A_1788 : i32 to vector<16xi32>
          %add3A_1795 = arith.addi %add3A_1759, %add3A_1794 : vector<16xi32>
          tpu.vector_store_idx %arg7[%add3A_1793], %add3A_1795 : memref<13312xi32, #tpu.memory_space<vmem>>[vector<16xi32>], vector<16xi32>,
          %add3A_1796 = arith.constant 1 : i32
          %add3A_1797 = arith.addi %mul3A_1775, %add3A_1796 : i32
          %shift_right_logical3A_1798 = arith.constant 3 : i32
          %shift_right_logical3A_1799 = arith.shrui %add3A_1797, %shift_right_logical3A_1798 : i32
          %mul3A_1800 = arith.constant 32768 : i32
          %mul3A_1801 = arith.muli %shift_right_logical3A_1799, %mul3A_1800 : i32
          %add3A_1802 = arith.constant 1 : i32
          %add3A_1803 = arith.addi %mul3A_1775, %add3A_1802 : i32
          %and3A_1804 = arith.constant 7 : i32
          %and3A_1805 = arith.andi %add3A_1803, %and3A_1804 : i32
          %mul3A_1806 = arith.constant 128 : i32
          %mul3A_1807 = arith.muli %and3A_1805, %mul3A_1806 : i32
          %add3A_1808 = arith.addi %mul3A_1801, %mul3A_1807 : i32
          %add3A_1809 = vector.broadcast %mul3A_1775 : i32 to vector<16xi32>
          %add3A_1810 = arith.addi %add3A_1766, %add3A_1809 : vector<16xi32>
          %add3A_1811 = arith.constant 1 : i32
          %add3A_1812 = vector.broadcast %add3A_1811 : i32 to vector<16xi32>
          %add3A_1813 = arith.addi %add3A_1810, %add3A_1812 : vector<16xi32>
          %add3A_1814 = vector.broadcast %add3A_1808 : i32 to vector<16xi32>
          %add3A_1815 = arith.addi %add3A_1759, %add3A_1814 : vector<16xi32>
          tpu.vector_store_idx %arg7[%add3A_1813], %add3A_1815 : memref<13312xi32, #tpu.memory_space<vmem>>[vector<16xi32>], vector<16xi32>,
          %add3A_1816 = arith.constant 2 : i32
          %add3A_1817 = arith.addi %mul3A_1775, %add3A_1816 : i32
          %shift_right_logical3A_1818 = arith.constant 3 : i32
          %shift_right_logical3A_1819 = arith.shrui %add3A_1817, %shift_right_logical3A_1818 : i32
          %mul3A_1820 = arith.constant 32768 : i32
          %mul3A_1821 = arith.muli %shift_right_logical3A_1819, %mul3A_1820 : i32
          %add3A_1822 = arith.constant 2 : i32
          %add3A_1823 = arith.addi %mul3A_1775, %add3A_1822 : i32
          %and3A_1824 = arith.constant 7 : i32
          %and3A_1825 = arith.andi %add3A_1823, %and3A_1824 : i32
          %mul3A_1826 = arith.constant 128 : i32
          %mul3A_1827 = arith.muli %and3A_1825, %mul3A_1826 : i32
          %add3A_1828 = arith.addi %mul3A_1821, %mul3A_1827 : i32
          %add3A_1829 = vector.broadcast %mul3A_1775 : i32 to vector<16xi32>
          %add3A_1830 = arith.addi %add3A_1766, %add3A_1829 : vector<16xi32>
          %add3A_1831 = arith.constant 2 : i32
          %add3A_1832 = vector.broadcast %add3A_1831 : i32 to vector<16xi32>
          %add3A_1833 = arith.addi %add3A_1830, %add3A_1832 : vector<16xi32>
          %add3A_1834 = vector.broadcast %add3A_1828 : i32 to vector<16xi32>
          %add3A_1835 = arith.addi %add3A_1759, %add3A_1834 : vector<16xi32>
          tpu.vector_store_idx %arg7[%add3A_1833], %add3A_1835 : memref<13312xi32, #tpu.memory_space<vmem>>[vector<16xi32>], vector<16xi32>,
          %add3A_1836 = arith.constant 3 : i32
          %add3A_1837 = arith.addi %mul3A_1775, %add3A_1836 : i32
          %shift_right_logical3A_1838 = arith.constant 3 : i32
          %shift_right_logical3A_1839 = arith.shrui %add3A_1837, %shift_right_logical3A_1838 : i32
          %mul3A_1840 = arith.constant 32768 : i32
          %mul3A_1841 = arith.muli %shift_right_logical3A_1839, %mul3A_1840 : i32
          %add3A_1842 = arith.constant 3 : i32
          %add3A_1843 = arith.addi %mul3A_1775, %add3A_1842 : i32
          %and3A_1844 = arith.constant 7 : i32
          %and3A_1845 = arith.andi %add3A_1843, %and3A_1844 : i32
          %mul3A_1846 = arith.constant 128 : i32
          %mul3A_1847 = arith.muli %and3A_1845, %mul3A_1846 : i32
          %add3A_1848 = arith.addi %mul3A_1841, %mul3A_1847 : i32
          %add3A_1849 = vector.broadcast %mul3A_1775 : i32 to vector<16xi32>
          %add3A_1850 = arith.addi %add3A_1766, %add3A_1849 : vector<16xi32>
          %add3A_1851 = arith.constant 3 : i32
          %add3A_1852 = vector.broadcast %add3A_1851 : i32 to vector<16xi32>
          %add3A_1853 = arith.addi %add3A_1850, %add3A_1852 : vector<16xi32>
          %add3A_1854 = vector.broadcast %add3A_1848 : i32 to vector<16xi32>
          %add3A_1855 = arith.addi %add3A_1759, %add3A_1854 : vector<16xi32>
          tpu.vector_store_idx %arg7[%add3A_1853], %add3A_1855 : memref<13312xi32, #tpu.memory_space<vmem>>[vector<16xi32>], vector<16xi32>,
        }
        %scan3A_1772 = arith.constant 16 : i32
      }
      %scan3A_868 = arith.constant 13 : i32
      %gt3A = arith.constant 0 : i32
      %gt3A_869 = arith.cmpi sgt, %scan3A_858, %gt3A : i32
      %convert_element_type3A = arith.extui %gt3A_869 : i1 to i32
      %cond3A = arith.constant 0 : i32
      %cond3A_870 = arith.cmpi ne, %convert_element_type3A, %cond3A : i32
      scf.if %cond3A_870 {
        %dma_wait3A_1735 = arith.constant 0 : i32
        %dma_wait3A_1736 = arith.constant 0 : i32
        %dma_wait3A_1737 = tpu.memref_slice %arg4[%dma_wait3A_1735, %dma_wait3A_1736] : memref<4096x1664xf32, #tpu.memory_space<hbm>> -> memref<8x1664xf32, #tpu.memory_space<hbm>>
        %dma_wait3A_1738 = arith.constant 0 : i32
        %dma_wait3A_1739 = arith.constant 0 : i32
        %dma_wait3A_1740 = tpu.memref_slice %arg4[%dma_wait3A_1738, %dma_wait3A_1739] : memref<4096x1664xf32, #tpu.memory_space<hbm>> -> memref<8x1664xf32, #tpu.memory_space<hbm>>
        tpu.wait_dma2 semaphore(%arg13 : memref<!tpu.dma_semaphore, #tpu.memory_space<semaphore_mem>>) src(%arg9 : memref<8x1664xf32, #tpu.memory_space<vmem>>) dst(%dma_wait3A_1740 : memref<8x1664xf32, #tpu.memory_space<hbm>>)
      } else {
      }
      %dma_start3A_871 = arith.constant 0 : i32
      %dma_start3A_872 = arith.constant 0 : i32
      %dma_start3A_873 = tpu.memref_slice %arg9[%dma_start3A_871, %dma_start3A_872] : memref<8x1664xf32, #tpu.memory_space<vmem>> -> memref<1x128xf32, #tpu.memory_space<vmem>>
      %dma_start3A_874 = tpu.memref_squeeze %dma_start3A_873 : memref<1x128xf32, #tpu.memory_space<vmem>> -> memref<128xf32, #tpu.memory_space<vmem>>
      %dma_start3A_875 = arith.constant 0 : i32
      %dma_start3A_876 = tpu.memref_slice %arg7[%dma_start3A_875] : memref<13312xi32, #tpu.memory_space<vmem>> -> memref<128xi32, #tpu.memory_space<vmem>>
      %dma_start3A_877 = arith.constant 0 : i32
      %dma_start3A_878 = tpu.memref_slice %arg2[%dma_start3A_877] : memref<52428800xf32, #tpu.memory_space<hbm>> -> memref<52428800xf32, #tpu.memory_space<hbm>>
      tpu.enqueue_indirect_dma source(%dma_start3A_878 : memref<52428800xf32, #tpu.memory_space<hbm>>) target(%dma_start3A_874 : memref<128xf32, #tpu.memory_space<vmem>>) offsets(%dma_start3A_876 : memref<128xi32, #tpu.memory_space<vmem>>) semaphore(%arg11 : memref<!tpu.dma_semaphore, #tpu.memory_space<semaphore_mem>>)
      %dma_start3A_879 = arith.constant 0 : i32
      %dma_start3A_880 = arith.constant 128 : i32
      %dma_start3A_881 = tpu.memref_slice %arg9[%dma_start3A_879, %dma_start3A_880] : memref<8x1664xf32, #tpu.memory_space<vmem>> -> memref<1x128xf32, #tpu.memory_space<vmem>>
      %dma_start3A_882 = tpu.memref_squeeze %dma_start3A_881 : memref<1x128xf32, #tpu.memory_space<vmem>> -> memref<128xf32, #tpu.memory_space<vmem>>
      %dma_start3A_883 = arith.constant 128 : i32
      %dma_start3A_884 = tpu.memref_slice %arg7[%dma_start3A_883] : memref<13312xi32, #tpu.memory_space<vmem>> -> memref<128xi32, #tpu.memory_space<vmem>>
      %dma_start3A_885 = arith.constant 0 : i32
      %dma_start3A_886 = tpu.memref_slice %arg2[%dma_start3A_885] : memref<52428800xf32, #tpu.memory_space<hbm>> -> memref<52428800xf32, #tpu.memory_space<hbm>>
      tpu.enqueue_indirect_dma source(%dma_start3A_886 : memref<52428800xf32, #tpu.memory_space<hbm>>) target(%dma_start3A_882 : memref<128xf32, #tpu.memory_space<vmem>>) offsets(%dma_start3A_884 : memref<128xi32, #tpu.memory_space<vmem>>) semaphore(%arg11 : memref<!tpu.dma_semaphore, #tpu.memory_space<semaphore_mem>>)
      %dma_start3A_887 = arith.constant 0 : i32
      %dma_start3A_888 = arith.constant 256 : i32
      %dma_start3A_889 = tpu.memref_slice %arg9[%dma_start3A_887, %dma_start3A_888] : memref<8x1664xf32, #tpu.memory_space<vmem>> -> memref<1x128xf32, #tpu.memory_space<vmem>>
      %dma_start3A_890 = tpu.memref_squeeze %dma_start3A_889 : memref<1x128xf32, #tpu.memory_space<vmem>> -> memref<128xf32, #tpu.memory_space<vmem>>
      %dma_start3A_891 = arith.constant 256 : i32
      %dma_start3A_892 = tpu.memref_slice %arg7[%dma_start3A_891] : memref<13312xi32, #tpu.memory_space<vmem>> -> memref<128xi32, #tpu.memory_space<vmem>>
      %dma_start3A_893 = arith.constant 0 : i32
      %dma_start3A_894 = tpu.memref_slice %arg2[%dma_start3A_893] : memref<52428800xf32, #tpu.memory_space<hbm>> -> memref<52428800xf32, #tpu.memory_space<hbm>>
      tpu.enqueue_indirect_dma source(%dma_start3A_894 : memref<52428800xf32, #tpu.memory_space<hbm>>) target(%dma_start3A_890 : memref<128xf32, #tpu.memory_space<vmem>>) offsets(%dma_start3A_892 : memref<128xi32, #tpu.memory_space<vmem>>) semaphore(%arg11 : memref<!tpu.dma_semaphore, #tpu.memory_space<semaphore_mem>>)
      %dma_start3A_895 = arith.constant 0 : i32
      %dma_start3A_896 = arith.constant 384 : i32
      %dma_start3A_897 = tpu.memref_slice %arg9[%dma_start3A_895, %dma_start3A_896] : memref<8x1664xf32, #tpu.memory_space<vmem>> -> memref<1x128xf32, #tpu.memory_space<vmem>>
      %dma_start3A_898 = tpu.memref_squeeze %dma_start3A_897 : memref<1x128xf32, #tpu.memory_space<vmem>> -> memref<128xf32, #tpu.memory_space<vmem>>
      %dma_start3A_899 = arith.constant 384 : i32
      %dma_start3A_900 = tpu.memref_slice %arg7[%dma_start3A_899] : memref<13312xi32, #tpu.memory_space<vmem>> -> memref<128xi32, #tpu.memory_space<vmem>>
      %dma_start3A_901 = arith.constant 0 : i32
      %dma_start3A_902 = tpu.memref_slice %arg2[%dma_start3A_901] : memref<52428800xf32, #tpu.memory_space<hbm>> -> memref<52428800xf32, #tpu.memory_space<hbm>>
      tpu.enqueue_indirect_dma source(%dma_start3A_902 : memref<52428800xf32, #tpu.memory_space<hbm>>) target(%dma_start3A_898 : memref<128xf32, #tpu.memory_space<vmem>>) offsets(%dma_start3A_900 : memref<128xi32, #tpu.memory_space<vmem>>) semaphore(%arg11 : memref<!tpu.dma_semaphore, #tpu.memory_space<semaphore_mem>>)
      %dma_start3A_903 = arith.constant 0 : i32
      %dma_start3A_904 = arith.constant 512 : i32
      %dma_start3A_905 = tpu.memref_slice %arg9[%dma_start3A_903, %dma_start3A_904] : memref<8x1664xf32, #tpu.memory_space<vmem>> -> memref<1x128xf32, #tpu.memory_space<vmem>>
      %dma_start3A_906 = tpu.memref_squeeze %dma_start3A_905 : memref<1x128xf32, #tpu.memory_space<vmem>> -> memref<128xf32, #tpu.memory_space<vmem>>
      %dma_start3A_907 = arith.constant 512 : i32
      %dma_start3A_908 = tpu.memref_slice %arg7[%dma_start3A_907] : memref<13312xi32, #tpu.memory_space<vmem>> -> memref<128xi32, #tpu.memory_space<vmem>>
      %dma_start3A_909 = arith.constant 0 : i32
      %dma_start3A_910 = tpu.memref_slice %arg2[%dma_start3A_909] : memref<52428800xf32, #tpu.memory_space<hbm>> -> memref<52428800xf32, #tpu.memory_space<hbm>>
      tpu.enqueue_indirect_dma source(%dma_start3A_910 : memref<52428800xf32, #tpu.memory_space<hbm>>) target(%dma_start3A_906 : memref<128xf32, #tpu.memory_space<vmem>>) offsets(%dma_start3A_908 : memref<128xi32, #tpu.memory_space<vmem>>) semaphore(%arg11 : memref<!tpu.dma_semaphore, #tpu.memory_space<semaphore_mem>>)
      %dma_start3A_911 = arith.constant 0 : i32
      %dma_start3A_912 = arith.constant 640 : i32
      %dma_start3A_913 = tpu.memref_slice %arg9[%dma_start3A_911, %dma_start3A_912] : memref<8x1664xf32, #tpu.memory_space<vmem>> -> memref<1x128xf32, #tpu.memory_space<vmem>>
      %dma_start3A_914 = tpu.memref_squeeze %dma_start3A_913 : memref<1x128xf32, #tpu.memory_space<vmem>> -> memref<128xf32, #tpu.memory_space<vmem>>
      %dma_start3A_915 = arith.constant 640 : i32
      %dma_start3A_916 = tpu.memref_slice %arg7[%dma_start3A_915] : memref<13312xi32, #tpu.memory_space<vmem>> -> memref<128xi32, #tpu.memory_space<vmem>>
      %dma_start3A_917 = arith.constant 0 : i32
      %dma_start3A_918 = tpu.memref_slice %arg2[%dma_start3A_917] : memref<52428800xf32, #tpu.memory_space<hbm>> -> memref<52428800xf32, #tpu.memory_space<hbm>>
      tpu.enqueue_indirect_dma source(%dma_start3A_918 : memref<52428800xf32, #tpu.memory_space<hbm>>) target(%dma_start3A_914 : memref<128xf32, #tpu.memory_space<vmem>>) offsets(%dma_start3A_916 : memref<128xi32, #tpu.memory_space<vmem>>) semaphore(%arg11 : memref<!tpu.dma_semaphore, #tpu.memory_space<semaphore_mem>>)
      %dma_start3A_919 = arith.constant 0 : i32
      %dma_start3A_920 = arith.constant 768 : i32
      %dma_start3A_921 = tpu.memref_slice %arg9[%dma_start3A_919, %dma_start3A_920] : memref<8x1664xf32, #tpu.memory_space<vmem>> -> memref<1x128xf32, #tpu.memory_space<vmem>>
      %dma_start3A_922 = tpu.memref_squeeze %dma_start3A_921 : memref<1x128xf32, #tpu.memory_space<vmem>> -> memref<128xf32, #tpu.memory_space<vmem>>
      %dma_start3A_923 = arith.constant 768 : i32
      %dma_start3A_924 = tpu.memref_slice %arg7[%dma_start3A_923] : memref<13312xi32, #tpu.memory_space<vmem>> -> memref<128xi32, #tpu.memory_space<vmem>>
      %dma_start3A_925 = arith.constant 0 : i32
      %dma_start3A_926 = tpu.memref_slice %arg2[%dma_start3A_925] : memref<52428800xf32, #tpu.memory_space<hbm>> -> memref<52428800xf32, #tpu.memory_space<hbm>>
      tpu.enqueue_indirect_dma source(%dma_start3A_926 : memref<52428800xf32, #tpu.memory_space<hbm>>) target(%dma_start3A_922 : memref<128xf32, #tpu.memory_space<vmem>>) offsets(%dma_start3A_924 : memref<128xi32, #tpu.memory_space<vmem>>) semaphore(%arg11 : memref<!tpu.dma_semaphore, #tpu.memory_space<semaphore_mem>>)
      %dma_start3A_927 = arith.constant 0 : i32
      %dma_start3A_928 = arith.constant 896 : i32
      %dma_start3A_929 = tpu.memref_slice %arg9[%dma_start3A_927, %dma_start3A_928] : memref<8x1664xf32, #tpu.memory_space<vmem>> -> memref<1x128xf32, #tpu.memory_space<vmem>>
      %dma_start3A_930 = tpu.memref_squeeze %dma_start3A_929 : memref<1x128xf32, #tpu.memory_space<vmem>> -> memref<128xf32, #tpu.memory_space<vmem>>
      %dma_start3A_931 = arith.constant 896 : i32
      %dma_start3A_932 = tpu.memref_slice %arg7[%dma_start3A_931] : memref<13312xi32, #tpu.memory_space<vmem>> -> memref<128xi32, #tpu.memory_space<vmem>>
      %dma_start3A_933 = arith.constant 0 : i32
      %dma_start3A_934 = tpu.memref_slice %arg2[%dma_start3A_933] : memref<52428800xf32, #tpu.memory_space<hbm>> -> memref<52428800xf32, #tpu.memory_space<hbm>>
      tpu.enqueue_indirect_dma source(%dma_start3A_934 : memref<52428800xf32, #tpu.memory_space<hbm>>) target(%dma_start3A_930 : memref<128xf32, #tpu.memory_space<vmem>>) offsets(%dma_start3A_932 : memref<128xi32, #tpu.memory_space<vmem>>) semaphore(%arg11 : memref<!tpu.dma_semaphore, #tpu.memory_space<semaphore_mem>>)
      %dma_start3A_935 = arith.constant 0 : i32
      %dma_start3A_936 = arith.constant 1024 : i32
      %dma_start3A_937 = tpu.memref_slice %arg9[%dma_start3A_935, %dma_start3A_936] : memref<8x1664xf32, #tpu.memory_space<vmem>> -> memref<1x128xf32, #tpu.memory_space<vmem>>
      %dma_start3A_938 = tpu.memref_squeeze %dma_start3A_937 : memref<1x128xf32, #tpu.memory_space<vmem>> -> memref<128xf32, #tpu.memory_space<vmem>>
      %dma_start3A_939 = arith.constant 1024 : i32
      %dma_start3A_940 = tpu.memref_slice %arg7[%dma_start3A_939] : memref<13312xi32, #tpu.memory_space<vmem>> -> memref<128xi32, #tpu.memory_space<vmem>>
      %dma_start3A_941 = arith.constant 0 : i32
      %dma_start3A_942 = tpu.memref_slice %arg2[%dma_start3A_941] : memref<52428800xf32, #tpu.memory_space<hbm>> -> memref<52428800xf32, #tpu.memory_space<hbm>>
      tpu.enqueue_indirect_dma source(%dma_start3A_942 : memref<52428800xf32, #tpu.memory_space<hbm>>) target(%dma_start3A_938 : memref<128xf32, #tpu.memory_space<vmem>>) offsets(%dma_start3A_940 : memref<128xi32, #tpu.memory_space<vmem>>) semaphore(%arg11 : memref<!tpu.dma_semaphore, #tpu.memory_space<semaphore_mem>>)
      %dma_start3A_943 = arith.constant 0 : i32
      %dma_start3A_944 = arith.constant 1152 : i32
      %dma_start3A_945 = tpu.memref_slice %arg9[%dma_start3A_943, %dma_start3A_944] : memref<8x1664xf32, #tpu.memory_space<vmem>> -> memref<1x128xf32, #tpu.memory_space<vmem>>
      %dma_start3A_946 = tpu.memref_squeeze %dma_start3A_945 : memref<1x128xf32, #tpu.memory_space<vmem>> -> memref<128xf32, #tpu.memory_space<vmem>>
      %dma_start3A_947 = arith.constant 1152 : i32
      %dma_start3A_948 = tpu.memref_slice %arg7[%dma_start3A_947] : memref<13312xi32, #tpu.memory_space<vmem>> -> memref<128xi32, #tpu.memory_space<vmem>>
      %dma_start3A_949 = arith.constant 0 : i32
      %dma_start3A_950 = tpu.memref_slice %arg2[%dma_start3A_949] : memref<52428800xf32, #tpu.memory_space<hbm>> -> memref<52428800xf32, #tpu.memory_space<hbm>>
      tpu.enqueue_indirect_dma source(%dma_start3A_950 : memref<52428800xf32, #tpu.memory_space<hbm>>) target(%dma_start3A_946 : memref<128xf32, #tpu.memory_space<vmem>>) offsets(%dma_start3A_948 : memref<128xi32, #tpu.memory_space<vmem>>) semaphore(%arg11 : memref<!tpu.dma_semaphore, #tpu.memory_space<semaphore_mem>>)
      %dma_start3A_951 = arith.constant 0 : i32
      %dma_start3A_952 = arith.constant 1280 : i32
      %dma_start3A_953 = tpu.memref_slice %arg9[%dma_start3A_951, %dma_start3A_952] : memref<8x1664xf32, #tpu.memory_space<vmem>> -> memref<1x128xf32, #tpu.memory_space<vmem>>
      %dma_start3A_954 = tpu.memref_squeeze %dma_start3A_953 : memref<1x128xf32, #tpu.memory_space<vmem>> -> memref<128xf32, #tpu.memory_space<vmem>>
      %dma_start3A_955 = arith.constant 1280 : i32
      %dma_start3A_956 = tpu.memref_slice %arg7[%dma_start3A_955] : memref<13312xi32, #tpu.memory_space<vmem>> -> memref<128xi32, #tpu.memory_space<vmem>>
      %dma_start3A_957 = arith.constant 0 : i32
      %dma_start3A_958 = tpu.memref_slice %arg2[%dma_start3A_957] : memref<52428800xf32, #tpu.memory_space<hbm>> -> memref<52428800xf32, #tpu.memory_space<hbm>>
      tpu.enqueue_indirect_dma source(%dma_start3A_958 : memref<52428800xf32, #tpu.memory_space<hbm>>) target(%dma_start3A_954 : memref<128xf32, #tpu.memory_space<vmem>>) offsets(%dma_start3A_956 : memref<128xi32, #tpu.memory_space<vmem>>) semaphore(%arg11 : memref<!tpu.dma_semaphore, #tpu.memory_space<semaphore_mem>>)
      %dma_start3A_959 = arith.constant 0 : i32
      %dma_start3A_960 = arith.constant 1408 : i32
      %dma_start3A_961 = tpu.memref_slice %arg9[%dma_start3A_959, %dma_start3A_960] : memref<8x1664xf32, #tpu.memory_space<vmem>> -> memref<1x128xf32, #tpu.memory_space<vmem>>
      %dma_start3A_962 = tpu.memref_squeeze %dma_start3A_961 : memref<1x128xf32, #tpu.memory_space<vmem>> -> memref<128xf32, #tpu.memory_space<vmem>>
      %dma_start3A_963 = arith.constant 1408 : i32
      %dma_start3A_964 = tpu.memref_slice %arg7[%dma_start3A_963] : memref<13312xi32, #tpu.memory_space<vmem>> -> memref<128xi32, #tpu.memory_space<vmem>>
      %dma_start3A_965 = arith.constant 0 : i32
      %dma_start3A_966 = tpu.memref_slice %arg2[%dma_start3A_965] : memref<52428800xf32, #tpu.memory_space<hbm>> -> memref<52428800xf32, #tpu.memory_space<hbm>>
      tpu.enqueue_indirect_dma source(%dma_start3A_966 : memref<52428800xf32, #tpu.memory_space<hbm>>) target(%dma_start3A_962 : memref<128xf32, #tpu.memory_space<vmem>>) offsets(%dma_start3A_964 : memref<128xi32, #tpu.memory_space<vmem>>) semaphore(%arg11 : memref<!tpu.dma_semaphore, #tpu.memory_space<semaphore_mem>>)
      %dma_start3A_967 = arith.constant 0 : i32
      %dma_start3A_968 = arith.constant 1536 : i32
      %dma_start3A_969 = tpu.memref_slice %arg9[%dma_start3A_967, %dma_start3A_968] : memref<8x1664xf32, #tpu.memory_space<vmem>> -> memref<1x128xf32, #tpu.memory_space<vmem>>
      %dma_start3A_970 = tpu.memref_squeeze %dma_start3A_969 : memref<1x128xf32, #tpu.memory_space<vmem>> -> memref<128xf32, #tpu.memory_space<vmem>>
      %dma_start3A_971 = arith.constant 1536 : i32
      %dma_start3A_972 = tpu.memref_slice %arg7[%dma_start3A_971] : memref<13312xi32, #tpu.memory_space<vmem>> -> memref<128xi32, #tpu.memory_space<vmem>>
      %dma_start3A_973 = arith.constant 0 : i32
      %dma_start3A_974 = tpu.memref_slice %arg2[%dma_start3A_973] : memref<52428800xf32, #tpu.memory_space<hbm>> -> memref<52428800xf32, #tpu.memory_space<hbm>>
      tpu.enqueue_indirect_dma source(%dma_start3A_974 : memref<52428800xf32, #tpu.memory_space<hbm>>) target(%dma_start3A_970 : memref<128xf32, #tpu.memory_space<vmem>>) offsets(%dma_start3A_972 : memref<128xi32, #tpu.memory_space<vmem>>) semaphore(%arg11 : memref<!tpu.dma_semaphore, #tpu.memory_space<semaphore_mem>>)
      %dma_start3A_975 = arith.constant 1 : i32
      %dma_start3A_976 = arith.constant 0 : i32
      %dma_start3A_977 = tpu.memref_slice %arg9[%dma_start3A_975, %dma_start3A_976] : memref<8x1664xf32, #tpu.memory_space<vmem>> -> memref<1x128xf32, #tpu.memory_space<vmem>>
      %dma_start3A_978 = tpu.memref_squeeze %dma_start3A_977 : memref<1x128xf32, #tpu.memory_space<vmem>> -> memref<128xf32, #tpu.memory_space<vmem>>
      %dma_start3A_979 = arith.constant 1664 : i32
      %dma_start3A_980 = tpu.memref_slice %arg7[%dma_start3A_979] : memref<13312xi32, #tpu.memory_space<vmem>> -> memref<128xi32, #tpu.memory_space<vmem>>
      %dma_start3A_981 = arith.constant 0 : i32
      %dma_start3A_982 = tpu.memref_slice %arg2[%dma_start3A_981] : memref<52428800xf32, #tpu.memory_space<hbm>> -> memref<52428800xf32, #tpu.memory_space<hbm>>
      tpu.enqueue_indirect_dma source(%dma_start3A_982 : memref<52428800xf32, #tpu.memory_space<hbm>>) target(%dma_start3A_978 : memref<128xf32, #tpu.memory_space<vmem>>) offsets(%dma_start3A_980 : memref<128xi32, #tpu.memory_space<vmem>>) semaphore(%arg11 : memref<!tpu.dma_semaphore, #tpu.memory_space<semaphore_mem>>)
      %dma_start3A_983 = arith.constant 1 : i32
      %dma_start3A_984 = arith.constant 128 : i32
      %dma_start3A_985 = tpu.memref_slice %arg9[%dma_start3A_983, %dma_start3A_984] : memref<8x1664xf32, #tpu.memory_space<vmem>> -> memref<1x128xf32, #tpu.memory_space<vmem>>
      %dma_start3A_986 = tpu.memref_squeeze %dma_start3A_985 : memref<1x128xf32, #tpu.memory_space<vmem>> -> memref<128xf32, #tpu.memory_space<vmem>>
      %dma_start3A_987 = arith.constant 1792 : i32
      %dma_start3A_988 = tpu.memref_slice %arg7[%dma_start3A_987] : memref<13312xi32, #tpu.memory_space<vmem>> -> memref<128xi32, #tpu.memory_space<vmem>>
      %dma_start3A_989 = arith.constant 0 : i32
      %dma_start3A_990 = tpu.memref_slice %arg2[%dma_start3A_989] : memref<52428800xf32, #tpu.memory_space<hbm>> -> memref<52428800xf32, #tpu.memory_space<hbm>>
      tpu.enqueue_indirect_dma source(%dma_start3A_990 : memref<52428800xf32, #tpu.memory_space<hbm>>) target(%dma_start3A_986 : memref<128xf32, #tpu.memory_space<vmem>>) offsets(%dma_start3A_988 : memref<128xi32, #tpu.memory_space<vmem>>) semaphore(%arg11 : memref<!tpu.dma_semaphore, #tpu.memory_space<semaphore_mem>>)
      %dma_start3A_991 = arith.constant 1 : i32
      %dma_start3A_992 = arith.constant 256 : i32
      %dma_start3A_993 = tpu.memref_slice %arg9[%dma_start3A_991, %dma_start3A_992] : memref<8x1664xf32, #tpu.memory_space<vmem>> -> memref<1x128xf32, #tpu.memory_space<vmem>>
      %dma_start3A_994 = tpu.memref_squeeze %dma_start3A_993 : memref<1x128xf32, #tpu.memory_space<vmem>> -> memref<128xf32, #tpu.memory_space<vmem>>
      %dma_start3A_995 = arith.constant 1920 : i32
      %dma_start3A_996 = tpu.memref_slice %arg7[%dma_start3A_995] : memref<13312xi32, #tpu.memory_space<vmem>> -> memref<128xi32, #tpu.memory_space<vmem>>
      %dma_start3A_997 = arith.constant 0 : i32
      %dma_start3A_998 = tpu.memref_slice %arg2[%dma_start3A_997] : memref<52428800xf32, #tpu.memory_space<hbm>> -> memref<52428800xf32, #tpu.memory_space<hbm>>
      tpu.enqueue_indirect_dma source(%dma_start3A_998 : memref<52428800xf32, #tpu.memory_space<hbm>>) target(%dma_start3A_994 : memref<128xf32, #tpu.memory_space<vmem>>) offsets(%dma_start3A_996 : memref<128xi32, #tpu.memory_space<vmem>>) semaphore(%arg11 : memref<!tpu.dma_semaphore, #tpu.memory_space<semaphore_mem>>)
      %dma_start3A_999 = arith.constant 1 : i32
      %dma_start3A_1000 = arith.constant 384 : i32
      %dma_start3A_1001 = tpu.memref_slice %arg9[%dma_start3A_999, %dma_start3A_1000] : memref<8x1664xf32, #tpu.memory_space<vmem>> -> memref<1x128xf32, #tpu.memory_space<vmem>>
      %dma_start3A_1002 = tpu.memref_squeeze %dma_start3A_1001 : memref<1x128xf32, #tpu.memory_space<vmem>> -> memref<128xf32, #tpu.memory_space<vmem>>
      %dma_start3A_1003 = arith.constant 2048 : i32
      %dma_start3A_1004 = tpu.memref_slice %arg7[%dma_start3A_1003] : memref<13312xi32, #tpu.memory_space<vmem>> -> memref<128xi32, #tpu.memory_space<vmem>>
      %dma_start3A_1005 = arith.constant 0 : i32
      %dma_start3A_1006 = tpu.memref_slice %arg2[%dma_start3A_1005] : memref<52428800xf32, #tpu.memory_space<hbm>> -> memref<52428800xf32, #tpu.memory_space<hbm>>
      tpu.enqueue_indirect_dma source(%dma_start3A_1006 : memref<52428800xf32, #tpu.memory_space<hbm>>) target(%dma_start3A_1002 : memref<128xf32, #tpu.memory_space<vmem>>) offsets(%dma_start3A_1004 : memref<128xi32, #tpu.memory_space<vmem>>) semaphore(%arg11 : memref<!tpu.dma_semaphore, #tpu.memory_space<semaphore_mem>>)
      %dma_start3A_1007 = arith.constant 1 : i32
      %dma_start3A_1008 = arith.constant 512 : i32
      %dma_start3A_1009 = tpu.memref_slice %arg9[%dma_start3A_1007, %dma_start3A_1008] : memref<8x1664xf32, #tpu.memory_space<vmem>> -> memref<1x128xf32, #tpu.memory_space<vmem>>
      %dma_start3A_1010 = tpu.memref_squeeze %dma_start3A_1009 : memref<1x128xf32, #tpu.memory_space<vmem>> -> memref<128xf32, #tpu.memory_space<vmem>>
      %dma_start3A_1011 = arith.constant 2176 : i32
      %dma_start3A_1012 = tpu.memref_slice %arg7[%dma_start3A_1011] : memref<13312xi32, #tpu.memory_space<vmem>> -> memref<128xi32, #tpu.memory_space<vmem>>
      %dma_start3A_1013 = arith.constant 0 : i32
      %dma_start3A_1014 = tpu.memref_slice %arg2[%dma_start3A_1013] : memref<52428800xf32, #tpu.memory_space<hbm>> -> memref<52428800xf32, #tpu.memory_space<hbm>>
      tpu.enqueue_indirect_dma source(%dma_start3A_1014 : memref<52428800xf32, #tpu.memory_space<hbm>>) target(%dma_start3A_1010 : memref<128xf32, #tpu.memory_space<vmem>>) offsets(%dma_start3A_1012 : memref<128xi32, #tpu.memory_space<vmem>>) semaphore(%arg11 : memref<!tpu.dma_semaphore, #tpu.memory_space<semaphore_mem>>)
      %dma_start3A_1015 = arith.constant 1 : i32
      %dma_start3A_1016 = arith.constant 640 : i32
      %dma_start3A_1017 = tpu.memref_slice %arg9[%dma_start3A_1015, %dma_start3A_1016] : memref<8x1664xf32, #tpu.memory_space<vmem>> -> memref<1x128xf32, #tpu.memory_space<vmem>>
      %dma_start3A_1018 = tpu.memref_squeeze %dma_start3A_1017 : memref<1x128xf32, #tpu.memory_space<vmem>> -> memref<128xf32, #tpu.memory_space<vmem>>
      %dma_start3A_1019 = arith.constant 2304 : i32
      %dma_start3A_1020 = tpu.memref_slice %arg7[%dma_start3A_1019] : memref<13312xi32, #tpu.memory_space<vmem>> -> memref<128xi32, #tpu.memory_space<vmem>>
      %dma_start3A_1021 = arith.constant 0 : i32
      %dma_start3A_1022 = tpu.memref_slice %arg2[%dma_start3A_1021] : memref<52428800xf32, #tpu.memory_space<hbm>> -> memref<52428800xf32, #tpu.memory_space<hbm>>
      tpu.enqueue_indirect_dma source(%dma_start3A_1022 : memref<52428800xf32, #tpu.memory_space<hbm>>) target(%dma_start3A_1018 : memref<128xf32, #tpu.memory_space<vmem>>) offsets(%dma_start3A_1020 : memref<128xi32, #tpu.memory_space<vmem>>) semaphore(%arg11 : memref<!tpu.dma_semaphore, #tpu.memory_space<semaphore_mem>>)
      %dma_start3A_1023 = arith.constant 1 : i32
      %dma_start3A_1024 = arith.constant 768 : i32
      %dma_start3A_1025 = tpu.memref_slice %arg9[%dma_start3A_1023, %dma_start3A_1024] : memref<8x1664xf32, #tpu.memory_space<vmem>> -> memref<1x128xf32, #tpu.memory_space<vmem>>
      %dma_start3A_1026 = tpu.memref_squeeze %dma_start3A_1025 : memref<1x128xf32, #tpu.memory_space<vmem>> -> memref<128xf32, #tpu.memory_space<vmem>>
      %dma_start3A_1027 = arith.constant 2432 : i32
      %dma_start3A_1028 = tpu.memref_slice %arg7[%dma_start3A_1027] : memref<13312xi32, #tpu.memory_space<vmem>> -> memref<128xi32, #tpu.memory_space<vmem>>
      %dma_start3A_1029 = arith.constant 0 : i32
      %dma_start3A_1030 = tpu.memref_slice %arg2[%dma_start3A_1029] : memref<52428800xf32, #tpu.memory_space<hbm>> -> memref<52428800xf32, #tpu.memory_space<hbm>>
      tpu.enqueue_indirect_dma source(%dma_start3A_1030 : memref<52428800xf32, #tpu.memory_space<hbm>>) target(%dma_start3A_1026 : memref<128xf32, #tpu.memory_space<vmem>>) offsets(%dma_start3A_1028 : memref<128xi32, #tpu.memory_space<vmem>>) semaphore(%arg11 : memref<!tpu.dma_semaphore, #tpu.memory_space<semaphore_mem>>)
      %dma_start3A_1031 = arith.constant 1 : i32
      %dma_start3A_1032 = arith.constant 896 : i32
      %dma_start3A_1033 = tpu.memref_slice %arg9[%dma_start3A_1031, %dma_start3A_1032] : memref<8x1664xf32, #tpu.memory_space<vmem>> -> memref<1x128xf32, #tpu.memory_space<vmem>>
      %dma_start3A_1034 = tpu.memref_squeeze %dma_start3A_1033 : memref<1x128xf32, #tpu.memory_space<vmem>> -> memref<128xf32, #tpu.memory_space<vmem>>
      %dma_start3A_1035 = arith.constant 2560 : i32
      %dma_start3A_1036 = tpu.memref_slice %arg7[%dma_start3A_1035] : memref<13312xi32, #tpu.memory_space<vmem>> -> memref<128xi32, #tpu.memory_space<vmem>>
      %dma_start3A_1037 = arith.constant 0 : i32
      %dma_start3A_1038 = tpu.memref_slice %arg2[%dma_start3A_1037] : memref<52428800xf32, #tpu.memory_space<hbm>> -> memref<52428800xf32, #tpu.memory_space<hbm>>
      tpu.enqueue_indirect_dma source(%dma_start3A_1038 : memref<52428800xf32, #tpu.memory_space<hbm>>) target(%dma_start3A_1034 : memref<128xf32, #tpu.memory_space<vmem>>) offsets(%dma_start3A_1036 : memref<128xi32, #tpu.memory_space<vmem>>) semaphore(%arg11 : memref<!tpu.dma_semaphore, #tpu.memory_space<semaphore_mem>>)
      %dma_start3A_1039 = arith.constant 1 : i32
      %dma_start3A_1040 = arith.constant 1024 : i32
      %dma_start3A_1041 = tpu.memref_slice %arg9[%dma_start3A_1039, %dma_start3A_1040] : memref<8x1664xf32, #tpu.memory_space<vmem>> -> memref<1x128xf32, #tpu.memory_space<vmem>>
      %dma_start3A_1042 = tpu.memref_squeeze %dma_start3A_1041 : memref<1x128xf32, #tpu.memory_space<vmem>> -> memref<128xf32, #tpu.memory_space<vmem>>
      %dma_start3A_1043 = arith.constant 2688 : i32
      %dma_start3A_1044 = tpu.memref_slice %arg7[%dma_start3A_1043] : memref<13312xi32, #tpu.memory_space<vmem>> -> memref<128xi32, #tpu.memory_space<vmem>>
      %dma_start3A_1045 = arith.constant 0 : i32
      %dma_start3A_1046 = tpu.memref_slice %arg2[%dma_start3A_1045] : memref<52428800xf32, #tpu.memory_space<hbm>> -> memref<52428800xf32, #tpu.memory_space<hbm>>
      tpu.enqueue_indirect_dma source(%dma_start3A_1046 : memref<52428800xf32, #tpu.memory_space<hbm>>) target(%dma_start3A_1042 : memref<128xf32, #tpu.memory_space<vmem>>) offsets(%dma_start3A_1044 : memref<128xi32, #tpu.memory_space<vmem>>) semaphore(%arg11 : memref<!tpu.dma_semaphore, #tpu.memory_space<semaphore_mem>>)
      %dma_start3A_1047 = arith.constant 1 : i32
      %dma_start3A_1048 = arith.constant 1152 : i32
      %dma_start3A_1049 = tpu.memref_slice %arg9[%dma_start3A_1047, %dma_start3A_1048] : memref<8x1664xf32, #tpu.memory_space<vmem>> -> memref<1x128xf32, #tpu.memory_space<vmem>>
      %dma_start3A_1050 = tpu.memref_squeeze %dma_start3A_1049 : memref<1x128xf32, #tpu.memory_space<vmem>> -> memref<128xf32, #tpu.memory_space<vmem>>
      %dma_start3A_1051 = arith.constant 2816 : i32
      %dma_start3A_1052 = tpu.memref_slice %arg7[%dma_start3A_1051] : memref<13312xi32, #tpu.memory_space<vmem>> -> memref<128xi32, #tpu.memory_space<vmem>>
      %dma_start3A_1053 = arith.constant 0 : i32
      %dma_start3A_1054 = tpu.memref_slice %arg2[%dma_start3A_1053] : memref<52428800xf32, #tpu.memory_space<hbm>> -> memref<52428800xf32, #tpu.memory_space<hbm>>
      tpu.enqueue_indirect_dma source(%dma_start3A_1054 : memref<52428800xf32, #tpu.memory_space<hbm>>) target(%dma_start3A_1050 : memref<128xf32, #tpu.memory_space<vmem>>) offsets(%dma_start3A_1052 : memref<128xi32, #tpu.memory_space<vmem>>) semaphore(%arg11 : memref<!tpu.dma_semaphore, #tpu.memory_space<semaphore_mem>>)
      %dma_start3A_1055 = arith.constant 1 : i32
      %dma_start3A_1056 = arith.constant 1280 : i32
      %dma_start3A_1057 = tpu.memref_slice %arg9[%dma_start3A_1055, %dma_start3A_1056] : memref<8x1664xf32, #tpu.memory_space<vmem>> -> memref<1x128xf32, #tpu.memory_space<vmem>>
      %dma_start3A_1058 = tpu.memref_squeeze %dma_start3A_1057 : memref<1x128xf32, #tpu.memory_space<vmem>> -> memref<128xf32, #tpu.memory_space<vmem>>
      %dma_start3A_1059 = arith.constant 2944 : i32
      %dma_start3A_1060 = tpu.memref_slice %arg7[%dma_start3A_1059] : memref<13312xi32, #tpu.memory_space<vmem>> -> memref<128xi32, #tpu.memory_space<vmem>>
      %dma_start3A_1061 = arith.constant 0 : i32
      %dma_start3A_1062 = tpu.memref_slice %arg2[%dma_start3A_1061] : memref<52428800xf32, #tpu.memory_space<hbm>> -> memref<52428800xf32, #tpu.memory_space<hbm>>
      tpu.enqueue_indirect_dma source(%dma_start3A_1062 : memref<52428800xf32, #tpu.memory_space<hbm>>) target(%dma_start3A_1058 : memref<128xf32, #tpu.memory_space<vmem>>) offsets(%dma_start3A_1060 : memref<128xi32, #tpu.memory_space<vmem>>) semaphore(%arg11 : memref<!tpu.dma_semaphore, #tpu.memory_space<semaphore_mem>>)
      %dma_start3A_1063 = arith.constant 1 : i32
      %dma_start3A_1064 = arith.constant 1408 : i32
      %dma_start3A_1065 = tpu.memref_slice %arg9[%dma_start3A_1063, %dma_start3A_1064] : memref<8x1664xf32, #tpu.memory_space<vmem>> -> memref<1x128xf32, #tpu.memory_space<vmem>>
      %dma_start3A_1066 = tpu.memref_squeeze %dma_start3A_1065 : memref<1x128xf32, #tpu.memory_space<vmem>> -> memref<128xf32, #tpu.memory_space<vmem>>
      %dma_start3A_1067 = arith.constant 3072 : i32
      %dma_start3A_1068 = tpu.memref_slice %arg7[%dma_start3A_1067] : memref<13312xi32, #tpu.memory_space<vmem>> -> memref<128xi32, #tpu.memory_space<vmem>>
      %dma_start3A_1069 = arith.constant 0 : i32
      %dma_start3A_1070 = tpu.memref_slice %arg2[%dma_start3A_1069] : memref<52428800xf32, #tpu.memory_space<hbm>> -> memref<52428800xf32, #tpu.memory_space<hbm>>
      tpu.enqueue_indirect_dma source(%dma_start3A_1070 : memref<52428800xf32, #tpu.memory_space<hbm>>) target(%dma_start3A_1066 : memref<128xf32, #tpu.memory_space<vmem>>) offsets(%dma_start3A_1068 : memref<128xi32, #tpu.memory_space<vmem>>) semaphore(%arg11 : memref<!tpu.dma_semaphore, #tpu.memory_space<semaphore_mem>>)
      %dma_start3A_1071 = arith.constant 1 : i32
      %dma_start3A_1072 = arith.constant 1536 : i32
      %dma_start3A_1073 = tpu.memref_slice %arg9[%dma_start3A_1071, %dma_start3A_1072] : memref<8x1664xf32, #tpu.memory_space<vmem>> -> memref<1x128xf32, #tpu.memory_space<vmem>>
      %dma_start3A_1074 = tpu.memref_squeeze %dma_start3A_1073 : memref<1x128xf32, #tpu.memory_space<vmem>> -> memref<128xf32, #tpu.memory_space<vmem>>
      %dma_start3A_1075 = arith.constant 3200 : i32
      %dma_start3A_1076 = tpu.memref_slice %arg7[%dma_start3A_1075] : memref<13312xi32, #tpu.memory_space<vmem>> -> memref<128xi32, #tpu.memory_space<vmem>>
      %dma_start3A_1077 = arith.constant 0 : i32
      %dma_start3A_1078 = tpu.memref_slice %arg2[%dma_start3A_1077] : memref<52428800xf32, #tpu.memory_space<hbm>> -> memref<52428800xf32, #tpu.memory_space<hbm>>
      tpu.enqueue_indirect_dma source(%dma_start3A_1078 : memref<52428800xf32, #tpu.memory_space<hbm>>) target(%dma_start3A_1074 : memref<128xf32, #tpu.memory_space<vmem>>) offsets(%dma_start3A_1076 : memref<128xi32, #tpu.memory_space<vmem>>) semaphore(%arg11 : memref<!tpu.dma_semaphore, #tpu.memory_space<semaphore_mem>>)
      %dma_start3A_1079 = arith.constant 2 : i32
      %dma_start3A_1080 = arith.constant 0 : i32
      %dma_start3A_1081 = tpu.memref_slice %arg9[%dma_start3A_1079, %dma_start3A_1080] : memref<8x1664xf32, #tpu.memory_space<vmem>> -> memref<1x128xf32, #tpu.memory_space<vmem>>
      %dma_start3A_1082 = tpu.memref_squeeze %dma_start3A_1081 : memref<1x128xf32, #tpu.memory_space<vmem>> -> memref<128xf32, #tpu.memory_space<vmem>>
      %dma_start3A_1083 = arith.constant 3328 : i32
      %dma_start3A_1084 = tpu.memref_slice %arg7[%dma_start3A_1083] : memref<13312xi32, #tpu.memory_space<vmem>> -> memref<128xi32, #tpu.memory_space<vmem>>
      %dma_start3A_1085 = arith.constant 0 : i32
      %dma_start3A_1086 = tpu.memref_slice %arg2[%dma_start3A_1085] : memref<52428800xf32, #tpu.memory_space<hbm>> -> memref<52428800xf32, #tpu.memory_space<hbm>>
      tpu.enqueue_indirect_dma source(%dma_start3A_1086 : memref<52428800xf32, #tpu.memory_space<hbm>>) target(%dma_start3A_1082 : memref<128xf32, #tpu.memory_space<vmem>>) offsets(%dma_start3A_1084 : memref<128xi32, #tpu.memory_space<vmem>>) semaphore(%arg11 : memref<!tpu.dma_semaphore, #tpu.memory_space<semaphore_mem>>)
      %dma_start3A_1087 = arith.constant 2 : i32
      %dma_start3A_1088 = arith.constant 128 : i32
      %dma_start3A_1089 = tpu.memref_slice %arg9[%dma_start3A_1087, %dma_start3A_1088] : memref<8x1664xf32, #tpu.memory_space<vmem>> -> memref<1x128xf32, #tpu.memory_space<vmem>>
      %dma_start3A_1090 = tpu.memref_squeeze %dma_start3A_1089 : memref<1x128xf32, #tpu.memory_space<vmem>> -> memref<128xf32, #tpu.memory_space<vmem>>
      %dma_start3A_1091 = arith.constant 3456 : i32
      %dma_start3A_1092 = tpu.memref_slice %arg7[%dma_start3A_1091] : memref<13312xi32, #tpu.memory_space<vmem>> -> memref<128xi32, #tpu.memory_space<vmem>>
      %dma_start3A_1093 = arith.constant 0 : i32
      %dma_start3A_1094 = tpu.memref_slice %arg2[%dma_start3A_1093] : memref<52428800xf32, #tpu.memory_space<hbm>> -> memref<52428800xf32, #tpu.memory_space<hbm>>
      tpu.enqueue_indirect_dma source(%dma_start3A_1094 : memref<52428800xf32, #tpu.memory_space<hbm>>) target(%dma_start3A_1090 : memref<128xf32, #tpu.memory_space<vmem>>) offsets(%dma_start3A_1092 : memref<128xi32, #tpu.memory_space<vmem>>) semaphore(%arg11 : memref<!tpu.dma_semaphore, #tpu.memory_space<semaphore_mem>>)
      %dma_start3A_1095 = arith.constant 2 : i32
      %dma_start3A_1096 = arith.constant 256 : i32
      %dma_start3A_1097 = tpu.memref_slice %arg9[%dma_start3A_1095, %dma_start3A_1096] : memref<8x1664xf32, #tpu.memory_space<vmem>> -> memref<1x128xf32, #tpu.memory_space<vmem>>
      %dma_start3A_1098 = tpu.memref_squeeze %dma_start3A_1097 : memref<1x128xf32, #tpu.memory_space<vmem>> -> memref<128xf32, #tpu.memory_space<vmem>>
      %dma_start3A_1099 = arith.constant 3584 : i32
      %dma_start3A_1100 = tpu.memref_slice %arg7[%dma_start3A_1099] : memref<13312xi32, #tpu.memory_space<vmem>> -> memref<128xi32, #tpu.memory_space<vmem>>
      %dma_start3A_1101 = arith.constant 0 : i32
      %dma_start3A_1102 = tpu.memref_slice %arg2[%dma_start3A_1101] : memref<52428800xf32, #tpu.memory_space<hbm>> -> memref<52428800xf32, #tpu.memory_space<hbm>>
      tpu.enqueue_indirect_dma source(%dma_start3A_1102 : memref<52428800xf32, #tpu.memory_space<hbm>>) target(%dma_start3A_1098 : memref<128xf32, #tpu.memory_space<vmem>>) offsets(%dma_start3A_1100 : memref<128xi32, #tpu.memory_space<vmem>>) semaphore(%arg11 : memref<!tpu.dma_semaphore, #tpu.memory_space<semaphore_mem>>)
      %dma_start3A_1103 = arith.constant 2 : i32
      %dma_start3A_1104 = arith.constant 384 : i32
      %dma_start3A_1105 = tpu.memref_slice %arg9[%dma_start3A_1103, %dma_start3A_1104] : memref<8x1664xf32, #tpu.memory_space<vmem>> -> memref<1x128xf32, #tpu.memory_space<vmem>>
      %dma_start3A_1106 = tpu.memref_squeeze %dma_start3A_1105 : memref<1x128xf32, #tpu.memory_space<vmem>> -> memref<128xf32, #tpu.memory_space<vmem>>
      %dma_start3A_1107 = arith.constant 3712 : i32
      %dma_start3A_1108 = tpu.memref_slice %arg7[%dma_start3A_1107] : memref<13312xi32, #tpu.memory_space<vmem>> -> memref<128xi32, #tpu.memory_space<vmem>>
      %dma_start3A_1109 = arith.constant 0 : i32
      %dma_start3A_1110 = tpu.memref_slice %arg2[%dma_start3A_1109] : memref<52428800xf32, #tpu.memory_space<hbm>> -> memref<52428800xf32, #tpu.memory_space<hbm>>
      tpu.enqueue_indirect_dma source(%dma_start3A_1110 : memref<52428800xf32, #tpu.memory_space<hbm>>) target(%dma_start3A_1106 : memref<128xf32, #tpu.memory_space<vmem>>) offsets(%dma_start3A_1108 : memref<128xi32, #tpu.memory_space<vmem>>) semaphore(%arg11 : memref<!tpu.dma_semaphore, #tpu.memory_space<semaphore_mem>>)
      %dma_start3A_1111 = arith.constant 2 : i32
      %dma_start3A_1112 = arith.constant 512 : i32
      %dma_start3A_1113 = tpu.memref_slice %arg9[%dma_start3A_1111, %dma_start3A_1112] : memref<8x1664xf32, #tpu.memory_space<vmem>> -> memref<1x128xf32, #tpu.memory_space<vmem>>
      %dma_start3A_1114 = tpu.memref_squeeze %dma_start3A_1113 : memref<1x128xf32, #tpu.memory_space<vmem>> -> memref<128xf32, #tpu.memory_space<vmem>>
      %dma_start3A_1115 = arith.constant 3840 : i32
      %dma_start3A_1116 = tpu.memref_slice %arg7[%dma_start3A_1115] : memref<13312xi32, #tpu.memory_space<vmem>> -> memref<128xi32, #tpu.memory_space<vmem>>
      %dma_start3A_1117 = arith.constant 0 : i32
      %dma_start3A_1118 = tpu.memref_slice %arg2[%dma_start3A_1117] : memref<52428800xf32, #tpu.memory_space<hbm>> -> memref<52428800xf32, #tpu.memory_space<hbm>>
      tpu.enqueue_indirect_dma source(%dma_start3A_1118 : memref<52428800xf32, #tpu.memory_space<hbm>>) target(%dma_start3A_1114 : memref<128xf32, #tpu.memory_space<vmem>>) offsets(%dma_start3A_1116 : memref<128xi32, #tpu.memory_space<vmem>>) semaphore(%arg11 : memref<!tpu.dma_semaphore, #tpu.memory_space<semaphore_mem>>)
      %dma_start3A_1119 = arith.constant 2 : i32
      %dma_start3A_1120 = arith.constant 640 : i32
      %dma_start3A_1121 = tpu.memref_slice %arg9[%dma_start3A_1119, %dma_start3A_1120] : memref<8x1664xf32, #tpu.memory_space<vmem>> -> memref<1x128xf32, #tpu.memory_space<vmem>>
      %dma_start3A_1122 = tpu.memref_squeeze %dma_start3A_1121 : memref<1x128xf32, #tpu.memory_space<vmem>> -> memref<128xf32, #tpu.memory_space<vmem>>
      %dma_start3A_1123 = arith.constant 3968 : i32
      %dma_start3A_1124 = tpu.memref_slice %arg7[%dma_start3A_1123] : memref<13312xi32, #tpu.memory_space<vmem>> -> memref<128xi32, #tpu.memory_space<vmem>>
      %dma_start3A_1125 = arith.constant 0 : i32
      %dma_start3A_1126 = tpu.memref_slice %arg2[%dma_start3A_1125] : memref<52428800xf32, #tpu.memory_space<hbm>> -> memref<52428800xf32, #tpu.memory_space<hbm>>
      tpu.enqueue_indirect_dma source(%dma_start3A_1126 : memref<52428800xf32, #tpu.memory_space<hbm>>) target(%dma_start3A_1122 : memref<128xf32, #tpu.memory_space<vmem>>) offsets(%dma_start3A_1124 : memref<128xi32, #tpu.memory_space<vmem>>) semaphore(%arg11 : memref<!tpu.dma_semaphore, #tpu.memory_space<semaphore_mem>>)
      %dma_start3A_1127 = arith.constant 2 : i32
      %dma_start3A_1128 = arith.constant 768 : i32
      %dma_start3A_1129 = tpu.memref_slice %arg9[%dma_start3A_1127, %dma_start3A_1128] : memref<8x1664xf32, #tpu.memory_space<vmem>> -> memref<1x128xf32, #tpu.memory_space<vmem>>
      %dma_start3A_1130 = tpu.memref_squeeze %dma_start3A_1129 : memref<1x128xf32, #tpu.memory_space<vmem>> -> memref<128xf32, #tpu.memory_space<vmem>>
      %dma_start3A_1131 = arith.constant 4096 : i32
      %dma_start3A_1132 = tpu.memref_slice %arg7[%dma_start3A_1131] : memref<13312xi32, #tpu.memory_space<vmem>> -> memref<128xi32, #tpu.memory_space<vmem>>
      %dma_start3A_1133 = arith.constant 0 : i32
      %dma_start3A_1134 = tpu.memref_slice %arg2[%dma_start3A_1133] : memref<52428800xf32, #tpu.memory_space<hbm>> -> memref<52428800xf32, #tpu.memory_space<hbm>>
      tpu.enqueue_indirect_dma source(%dma_start3A_1134 : memref<52428800xf32, #tpu.memory_space<hbm>>) target(%dma_start3A_1130 : memref<128xf32, #tpu.memory_space<vmem>>) offsets(%dma_start3A_1132 : memref<128xi32, #tpu.memory_space<vmem>>) semaphore(%arg11 : memref<!tpu.dma_semaphore, #tpu.memory_space<semaphore_mem>>)
      %dma_start3A_1135 = arith.constant 2 : i32
      %dma_start3A_1136 = arith.constant 896 : i32
      %dma_start3A_1137 = tpu.memref_slice %arg9[%dma_start3A_1135, %dma_start3A_1136] : memref<8x1664xf32, #tpu.memory_space<vmem>> -> memref<1x128xf32, #tpu.memory_space<vmem>>
      %dma_start3A_1138 = tpu.memref_squeeze %dma_start3A_1137 : memref<1x128xf32, #tpu.memory_space<vmem>> -> memref<128xf32, #tpu.memory_space<vmem>>
      %dma_start3A_1139 = arith.constant 4224 : i32
      %dma_start3A_1140 = tpu.memref_slice %arg7[%dma_start3A_1139] : memref<13312xi32, #tpu.memory_space<vmem>> -> memref<128xi32, #tpu.memory_space<vmem>>
      %dma_start3A_1141 = arith.constant 0 : i32
      %dma_start3A_1142 = tpu.memref_slice %arg2[%dma_start3A_1141] : memref<52428800xf32, #tpu.memory_space<hbm>> -> memref<52428800xf32, #tpu.memory_space<hbm>>
      tpu.enqueue_indirect_dma source(%dma_start3A_1142 : memref<52428800xf32, #tpu.memory_space<hbm>>) target(%dma_start3A_1138 : memref<128xf32, #tpu.memory_space<vmem>>) offsets(%dma_start3A_1140 : memref<128xi32, #tpu.memory_space<vmem>>) semaphore(%arg11 : memref<!tpu.dma_semaphore, #tpu.memory_space<semaphore_mem>>)
      %dma_start3A_1143 = arith.constant 2 : i32
      %dma_start3A_1144 = arith.constant 1024 : i32
      %dma_start3A_1145 = tpu.memref_slice %arg9[%dma_start3A_1143, %dma_start3A_1144] : memref<8x1664xf32, #tpu.memory_space<vmem>> -> memref<1x128xf32, #tpu.memory_space<vmem>>
      %dma_start3A_1146 = tpu.memref_squeeze %dma_start3A_1145 : memref<1x128xf32, #tpu.memory_space<vmem>> -> memref<128xf32, #tpu.memory_space<vmem>>
      %dma_start3A_1147 = arith.constant 4352 : i32
      %dma_start3A_1148 = tpu.memref_slice %arg7[%dma_start3A_1147] : memref<13312xi32, #tpu.memory_space<vmem>> -> memref<128xi32, #tpu.memory_space<vmem>>
      %dma_start3A_1149 = arith.constant 0 : i32
      %dma_start3A_1150 = tpu.memref_slice %arg2[%dma_start3A_1149] : memref<52428800xf32, #tpu.memory_space<hbm>> -> memref<52428800xf32, #tpu.memory_space<hbm>>
      tpu.enqueue_indirect_dma source(%dma_start3A_1150 : memref<52428800xf32, #tpu.memory_space<hbm>>) target(%dma_start3A_1146 : memref<128xf32, #tpu.memory_space<vmem>>) offsets(%dma_start3A_1148 : memref<128xi32, #tpu.memory_space<vmem>>) semaphore(%arg11 : memref<!tpu.dma_semaphore, #tpu.memory_space<semaphore_mem>>)
      %dma_start3A_1151 = arith.constant 2 : i32
      %dma_start3A_1152 = arith.constant 1152 : i32
      %dma_start3A_1153 = tpu.memref_slice %arg9[%dma_start3A_1151, %dma_start3A_1152] : memref<8x1664xf32, #tpu.memory_space<vmem>> -> memref<1x128xf32, #tpu.memory_space<vmem>>
      %dma_start3A_1154 = tpu.memref_squeeze %dma_start3A_1153 : memref<1x128xf32, #tpu.memory_space<vmem>> -> memref<128xf32, #tpu.memory_space<vmem>>
      %dma_start3A_1155 = arith.constant 4480 : i32
      %dma_start3A_1156 = tpu.memref_slice %arg7[%dma_start3A_1155] : memref<13312xi32, #tpu.memory_space<vmem>> -> memref<128xi32, #tpu.memory_space<vmem>>
      %dma_start3A_1157 = arith.constant 0 : i32
      %dma_start3A_1158 = tpu.memref_slice %arg2[%dma_start3A_1157] : memref<52428800xf32, #tpu.memory_space<hbm>> -> memref<52428800xf32, #tpu.memory_space<hbm>>
      tpu.enqueue_indirect_dma source(%dma_start3A_1158 : memref<52428800xf32, #tpu.memory_space<hbm>>) target(%dma_start3A_1154 : memref<128xf32, #tpu.memory_space<vmem>>) offsets(%dma_start3A_1156 : memref<128xi32, #tpu.memory_space<vmem>>) semaphore(%arg11 : memref<!tpu.dma_semaphore, #tpu.memory_space<semaphore_mem>>)
      %dma_start3A_1159 = arith.constant 2 : i32
      %dma_start3A_1160 = arith.constant 1280 : i32
      %dma_start3A_1161 = tpu.memref_slice %arg9[%dma_start3A_1159, %dma_start3A_1160] : memref<8x1664xf32, #tpu.memory_space<vmem>> -> memref<1x128xf32, #tpu.memory_space<vmem>>
      %dma_start3A_1162 = tpu.memref_squeeze %dma_start3A_1161 : memref<1x128xf32, #tpu.memory_space<vmem>> -> memref<128xf32, #tpu.memory_space<vmem>>
      %dma_start3A_1163 = arith.constant 4608 : i32
      %dma_start3A_1164 = tpu.memref_slice %arg7[%dma_start3A_1163] : memref<13312xi32, #tpu.memory_space<vmem>> -> memref<128xi32, #tpu.memory_space<vmem>>
      %dma_start3A_1165 = arith.constant 0 : i32
      %dma_start3A_1166 = tpu.memref_slice %arg2[%dma_start3A_1165] : memref<52428800xf32, #tpu.memory_space<hbm>> -> memref<52428800xf32, #tpu.memory_space<hbm>>
      tpu.enqueue_indirect_dma source(%dma_start3A_1166 : memref<52428800xf32, #tpu.memory_space<hbm>>) target(%dma_start3A_1162 : memref<128xf32, #tpu.memory_space<vmem>>) offsets(%dma_start3A_1164 : memref<128xi32, #tpu.memory_space<vmem>>) semaphore(%arg11 : memref<!tpu.dma_semaphore, #tpu.memory_space<semaphore_mem>>)
      %dma_start3A_1167 = arith.constant 2 : i32
      %dma_start3A_1168 = arith.constant 1408 : i32
      %dma_start3A_1169 = tpu.memref_slice %arg9[%dma_start3A_1167, %dma_start3A_1168] : memref<8x1664xf32, #tpu.memory_space<vmem>> -> memref<1x128xf32, #tpu.memory_space<vmem>>
      %dma_start3A_1170 = tpu.memref_squeeze %dma_start3A_1169 : memref<1x128xf32, #tpu.memory_space<vmem>> -> memref<128xf32, #tpu.memory_space<vmem>>
      %dma_start3A_1171 = arith.constant 4736 : i32
      %dma_start3A_1172 = tpu.memref_slice %arg7[%dma_start3A_1171] : memref<13312xi32, #tpu.memory_space<vmem>> -> memref<128xi32, #tpu.memory_space<vmem>>
      %dma_start3A_1173 = arith.constant 0 : i32
      %dma_start3A_1174 = tpu.memref_slice %arg2[%dma_start3A_1173] : memref<52428800xf32, #tpu.memory_space<hbm>> -> memref<52428800xf32, #tpu.memory_space<hbm>>
      tpu.enqueue_indirect_dma source(%dma_start3A_1174 : memref<52428800xf32, #tpu.memory_space<hbm>>) target(%dma_start3A_1170 : memref<128xf32, #tpu.memory_space<vmem>>) offsets(%dma_start3A_1172 : memref<128xi32, #tpu.memory_space<vmem>>) semaphore(%arg11 : memref<!tpu.dma_semaphore, #tpu.memory_space<semaphore_mem>>)
      %dma_start3A_1175 = arith.constant 2 : i32
      %dma_start3A_1176 = arith.constant 1536 : i32
      %dma_start3A_1177 = tpu.memref_slice %arg9[%dma_start3A_1175, %dma_start3A_1176] : memref<8x1664xf32, #tpu.memory_space<vmem>> -> memref<1x128xf32, #tpu.memory_space<vmem>>
      %dma_start3A_1178 = tpu.memref_squeeze %dma_start3A_1177 : memref<1x128xf32, #tpu.memory_space<vmem>> -> memref<128xf32, #tpu.memory_space<vmem>>
      %dma_start3A_1179 = arith.constant 4864 : i32
      %dma_start3A_1180 = tpu.memref_slice %arg7[%dma_start3A_1179] : memref<13312xi32, #tpu.memory_space<vmem>> -> memref<128xi32, #tpu.memory_space<vmem>>
      %dma_start3A_1181 = arith.constant 0 : i32
      %dma_start3A_1182 = tpu.memref_slice %arg2[%dma_start3A_1181] : memref<52428800xf32, #tpu.memory_space<hbm>> -> memref<52428800xf32, #tpu.memory_space<hbm>>
      tpu.enqueue_indirect_dma source(%dma_start3A_1182 : memref<52428800xf32, #tpu.memory_space<hbm>>) target(%dma_start3A_1178 : memref<128xf32, #tpu.memory_space<vmem>>) offsets(%dma_start3A_1180 : memref<128xi32, #tpu.memory_space<vmem>>) semaphore(%arg11 : memref<!tpu.dma_semaphore, #tpu.memory_space<semaphore_mem>>)
      %dma_start3A_1183 = arith.constant 3 : i32
      %dma_start3A_1184 = arith.constant 0 : i32
      %dma_start3A_1185 = tpu.memref_slice %arg9[%dma_start3A_1183, %dma_start3A_1184] : memref<8x1664xf32, #tpu.memory_space<vmem>> -> memref<1x128xf32, #tpu.memory_space<vmem>>
      %dma_start3A_1186 = tpu.memref_squeeze %dma_start3A_1185 : memref<1x128xf32, #tpu.memory_space<vmem>> -> memref<128xf32, #tpu.memory_space<vmem>>
      %dma_start3A_1187 = arith.constant 4992 : i32
      %dma_start3A_1188 = tpu.memref_slice %arg7[%dma_start3A_1187] : memref<13312xi32, #tpu.memory_space<vmem>> -> memref<128xi32, #tpu.memory_space<vmem>>
      %dma_start3A_1189 = arith.constant 0 : i32
      %dma_start3A_1190 = tpu.memref_slice %arg2[%dma_start3A_1189] : memref<52428800xf32, #tpu.memory_space<hbm>> -> memref<52428800xf32, #tpu.memory_space<hbm>>
      tpu.enqueue_indirect_dma source(%dma_start3A_1190 : memref<52428800xf32, #tpu.memory_space<hbm>>) target(%dma_start3A_1186 : memref<128xf32, #tpu.memory_space<vmem>>) offsets(%dma_start3A_1188 : memref<128xi32, #tpu.memory_space<vmem>>) semaphore(%arg11 : memref<!tpu.dma_semaphore, #tpu.memory_space<semaphore_mem>>)
      %dma_start3A_1191 = arith.constant 3 : i32
      %dma_start3A_1192 = arith.constant 128 : i32
      %dma_start3A_1193 = tpu.memref_slice %arg9[%dma_start3A_1191, %dma_start3A_1192] : memref<8x1664xf32, #tpu.memory_space<vmem>> -> memref<1x128xf32, #tpu.memory_space<vmem>>
      %dma_start3A_1194 = tpu.memref_squeeze %dma_start3A_1193 : memref<1x128xf32, #tpu.memory_space<vmem>> -> memref<128xf32, #tpu.memory_space<vmem>>
      %dma_start3A_1195 = arith.constant 5120 : i32
      %dma_start3A_1196 = tpu.memref_slice %arg7[%dma_start3A_1195] : memref<13312xi32, #tpu.memory_space<vmem>> -> memref<128xi32, #tpu.memory_space<vmem>>
      %dma_start3A_1197 = arith.constant 0 : i32
      %dma_start3A_1198 = tpu.memref_slice %arg2[%dma_start3A_1197] : memref<52428800xf32, #tpu.memory_space<hbm>> -> memref<52428800xf32, #tpu.memory_space<hbm>>
      tpu.enqueue_indirect_dma source(%dma_start3A_1198 : memref<52428800xf32, #tpu.memory_space<hbm>>) target(%dma_start3A_1194 : memref<128xf32, #tpu.memory_space<vmem>>) offsets(%dma_start3A_1196 : memref<128xi32, #tpu.memory_space<vmem>>) semaphore(%arg11 : memref<!tpu.dma_semaphore, #tpu.memory_space<semaphore_mem>>)
      %dma_start3A_1199 = arith.constant 3 : i32
      %dma_start3A_1200 = arith.constant 256 : i32
      %dma_start3A_1201 = tpu.memref_slice %arg9[%dma_start3A_1199, %dma_start3A_1200] : memref<8x1664xf32, #tpu.memory_space<vmem>> -> memref<1x128xf32, #tpu.memory_space<vmem>>
      %dma_start3A_1202 = tpu.memref_squeeze %dma_start3A_1201 : memref<1x128xf32, #tpu.memory_space<vmem>> -> memref<128xf32, #tpu.memory_space<vmem>>
      %dma_start3A_1203 = arith.constant 5248 : i32
      %dma_start3A_1204 = tpu.memref_slice %arg7[%dma_start3A_1203] : memref<13312xi32, #tpu.memory_space<vmem>> -> memref<128xi32, #tpu.memory_space<vmem>>
      %dma_start3A_1205 = arith.constant 0 : i32
      %dma_start3A_1206 = tpu.memref_slice %arg2[%dma_start3A_1205] : memref<52428800xf32, #tpu.memory_space<hbm>> -> memref<52428800xf32, #tpu.memory_space<hbm>>
      tpu.enqueue_indirect_dma source(%dma_start3A_1206 : memref<52428800xf32, #tpu.memory_space<hbm>>) target(%dma_start3A_1202 : memref<128xf32, #tpu.memory_space<vmem>>) offsets(%dma_start3A_1204 : memref<128xi32, #tpu.memory_space<vmem>>) semaphore(%arg11 : memref<!tpu.dma_semaphore, #tpu.memory_space<semaphore_mem>>)
      %dma_start3A_1207 = arith.constant 3 : i32
      %dma_start3A_1208 = arith.constant 384 : i32
      %dma_start3A_1209 = tpu.memref_slice %arg9[%dma_start3A_1207, %dma_start3A_1208] : memref<8x1664xf32, #tpu.memory_space<vmem>> -> memref<1x128xf32, #tpu.memory_space<vmem>>
      %dma_start3A_1210 = tpu.memref_squeeze %dma_start3A_1209 : memref<1x128xf32, #tpu.memory_space<vmem>> -> memref<128xf32, #tpu.memory_space<vmem>>
      %dma_start3A_1211 = arith.constant 5376 : i32
      %dma_start3A_1212 = tpu.memref_slice %arg7[%dma_start3A_1211] : memref<13312xi32, #tpu.memory_space<vmem>> -> memref<128xi32, #tpu.memory_space<vmem>>
      %dma_start3A_1213 = arith.constant 0 : i32
      %dma_start3A_1214 = tpu.memref_slice %arg2[%dma_start3A_1213] : memref<52428800xf32, #tpu.memory_space<hbm>> -> memref<52428800xf32, #tpu.memory_space<hbm>>
      tpu.enqueue_indirect_dma source(%dma_start3A_1214 : memref<52428800xf32, #tpu.memory_space<hbm>>) target(%dma_start3A_1210 : memref<128xf32, #tpu.memory_space<vmem>>) offsets(%dma_start3A_1212 : memref<128xi32, #tpu.memory_space<vmem>>) semaphore(%arg11 : memref<!tpu.dma_semaphore, #tpu.memory_space<semaphore_mem>>)
      %dma_start3A_1215 = arith.constant 3 : i32
      %dma_start3A_1216 = arith.constant 512 : i32
      %dma_start3A_1217 = tpu.memref_slice %arg9[%dma_start3A_1215, %dma_start3A_1216] : memref<8x1664xf32, #tpu.memory_space<vmem>> -> memref<1x128xf32, #tpu.memory_space<vmem>>
      %dma_start3A_1218 = tpu.memref_squeeze %dma_start3A_1217 : memref<1x128xf32, #tpu.memory_space<vmem>> -> memref<128xf32, #tpu.memory_space<vmem>>
      %dma_start3A_1219 = arith.constant 5504 : i32
      %dma_start3A_1220 = tpu.memref_slice %arg7[%dma_start3A_1219] : memref<13312xi32, #tpu.memory_space<vmem>> -> memref<128xi32, #tpu.memory_space<vmem>>
      %dma_start3A_1221 = arith.constant 0 : i32
      %dma_start3A_1222 = tpu.memref_slice %arg2[%dma_start3A_1221] : memref<52428800xf32, #tpu.memory_space<hbm>> -> memref<52428800xf32, #tpu.memory_space<hbm>>
      tpu.enqueue_indirect_dma source(%dma_start3A_1222 : memref<52428800xf32, #tpu.memory_space<hbm>>) target(%dma_start3A_1218 : memref<128xf32, #tpu.memory_space<vmem>>) offsets(%dma_start3A_1220 : memref<128xi32, #tpu.memory_space<vmem>>) semaphore(%arg11 : memref<!tpu.dma_semaphore, #tpu.memory_space<semaphore_mem>>)
      %dma_start3A_1223 = arith.constant 3 : i32
      %dma_start3A_1224 = arith.constant 640 : i32
      %dma_start3A_1225 = tpu.memref_slice %arg9[%dma_start3A_1223, %dma_start3A_1224] : memref<8x1664xf32, #tpu.memory_space<vmem>> -> memref<1x128xf32, #tpu.memory_space<vmem>>
      %dma_start3A_1226 = tpu.memref_squeeze %dma_start3A_1225 : memref<1x128xf32, #tpu.memory_space<vmem>> -> memref<128xf32, #tpu.memory_space<vmem>>
      %dma_start3A_1227 = arith.constant 5632 : i32
      %dma_start3A_1228 = tpu.memref_slice %arg7[%dma_start3A_1227] : memref<13312xi32, #tpu.memory_space<vmem>> -> memref<128xi32, #tpu.memory_space<vmem>>
      %dma_start3A_1229 = arith.constant 0 : i32
      %dma_start3A_1230 = tpu.memref_slice %arg2[%dma_start3A_1229] : memref<52428800xf32, #tpu.memory_space<hbm>> -> memref<52428800xf32, #tpu.memory_space<hbm>>
      tpu.enqueue_indirect_dma source(%dma_start3A_1230 : memref<52428800xf32, #tpu.memory_space<hbm>>) target(%dma_start3A_1226 : memref<128xf32, #tpu.memory_space<vmem>>) offsets(%dma_start3A_1228 : memref<128xi32, #tpu.memory_space<vmem>>) semaphore(%arg11 : memref<!tpu.dma_semaphore, #tpu.memory_space<semaphore_mem>>)
      %dma_start3A_1231 = arith.constant 3 : i32
      %dma_start3A_1232 = arith.constant 768 : i32
      %dma_start3A_1233 = tpu.memref_slice %arg9[%dma_start3A_1231, %dma_start3A_1232] : memref<8x1664xf32, #tpu.memory_space<vmem>> -> memref<1x128xf32, #tpu.memory_space<vmem>>
      %dma_start3A_1234 = tpu.memref_squeeze %dma_start3A_1233 : memref<1x128xf32, #tpu.memory_space<vmem>> -> memref<128xf32, #tpu.memory_space<vmem>>
      %dma_start3A_1235 = arith.constant 5760 : i32
      %dma_start3A_1236 = tpu.memref_slice %arg7[%dma_start3A_1235] : memref<13312xi32, #tpu.memory_space<vmem>> -> memref<128xi32, #tpu.memory_space<vmem>>
      %dma_start3A_1237 = arith.constant 0 : i32
      %dma_start3A_1238 = tpu.memref_slice %arg2[%dma_start3A_1237] : memref<52428800xf32, #tpu.memory_space<hbm>> -> memref<52428800xf32, #tpu.memory_space<hbm>>
      tpu.enqueue_indirect_dma source(%dma_start3A_1238 : memref<52428800xf32, #tpu.memory_space<hbm>>) target(%dma_start3A_1234 : memref<128xf32, #tpu.memory_space<vmem>>) offsets(%dma_start3A_1236 : memref<128xi32, #tpu.memory_space<vmem>>) semaphore(%arg11 : memref<!tpu.dma_semaphore, #tpu.memory_space<semaphore_mem>>)
      %dma_start3A_1239 = arith.constant 3 : i32
      %dma_start3A_1240 = arith.constant 896 : i32
      %dma_start3A_1241 = tpu.memref_slice %arg9[%dma_start3A_1239, %dma_start3A_1240] : memref<8x1664xf32, #tpu.memory_space<vmem>> -> memref<1x128xf32, #tpu.memory_space<vmem>>
      %dma_start3A_1242 = tpu.memref_squeeze %dma_start3A_1241 : memref<1x128xf32, #tpu.memory_space<vmem>> -> memref<128xf32, #tpu.memory_space<vmem>>
      %dma_start3A_1243 = arith.constant 5888 : i32
      %dma_start3A_1244 = tpu.memref_slice %arg7[%dma_start3A_1243] : memref<13312xi32, #tpu.memory_space<vmem>> -> memref<128xi32, #tpu.memory_space<vmem>>
      %dma_start3A_1245 = arith.constant 0 : i32
      %dma_start3A_1246 = tpu.memref_slice %arg2[%dma_start3A_1245] : memref<52428800xf32, #tpu.memory_space<hbm>> -> memref<52428800xf32, #tpu.memory_space<hbm>>
      tpu.enqueue_indirect_dma source(%dma_start3A_1246 : memref<52428800xf32, #tpu.memory_space<hbm>>) target(%dma_start3A_1242 : memref<128xf32, #tpu.memory_space<vmem>>) offsets(%dma_start3A_1244 : memref<128xi32, #tpu.memory_space<vmem>>) semaphore(%arg11 : memref<!tpu.dma_semaphore, #tpu.memory_space<semaphore_mem>>)
      %dma_start3A_1247 = arith.constant 3 : i32
      %dma_start3A_1248 = arith.constant 1024 : i32
      %dma_start3A_1249 = tpu.memref_slice %arg9[%dma_start3A_1247, %dma_start3A_1248] : memref<8x1664xf32, #tpu.memory_space<vmem>> -> memref<1x128xf32, #tpu.memory_space<vmem>>
      %dma_start3A_1250 = tpu.memref_squeeze %dma_start3A_1249 : memref<1x128xf32, #tpu.memory_space<vmem>> -> memref<128xf32, #tpu.memory_space<vmem>>
      %dma_start3A_1251 = arith.constant 6016 : i32
      %dma_start3A_1252 = tpu.memref_slice %arg7[%dma_start3A_1251] : memref<13312xi32, #tpu.memory_space<vmem>> -> memref<128xi32, #tpu.memory_space<vmem>>
      %dma_start3A_1253 = arith.constant 0 : i32
      %dma_start3A_1254 = tpu.memref_slice %arg2[%dma_start3A_1253] : memref<52428800xf32, #tpu.memory_space<hbm>> -> memref<52428800xf32, #tpu.memory_space<hbm>>
      tpu.enqueue_indirect_dma source(%dma_start3A_1254 : memref<52428800xf32, #tpu.memory_space<hbm>>) target(%dma_start3A_1250 : memref<128xf32, #tpu.memory_space<vmem>>) offsets(%dma_start3A_1252 : memref<128xi32, #tpu.memory_space<vmem>>) semaphore(%arg11 : memref<!tpu.dma_semaphore, #tpu.memory_space<semaphore_mem>>)
      %dma_start3A_1255 = arith.constant 3 : i32
      %dma_start3A_1256 = arith.constant 1152 : i32
      %dma_start3A_1257 = tpu.memref_slice %arg9[%dma_start3A_1255, %dma_start3A_1256] : memref<8x1664xf32, #tpu.memory_space<vmem>> -> memref<1x128xf32, #tpu.memory_space<vmem>>
      %dma_start3A_1258 = tpu.memref_squeeze %dma_start3A_1257 : memref<1x128xf32, #tpu.memory_space<vmem>> -> memref<128xf32, #tpu.memory_space<vmem>>
      %dma_start3A_1259 = arith.constant 6144 : i32
      %dma_start3A_1260 = tpu.memref_slice %arg7[%dma_start3A_1259] : memref<13312xi32, #tpu.memory_space<vmem>> -> memref<128xi32, #tpu.memory_space<vmem>>
      %dma_start3A_1261 = arith.constant 0 : i32
      %dma_start3A_1262 = tpu.memref_slice %arg2[%dma_start3A_1261] : memref<52428800xf32, #tpu.memory_space<hbm>> -> memref<52428800xf32, #tpu.memory_space<hbm>>
      tpu.enqueue_indirect_dma source(%dma_start3A_1262 : memref<52428800xf32, #tpu.memory_space<hbm>>) target(%dma_start3A_1258 : memref<128xf32, #tpu.memory_space<vmem>>) offsets(%dma_start3A_1260 : memref<128xi32, #tpu.memory_space<vmem>>) semaphore(%arg11 : memref<!tpu.dma_semaphore, #tpu.memory_space<semaphore_mem>>)
      %dma_start3A_1263 = arith.constant 3 : i32
      %dma_start3A_1264 = arith.constant 1280 : i32
      %dma_start3A_1265 = tpu.memref_slice %arg9[%dma_start3A_1263, %dma_start3A_1264] : memref<8x1664xf32, #tpu.memory_space<vmem>> -> memref<1x128xf32, #tpu.memory_space<vmem>>
      %dma_start3A_1266 = tpu.memref_squeeze %dma_start3A_1265 : memref<1x128xf32, #tpu.memory_space<vmem>> -> memref<128xf32, #tpu.memory_space<vmem>>
      %dma_start3A_1267 = arith.constant 6272 : i32
      %dma_start3A_1268 = tpu.memref_slice %arg7[%dma_start3A_1267] : memref<13312xi32, #tpu.memory_space<vmem>> -> memref<128xi32, #tpu.memory_space<vmem>>
      %dma_start3A_1269 = arith.constant 0 : i32
      %dma_start3A_1270 = tpu.memref_slice %arg2[%dma_start3A_1269] : memref<52428800xf32, #tpu.memory_space<hbm>> -> memref<52428800xf32, #tpu.memory_space<hbm>>
      tpu.enqueue_indirect_dma source(%dma_start3A_1270 : memref<52428800xf32, #tpu.memory_space<hbm>>) target(%dma_start3A_1266 : memref<128xf32, #tpu.memory_space<vmem>>) offsets(%dma_start3A_1268 : memref<128xi32, #tpu.memory_space<vmem>>) semaphore(%arg11 : memref<!tpu.dma_semaphore, #tpu.memory_space<semaphore_mem>>)
      %dma_start3A_1271 = arith.constant 3 : i32
      %dma_start3A_1272 = arith.constant 1408 : i32
      %dma_start3A_1273 = tpu.memref_slice %arg9[%dma_start3A_1271, %dma_start3A_1272] : memref<8x1664xf32, #tpu.memory_space<vmem>> -> memref<1x128xf32, #tpu.memory_space<vmem>>
      %dma_start3A_1274 = tpu.memref_squeeze %dma_start3A_1273 : memref<1x128xf32, #tpu.memory_space<vmem>> -> memref<128xf32, #tpu.memory_space<vmem>>
      %dma_start3A_1275 = arith.constant 6400 : i32
      %dma_start3A_1276 = tpu.memref_slice %arg7[%dma_start3A_1275] : memref<13312xi32, #tpu.memory_space<vmem>> -> memref<128xi32, #tpu.memory_space<vmem>>
      %dma_start3A_1277 = arith.constant 0 : i32
      %dma_start3A_1278 = tpu.memref_slice %arg2[%dma_start3A_1277] : memref<52428800xf32, #tpu.memory_space<hbm>> -> memref<52428800xf32, #tpu.memory_space<hbm>>
      tpu.enqueue_indirect_dma source(%dma_start3A_1278 : memref<52428800xf32, #tpu.memory_space<hbm>>) target(%dma_start3A_1274 : memref<128xf32, #tpu.memory_space<vmem>>) offsets(%dma_start3A_1276 : memref<128xi32, #tpu.memory_space<vmem>>) semaphore(%arg11 : memref<!tpu.dma_semaphore, #tpu.memory_space<semaphore_mem>>)
      %dma_start3A_1279 = arith.constant 3 : i32
      %dma_start3A_1280 = arith.constant 1536 : i32
      %dma_start3A_1281 = tpu.memref_slice %arg9[%dma_start3A_1279, %dma_start3A_1280] : memref<8x1664xf32, #tpu.memory_space<vmem>> -> memref<1x128xf32, #tpu.memory_space<vmem>>
      %dma_start3A_1282 = tpu.memref_squeeze %dma_start3A_1281 : memref<1x128xf32, #tpu.memory_space<vmem>> -> memref<128xf32, #tpu.memory_space<vmem>>
      %dma_start3A_1283 = arith.constant 6528 : i32
      %dma_start3A_1284 = tpu.memref_slice %arg7[%dma_start3A_1283] : memref<13312xi32, #tpu.memory_space<vmem>> -> memref<128xi32, #tpu.memory_space<vmem>>
      %dma_start3A_1285 = arith.constant 0 : i32
      %dma_start3A_1286 = tpu.memref_slice %arg2[%dma_start3A_1285] : memref<52428800xf32, #tpu.memory_space<hbm>> -> memref<52428800xf32, #tpu.memory_space<hbm>>
      tpu.enqueue_indirect_dma source(%dma_start3A_1286 : memref<52428800xf32, #tpu.memory_space<hbm>>) target(%dma_start3A_1282 : memref<128xf32, #tpu.memory_space<vmem>>) offsets(%dma_start3A_1284 : memref<128xi32, #tpu.memory_space<vmem>>) semaphore(%arg11 : memref<!tpu.dma_semaphore, #tpu.memory_space<semaphore_mem>>)
      %dma_start3A_1287 = arith.constant 4 : i32
      %dma_start3A_1288 = arith.constant 0 : i32
      %dma_start3A_1289 = tpu.memref_slice %arg9[%dma_start3A_1287, %dma_start3A_1288] : memref<8x1664xf32, #tpu.memory_space<vmem>> -> memref<1x128xf32, #tpu.memory_space<vmem>>
      %dma_start3A_1290 = tpu.memref_squeeze %dma_start3A_1289 : memref<1x128xf32, #tpu.memory_space<vmem>> -> memref<128xf32, #tpu.memory_space<vmem>>
      %dma_start3A_1291 = arith.constant 6656 : i32
      %dma_start3A_1292 = tpu.memref_slice %arg7[%dma_start3A_1291] : memref<13312xi32, #tpu.memory_space<vmem>> -> memref<128xi32, #tpu.memory_space<vmem>>
      %dma_start3A_1293 = arith.constant 0 : i32
      %dma_start3A_1294 = tpu.memref_slice %arg2[%dma_start3A_1293] : memref<52428800xf32, #tpu.memory_space<hbm>> -> memref<52428800xf32, #tpu.memory_space<hbm>>
      tpu.enqueue_indirect_dma source(%dma_start3A_1294 : memref<52428800xf32, #tpu.memory_space<hbm>>) target(%dma_start3A_1290 : memref<128xf32, #tpu.memory_space<vmem>>) offsets(%dma_start3A_1292 : memref<128xi32, #tpu.memory_space<vmem>>) semaphore(%arg11 : memref<!tpu.dma_semaphore, #tpu.memory_space<semaphore_mem>>)
      %dma_start3A_1295 = arith.constant 4 : i32
      %dma_start3A_1296 = arith.constant 128 : i32
      %dma_start3A_1297 = tpu.memref_slice %arg9[%dma_start3A_1295, %dma_start3A_1296] : memref<8x1664xf32, #tpu.memory_space<vmem>> -> memref<1x128xf32, #tpu.memory_space<vmem>>
      %dma_start3A_1298 = tpu.memref_squeeze %dma_start3A_1297 : memref<1x128xf32, #tpu.memory_space<vmem>> -> memref<128xf32, #tpu.memory_space<vmem>>
      %dma_start3A_1299 = arith.constant 6784 : i32
      %dma_start3A_1300 = tpu.memref_slice %arg7[%dma_start3A_1299] : memref<13312xi32, #tpu.memory_space<vmem>> -> memref<128xi32, #tpu.memory_space<vmem>>
      %dma_start3A_1301 = arith.constant 0 : i32
      %dma_start3A_1302 = tpu.memref_slice %arg2[%dma_start3A_1301] : memref<52428800xf32, #tpu.memory_space<hbm>> -> memref<52428800xf32, #tpu.memory_space<hbm>>
      tpu.enqueue_indirect_dma source(%dma_start3A_1302 : memref<52428800xf32, #tpu.memory_space<hbm>>) target(%dma_start3A_1298 : memref<128xf32, #tpu.memory_space<vmem>>) offsets(%dma_start3A_1300 : memref<128xi32, #tpu.memory_space<vmem>>) semaphore(%arg11 : memref<!tpu.dma_semaphore, #tpu.memory_space<semaphore_mem>>)
      %dma_start3A_1303 = arith.constant 4 : i32
      %dma_start3A_1304 = arith.constant 256 : i32
      %dma_start3A_1305 = tpu.memref_slice %arg9[%dma_start3A_1303, %dma_start3A_1304] : memref<8x1664xf32, #tpu.memory_space<vmem>> -> memref<1x128xf32, #tpu.memory_space<vmem>>
      %dma_start3A_1306 = tpu.memref_squeeze %dma_start3A_1305 : memref<1x128xf32, #tpu.memory_space<vmem>> -> memref<128xf32, #tpu.memory_space<vmem>>
      %dma_start3A_1307 = arith.constant 6912 : i32
      %dma_start3A_1308 = tpu.memref_slice %arg7[%dma_start3A_1307] : memref<13312xi32, #tpu.memory_space<vmem>> -> memref<128xi32, #tpu.memory_space<vmem>>
      %dma_start3A_1309 = arith.constant 0 : i32
      %dma_start3A_1310 = tpu.memref_slice %arg2[%dma_start3A_1309] : memref<52428800xf32, #tpu.memory_space<hbm>> -> memref<52428800xf32, #tpu.memory_space<hbm>>
      tpu.enqueue_indirect_dma source(%dma_start3A_1310 : memref<52428800xf32, #tpu.memory_space<hbm>>) target(%dma_start3A_1306 : memref<128xf32, #tpu.memory_space<vmem>>) offsets(%dma_start3A_1308 : memref<128xi32, #tpu.memory_space<vmem>>) semaphore(%arg11 : memref<!tpu.dma_semaphore, #tpu.memory_space<semaphore_mem>>)
      %dma_start3A_1311 = arith.constant 4 : i32
      %dma_start3A_1312 = arith.constant 384 : i32
      %dma_start3A_1313 = tpu.memref_slice %arg9[%dma_start3A_1311, %dma_start3A_1312] : memref<8x1664xf32, #tpu.memory_space<vmem>> -> memref<1x128xf32, #tpu.memory_space<vmem>>
      %dma_start3A_1314 = tpu.memref_squeeze %dma_start3A_1313 : memref<1x128xf32, #tpu.memory_space<vmem>> -> memref<128xf32, #tpu.memory_space<vmem>>
      %dma_start3A_1315 = arith.constant 7040 : i32
      %dma_start3A_1316 = tpu.memref_slice %arg7[%dma_start3A_1315] : memref<13312xi32, #tpu.memory_space<vmem>> -> memref<128xi32, #tpu.memory_space<vmem>>
      %dma_start3A_1317 = arith.constant 0 : i32
      %dma_start3A_1318 = tpu.memref_slice %arg2[%dma_start3A_1317] : memref<52428800xf32, #tpu.memory_space<hbm>> -> memref<52428800xf32, #tpu.memory_space<hbm>>
      tpu.enqueue_indirect_dma source(%dma_start3A_1318 : memref<52428800xf32, #tpu.memory_space<hbm>>) target(%dma_start3A_1314 : memref<128xf32, #tpu.memory_space<vmem>>) offsets(%dma_start3A_1316 : memref<128xi32, #tpu.memory_space<vmem>>) semaphore(%arg11 : memref<!tpu.dma_semaphore, #tpu.memory_space<semaphore_mem>>)
      %dma_start3A_1319 = arith.constant 4 : i32
      %dma_start3A_1320 = arith.constant 512 : i32
      %dma_start3A_1321 = tpu.memref_slice %arg9[%dma_start3A_1319, %dma_start3A_1320] : memref<8x1664xf32, #tpu.memory_space<vmem>> -> memref<1x128xf32, #tpu.memory_space<vmem>>
      %dma_start3A_1322 = tpu.memref_squeeze %dma_start3A_1321 : memref<1x128xf32, #tpu.memory_space<vmem>> -> memref<128xf32, #tpu.memory_space<vmem>>
      %dma_start3A_1323 = arith.constant 7168 : i32
      %dma_start3A_1324 = tpu.memref_slice %arg7[%dma_start3A_1323] : memref<13312xi32, #tpu.memory_space<vmem>> -> memref<128xi32, #tpu.memory_space<vmem>>
      %dma_start3A_1325 = arith.constant 0 : i32
      %dma_start3A_1326 = tpu.memref_slice %arg2[%dma_start3A_1325] : memref<52428800xf32, #tpu.memory_space<hbm>> -> memref<52428800xf32, #tpu.memory_space<hbm>>
      tpu.enqueue_indirect_dma source(%dma_start3A_1326 : memref<52428800xf32, #tpu.memory_space<hbm>>) target(%dma_start3A_1322 : memref<128xf32, #tpu.memory_space<vmem>>) offsets(%dma_start3A_1324 : memref<128xi32, #tpu.memory_space<vmem>>) semaphore(%arg11 : memref<!tpu.dma_semaphore, #tpu.memory_space<semaphore_mem>>)
      %dma_start3A_1327 = arith.constant 4 : i32
      %dma_start3A_1328 = arith.constant 640 : i32
      %dma_start3A_1329 = tpu.memref_slice %arg9[%dma_start3A_1327, %dma_start3A_1328] : memref<8x1664xf32, #tpu.memory_space<vmem>> -> memref<1x128xf32, #tpu.memory_space<vmem>>
      %dma_start3A_1330 = tpu.memref_squeeze %dma_start3A_1329 : memref<1x128xf32, #tpu.memory_space<vmem>> -> memref<128xf32, #tpu.memory_space<vmem>>
      %dma_start3A_1331 = arith.constant 7296 : i32
      %dma_start3A_1332 = tpu.memref_slice %arg7[%dma_start3A_1331] : memref<13312xi32, #tpu.memory_space<vmem>> -> memref<128xi32, #tpu.memory_space<vmem>>
      %dma_start3A_1333 = arith.constant 0 : i32
      %dma_start3A_1334 = tpu.memref_slice %arg2[%dma_start3A_1333] : memref<52428800xf32, #tpu.memory_space<hbm>> -> memref<52428800xf32, #tpu.memory_space<hbm>>
      tpu.enqueue_indirect_dma source(%dma_start3A_1334 : memref<52428800xf32, #tpu.memory_space<hbm>>) target(%dma_start3A_1330 : memref<128xf32, #tpu.memory_space<vmem>>) offsets(%dma_start3A_1332 : memref<128xi32, #tpu.memory_space<vmem>>) semaphore(%arg11 : memref<!tpu.dma_semaphore, #tpu.memory_space<semaphore_mem>>)
      %dma_start3A_1335 = arith.constant 4 : i32
      %dma_start3A_1336 = arith.constant 768 : i32
      %dma_start3A_1337 = tpu.memref_slice %arg9[%dma_start3A_1335, %dma_start3A_1336] : memref<8x1664xf32, #tpu.memory_space<vmem>> -> memref<1x128xf32, #tpu.memory_space<vmem>>
      %dma_start3A_1338 = tpu.memref_squeeze %dma_start3A_1337 : memref<1x128xf32, #tpu.memory_space<vmem>> -> memref<128xf32, #tpu.memory_space<vmem>>
      %dma_start3A_1339 = arith.constant 7424 : i32
      %dma_start3A_1340 = tpu.memref_slice %arg7[%dma_start3A_1339] : memref<13312xi32, #tpu.memory_space<vmem>> -> memref<128xi32, #tpu.memory_space<vmem>>
      %dma_start3A_1341 = arith.constant 0 : i32
      %dma_start3A_1342 = tpu.memref_slice %arg2[%dma_start3A_1341] : memref<52428800xf32, #tpu.memory_space<hbm>> -> memref<52428800xf32, #tpu.memory_space<hbm>>
      tpu.enqueue_indirect_dma source(%dma_start3A_1342 : memref<52428800xf32, #tpu.memory_space<hbm>>) target(%dma_start3A_1338 : memref<128xf32, #tpu.memory_space<vmem>>) offsets(%dma_start3A_1340 : memref<128xi32, #tpu.memory_space<vmem>>) semaphore(%arg11 : memref<!tpu.dma_semaphore, #tpu.memory_space<semaphore_mem>>)
      %dma_start3A_1343 = arith.constant 4 : i32
      %dma_start3A_1344 = arith.constant 896 : i32
      %dma_start3A_1345 = tpu.memref_slice %arg9[%dma_start3A_1343, %dma_start3A_1344] : memref<8x1664xf32, #tpu.memory_space<vmem>> -> memref<1x128xf32, #tpu.memory_space<vmem>>
      %dma_start3A_1346 = tpu.memref_squeeze %dma_start3A_1345 : memref<1x128xf32, #tpu.memory_space<vmem>> -> memref<128xf32, #tpu.memory_space<vmem>>
      %dma_start3A_1347 = arith.constant 7552 : i32
      %dma_start3A_1348 = tpu.memref_slice %arg7[%dma_start3A_1347] : memref<13312xi32, #tpu.memory_space<vmem>> -> memref<128xi32, #tpu.memory_space<vmem>>
      %dma_start3A_1349 = arith.constant 0 : i32
      %dma_start3A_1350 = tpu.memref_slice %arg2[%dma_start3A_1349] : memref<52428800xf32, #tpu.memory_space<hbm>> -> memref<52428800xf32, #tpu.memory_space<hbm>>
      tpu.enqueue_indirect_dma source(%dma_start3A_1350 : memref<52428800xf32, #tpu.memory_space<hbm>>) target(%dma_start3A_1346 : memref<128xf32, #tpu.memory_space<vmem>>) offsets(%dma_start3A_1348 : memref<128xi32, #tpu.memory_space<vmem>>) semaphore(%arg11 : memref<!tpu.dma_semaphore, #tpu.memory_space<semaphore_mem>>)
      %dma_start3A_1351 = arith.constant 4 : i32
      %dma_start3A_1352 = arith.constant 1024 : i32
      %dma_start3A_1353 = tpu.memref_slice %arg9[%dma_start3A_1351, %dma_start3A_1352] : memref<8x1664xf32, #tpu.memory_space<vmem>> -> memref<1x128xf32, #tpu.memory_space<vmem>>
      %dma_start3A_1354 = tpu.memref_squeeze %dma_start3A_1353 : memref<1x128xf32, #tpu.memory_space<vmem>> -> memref<128xf32, #tpu.memory_space<vmem>>
      %dma_start3A_1355 = arith.constant 7680 : i32
      %dma_start3A_1356 = tpu.memref_slice %arg7[%dma_start3A_1355] : memref<13312xi32, #tpu.memory_space<vmem>> -> memref<128xi32, #tpu.memory_space<vmem>>
      %dma_start3A_1357 = arith.constant 0 : i32
      %dma_start3A_1358 = tpu.memref_slice %arg2[%dma_start3A_1357] : memref<52428800xf32, #tpu.memory_space<hbm>> -> memref<52428800xf32, #tpu.memory_space<hbm>>
      tpu.enqueue_indirect_dma source(%dma_start3A_1358 : memref<52428800xf32, #tpu.memory_space<hbm>>) target(%dma_start3A_1354 : memref<128xf32, #tpu.memory_space<vmem>>) offsets(%dma_start3A_1356 : memref<128xi32, #tpu.memory_space<vmem>>) semaphore(%arg11 : memref<!tpu.dma_semaphore, #tpu.memory_space<semaphore_mem>>)
      %dma_start3A_1359 = arith.constant 4 : i32
      %dma_start3A_1360 = arith.constant 1152 : i32
      %dma_start3A_1361 = tpu.memref_slice %arg9[%dma_start3A_1359, %dma_start3A_1360] : memref<8x1664xf32, #tpu.memory_space<vmem>> -> memref<1x128xf32, #tpu.memory_space<vmem>>
      %dma_start3A_1362 = tpu.memref_squeeze %dma_start3A_1361 : memref<1x128xf32, #tpu.memory_space<vmem>> -> memref<128xf32, #tpu.memory_space<vmem>>
      %dma_start3A_1363 = arith.constant 7808 : i32
      %dma_start3A_1364 = tpu.memref_slice %arg7[%dma_start3A_1363] : memref<13312xi32, #tpu.memory_space<vmem>> -> memref<128xi32, #tpu.memory_space<vmem>>
      %dma_start3A_1365 = arith.constant 0 : i32
      %dma_start3A_1366 = tpu.memref_slice %arg2[%dma_start3A_1365] : memref<52428800xf32, #tpu.memory_space<hbm>> -> memref<52428800xf32, #tpu.memory_space<hbm>>
      tpu.enqueue_indirect_dma source(%dma_start3A_1366 : memref<52428800xf32, #tpu.memory_space<hbm>>) target(%dma_start3A_1362 : memref<128xf32, #tpu.memory_space<vmem>>) offsets(%dma_start3A_1364 : memref<128xi32, #tpu.memory_space<vmem>>) semaphore(%arg11 : memref<!tpu.dma_semaphore, #tpu.memory_space<semaphore_mem>>)
      %dma_start3A_1367 = arith.constant 4 : i32
      %dma_start3A_1368 = arith.constant 1280 : i32
      %dma_start3A_1369 = tpu.memref_slice %arg9[%dma_start3A_1367, %dma_start3A_1368] : memref<8x1664xf32, #tpu.memory_space<vmem>> -> memref<1x128xf32, #tpu.memory_space<vmem>>
      %dma_start3A_1370 = tpu.memref_squeeze %dma_start3A_1369 : memref<1x128xf32, #tpu.memory_space<vmem>> -> memref<128xf32, #tpu.memory_space<vmem>>
      %dma_start3A_1371 = arith.constant 7936 : i32
      %dma_start3A_1372 = tpu.memref_slice %arg7[%dma_start3A_1371] : memref<13312xi32, #tpu.memory_space<vmem>> -> memref<128xi32, #tpu.memory_space<vmem>>
      %dma_start3A_1373 = arith.constant 0 : i32
      %dma_start3A_1374 = tpu.memref_slice %arg2[%dma_start3A_1373] : memref<52428800xf32, #tpu.memory_space<hbm>> -> memref<52428800xf32, #tpu.memory_space<hbm>>
      tpu.enqueue_indirect_dma source(%dma_start3A_1374 : memref<52428800xf32, #tpu.memory_space<hbm>>) target(%dma_start3A_1370 : memref<128xf32, #tpu.memory_space<vmem>>) offsets(%dma_start3A_1372 : memref<128xi32, #tpu.memory_space<vmem>>) semaphore(%arg11 : memref<!tpu.dma_semaphore, #tpu.memory_space<semaphore_mem>>)
      %dma_start3A_1375 = arith.constant 4 : i32
      %dma_start3A_1376 = arith.constant 1408 : i32
      %dma_start3A_1377 = tpu.memref_slice %arg9[%dma_start3A_1375, %dma_start3A_1376] : memref<8x1664xf32, #tpu.memory_space<vmem>> -> memref<1x128xf32, #tpu.memory_space<vmem>>
      %dma_start3A_1378 = tpu.memref_squeeze %dma_start3A_1377 : memref<1x128xf32, #tpu.memory_space<vmem>> -> memref<128xf32, #tpu.memory_space<vmem>>
      %dma_start3A_1379 = arith.constant 8064 : i32
      %dma_start3A_1380 = tpu.memref_slice %arg7[%dma_start3A_1379] : memref<13312xi32, #tpu.memory_space<vmem>> -> memref<128xi32, #tpu.memory_space<vmem>>
      %dma_start3A_1381 = arith.constant 0 : i32
      %dma_start3A_1382 = tpu.memref_slice %arg2[%dma_start3A_1381] : memref<52428800xf32, #tpu.memory_space<hbm>> -> memref<52428800xf32, #tpu.memory_space<hbm>>
      tpu.enqueue_indirect_dma source(%dma_start3A_1382 : memref<52428800xf32, #tpu.memory_space<hbm>>) target(%dma_start3A_1378 : memref<128xf32, #tpu.memory_space<vmem>>) offsets(%dma_start3A_1380 : memref<128xi32, #tpu.memory_space<vmem>>) semaphore(%arg11 : memref<!tpu.dma_semaphore, #tpu.memory_space<semaphore_mem>>)
      %dma_start3A_1383 = arith.constant 4 : i32
      %dma_start3A_1384 = arith.constant 1536 : i32
      %dma_start3A_1385 = tpu.memref_slice %arg9[%dma_start3A_1383, %dma_start3A_1384] : memref<8x1664xf32, #tpu.memory_space<vmem>> -> memref<1x128xf32, #tpu.memory_space<vmem>>
      %dma_start3A_1386 = tpu.memref_squeeze %dma_start3A_1385 : memref<1x128xf32, #tpu.memory_space<vmem>> -> memref<128xf32, #tpu.memory_space<vmem>>
      %dma_start3A_1387 = arith.constant 8192 : i32
      %dma_start3A_1388 = tpu.memref_slice %arg7[%dma_start3A_1387] : memref<13312xi32, #tpu.memory_space<vmem>> -> memref<128xi32, #tpu.memory_space<vmem>>
      %dma_start3A_1389 = arith.constant 0 : i32
      %dma_start3A_1390 = tpu.memref_slice %arg2[%dma_start3A_1389] : memref<52428800xf32, #tpu.memory_space<hbm>> -> memref<52428800xf32, #tpu.memory_space<hbm>>
      tpu.enqueue_indirect_dma source(%dma_start3A_1390 : memref<52428800xf32, #tpu.memory_space<hbm>>) target(%dma_start3A_1386 : memref<128xf32, #tpu.memory_space<vmem>>) offsets(%dma_start3A_1388 : memref<128xi32, #tpu.memory_space<vmem>>) semaphore(%arg11 : memref<!tpu.dma_semaphore, #tpu.memory_space<semaphore_mem>>)
      %dma_start3A_1391 = arith.constant 5 : i32
      %dma_start3A_1392 = arith.constant 0 : i32
      %dma_start3A_1393 = tpu.memref_slice %arg9[%dma_start3A_1391, %dma_start3A_1392] : memref<8x1664xf32, #tpu.memory_space<vmem>> -> memref<1x128xf32, #tpu.memory_space<vmem>>
      %dma_start3A_1394 = tpu.memref_squeeze %dma_start3A_1393 : memref<1x128xf32, #tpu.memory_space<vmem>> -> memref<128xf32, #tpu.memory_space<vmem>>
      %dma_start3A_1395 = arith.constant 8320 : i32
      %dma_start3A_1396 = tpu.memref_slice %arg7[%dma_start3A_1395] : memref<13312xi32, #tpu.memory_space<vmem>> -> memref<128xi32, #tpu.memory_space<vmem>>
      %dma_start3A_1397 = arith.constant 0 : i32
      %dma_start3A_1398 = tpu.memref_slice %arg2[%dma_start3A_1397] : memref<52428800xf32, #tpu.memory_space<hbm>> -> memref<52428800xf32, #tpu.memory_space<hbm>>
      tpu.enqueue_indirect_dma source(%dma_start3A_1398 : memref<52428800xf32, #tpu.memory_space<hbm>>) target(%dma_start3A_1394 : memref<128xf32, #tpu.memory_space<vmem>>) offsets(%dma_start3A_1396 : memref<128xi32, #tpu.memory_space<vmem>>) semaphore(%arg11 : memref<!tpu.dma_semaphore, #tpu.memory_space<semaphore_mem>>)
      %dma_start3A_1399 = arith.constant 5 : i32
      %dma_start3A_1400 = arith.constant 128 : i32
      %dma_start3A_1401 = tpu.memref_slice %arg9[%dma_start3A_1399, %dma_start3A_1400] : memref<8x1664xf32, #tpu.memory_space<vmem>> -> memref<1x128xf32, #tpu.memory_space<vmem>>
      %dma_start3A_1402 = tpu.memref_squeeze %dma_start3A_1401 : memref<1x128xf32, #tpu.memory_space<vmem>> -> memref<128xf32, #tpu.memory_space<vmem>>
      %dma_start3A_1403 = arith.constant 8448 : i32
      %dma_start3A_1404 = tpu.memref_slice %arg7[%dma_start3A_1403] : memref<13312xi32, #tpu.memory_space<vmem>> -> memref<128xi32, #tpu.memory_space<vmem>>
      %dma_start3A_1405 = arith.constant 0 : i32
      %dma_start3A_1406 = tpu.memref_slice %arg2[%dma_start3A_1405] : memref<52428800xf32, #tpu.memory_space<hbm>> -> memref<52428800xf32, #tpu.memory_space<hbm>>
      tpu.enqueue_indirect_dma source(%dma_start3A_1406 : memref<52428800xf32, #tpu.memory_space<hbm>>) target(%dma_start3A_1402 : memref<128xf32, #tpu.memory_space<vmem>>) offsets(%dma_start3A_1404 : memref<128xi32, #tpu.memory_space<vmem>>) semaphore(%arg11 : memref<!tpu.dma_semaphore, #tpu.memory_space<semaphore_mem>>)
      %dma_start3A_1407 = arith.constant 5 : i32
      %dma_start3A_1408 = arith.constant 256 : i32
      %dma_start3A_1409 = tpu.memref_slice %arg9[%dma_start3A_1407, %dma_start3A_1408] : memref<8x1664xf32, #tpu.memory_space<vmem>> -> memref<1x128xf32, #tpu.memory_space<vmem>>
      %dma_start3A_1410 = tpu.memref_squeeze %dma_start3A_1409 : memref<1x128xf32, #tpu.memory_space<vmem>> -> memref<128xf32, #tpu.memory_space<vmem>>
      %dma_start3A_1411 = arith.constant 8576 : i32
      %dma_start3A_1412 = tpu.memref_slice %arg7[%dma_start3A_1411] : memref<13312xi32, #tpu.memory_space<vmem>> -> memref<128xi32, #tpu.memory_space<vmem>>
      %dma_start3A_1413 = arith.constant 0 : i32
      %dma_start3A_1414 = tpu.memref_slice %arg2[%dma_start3A_1413] : memref<52428800xf32, #tpu.memory_space<hbm>> -> memref<52428800xf32, #tpu.memory_space<hbm>>
      tpu.enqueue_indirect_dma source(%dma_start3A_1414 : memref<52428800xf32, #tpu.memory_space<hbm>>) target(%dma_start3A_1410 : memref<128xf32, #tpu.memory_space<vmem>>) offsets(%dma_start3A_1412 : memref<128xi32, #tpu.memory_space<vmem>>) semaphore(%arg11 : memref<!tpu.dma_semaphore, #tpu.memory_space<semaphore_mem>>)
      %dma_start3A_1415 = arith.constant 5 : i32
      %dma_start3A_1416 = arith.constant 384 : i32
      %dma_start3A_1417 = tpu.memref_slice %arg9[%dma_start3A_1415, %dma_start3A_1416] : memref<8x1664xf32, #tpu.memory_space<vmem>> -> memref<1x128xf32, #tpu.memory_space<vmem>>
      %dma_start3A_1418 = tpu.memref_squeeze %dma_start3A_1417 : memref<1x128xf32, #tpu.memory_space<vmem>> -> memref<128xf32, #tpu.memory_space<vmem>>
      %dma_start3A_1419 = arith.constant 8704 : i32
      %dma_start3A_1420 = tpu.memref_slice %arg7[%dma_start3A_1419] : memref<13312xi32, #tpu.memory_space<vmem>> -> memref<128xi32, #tpu.memory_space<vmem>>
      %dma_start3A_1421 = arith.constant 0 : i32
      %dma_start3A_1422 = tpu.memref_slice %arg2[%dma_start3A_1421] : memref<52428800xf32, #tpu.memory_space<hbm>> -> memref<52428800xf32, #tpu.memory_space<hbm>>
      tpu.enqueue_indirect_dma source(%dma_start3A_1422 : memref<52428800xf32, #tpu.memory_space<hbm>>) target(%dma_start3A_1418 : memref<128xf32, #tpu.memory_space<vmem>>) offsets(%dma_start3A_1420 : memref<128xi32, #tpu.memory_space<vmem>>) semaphore(%arg11 : memref<!tpu.dma_semaphore, #tpu.memory_space<semaphore_mem>>)
      %dma_start3A_1423 = arith.constant 5 : i32
      %dma_start3A_1424 = arith.constant 512 : i32
      %dma_start3A_1425 = tpu.memref_slice %arg9[%dma_start3A_1423, %dma_start3A_1424] : memref<8x1664xf32, #tpu.memory_space<vmem>> -> memref<1x128xf32, #tpu.memory_space<vmem>>
      %dma_start3A_1426 = tpu.memref_squeeze %dma_start3A_1425 : memref<1x128xf32, #tpu.memory_space<vmem>> -> memref<128xf32, #tpu.memory_space<vmem>>
      %dma_start3A_1427 = arith.constant 8832 : i32
      %dma_start3A_1428 = tpu.memref_slice %arg7[%dma_start3A_1427] : memref<13312xi32, #tpu.memory_space<vmem>> -> memref<128xi32, #tpu.memory_space<vmem>>
      %dma_start3A_1429 = arith.constant 0 : i32
      %dma_start3A_1430 = tpu.memref_slice %arg2[%dma_start3A_1429] : memref<52428800xf32, #tpu.memory_space<hbm>> -> memref<52428800xf32, #tpu.memory_space<hbm>>
      tpu.enqueue_indirect_dma source(%dma_start3A_1430 : memref<52428800xf32, #tpu.memory_space<hbm>>) target(%dma_start3A_1426 : memref<128xf32, #tpu.memory_space<vmem>>) offsets(%dma_start3A_1428 : memref<128xi32, #tpu.memory_space<vmem>>) semaphore(%arg11 : memref<!tpu.dma_semaphore, #tpu.memory_space<semaphore_mem>>)
      %dma_start3A_1431 = arith.constant 5 : i32
      %dma_start3A_1432 = arith.constant 640 : i32
      %dma_start3A_1433 = tpu.memref_slice %arg9[%dma_start3A_1431, %dma_start3A_1432] : memref<8x1664xf32, #tpu.memory_space<vmem>> -> memref<1x128xf32, #tpu.memory_space<vmem>>
      %dma_start3A_1434 = tpu.memref_squeeze %dma_start3A_1433 : memref<1x128xf32, #tpu.memory_space<vmem>> -> memref<128xf32, #tpu.memory_space<vmem>>
      %dma_start3A_1435 = arith.constant 8960 : i32
      %dma_start3A_1436 = tpu.memref_slice %arg7[%dma_start3A_1435] : memref<13312xi32, #tpu.memory_space<vmem>> -> memref<128xi32, #tpu.memory_space<vmem>>
      %dma_start3A_1437 = arith.constant 0 : i32
      %dma_start3A_1438 = tpu.memref_slice %arg2[%dma_start3A_1437] : memref<52428800xf32, #tpu.memory_space<hbm>> -> memref<52428800xf32, #tpu.memory_space<hbm>>
      tpu.enqueue_indirect_dma source(%dma_start3A_1438 : memref<52428800xf32, #tpu.memory_space<hbm>>) target(%dma_start3A_1434 : memref<128xf32, #tpu.memory_space<vmem>>) offsets(%dma_start3A_1436 : memref<128xi32, #tpu.memory_space<vmem>>) semaphore(%arg11 : memref<!tpu.dma_semaphore, #tpu.memory_space<semaphore_mem>>)
      %dma_start3A_1439 = arith.constant 5 : i32
      %dma_start3A_1440 = arith.constant 768 : i32
      %dma_start3A_1441 = tpu.memref_slice %arg9[%dma_start3A_1439, %dma_start3A_1440] : memref<8x1664xf32, #tpu.memory_space<vmem>> -> memref<1x128xf32, #tpu.memory_space<vmem>>
      %dma_start3A_1442 = tpu.memref_squeeze %dma_start3A_1441 : memref<1x128xf32, #tpu.memory_space<vmem>> -> memref<128xf32, #tpu.memory_space<vmem>>
      %dma_start3A_1443 = arith.constant 9088 : i32
      %dma_start3A_1444 = tpu.memref_slice %arg7[%dma_start3A_1443] : memref<13312xi32, #tpu.memory_space<vmem>> -> memref<128xi32, #tpu.memory_space<vmem>>
      %dma_start3A_1445 = arith.constant 0 : i32
      %dma_start3A_1446 = tpu.memref_slice %arg2[%dma_start3A_1445] : memref<52428800xf32, #tpu.memory_space<hbm>> -> memref<52428800xf32, #tpu.memory_space<hbm>>
      tpu.enqueue_indirect_dma source(%dma_start3A_1446 : memref<52428800xf32, #tpu.memory_space<hbm>>) target(%dma_start3A_1442 : memref<128xf32, #tpu.memory_space<vmem>>) offsets(%dma_start3A_1444 : memref<128xi32, #tpu.memory_space<vmem>>) semaphore(%arg11 : memref<!tpu.dma_semaphore, #tpu.memory_space<semaphore_mem>>)
      %dma_start3A_1447 = arith.constant 5 : i32
      %dma_start3A_1448 = arith.constant 896 : i32
      %dma_start3A_1449 = tpu.memref_slice %arg9[%dma_start3A_1447, %dma_start3A_1448] : memref<8x1664xf32, #tpu.memory_space<vmem>> -> memref<1x128xf32, #tpu.memory_space<vmem>>
      %dma_start3A_1450 = tpu.memref_squeeze %dma_start3A_1449 : memref<1x128xf32, #tpu.memory_space<vmem>> -> memref<128xf32, #tpu.memory_space<vmem>>
      %dma_start3A_1451 = arith.constant 9216 : i32
      %dma_start3A_1452 = tpu.memref_slice %arg7[%dma_start3A_1451] : memref<13312xi32, #tpu.memory_space<vmem>> -> memref<128xi32, #tpu.memory_space<vmem>>
      %dma_start3A_1453 = arith.constant 0 : i32
      %dma_start3A_1454 = tpu.memref_slice %arg2[%dma_start3A_1453] : memref<52428800xf32, #tpu.memory_space<hbm>> -> memref<52428800xf32, #tpu.memory_space<hbm>>
      tpu.enqueue_indirect_dma source(%dma_start3A_1454 : memref<52428800xf32, #tpu.memory_space<hbm>>) target(%dma_start3A_1450 : memref<128xf32, #tpu.memory_space<vmem>>) offsets(%dma_start3A_1452 : memref<128xi32, #tpu.memory_space<vmem>>) semaphore(%arg11 : memref<!tpu.dma_semaphore, #tpu.memory_space<semaphore_mem>>)
      %dma_start3A_1455 = arith.constant 5 : i32
      %dma_start3A_1456 = arith.constant 1024 : i32
      %dma_start3A_1457 = tpu.memref_slice %arg9[%dma_start3A_1455, %dma_start3A_1456] : memref<8x1664xf32, #tpu.memory_space<vmem>> -> memref<1x128xf32, #tpu.memory_space<vmem>>
      %dma_start3A_1458 = tpu.memref_squeeze %dma_start3A_1457 : memref<1x128xf32, #tpu.memory_space<vmem>> -> memref<128xf32, #tpu.memory_space<vmem>>
      %dma_start3A_1459 = arith.constant 9344 : i32
      %dma_start3A_1460 = tpu.memref_slice %arg7[%dma_start3A_1459] : memref<13312xi32, #tpu.memory_space<vmem>> -> memref<128xi32, #tpu.memory_space<vmem>>
      %dma_start3A_1461 = arith.constant 0 : i32
      %dma_start3A_1462 = tpu.memref_slice %arg2[%dma_start3A_1461] : memref<52428800xf32, #tpu.memory_space<hbm>> -> memref<52428800xf32, #tpu.memory_space<hbm>>
      tpu.enqueue_indirect_dma source(%dma_start3A_1462 : memref<52428800xf32, #tpu.memory_space<hbm>>) target(%dma_start3A_1458 : memref<128xf32, #tpu.memory_space<vmem>>) offsets(%dma_start3A_1460 : memref<128xi32, #tpu.memory_space<vmem>>) semaphore(%arg11 : memref<!tpu.dma_semaphore, #tpu.memory_space<semaphore_mem>>)
      %dma_start3A_1463 = arith.constant 5 : i32
      %dma_start3A_1464 = arith.constant 1152 : i32
      %dma_start3A_1465 = tpu.memref_slice %arg9[%dma_start3A_1463, %dma_start3A_1464] : memref<8x1664xf32, #tpu.memory_space<vmem>> -> memref<1x128xf32, #tpu.memory_space<vmem>>
      %dma_start3A_1466 = tpu.memref_squeeze %dma_start3A_1465 : memref<1x128xf32, #tpu.memory_space<vmem>> -> memref<128xf32, #tpu.memory_space<vmem>>
      %dma_start3A_1467 = arith.constant 9472 : i32
      %dma_start3A_1468 = tpu.memref_slice %arg7[%dma_start3A_1467] : memref<13312xi32, #tpu.memory_space<vmem>> -> memref<128xi32, #tpu.memory_space<vmem>>
      %dma_start3A_1469 = arith.constant 0 : i32
      %dma_start3A_1470 = tpu.memref_slice %arg2[%dma_start3A_1469] : memref<52428800xf32, #tpu.memory_space<hbm>> -> memref<52428800xf32, #tpu.memory_space<hbm>>
      tpu.enqueue_indirect_dma source(%dma_start3A_1470 : memref<52428800xf32, #tpu.memory_space<hbm>>) target(%dma_start3A_1466 : memref<128xf32, #tpu.memory_space<vmem>>) offsets(%dma_start3A_1468 : memref<128xi32, #tpu.memory_space<vmem>>) semaphore(%arg11 : memref<!tpu.dma_semaphore, #tpu.memory_space<semaphore_mem>>)
      %dma_start3A_1471 = arith.constant 5 : i32
      %dma_start3A_1472 = arith.constant 1280 : i32
      %dma_start3A_1473 = tpu.memref_slice %arg9[%dma_start3A_1471, %dma_start3A_1472] : memref<8x1664xf32, #tpu.memory_space<vmem>> -> memref<1x128xf32, #tpu.memory_space<vmem>>
      %dma_start3A_1474 = tpu.memref_squeeze %dma_start3A_1473 : memref<1x128xf32, #tpu.memory_space<vmem>> -> memref<128xf32, #tpu.memory_space<vmem>>
      %dma_start3A_1475 = arith.constant 9600 : i32
      %dma_start3A_1476 = tpu.memref_slice %arg7[%dma_start3A_1475] : memref<13312xi32, #tpu.memory_space<vmem>> -> memref<128xi32, #tpu.memory_space<vmem>>
      %dma_start3A_1477 = arith.constant 0 : i32
      %dma_start3A_1478 = tpu.memref_slice %arg2[%dma_start3A_1477] : memref<52428800xf32, #tpu.memory_space<hbm>> -> memref<52428800xf32, #tpu.memory_space<hbm>>
      tpu.enqueue_indirect_dma source(%dma_start3A_1478 : memref<52428800xf32, #tpu.memory_space<hbm>>) target(%dma_start3A_1474 : memref<128xf32, #tpu.memory_space<vmem>>) offsets(%dma_start3A_1476 : memref<128xi32, #tpu.memory_space<vmem>>) semaphore(%arg11 : memref<!tpu.dma_semaphore, #tpu.memory_space<semaphore_mem>>)
      %dma_start3A_1479 = arith.constant 5 : i32
      %dma_start3A_1480 = arith.constant 1408 : i32
      %dma_start3A_1481 = tpu.memref_slice %arg9[%dma_start3A_1479, %dma_start3A_1480] : memref<8x1664xf32, #tpu.memory_space<vmem>> -> memref<1x128xf32, #tpu.memory_space<vmem>>
      %dma_start3A_1482 = tpu.memref_squeeze %dma_start3A_1481 : memref<1x128xf32, #tpu.memory_space<vmem>> -> memref<128xf32, #tpu.memory_space<vmem>>
      %dma_start3A_1483 = arith.constant 9728 : i32
      %dma_start3A_1484 = tpu.memref_slice %arg7[%dma_start3A_1483] : memref<13312xi32, #tpu.memory_space<vmem>> -> memref<128xi32, #tpu.memory_space<vmem>>
      %dma_start3A_1485 = arith.constant 0 : i32
      %dma_start3A_1486 = tpu.memref_slice %arg2[%dma_start3A_1485] : memref<52428800xf32, #tpu.memory_space<hbm>> -> memref<52428800xf32, #tpu.memory_space<hbm>>
      tpu.enqueue_indirect_dma source(%dma_start3A_1486 : memref<52428800xf32, #tpu.memory_space<hbm>>) target(%dma_start3A_1482 : memref<128xf32, #tpu.memory_space<vmem>>) offsets(%dma_start3A_1484 : memref<128xi32, #tpu.memory_space<vmem>>) semaphore(%arg11 : memref<!tpu.dma_semaphore, #tpu.memory_space<semaphore_mem>>)
      %dma_start3A_1487 = arith.constant 5 : i32
      %dma_start3A_1488 = arith.constant 1536 : i32
      %dma_start3A_1489 = tpu.memref_slice %arg9[%dma_start3A_1487, %dma_start3A_1488] : memref<8x1664xf32, #tpu.memory_space<vmem>> -> memref<1x128xf32, #tpu.memory_space<vmem>>
      %dma_start3A_1490 = tpu.memref_squeeze %dma_start3A_1489 : memref<1x128xf32, #tpu.memory_space<vmem>> -> memref<128xf32, #tpu.memory_space<vmem>>
      %dma_start3A_1491 = arith.constant 9856 : i32
      %dma_start3A_1492 = tpu.memref_slice %arg7[%dma_start3A_1491] : memref<13312xi32, #tpu.memory_space<vmem>> -> memref<128xi32, #tpu.memory_space<vmem>>
      %dma_start3A_1493 = arith.constant 0 : i32
      %dma_start3A_1494 = tpu.memref_slice %arg2[%dma_start3A_1493] : memref<52428800xf32, #tpu.memory_space<hbm>> -> memref<52428800xf32, #tpu.memory_space<hbm>>
      tpu.enqueue_indirect_dma source(%dma_start3A_1494 : memref<52428800xf32, #tpu.memory_space<hbm>>) target(%dma_start3A_1490 : memref<128xf32, #tpu.memory_space<vmem>>) offsets(%dma_start3A_1492 : memref<128xi32, #tpu.memory_space<vmem>>) semaphore(%arg11 : memref<!tpu.dma_semaphore, #tpu.memory_space<semaphore_mem>>)
      %dma_start3A_1495 = arith.constant 6 : i32
      %dma_start3A_1496 = arith.constant 0 : i32
      %dma_start3A_1497 = tpu.memref_slice %arg9[%dma_start3A_1495, %dma_start3A_1496] : memref<8x1664xf32, #tpu.memory_space<vmem>> -> memref<1x128xf32, #tpu.memory_space<vmem>>
      %dma_start3A_1498 = tpu.memref_squeeze %dma_start3A_1497 : memref<1x128xf32, #tpu.memory_space<vmem>> -> memref<128xf32, #tpu.memory_space<vmem>>
      %dma_start3A_1499 = arith.constant 9984 : i32
      %dma_start3A_1500 = tpu.memref_slice %arg7[%dma_start3A_1499] : memref<13312xi32, #tpu.memory_space<vmem>> -> memref<128xi32, #tpu.memory_space<vmem>>
      %dma_start3A_1501 = arith.constant 0 : i32
      %dma_start3A_1502 = tpu.memref_slice %arg2[%dma_start3A_1501] : memref<52428800xf32, #tpu.memory_space<hbm>> -> memref<52428800xf32, #tpu.memory_space<hbm>>
      tpu.enqueue_indirect_dma source(%dma_start3A_1502 : memref<52428800xf32, #tpu.memory_space<hbm>>) target(%dma_start3A_1498 : memref<128xf32, #tpu.memory_space<vmem>>) offsets(%dma_start3A_1500 : memref<128xi32, #tpu.memory_space<vmem>>) semaphore(%arg11 : memref<!tpu.dma_semaphore, #tpu.memory_space<semaphore_mem>>)
      %dma_start3A_1503 = arith.constant 6 : i32
      %dma_start3A_1504 = arith.constant 128 : i32
      %dma_start3A_1505 = tpu.memref_slice %arg9[%dma_start3A_1503, %dma_start3A_1504] : memref<8x1664xf32, #tpu.memory_space<vmem>> -> memref<1x128xf32, #tpu.memory_space<vmem>>
      %dma_start3A_1506 = tpu.memref_squeeze %dma_start3A_1505 : memref<1x128xf32, #tpu.memory_space<vmem>> -> memref<128xf32, #tpu.memory_space<vmem>>
      %dma_start3A_1507 = arith.constant 10112 : i32
      %dma_start3A_1508 = tpu.memref_slice %arg7[%dma_start3A_1507] : memref<13312xi32, #tpu.memory_space<vmem>> -> memref<128xi32, #tpu.memory_space<vmem>>
      %dma_start3A_1509 = arith.constant 0 : i32
      %dma_start3A_1510 = tpu.memref_slice %arg2[%dma_start3A_1509] : memref<52428800xf32, #tpu.memory_space<hbm>> -> memref<52428800xf32, #tpu.memory_space<hbm>>
      tpu.enqueue_indirect_dma source(%dma_start3A_1510 : memref<52428800xf32, #tpu.memory_space<hbm>>) target(%dma_start3A_1506 : memref<128xf32, #tpu.memory_space<vmem>>) offsets(%dma_start3A_1508 : memref<128xi32, #tpu.memory_space<vmem>>) semaphore(%arg11 : memref<!tpu.dma_semaphore, #tpu.memory_space<semaphore_mem>>)
      %dma_start3A_1511 = arith.constant 6 : i32
      %dma_start3A_1512 = arith.constant 256 : i32
      %dma_start3A_1513 = tpu.memref_slice %arg9[%dma_start3A_1511, %dma_start3A_1512] : memref<8x1664xf32, #tpu.memory_space<vmem>> -> memref<1x128xf32, #tpu.memory_space<vmem>>
      %dma_start3A_1514 = tpu.memref_squeeze %dma_start3A_1513 : memref<1x128xf32, #tpu.memory_space<vmem>> -> memref<128xf32, #tpu.memory_space<vmem>>
      %dma_start3A_1515 = arith.constant 10240 : i32
      %dma_start3A_1516 = tpu.memref_slice %arg7[%dma_start3A_1515] : memref<13312xi32, #tpu.memory_space<vmem>> -> memref<128xi32, #tpu.memory_space<vmem>>
      %dma_start3A_1517 = arith.constant 0 : i32
      %dma_start3A_1518 = tpu.memref_slice %arg2[%dma_start3A_1517] : memref<52428800xf32, #tpu.memory_space<hbm>> -> memref<52428800xf32, #tpu.memory_space<hbm>>
      tpu.enqueue_indirect_dma source(%dma_start3A_1518 : memref<52428800xf32, #tpu.memory_space<hbm>>) target(%dma_start3A_1514 : memref<128xf32, #tpu.memory_space<vmem>>) offsets(%dma_start3A_1516 : memref<128xi32, #tpu.memory_space<vmem>>) semaphore(%arg11 : memref<!tpu.dma_semaphore, #tpu.memory_space<semaphore_mem>>)
      %dma_start3A_1519 = arith.constant 6 : i32
      %dma_start3A_1520 = arith.constant 384 : i32
      %dma_start3A_1521 = tpu.memref_slice %arg9[%dma_start3A_1519, %dma_start3A_1520] : memref<8x1664xf32, #tpu.memory_space<vmem>> -> memref<1x128xf32, #tpu.memory_space<vmem>>
      %dma_start3A_1522 = tpu.memref_squeeze %dma_start3A_1521 : memref<1x128xf32, #tpu.memory_space<vmem>> -> memref<128xf32, #tpu.memory_space<vmem>>
      %dma_start3A_1523 = arith.constant 10368 : i32
      %dma_start3A_1524 = tpu.memref_slice %arg7[%dma_start3A_1523] : memref<13312xi32, #tpu.memory_space<vmem>> -> memref<128xi32, #tpu.memory_space<vmem>>
      %dma_start3A_1525 = arith.constant 0 : i32
      %dma_start3A_1526 = tpu.memref_slice %arg2[%dma_start3A_1525] : memref<52428800xf32, #tpu.memory_space<hbm>> -> memref<52428800xf32, #tpu.memory_space<hbm>>
      tpu.enqueue_indirect_dma source(%dma_start3A_1526 : memref<52428800xf32, #tpu.memory_space<hbm>>) target(%dma_start3A_1522 : memref<128xf32, #tpu.memory_space<vmem>>) offsets(%dma_start3A_1524 : memref<128xi32, #tpu.memory_space<vmem>>) semaphore(%arg11 : memref<!tpu.dma_semaphore, #tpu.memory_space<semaphore_mem>>)
      %dma_start3A_1527 = arith.constant 6 : i32
      %dma_start3A_1528 = arith.constant 512 : i32
      %dma_start3A_1529 = tpu.memref_slice %arg9[%dma_start3A_1527, %dma_start3A_1528] : memref<8x1664xf32, #tpu.memory_space<vmem>> -> memref<1x128xf32, #tpu.memory_space<vmem>>
      %dma_start3A_1530 = tpu.memref_squeeze %dma_start3A_1529 : memref<1x128xf32, #tpu.memory_space<vmem>> -> memref<128xf32, #tpu.memory_space<vmem>>
      %dma_start3A_1531 = arith.constant 10496 : i32
      %dma_start3A_1532 = tpu.memref_slice %arg7[%dma_start3A_1531] : memref<13312xi32, #tpu.memory_space<vmem>> -> memref<128xi32, #tpu.memory_space<vmem>>
      %dma_start3A_1533 = arith.constant 0 : i32
      %dma_start3A_1534 = tpu.memref_slice %arg2[%dma_start3A_1533] : memref<52428800xf32, #tpu.memory_space<hbm>> -> memref<52428800xf32, #tpu.memory_space<hbm>>
      tpu.enqueue_indirect_dma source(%dma_start3A_1534 : memref<52428800xf32, #tpu.memory_space<hbm>>) target(%dma_start3A_1530 : memref<128xf32, #tpu.memory_space<vmem>>) offsets(%dma_start3A_1532 : memref<128xi32, #tpu.memory_space<vmem>>) semaphore(%arg11 : memref<!tpu.dma_semaphore, #tpu.memory_space<semaphore_mem>>)
      %dma_start3A_1535 = arith.constant 6 : i32
      %dma_start3A_1536 = arith.constant 640 : i32
      %dma_start3A_1537 = tpu.memref_slice %arg9[%dma_start3A_1535, %dma_start3A_1536] : memref<8x1664xf32, #tpu.memory_space<vmem>> -> memref<1x128xf32, #tpu.memory_space<vmem>>
      %dma_start3A_1538 = tpu.memref_squeeze %dma_start3A_1537 : memref<1x128xf32, #tpu.memory_space<vmem>> -> memref<128xf32, #tpu.memory_space<vmem>>
      %dma_start3A_1539 = arith.constant 10624 : i32
      %dma_start3A_1540 = tpu.memref_slice %arg7[%dma_start3A_1539] : memref<13312xi32, #tpu.memory_space<vmem>> -> memref<128xi32, #tpu.memory_space<vmem>>
      %dma_start3A_1541 = arith.constant 0 : i32
      %dma_start3A_1542 = tpu.memref_slice %arg2[%dma_start3A_1541] : memref<52428800xf32, #tpu.memory_space<hbm>> -> memref<52428800xf32, #tpu.memory_space<hbm>>
      tpu.enqueue_indirect_dma source(%dma_start3A_1542 : memref<52428800xf32, #tpu.memory_space<hbm>>) target(%dma_start3A_1538 : memref<128xf32, #tpu.memory_space<vmem>>) offsets(%dma_start3A_1540 : memref<128xi32, #tpu.memory_space<vmem>>) semaphore(%arg11 : memref<!tpu.dma_semaphore, #tpu.memory_space<semaphore_mem>>)
      %dma_start3A_1543 = arith.constant 6 : i32
      %dma_start3A_1544 = arith.constant 768 : i32
      %dma_start3A_1545 = tpu.memref_slice %arg9[%dma_start3A_1543, %dma_start3A_1544] : memref<8x1664xf32, #tpu.memory_space<vmem>> -> memref<1x128xf32, #tpu.memory_space<vmem>>
      %dma_start3A_1546 = tpu.memref_squeeze %dma_start3A_1545 : memref<1x128xf32, #tpu.memory_space<vmem>> -> memref<128xf32, #tpu.memory_space<vmem>>
      %dma_start3A_1547 = arith.constant 10752 : i32
      %dma_start3A_1548 = tpu.memref_slice %arg7[%dma_start3A_1547] : memref<13312xi32, #tpu.memory_space<vmem>> -> memref<128xi32, #tpu.memory_space<vmem>>
      %dma_start3A_1549 = arith.constant 0 : i32
      %dma_start3A_1550 = tpu.memref_slice %arg2[%dma_start3A_1549] : memref<52428800xf32, #tpu.memory_space<hbm>> -> memref<52428800xf32, #tpu.memory_space<hbm>>
      tpu.enqueue_indirect_dma source(%dma_start3A_1550 : memref<52428800xf32, #tpu.memory_space<hbm>>) target(%dma_start3A_1546 : memref<128xf32, #tpu.memory_space<vmem>>) offsets(%dma_start3A_1548 : memref<128xi32, #tpu.memory_space<vmem>>) semaphore(%arg11 : memref<!tpu.dma_semaphore, #tpu.memory_space<semaphore_mem>>)
      %dma_start3A_1551 = arith.constant 6 : i32
      %dma_start3A_1552 = arith.constant 896 : i32
      %dma_start3A_1553 = tpu.memref_slice %arg9[%dma_start3A_1551, %dma_start3A_1552] : memref<8x1664xf32, #tpu.memory_space<vmem>> -> memref<1x128xf32, #tpu.memory_space<vmem>>
      %dma_start3A_1554 = tpu.memref_squeeze %dma_start3A_1553 : memref<1x128xf32, #tpu.memory_space<vmem>> -> memref<128xf32, #tpu.memory_space<vmem>>
      %dma_start3A_1555 = arith.constant 10880 : i32
      %dma_start3A_1556 = tpu.memref_slice %arg7[%dma_start3A_1555] : memref<13312xi32, #tpu.memory_space<vmem>> -> memref<128xi32, #tpu.memory_space<vmem>>
      %dma_start3A_1557 = arith.constant 0 : i32
      %dma_start3A_1558 = tpu.memref_slice %arg2[%dma_start3A_1557] : memref<52428800xf32, #tpu.memory_space<hbm>> -> memref<52428800xf32, #tpu.memory_space<hbm>>
      tpu.enqueue_indirect_dma source(%dma_start3A_1558 : memref<52428800xf32, #tpu.memory_space<hbm>>) target(%dma_start3A_1554 : memref<128xf32, #tpu.memory_space<vmem>>) offsets(%dma_start3A_1556 : memref<128xi32, #tpu.memory_space<vmem>>) semaphore(%arg11 : memref<!tpu.dma_semaphore, #tpu.memory_space<semaphore_mem>>)
      %dma_start3A_1559 = arith.constant 6 : i32
      %dma_start3A_1560 = arith.constant 1024 : i32
      %dma_start3A_1561 = tpu.memref_slice %arg9[%dma_start3A_1559, %dma_start3A_1560] : memref<8x1664xf32, #tpu.memory_space<vmem>> -> memref<1x128xf32, #tpu.memory_space<vmem>>
      %dma_start3A_1562 = tpu.memref_squeeze %dma_start3A_1561 : memref<1x128xf32, #tpu.memory_space<vmem>> -> memref<128xf32, #tpu.memory_space<vmem>>
      %dma_start3A_1563 = arith.constant 11008 : i32
      %dma_start3A_1564 = tpu.memref_slice %arg7[%dma_start3A_1563] : memref<13312xi32, #tpu.memory_space<vmem>> -> memref<128xi32, #tpu.memory_space<vmem>>
      %dma_start3A_1565 = arith.constant 0 : i32
      %dma_start3A_1566 = tpu.memref_slice %arg2[%dma_start3A_1565] : memref<52428800xf32, #tpu.memory_space<hbm>> -> memref<52428800xf32, #tpu.memory_space<hbm>>
      tpu.enqueue_indirect_dma source(%dma_start3A_1566 : memref<52428800xf32, #tpu.memory_space<hbm>>) target(%dma_start3A_1562 : memref<128xf32, #tpu.memory_space<vmem>>) offsets(%dma_start3A_1564 : memref<128xi32, #tpu.memory_space<vmem>>) semaphore(%arg11 : memref<!tpu.dma_semaphore, #tpu.memory_space<semaphore_mem>>)
      %dma_start3A_1567 = arith.constant 6 : i32
      %dma_start3A_1568 = arith.constant 1152 : i32
      %dma_start3A_1569 = tpu.memref_slice %arg9[%dma_start3A_1567, %dma_start3A_1568] : memref<8x1664xf32, #tpu.memory_space<vmem>> -> memref<1x128xf32, #tpu.memory_space<vmem>>
      %dma_start3A_1570 = tpu.memref_squeeze %dma_start3A_1569 : memref<1x128xf32, #tpu.memory_space<vmem>> -> memref<128xf32, #tpu.memory_space<vmem>>
      %dma_start3A_1571 = arith.constant 11136 : i32
      %dma_start3A_1572 = tpu.memref_slice %arg7[%dma_start3A_1571] : memref<13312xi32, #tpu.memory_space<vmem>> -> memref<128xi32, #tpu.memory_space<vmem>>
      %dma_start3A_1573 = arith.constant 0 : i32
      %dma_start3A_1574 = tpu.memref_slice %arg2[%dma_start3A_1573] : memref<52428800xf32, #tpu.memory_space<hbm>> -> memref<52428800xf32, #tpu.memory_space<hbm>>
      tpu.enqueue_indirect_dma source(%dma_start3A_1574 : memref<52428800xf32, #tpu.memory_space<hbm>>) target(%dma_start3A_1570 : memref<128xf32, #tpu.memory_space<vmem>>) offsets(%dma_start3A_1572 : memref<128xi32, #tpu.memory_space<vmem>>) semaphore(%arg11 : memref<!tpu.dma_semaphore, #tpu.memory_space<semaphore_mem>>)
      %dma_start3A_1575 = arith.constant 6 : i32
      %dma_start3A_1576 = arith.constant 1280 : i32
      %dma_start3A_1577 = tpu.memref_slice %arg9[%dma_start3A_1575, %dma_start3A_1576] : memref<8x1664xf32, #tpu.memory_space<vmem>> -> memref<1x128xf32, #tpu.memory_space<vmem>>
      %dma_start3A_1578 = tpu.memref_squeeze %dma_start3A_1577 : memref<1x128xf32, #tpu.memory_space<vmem>> -> memref<128xf32, #tpu.memory_space<vmem>>
      %dma_start3A_1579 = arith.constant 11264 : i32
      %dma_start3A_1580 = tpu.memref_slice %arg7[%dma_start3A_1579] : memref<13312xi32, #tpu.memory_space<vmem>> -> memref<128xi32, #tpu.memory_space<vmem>>
      %dma_start3A_1581 = arith.constant 0 : i32
      %dma_start3A_1582 = tpu.memref_slice %arg2[%dma_start3A_1581] : memref<52428800xf32, #tpu.memory_space<hbm>> -> memref<52428800xf32, #tpu.memory_space<hbm>>
      tpu.enqueue_indirect_dma source(%dma_start3A_1582 : memref<52428800xf32, #tpu.memory_space<hbm>>) target(%dma_start3A_1578 : memref<128xf32, #tpu.memory_space<vmem>>) offsets(%dma_start3A_1580 : memref<128xi32, #tpu.memory_space<vmem>>) semaphore(%arg11 : memref<!tpu.dma_semaphore, #tpu.memory_space<semaphore_mem>>)
      %dma_start3A_1583 = arith.constant 6 : i32
      %dma_start3A_1584 = arith.constant 1408 : i32
      %dma_start3A_1585 = tpu.memref_slice %arg9[%dma_start3A_1583, %dma_start3A_1584] : memref<8x1664xf32, #tpu.memory_space<vmem>> -> memref<1x128xf32, #tpu.memory_space<vmem>>
      %dma_start3A_1586 = tpu.memref_squeeze %dma_start3A_1585 : memref<1x128xf32, #tpu.memory_space<vmem>> -> memref<128xf32, #tpu.memory_space<vmem>>
      %dma_start3A_1587 = arith.constant 11392 : i32
      %dma_start3A_1588 = tpu.memref_slice %arg7[%dma_start3A_1587] : memref<13312xi32, #tpu.memory_space<vmem>> -> memref<128xi32, #tpu.memory_space<vmem>>
      %dma_start3A_1589 = arith.constant 0 : i32
      %dma_start3A_1590 = tpu.memref_slice %arg2[%dma_start3A_1589] : memref<52428800xf32, #tpu.memory_space<hbm>> -> memref<52428800xf32, #tpu.memory_space<hbm>>
      tpu.enqueue_indirect_dma source(%dma_start3A_1590 : memref<52428800xf32, #tpu.memory_space<hbm>>) target(%dma_start3A_1586 : memref<128xf32, #tpu.memory_space<vmem>>) offsets(%dma_start3A_1588 : memref<128xi32, #tpu.memory_space<vmem>>) semaphore(%arg11 : memref<!tpu.dma_semaphore, #tpu.memory_space<semaphore_mem>>)
      %dma_start3A_1591 = arith.constant 6 : i32
      %dma_start3A_1592 = arith.constant 1536 : i32
      %dma_start3A_1593 = tpu.memref_slice %arg9[%dma_start3A_1591, %dma_start3A_1592] : memref<8x1664xf32, #tpu.memory_space<vmem>> -> memref<1x128xf32, #tpu.memory_space<vmem>>
      %dma_start3A_1594 = tpu.memref_squeeze %dma_start3A_1593 : memref<1x128xf32, #tpu.memory_space<vmem>> -> memref<128xf32, #tpu.memory_space<vmem>>
      %dma_start3A_1595 = arith.constant 11520 : i32
      %dma_start3A_1596 = tpu.memref_slice %arg7[%dma_start3A_1595] : memref<13312xi32, #tpu.memory_space<vmem>> -> memref<128xi32, #tpu.memory_space<vmem>>
      %dma_start3A_1597 = arith.constant 0 : i32
      %dma_start3A_1598 = tpu.memref_slice %arg2[%dma_start3A_1597] : memref<52428800xf32, #tpu.memory_space<hbm>> -> memref<52428800xf32, #tpu.memory_space<hbm>>
      tpu.enqueue_indirect_dma source(%dma_start3A_1598 : memref<52428800xf32, #tpu.memory_space<hbm>>) target(%dma_start3A_1594 : memref<128xf32, #tpu.memory_space<vmem>>) offsets(%dma_start3A_1596 : memref<128xi32, #tpu.memory_space<vmem>>) semaphore(%arg11 : memref<!tpu.dma_semaphore, #tpu.memory_space<semaphore_mem>>)
      %dma_start3A_1599 = arith.constant 7 : i32
      %dma_start3A_1600 = arith.constant 0 : i32
      %dma_start3A_1601 = tpu.memref_slice %arg9[%dma_start3A_1599, %dma_start3A_1600] : memref<8x1664xf32, #tpu.memory_space<vmem>> -> memref<1x128xf32, #tpu.memory_space<vmem>>
      %dma_start3A_1602 = tpu.memref_squeeze %dma_start3A_1601 : memref<1x128xf32, #tpu.memory_space<vmem>> -> memref<128xf32, #tpu.memory_space<vmem>>
      %dma_start3A_1603 = arith.constant 11648 : i32
      %dma_start3A_1604 = tpu.memref_slice %arg7[%dma_start3A_1603] : memref<13312xi32, #tpu.memory_space<vmem>> -> memref<128xi32, #tpu.memory_space<vmem>>
      %dma_start3A_1605 = arith.constant 0 : i32
      %dma_start3A_1606 = tpu.memref_slice %arg2[%dma_start3A_1605] : memref<52428800xf32, #tpu.memory_space<hbm>> -> memref<52428800xf32, #tpu.memory_space<hbm>>
      tpu.enqueue_indirect_dma source(%dma_start3A_1606 : memref<52428800xf32, #tpu.memory_space<hbm>>) target(%dma_start3A_1602 : memref<128xf32, #tpu.memory_space<vmem>>) offsets(%dma_start3A_1604 : memref<128xi32, #tpu.memory_space<vmem>>) semaphore(%arg11 : memref<!tpu.dma_semaphore, #tpu.memory_space<semaphore_mem>>)
      %dma_start3A_1607 = arith.constant 7 : i32
      %dma_start3A_1608 = arith.constant 128 : i32
      %dma_start3A_1609 = tpu.memref_slice %arg9[%dma_start3A_1607, %dma_start3A_1608] : memref<8x1664xf32, #tpu.memory_space<vmem>> -> memref<1x128xf32, #tpu.memory_space<vmem>>
      %dma_start3A_1610 = tpu.memref_squeeze %dma_start3A_1609 : memref<1x128xf32, #tpu.memory_space<vmem>> -> memref<128xf32, #tpu.memory_space<vmem>>
      %dma_start3A_1611 = arith.constant 11776 : i32
      %dma_start3A_1612 = tpu.memref_slice %arg7[%dma_start3A_1611] : memref<13312xi32, #tpu.memory_space<vmem>> -> memref<128xi32, #tpu.memory_space<vmem>>
      %dma_start3A_1613 = arith.constant 0 : i32
      %dma_start3A_1614 = tpu.memref_slice %arg2[%dma_start3A_1613] : memref<52428800xf32, #tpu.memory_space<hbm>> -> memref<52428800xf32, #tpu.memory_space<hbm>>
      tpu.enqueue_indirect_dma source(%dma_start3A_1614 : memref<52428800xf32, #tpu.memory_space<hbm>>) target(%dma_start3A_1610 : memref<128xf32, #tpu.memory_space<vmem>>) offsets(%dma_start3A_1612 : memref<128xi32, #tpu.memory_space<vmem>>) semaphore(%arg11 : memref<!tpu.dma_semaphore, #tpu.memory_space<semaphore_mem>>)
      %dma_start3A_1615 = arith.constant 7 : i32
      %dma_start3A_1616 = arith.constant 256 : i32
      %dma_start3A_1617 = tpu.memref_slice %arg9[%dma_start3A_1615, %dma_start3A_1616] : memref<8x1664xf32, #tpu.memory_space<vmem>> -> memref<1x128xf32, #tpu.memory_space<vmem>>
      %dma_start3A_1618 = tpu.memref_squeeze %dma_start3A_1617 : memref<1x128xf32, #tpu.memory_space<vmem>> -> memref<128xf32, #tpu.memory_space<vmem>>
      %dma_start3A_1619 = arith.constant 11904 : i32
      %dma_start3A_1620 = tpu.memref_slice %arg7[%dma_start3A_1619] : memref<13312xi32, #tpu.memory_space<vmem>> -> memref<128xi32, #tpu.memory_space<vmem>>
      %dma_start3A_1621 = arith.constant 0 : i32
      %dma_start3A_1622 = tpu.memref_slice %arg2[%dma_start3A_1621] : memref<52428800xf32, #tpu.memory_space<hbm>> -> memref<52428800xf32, #tpu.memory_space<hbm>>
      tpu.enqueue_indirect_dma source(%dma_start3A_1622 : memref<52428800xf32, #tpu.memory_space<hbm>>) target(%dma_start3A_1618 : memref<128xf32, #tpu.memory_space<vmem>>) offsets(%dma_start3A_1620 : memref<128xi32, #tpu.memory_space<vmem>>) semaphore(%arg11 : memref<!tpu.dma_semaphore, #tpu.memory_space<semaphore_mem>>)
      %dma_start3A_1623 = arith.constant 7 : i32
      %dma_start3A_1624 = arith.constant 384 : i32
      %dma_start3A_1625 = tpu.memref_slice %arg9[%dma_start3A_1623, %dma_start3A_1624] : memref<8x1664xf32, #tpu.memory_space<vmem>> -> memref<1x128xf32, #tpu.memory_space<vmem>>
      %dma_start3A_1626 = tpu.memref_squeeze %dma_start3A_1625 : memref<1x128xf32, #tpu.memory_space<vmem>> -> memref<128xf32, #tpu.memory_space<vmem>>
      %dma_start3A_1627 = arith.constant 12032 : i32
      %dma_start3A_1628 = tpu.memref_slice %arg7[%dma_start3A_1627] : memref<13312xi32, #tpu.memory_space<vmem>> -> memref<128xi32, #tpu.memory_space<vmem>>
      %dma_start3A_1629 = arith.constant 0 : i32
      %dma_start3A_1630 = tpu.memref_slice %arg2[%dma_start3A_1629] : memref<52428800xf32, #tpu.memory_space<hbm>> -> memref<52428800xf32, #tpu.memory_space<hbm>>
      tpu.enqueue_indirect_dma source(%dma_start3A_1630 : memref<52428800xf32, #tpu.memory_space<hbm>>) target(%dma_start3A_1626 : memref<128xf32, #tpu.memory_space<vmem>>) offsets(%dma_start3A_1628 : memref<128xi32, #tpu.memory_space<vmem>>) semaphore(%arg11 : memref<!tpu.dma_semaphore, #tpu.memory_space<semaphore_mem>>)
      %dma_start3A_1631 = arith.constant 7 : i32
      %dma_start3A_1632 = arith.constant 512 : i32
      %dma_start3A_1633 = tpu.memref_slice %arg9[%dma_start3A_1631, %dma_start3A_1632] : memref<8x1664xf32, #tpu.memory_space<vmem>> -> memref<1x128xf32, #tpu.memory_space<vmem>>
      %dma_start3A_1634 = tpu.memref_squeeze %dma_start3A_1633 : memref<1x128xf32, #tpu.memory_space<vmem>> -> memref<128xf32, #tpu.memory_space<vmem>>
      %dma_start3A_1635 = arith.constant 12160 : i32
      %dma_start3A_1636 = tpu.memref_slice %arg7[%dma_start3A_1635] : memref<13312xi32, #tpu.memory_space<vmem>> -> memref<128xi32, #tpu.memory_space<vmem>>
      %dma_start3A_1637 = arith.constant 0 : i32
      %dma_start3A_1638 = tpu.memref_slice %arg2[%dma_start3A_1637] : memref<52428800xf32, #tpu.memory_space<hbm>> -> memref<52428800xf32, #tpu.memory_space<hbm>>
      tpu.enqueue_indirect_dma source(%dma_start3A_1638 : memref<52428800xf32, #tpu.memory_space<hbm>>) target(%dma_start3A_1634 : memref<128xf32, #tpu.memory_space<vmem>>) offsets(%dma_start3A_1636 : memref<128xi32, #tpu.memory_space<vmem>>) semaphore(%arg11 : memref<!tpu.dma_semaphore, #tpu.memory_space<semaphore_mem>>)
      %dma_start3A_1639 = arith.constant 7 : i32
      %dma_start3A_1640 = arith.constant 640 : i32
      %dma_start3A_1641 = tpu.memref_slice %arg9[%dma_start3A_1639, %dma_start3A_1640] : memref<8x1664xf32, #tpu.memory_space<vmem>> -> memref<1x128xf32, #tpu.memory_space<vmem>>
      %dma_start3A_1642 = tpu.memref_squeeze %dma_start3A_1641 : memref<1x128xf32, #tpu.memory_space<vmem>> -> memref<128xf32, #tpu.memory_space<vmem>>
      %dma_start3A_1643 = arith.constant 12288 : i32
      %dma_start3A_1644 = tpu.memref_slice %arg7[%dma_start3A_1643] : memref<13312xi32, #tpu.memory_space<vmem>> -> memref<128xi32, #tpu.memory_space<vmem>>
      %dma_start3A_1645 = arith.constant 0 : i32
      %dma_start3A_1646 = tpu.memref_slice %arg2[%dma_start3A_1645] : memref<52428800xf32, #tpu.memory_space<hbm>> -> memref<52428800xf32, #tpu.memory_space<hbm>>
      tpu.enqueue_indirect_dma source(%dma_start3A_1646 : memref<52428800xf32, #tpu.memory_space<hbm>>) target(%dma_start3A_1642 : memref<128xf32, #tpu.memory_space<vmem>>) offsets(%dma_start3A_1644 : memref<128xi32, #tpu.memory_space<vmem>>) semaphore(%arg11 : memref<!tpu.dma_semaphore, #tpu.memory_space<semaphore_mem>>)
      %dma_start3A_1647 = arith.constant 7 : i32
      %dma_start3A_1648 = arith.constant 768 : i32
      %dma_start3A_1649 = tpu.memref_slice %arg9[%dma_start3A_1647, %dma_start3A_1648] : memref<8x1664xf32, #tpu.memory_space<vmem>> -> memref<1x128xf32, #tpu.memory_space<vmem>>
      %dma_start3A_1650 = tpu.memref_squeeze %dma_start3A_1649 : memref<1x128xf32, #tpu.memory_space<vmem>> -> memref<128xf32, #tpu.memory_space<vmem>>
      %dma_start3A_1651 = arith.constant 12416 : i32
      %dma_start3A_1652 = tpu.memref_slice %arg7[%dma_start3A_1651] : memref<13312xi32, #tpu.memory_space<vmem>> -> memref<128xi32, #tpu.memory_space<vmem>>
      %dma_start3A_1653 = arith.constant 0 : i32
      %dma_start3A_1654 = tpu.memref_slice %arg2[%dma_start3A_1653] : memref<52428800xf32, #tpu.memory_space<hbm>> -> memref<52428800xf32, #tpu.memory_space<hbm>>
      tpu.enqueue_indirect_dma source(%dma_start3A_1654 : memref<52428800xf32, #tpu.memory_space<hbm>>) target(%dma_start3A_1650 : memref<128xf32, #tpu.memory_space<vmem>>) offsets(%dma_start3A_1652 : memref<128xi32, #tpu.memory_space<vmem>>) semaphore(%arg11 : memref<!tpu.dma_semaphore, #tpu.memory_space<semaphore_mem>>)
      %dma_start3A_1655 = arith.constant 7 : i32
      %dma_start3A_1656 = arith.constant 896 : i32
      %dma_start3A_1657 = tpu.memref_slice %arg9[%dma_start3A_1655, %dma_start3A_1656] : memref<8x1664xf32, #tpu.memory_space<vmem>> -> memref<1x128xf32, #tpu.memory_space<vmem>>
      %dma_start3A_1658 = tpu.memref_squeeze %dma_start3A_1657 : memref<1x128xf32, #tpu.memory_space<vmem>> -> memref<128xf32, #tpu.memory_space<vmem>>
      %dma_start3A_1659 = arith.constant 12544 : i32
      %dma_start3A_1660 = tpu.memref_slice %arg7[%dma_start3A_1659] : memref<13312xi32, #tpu.memory_space<vmem>> -> memref<128xi32, #tpu.memory_space<vmem>>
      %dma_start3A_1661 = arith.constant 0 : i32
      %dma_start3A_1662 = tpu.memref_slice %arg2[%dma_start3A_1661] : memref<52428800xf32, #tpu.memory_space<hbm>> -> memref<52428800xf32, #tpu.memory_space<hbm>>
      tpu.enqueue_indirect_dma source(%dma_start3A_1662 : memref<52428800xf32, #tpu.memory_space<hbm>>) target(%dma_start3A_1658 : memref<128xf32, #tpu.memory_space<vmem>>) offsets(%dma_start3A_1660 : memref<128xi32, #tpu.memory_space<vmem>>) semaphore(%arg11 : memref<!tpu.dma_semaphore, #tpu.memory_space<semaphore_mem>>)
      %dma_start3A_1663 = arith.constant 7 : i32
      %dma_start3A_1664 = arith.constant 1024 : i32
      %dma_start3A_1665 = tpu.memref_slice %arg9[%dma_start3A_1663, %dma_start3A_1664] : memref<8x1664xf32, #tpu.memory_space<vmem>> -> memref<1x128xf32, #tpu.memory_space<vmem>>
      %dma_start3A_1666 = tpu.memref_squeeze %dma_start3A_1665 : memref<1x128xf32, #tpu.memory_space<vmem>> -> memref<128xf32, #tpu.memory_space<vmem>>
      %dma_start3A_1667 = arith.constant 12672 : i32
      %dma_start3A_1668 = tpu.memref_slice %arg7[%dma_start3A_1667] : memref<13312xi32, #tpu.memory_space<vmem>> -> memref<128xi32, #tpu.memory_space<vmem>>
      %dma_start3A_1669 = arith.constant 0 : i32
      %dma_start3A_1670 = tpu.memref_slice %arg2[%dma_start3A_1669] : memref<52428800xf32, #tpu.memory_space<hbm>> -> memref<52428800xf32, #tpu.memory_space<hbm>>
      tpu.enqueue_indirect_dma source(%dma_start3A_1670 : memref<52428800xf32, #tpu.memory_space<hbm>>) target(%dma_start3A_1666 : memref<128xf32, #tpu.memory_space<vmem>>) offsets(%dma_start3A_1668 : memref<128xi32, #tpu.memory_space<vmem>>) semaphore(%arg11 : memref<!tpu.dma_semaphore, #tpu.memory_space<semaphore_mem>>)
      %dma_start3A_1671 = arith.constant 7 : i32
      %dma_start3A_1672 = arith.constant 1152 : i32
      %dma_start3A_1673 = tpu.memref_slice %arg9[%dma_start3A_1671, %dma_start3A_1672] : memref<8x1664xf32, #tpu.memory_space<vmem>> -> memref<1x128xf32, #tpu.memory_space<vmem>>
      %dma_start3A_1674 = tpu.memref_squeeze %dma_start3A_1673 : memref<1x128xf32, #tpu.memory_space<vmem>> -> memref<128xf32, #tpu.memory_space<vmem>>
      %dma_start3A_1675 = arith.constant 12800 : i32
      %dma_start3A_1676 = tpu.memref_slice %arg7[%dma_start3A_1675] : memref<13312xi32, #tpu.memory_space<vmem>> -> memref<128xi32, #tpu.memory_space<vmem>>
      %dma_start3A_1677 = arith.constant 0 : i32
      %dma_start3A_1678 = tpu.memref_slice %arg2[%dma_start3A_1677] : memref<52428800xf32, #tpu.memory_space<hbm>> -> memref<52428800xf32, #tpu.memory_space<hbm>>
      tpu.enqueue_indirect_dma source(%dma_start3A_1678 : memref<52428800xf32, #tpu.memory_space<hbm>>) target(%dma_start3A_1674 : memref<128xf32, #tpu.memory_space<vmem>>) offsets(%dma_start3A_1676 : memref<128xi32, #tpu.memory_space<vmem>>) semaphore(%arg11 : memref<!tpu.dma_semaphore, #tpu.memory_space<semaphore_mem>>)
      %dma_start3A_1679 = arith.constant 7 : i32
      %dma_start3A_1680 = arith.constant 1280 : i32
      %dma_start3A_1681 = tpu.memref_slice %arg9[%dma_start3A_1679, %dma_start3A_1680] : memref<8x1664xf32, #tpu.memory_space<vmem>> -> memref<1x128xf32, #tpu.memory_space<vmem>>
      %dma_start3A_1682 = tpu.memref_squeeze %dma_start3A_1681 : memref<1x128xf32, #tpu.memory_space<vmem>> -> memref<128xf32, #tpu.memory_space<vmem>>
      %dma_start3A_1683 = arith.constant 12928 : i32
      %dma_start3A_1684 = tpu.memref_slice %arg7[%dma_start3A_1683] : memref<13312xi32, #tpu.memory_space<vmem>> -> memref<128xi32, #tpu.memory_space<vmem>>
      %dma_start3A_1685 = arith.constant 0 : i32
      %dma_start3A_1686 = tpu.memref_slice %arg2[%dma_start3A_1685] : memref<52428800xf32, #tpu.memory_space<hbm>> -> memref<52428800xf32, #tpu.memory_space<hbm>>
      tpu.enqueue_indirect_dma source(%dma_start3A_1686 : memref<52428800xf32, #tpu.memory_space<hbm>>) target(%dma_start3A_1682 : memref<128xf32, #tpu.memory_space<vmem>>) offsets(%dma_start3A_1684 : memref<128xi32, #tpu.memory_space<vmem>>) semaphore(%arg11 : memref<!tpu.dma_semaphore, #tpu.memory_space<semaphore_mem>>)
      %dma_start3A_1687 = arith.constant 7 : i32
      %dma_start3A_1688 = arith.constant 1408 : i32
      %dma_start3A_1689 = tpu.memref_slice %arg9[%dma_start3A_1687, %dma_start3A_1688] : memref<8x1664xf32, #tpu.memory_space<vmem>> -> memref<1x128xf32, #tpu.memory_space<vmem>>
      %dma_start3A_1690 = tpu.memref_squeeze %dma_start3A_1689 : memref<1x128xf32, #tpu.memory_space<vmem>> -> memref<128xf32, #tpu.memory_space<vmem>>
      %dma_start3A_1691 = arith.constant 13056 : i32
      %dma_start3A_1692 = tpu.memref_slice %arg7[%dma_start3A_1691] : memref<13312xi32, #tpu.memory_space<vmem>> -> memref<128xi32, #tpu.memory_space<vmem>>
      %dma_start3A_1693 = arith.constant 0 : i32
      %dma_start3A_1694 = tpu.memref_slice %arg2[%dma_start3A_1693] : memref<52428800xf32, #tpu.memory_space<hbm>> -> memref<52428800xf32, #tpu.memory_space<hbm>>
      tpu.enqueue_indirect_dma source(%dma_start3A_1694 : memref<52428800xf32, #tpu.memory_space<hbm>>) target(%dma_start3A_1690 : memref<128xf32, #tpu.memory_space<vmem>>) offsets(%dma_start3A_1692 : memref<128xi32, #tpu.memory_space<vmem>>) semaphore(%arg11 : memref<!tpu.dma_semaphore, #tpu.memory_space<semaphore_mem>>)
      %dma_start3A_1695 = arith.constant 7 : i32
      %dma_start3A_1696 = arith.constant 1536 : i32
      %dma_start3A_1697 = tpu.memref_slice %arg9[%dma_start3A_1695, %dma_start3A_1696] : memref<8x1664xf32, #tpu.memory_space<vmem>> -> memref<1x128xf32, #tpu.memory_space<vmem>>
      %dma_start3A_1698 = tpu.memref_squeeze %dma_start3A_1697 : memref<1x128xf32, #tpu.memory_space<vmem>> -> memref<128xf32, #tpu.memory_space<vmem>>
      %dma_start3A_1699 = arith.constant 13184 : i32
      %dma_start3A_1700 = tpu.memref_slice %arg7[%dma_start3A_1699] : memref<13312xi32, #tpu.memory_space<vmem>> -> memref<128xi32, #tpu.memory_space<vmem>>
      %dma_start3A_1701 = arith.constant 0 : i32
      %dma_start3A_1702 = tpu.memref_slice %arg2[%dma_start3A_1701] : memref<52428800xf32, #tpu.memory_space<hbm>> -> memref<52428800xf32, #tpu.memory_space<hbm>>
      tpu.enqueue_indirect_dma source(%dma_start3A_1702 : memref<52428800xf32, #tpu.memory_space<hbm>>) target(%dma_start3A_1698 : memref<128xf32, #tpu.memory_space<vmem>>) offsets(%dma_start3A_1700 : memref<128xi32, #tpu.memory_space<vmem>>) semaphore(%arg11 : memref<!tpu.dma_semaphore, #tpu.memory_space<semaphore_mem>>)
      %dma_wait3A_1703 = arith.constant 0 : i32
      %dma_wait3A_1704 = arith.constant 0 : i32
      %dma_wait3A_1705 = tpu.memref_slice %arg4[%dma_wait3A_1703, %dma_wait3A_1704] : memref<4096x1664xf32, #tpu.memory_space<hbm>> -> memref<8x1664xf32, #tpu.memory_space<hbm>>
      %dma_wait3A_1706 = arith.constant 0 : i32
      %dma_wait3A_1707 = arith.constant 0 : i32
      %dma_wait3A_1708 = tpu.memref_slice %arg4[%dma_wait3A_1706, %dma_wait3A_1707] : memref<4096x1664xf32, #tpu.memory_space<hbm>> -> memref<8x1664xf32, #tpu.memory_space<hbm>>
      tpu.wait_dma2 semaphore(%arg10 : memref<!tpu.dma_semaphore, #tpu.memory_space<semaphore_mem>>) src(%dma_wait3A_1708 : memref<8x1664xf32, #tpu.memory_space<hbm>>) dst(%arg8 : memref<8x1664xf32, #tpu.memory_space<vmem>>)
      %mul3A_1709 = arith.constant 8 : i32
      %mul3A_1710 = arith.muli %mul3A_860, %mul3A_1709 : i32
      %add3A_1711 = arith.addi %mul3A_4, %mul3A_1710 : i32
      %dma_start3A_1712 = arith.constant 0 : i32
      %dma_start3A_1713 = tpu.memref_slice %arg4[%add3A_1711, %dma_start3A_1712] : memref<4096x1664xf32, #tpu.memory_space<hbm>> -> memref<8x1664xf32, #tpu.memory_space<hbm>>
      %dma_start3A_1714 = arith.constant 0 : i32
      %dma_start3A_1715 = tpu.memref_slice %arg4[%add3A_1711, %dma_start3A_1714] : memref<4096x1664xf32, #tpu.memory_space<hbm>> -> memref<8x1664xf32, #tpu.memory_space<hbm>>
      tpu.enqueue_dma source(%arg8 : memref<8x1664xf32, #tpu.memory_space<vmem>>) target(%dma_start3A_1715 : memref<8x1664xf32, #tpu.memory_space<hbm>>) target_semaphore(%arg12 : memref<!tpu.dma_semaphore, #tpu.memory_space<semaphore_mem>>)
      %lt3A = arith.constant 7 : i32
      %lt3A_1716 = arith.cmpi slt, %scan3A_858, %lt3A : i32
      %convert_element_type3A_1717 = arith.extui %lt3A_1716 : i1 to i32
      %cond3A_1718 = arith.constant 0 : i32
      %cond3A_1719 = arith.cmpi ne, %convert_element_type3A_1717, %cond3A_1718 : i32
      scf.if %cond3A_1719 {
        %add3A_1735 = arith.constant 2 : i32
        %add3A_1736 = arith.addi %mul3A_860, %add3A_1735 : i32
        %scan3A_1737 = arith.constant 0 : i32
        %scan3A_1738 = arith.constant 0 : i32
        %scan3A_1739 = arith.constant 13 : i32
        %scan3A_1740 = arith.addi %scan3A_1738, %scan3A_1739 : i32
        %scan3A_1741 = arith.constant 1 : i32
        scf.for %scan3A_2581 = %scan3A_1738 to %scan3A_1740 step %scan3A_1741  : i32 {
          %mul3A_2582 = arith.constant 208 : i32
          %mul3A_2583 = arith.muli %add3A_1736, %mul3A_2582 : i32
          %mul3A_2584 = arith.constant 16 : i32
          %mul3A_2585 = arith.muli %scan3A_2581, %mul3A_2584 : i32
          %add3A_2586 = arith.addi %mul3A_2583, %mul3A_2585 : i32
          %get3A = arith.index_cast %add3A_2586 : i32 to index
          %get3A_2587 = tpu.vector_load %arg5[%get3A] {strides = array<i32>} : memref<3328xi32, #tpu.memory_space<vmem>>, vector<16xi32>,
          %add3A_2588 = vector.broadcast %add3A_2586 : i32 to vector<16xi32>
          %add3A_2589 = arith.addi %add3A_2588, %iota3A : vector<16xi32>
          %div3A = arith.constant 26 : i32
          %div3A_2590 = vector.broadcast %div3A : i32 to vector<16xi32>
          %div3A_2591 = arith.divsi %add3A_2589, %div3A_2590 : vector<16xi32>
          %add3A_2592 = vector.broadcast %mul3A_4 : i32 to vector<16xi32>
          %add3A_2593 = arith.addi %add3A_2592, %div3A_2591 : vector<16xi32>
          %mul3A_2594 = arith.constant 262144 : i32
          %mul3A_2595 = vector.broadcast %mul3A_2594 : i32 to vector<16xi32>
          %mul3A_2596 = arith.muli %get3A_2587, %mul3A_2595 : vector<16xi32>
          %shift_right_logical3A = arith.constant 7 : i32
          %shift_right_logical3A_2597 = vector.broadcast %shift_right_logical3A : i32 to vector<16xi32>
          %shift_right_logical3A_2598 = arith.shrui %add3A_2593, %shift_right_logical3A_2597 : vector<16xi32>
          %mul3A_2599 = arith.constant 1024 : i32
          %mul3A_2600 = vector.broadcast %mul3A_2599 : i32 to vector<16xi32>
          %mul3A_2601 = arith.muli %shift_right_logical3A_2598, %mul3A_2600 : vector<16xi32>
          %add3A_2602 = arith.addi %mul3A_2596, %mul3A_2601 : vector<16xi32>
          %and3A = arith.constant 127 : i32
          %and3A_2603 = vector.broadcast %and3A : i32 to vector<16xi32>
          %and3A_2604 = arith.andi %add3A_2593, %and3A_2603 : vector<16xi32>
          %add3A_2605 = arith.addi %add3A_2602, %and3A_2604 : vector<16xi32>
          %mul3A_2606 = arith.constant 1024 : i32
          %mul3A_2607 = arith.muli %scan3A_2581, %mul3A_2606 : i32
          %mul3A_2608 = arith.constant 64 : i32
          %mul3A_2609 = vector.broadcast %mul3A_2608 : i32 to vector<16xi32>
          %mul3A_2610 = arith.muli %iota3A, %mul3A_2609 : vector<16xi32>
          %add3A_2611 = vector.broadcast %mul3A_2607 : i32 to vector<16xi32>
          %add3A_2612 = arith.addi %add3A_2611, %mul3A_2610 : vector<16xi32>
          %scan3A_2613 = arith.constant 0 : i32
          %scan3A_2614 = arith.constant 0 : i32
          %scan3A_2615 = arith.constant 16 : i32
          %scan3A_2616 = arith.addi %scan3A_2614, %scan3A_2615 : i32
          %scan3A_2617 = arith.constant 1 : i32
          scf.for %scan3A_2619 = %scan3A_2614 to %scan3A_2616 step %scan3A_2617  : i32 {
            %mul3A_2620 = arith.constant 4 : i32
            %mul3A_2621 = arith.muli %scan3A_2619, %mul3A_2620 : i32
            %add3A_2622 = arith.constant 0 : i32
            %add3A_2623 = arith.addi %mul3A_2621, %add3A_2622 : i32
            %shift_right_logical3A_2624 = arith.constant 3 : i32
            %shift_right_logical3A_2625 = arith.shrui %add3A_2623, %shift_right_logical3A_2624 : i32
            %mul3A_2626 = arith.constant 32768 : i32
            %mul3A_2627 = arith.muli %shift_right_logical3A_2625, %mul3A_2626 : i32
            %add3A_2628 = arith.constant 0 : i32
            %add3A_2629 = arith.addi %mul3A_2621, %add3A_2628 : i32
            %and3A_2630 = arith.constant 7 : i32
            %and3A_2631 = arith.andi %add3A_2629, %and3A_2630 : i32
            %mul3A_2632 = arith.constant 128 : i32
            %mul3A_2633 = arith.muli %and3A_2631, %mul3A_2632 : i32
            %add3A_2634 = arith.addi %mul3A_2627, %mul3A_2633 : i32
            %add3A_2635 = vector.broadcast %mul3A_2621 : i32 to vector<16xi32>
            %add3A_2636 = arith.addi %add3A_2612, %add3A_2635 : vector<16xi32>
            %add3A_2637 = arith.constant 0 : i32
            %add3A_2638 = vector.broadcast %add3A_2637 : i32 to vector<16xi32>
            %add3A_2639 = arith.addi %add3A_2636, %add3A_2638 : vector<16xi32>
            %add3A_2640 = vector.broadcast %add3A_2634 : i32 to vector<16xi32>
            %add3A_2641 = arith.addi %add3A_2605, %add3A_2640 : vector<16xi32>
            tpu.vector_store_idx %arg6[%add3A_2639], %add3A_2641 : memref<13312xi32, #tpu.memory_space<vmem>>[vector<16xi32>], vector<16xi32>,
            %add3A_2642 = arith.constant 1 : i32
            %add3A_2643 = arith.addi %mul3A_2621, %add3A_2642 : i32
            %shift_right_logical3A_2644 = arith.constant 3 : i32
            %shift_right_logical3A_2645 = arith.shrui %add3A_2643, %shift_right_logical3A_2644 : i32
            %mul3A_2646 = arith.constant 32768 : i32
            %mul3A_2647 = arith.muli %shift_right_logical3A_2645, %mul3A_2646 : i32
            %add3A_2648 = arith.constant 1 : i32
            %add3A_2649 = arith.addi %mul3A_2621, %add3A_2648 : i32
            %and3A_2650 = arith.constant 7 : i32
            %and3A_2651 = arith.andi %add3A_2649, %and3A_2650 : i32
            %mul3A_2652 = arith.constant 128 : i32
            %mul3A_2653 = arith.muli %and3A_2651, %mul3A_2652 : i32
            %add3A_2654 = arith.addi %mul3A_2647, %mul3A_2653 : i32
            %add3A_2655 = vector.broadcast %mul3A_2621 : i32 to vector<16xi32>
            %add3A_2656 = arith.addi %add3A_2612, %add3A_2655 : vector<16xi32>
            %add3A_2657 = arith.constant 1 : i32
            %add3A_2658 = vector.broadcast %add3A_2657 : i32 to vector<16xi32>
            %add3A_2659 = arith.addi %add3A_2656, %add3A_2658 : vector<16xi32>
            %add3A_2660 = vector.broadcast %add3A_2654 : i32 to vector<16xi32>
            %add3A_2661 = arith.addi %add3A_2605, %add3A_2660 : vector<16xi32>
            tpu.vector_store_idx %arg6[%add3A_2659], %add3A_2661 : memref<13312xi32, #tpu.memory_space<vmem>>[vector<16xi32>], vector<16xi32>,
            %add3A_2662 = arith.constant 2 : i32
            %add3A_2663 = arith.addi %mul3A_2621, %add3A_2662 : i32
            %shift_right_logical3A_2664 = arith.constant 3 : i32
            %shift_right_logical3A_2665 = arith.shrui %add3A_2663, %shift_right_logical3A_2664 : i32
            %mul3A_2666 = arith.constant 32768 : i32
            %mul3A_2667 = arith.muli %shift_right_logical3A_2665, %mul3A_2666 : i32
            %add3A_2668 = arith.constant 2 : i32
            %add3A_2669 = arith.addi %mul3A_2621, %add3A_2668 : i32
            %and3A_2670 = arith.constant 7 : i32
            %and3A_2671 = arith.andi %add3A_2669, %and3A_2670 : i32
            %mul3A_2672 = arith.constant 128 : i32
            %mul3A_2673 = arith.muli %and3A_2671, %mul3A_2672 : i32
            %add3A_2674 = arith.addi %mul3A_2667, %mul3A_2673 : i32
            %add3A_2675 = vector.broadcast %mul3A_2621 : i32 to vector<16xi32>
            %add3A_2676 = arith.addi %add3A_2612, %add3A_2675 : vector<16xi32>
            %add3A_2677 = arith.constant 2 : i32
            %add3A_2678 = vector.broadcast %add3A_2677 : i32 to vector<16xi32>
            %add3A_2679 = arith.addi %add3A_2676, %add3A_2678 : vector<16xi32>
            %add3A_2680 = vector.broadcast %add3A_2674 : i32 to vector<16xi32>
            %add3A_2681 = arith.addi %add3A_2605, %add3A_2680 : vector<16xi32>
            tpu.vector_store_idx %arg6[%add3A_2679], %add3A_2681 : memref<13312xi32, #tpu.memory_space<vmem>>[vector<16xi32>], vector<16xi32>,
            %add3A_2682 = arith.constant 3 : i32
            %add3A_2683 = arith.addi %mul3A_2621, %add3A_2682 : i32
            %shift_right_logical3A_2684 = arith.constant 3 : i32
            %shift_right_logical3A_2685 = arith.shrui %add3A_2683, %shift_right_logical3A_2684 : i32
            %mul3A_2686 = arith.constant 32768 : i32
            %mul3A_2687 = arith.muli %shift_right_logical3A_2685, %mul3A_2686 : i32
            %add3A_2688 = arith.constant 3 : i32
            %add3A_2689 = arith.addi %mul3A_2621, %add3A_2688 : i32
            %and3A_2690 = arith.constant 7 : i32
            %and3A_2691 = arith.andi %add3A_2689, %and3A_2690 : i32
            %mul3A_2692 = arith.constant 128 : i32
            %mul3A_2693 = arith.muli %and3A_2691, %mul3A_2692 : i32
            %add3A_2694 = arith.addi %mul3A_2687, %mul3A_2693 : i32
            %add3A_2695 = vector.broadcast %mul3A_2621 : i32 to vector<16xi32>
            %add3A_2696 = arith.addi %add3A_2612, %add3A_2695 : vector<16xi32>
            %add3A_2697 = arith.constant 3 : i32
            %add3A_2698 = vector.broadcast %add3A_2697 : i32 to vector<16xi32>
            %add3A_2699 = arith.addi %add3A_2696, %add3A_2698 : vector<16xi32>
            %add3A_2700 = vector.broadcast %add3A_2694 : i32 to vector<16xi32>
            %add3A_2701 = arith.addi %add3A_2605, %add3A_2700 : vector<16xi32>
            tpu.vector_store_idx %arg6[%add3A_2699], %add3A_2701 : memref<13312xi32, #tpu.memory_space<vmem>>[vector<16xi32>], vector<16xi32>,
          }
          %scan3A_2618 = arith.constant 16 : i32
        }
        %scan3A_1742 = arith.constant 13 : i32
        %dma_wait3A_1743 = arith.constant 0 : i32
        %dma_wait3A_1744 = arith.constant 0 : i32
        %dma_wait3A_1745 = tpu.memref_slice %arg4[%dma_wait3A_1743, %dma_wait3A_1744] : memref<4096x1664xf32, #tpu.memory_space<hbm>> -> memref<8x1664xf32, #tpu.memory_space<hbm>>
        %dma_wait3A_1746 = arith.constant 0 : i32
        %dma_wait3A_1747 = arith.constant 0 : i32
        %dma_wait3A_1748 = tpu.memref_slice %arg4[%dma_wait3A_1746, %dma_wait3A_1747] : memref<4096x1664xf32, #tpu.memory_space<hbm>> -> memref<8x1664xf32, #tpu.memory_space<hbm>>
        tpu.wait_dma2 semaphore(%arg12 : memref<!tpu.dma_semaphore, #tpu.memory_space<semaphore_mem>>) src(%arg8 : memref<8x1664xf32, #tpu.memory_space<vmem>>) dst(%dma_wait3A_1748 : memref<8x1664xf32, #tpu.memory_space<hbm>>)
        %dma_start3A_1749 = arith.constant 0 : i32
        %dma_start3A_1750 = arith.constant 0 : i32
        %dma_start3A_1751 = tpu.memref_slice %arg8[%dma_start3A_1749, %dma_start3A_1750] : memref<8x1664xf32, #tpu.memory_space<vmem>> -> memref<1x128xf32, #tpu.memory_space<vmem>>
        %dma_start3A_1752 = tpu.memref_squeeze %dma_start3A_1751 : memref<1x128xf32, #tpu.memory_space<vmem>> -> memref<128xf32, #tpu.memory_space<vmem>>
        %dma_start3A_1753 = arith.constant 0 : i32
        %dma_start3A_1754 = tpu.memref_slice %arg6[%dma_start3A_1753] : memref<13312xi32, #tpu.memory_space<vmem>> -> memref<128xi32, #tpu.memory_space<vmem>>
        %dma_start3A_1755 = arith.constant 0 : i32
        %dma_start3A_1756 = tpu.memref_slice %arg2[%dma_start3A_1755] : memref<52428800xf32, #tpu.memory_space<hbm>> -> memref<52428800xf32, #tpu.memory_space<hbm>>
        tpu.enqueue_indirect_dma source(%dma_start3A_1756 : memref<52428800xf32, #tpu.memory_space<hbm>>) target(%dma_start3A_1752 : memref<128xf32, #tpu.memory_space<vmem>>) offsets(%dma_start3A_1754 : memref<128xi32, #tpu.memory_space<vmem>>) semaphore(%arg10 : memref<!tpu.dma_semaphore, #tpu.memory_space<semaphore_mem>>)
        %dma_start3A_1757 = arith.constant 0 : i32
        %dma_start3A_1758 = arith.constant 128 : i32
        %dma_start3A_1759 = tpu.memref_slice %arg8[%dma_start3A_1757, %dma_start3A_1758] : memref<8x1664xf32, #tpu.memory_space<vmem>> -> memref<1x128xf32, #tpu.memory_space<vmem>>
        %dma_start3A_1760 = tpu.memref_squeeze %dma_start3A_1759 : memref<1x128xf32, #tpu.memory_space<vmem>> -> memref<128xf32, #tpu.memory_space<vmem>>
        %dma_start3A_1761 = arith.constant 128 : i32
        %dma_start3A_1762 = tpu.memref_slice %arg6[%dma_start3A_1761] : memref<13312xi32, #tpu.memory_space<vmem>> -> memref<128xi32, #tpu.memory_space<vmem>>
        %dma_start3A_1763 = arith.constant 0 : i32
        %dma_start3A_1764 = tpu.memref_slice %arg2[%dma_start3A_1763] : memref<52428800xf32, #tpu.memory_space<hbm>> -> memref<52428800xf32, #tpu.memory_space<hbm>>
        tpu.enqueue_indirect_dma source(%dma_start3A_1764 : memref<52428800xf32, #tpu.memory_space<hbm>>) target(%dma_start3A_1760 : memref<128xf32, #tpu.memory_space<vmem>>) offsets(%dma_start3A_1762 : memref<128xi32, #tpu.memory_space<vmem>>) semaphore(%arg10 : memref<!tpu.dma_semaphore, #tpu.memory_space<semaphore_mem>>)
        %dma_start3A_1765 = arith.constant 0 : i32
        %dma_start3A_1766 = arith.constant 256 : i32
        %dma_start3A_1767 = tpu.memref_slice %arg8[%dma_start3A_1765, %dma_start3A_1766] : memref<8x1664xf32, #tpu.memory_space<vmem>> -> memref<1x128xf32, #tpu.memory_space<vmem>>
        %dma_start3A_1768 = tpu.memref_squeeze %dma_start3A_1767 : memref<1x128xf32, #tpu.memory_space<vmem>> -> memref<128xf32, #tpu.memory_space<vmem>>
        %dma_start3A_1769 = arith.constant 256 : i32
        %dma_start3A_1770 = tpu.memref_slice %arg6[%dma_start3A_1769] : memref<13312xi32, #tpu.memory_space<vmem>> -> memref<128xi32, #tpu.memory_space<vmem>>
        %dma_start3A_1771 = arith.constant 0 : i32
        %dma_start3A_1772 = tpu.memref_slice %arg2[%dma_start3A_1771] : memref<52428800xf32, #tpu.memory_space<hbm>> -> memref<52428800xf32, #tpu.memory_space<hbm>>
        tpu.enqueue_indirect_dma source(%dma_start3A_1772 : memref<52428800xf32, #tpu.memory_space<hbm>>) target(%dma_start3A_1768 : memref<128xf32, #tpu.memory_space<vmem>>) offsets(%dma_start3A_1770 : memref<128xi32, #tpu.memory_space<vmem>>) semaphore(%arg10 : memref<!tpu.dma_semaphore, #tpu.memory_space<semaphore_mem>>)
        %dma_start3A_1773 = arith.constant 0 : i32
        %dma_start3A_1774 = arith.constant 384 : i32
        %dma_start3A_1775 = tpu.memref_slice %arg8[%dma_start3A_1773, %dma_start3A_1774] : memref<8x1664xf32, #tpu.memory_space<vmem>> -> memref<1x128xf32, #tpu.memory_space<vmem>>
        %dma_start3A_1776 = tpu.memref_squeeze %dma_start3A_1775 : memref<1x128xf32, #tpu.memory_space<vmem>> -> memref<128xf32, #tpu.memory_space<vmem>>
        %dma_start3A_1777 = arith.constant 384 : i32
        %dma_start3A_1778 = tpu.memref_slice %arg6[%dma_start3A_1777] : memref<13312xi32, #tpu.memory_space<vmem>> -> memref<128xi32, #tpu.memory_space<vmem>>
        %dma_start3A_1779 = arith.constant 0 : i32
        %dma_start3A_1780 = tpu.memref_slice %arg2[%dma_start3A_1779] : memref<52428800xf32, #tpu.memory_space<hbm>> -> memref<52428800xf32, #tpu.memory_space<hbm>>
        tpu.enqueue_indirect_dma source(%dma_start3A_1780 : memref<52428800xf32, #tpu.memory_space<hbm>>) target(%dma_start3A_1776 : memref<128xf32, #tpu.memory_space<vmem>>) offsets(%dma_start3A_1778 : memref<128xi32, #tpu.memory_space<vmem>>) semaphore(%arg10 : memref<!tpu.dma_semaphore, #tpu.memory_space<semaphore_mem>>)
        %dma_start3A_1781 = arith.constant 0 : i32
        %dma_start3A_1782 = arith.constant 512 : i32
        %dma_start3A_1783 = tpu.memref_slice %arg8[%dma_start3A_1781, %dma_start3A_1782] : memref<8x1664xf32, #tpu.memory_space<vmem>> -> memref<1x128xf32, #tpu.memory_space<vmem>>
        %dma_start3A_1784 = tpu.memref_squeeze %dma_start3A_1783 : memref<1x128xf32, #tpu.memory_space<vmem>> -> memref<128xf32, #tpu.memory_space<vmem>>
        %dma_start3A_1785 = arith.constant 512 : i32
        %dma_start3A_1786 = tpu.memref_slice %arg6[%dma_start3A_1785] : memref<13312xi32, #tpu.memory_space<vmem>> -> memref<128xi32, #tpu.memory_space<vmem>>
        %dma_start3A_1787 = arith.constant 0 : i32
        %dma_start3A_1788 = tpu.memref_slice %arg2[%dma_start3A_1787] : memref<52428800xf32, #tpu.memory_space<hbm>> -> memref<52428800xf32, #tpu.memory_space<hbm>>
        tpu.enqueue_indirect_dma source(%dma_start3A_1788 : memref<52428800xf32, #tpu.memory_space<hbm>>) target(%dma_start3A_1784 : memref<128xf32, #tpu.memory_space<vmem>>) offsets(%dma_start3A_1786 : memref<128xi32, #tpu.memory_space<vmem>>) semaphore(%arg10 : memref<!tpu.dma_semaphore, #tpu.memory_space<semaphore_mem>>)
        %dma_start3A_1789 = arith.constant 0 : i32
        %dma_start3A_1790 = arith.constant 640 : i32
        %dma_start3A_1791 = tpu.memref_slice %arg8[%dma_start3A_1789, %dma_start3A_1790] : memref<8x1664xf32, #tpu.memory_space<vmem>> -> memref<1x128xf32, #tpu.memory_space<vmem>>
        %dma_start3A_1792 = tpu.memref_squeeze %dma_start3A_1791 : memref<1x128xf32, #tpu.memory_space<vmem>> -> memref<128xf32, #tpu.memory_space<vmem>>
        %dma_start3A_1793 = arith.constant 640 : i32
        %dma_start3A_1794 = tpu.memref_slice %arg6[%dma_start3A_1793] : memref<13312xi32, #tpu.memory_space<vmem>> -> memref<128xi32, #tpu.memory_space<vmem>>
        %dma_start3A_1795 = arith.constant 0 : i32
        %dma_start3A_1796 = tpu.memref_slice %arg2[%dma_start3A_1795] : memref<52428800xf32, #tpu.memory_space<hbm>> -> memref<52428800xf32, #tpu.memory_space<hbm>>
        tpu.enqueue_indirect_dma source(%dma_start3A_1796 : memref<52428800xf32, #tpu.memory_space<hbm>>) target(%dma_start3A_1792 : memref<128xf32, #tpu.memory_space<vmem>>) offsets(%dma_start3A_1794 : memref<128xi32, #tpu.memory_space<vmem>>) semaphore(%arg10 : memref<!tpu.dma_semaphore, #tpu.memory_space<semaphore_mem>>)
        %dma_start3A_1797 = arith.constant 0 : i32
        %dma_start3A_1798 = arith.constant 768 : i32
        %dma_start3A_1799 = tpu.memref_slice %arg8[%dma_start3A_1797, %dma_start3A_1798] : memref<8x1664xf32, #tpu.memory_space<vmem>> -> memref<1x128xf32, #tpu.memory_space<vmem>>
        %dma_start3A_1800 = tpu.memref_squeeze %dma_start3A_1799 : memref<1x128xf32, #tpu.memory_space<vmem>> -> memref<128xf32, #tpu.memory_space<vmem>>
        %dma_start3A_1801 = arith.constant 768 : i32
        %dma_start3A_1802 = tpu.memref_slice %arg6[%dma_start3A_1801] : memref<13312xi32, #tpu.memory_space<vmem>> -> memref<128xi32, #tpu.memory_space<vmem>>
        %dma_start3A_1803 = arith.constant 0 : i32
        %dma_start3A_1804 = tpu.memref_slice %arg2[%dma_start3A_1803] : memref<52428800xf32, #tpu.memory_space<hbm>> -> memref<52428800xf32, #tpu.memory_space<hbm>>
        tpu.enqueue_indirect_dma source(%dma_start3A_1804 : memref<52428800xf32, #tpu.memory_space<hbm>>) target(%dma_start3A_1800 : memref<128xf32, #tpu.memory_space<vmem>>) offsets(%dma_start3A_1802 : memref<128xi32, #tpu.memory_space<vmem>>) semaphore(%arg10 : memref<!tpu.dma_semaphore, #tpu.memory_space<semaphore_mem>>)
        %dma_start3A_1805 = arith.constant 0 : i32
        %dma_start3A_1806 = arith.constant 896 : i32
        %dma_start3A_1807 = tpu.memref_slice %arg8[%dma_start3A_1805, %dma_start3A_1806] : memref<8x1664xf32, #tpu.memory_space<vmem>> -> memref<1x128xf32, #tpu.memory_space<vmem>>
        %dma_start3A_1808 = tpu.memref_squeeze %dma_start3A_1807 : memref<1x128xf32, #tpu.memory_space<vmem>> -> memref<128xf32, #tpu.memory_space<vmem>>
        %dma_start3A_1809 = arith.constant 896 : i32
        %dma_start3A_1810 = tpu.memref_slice %arg6[%dma_start3A_1809] : memref<13312xi32, #tpu.memory_space<vmem>> -> memref<128xi32, #tpu.memory_space<vmem>>
        %dma_start3A_1811 = arith.constant 0 : i32
        %dma_start3A_1812 = tpu.memref_slice %arg2[%dma_start3A_1811] : memref<52428800xf32, #tpu.memory_space<hbm>> -> memref<52428800xf32, #tpu.memory_space<hbm>>
        tpu.enqueue_indirect_dma source(%dma_start3A_1812 : memref<52428800xf32, #tpu.memory_space<hbm>>) target(%dma_start3A_1808 : memref<128xf32, #tpu.memory_space<vmem>>) offsets(%dma_start3A_1810 : memref<128xi32, #tpu.memory_space<vmem>>) semaphore(%arg10 : memref<!tpu.dma_semaphore, #tpu.memory_space<semaphore_mem>>)
        %dma_start3A_1813 = arith.constant 0 : i32
        %dma_start3A_1814 = arith.constant 1024 : i32
        %dma_start3A_1815 = tpu.memref_slice %arg8[%dma_start3A_1813, %dma_start3A_1814] : memref<8x1664xf32, #tpu.memory_space<vmem>> -> memref<1x128xf32, #tpu.memory_space<vmem>>
        %dma_start3A_1816 = tpu.memref_squeeze %dma_start3A_1815 : memref<1x128xf32, #tpu.memory_space<vmem>> -> memref<128xf32, #tpu.memory_space<vmem>>
        %dma_start3A_1817 = arith.constant 1024 : i32
        %dma_start3A_1818 = tpu.memref_slice %arg6[%dma_start3A_1817] : memref<13312xi32, #tpu.memory_space<vmem>> -> memref<128xi32, #tpu.memory_space<vmem>>
        %dma_start3A_1819 = arith.constant 0 : i32
        %dma_start3A_1820 = tpu.memref_slice %arg2[%dma_start3A_1819] : memref<52428800xf32, #tpu.memory_space<hbm>> -> memref<52428800xf32, #tpu.memory_space<hbm>>
        tpu.enqueue_indirect_dma source(%dma_start3A_1820 : memref<52428800xf32, #tpu.memory_space<hbm>>) target(%dma_start3A_1816 : memref<128xf32, #tpu.memory_space<vmem>>) offsets(%dma_start3A_1818 : memref<128xi32, #tpu.memory_space<vmem>>) semaphore(%arg10 : memref<!tpu.dma_semaphore, #tpu.memory_space<semaphore_mem>>)
        %dma_start3A_1821 = arith.constant 0 : i32
        %dma_start3A_1822 = arith.constant 1152 : i32
        %dma_start3A_1823 = tpu.memref_slice %arg8[%dma_start3A_1821, %dma_start3A_1822] : memref<8x1664xf32, #tpu.memory_space<vmem>> -> memref<1x128xf32, #tpu.memory_space<vmem>>
        %dma_start3A_1824 = tpu.memref_squeeze %dma_start3A_1823 : memref<1x128xf32, #tpu.memory_space<vmem>> -> memref<128xf32, #tpu.memory_space<vmem>>
        %dma_start3A_1825 = arith.constant 1152 : i32
        %dma_start3A_1826 = tpu.memref_slice %arg6[%dma_start3A_1825] : memref<13312xi32, #tpu.memory_space<vmem>> -> memref<128xi32, #tpu.memory_space<vmem>>
        %dma_start3A_1827 = arith.constant 0 : i32
        %dma_start3A_1828 = tpu.memref_slice %arg2[%dma_start3A_1827] : memref<52428800xf32, #tpu.memory_space<hbm>> -> memref<52428800xf32, #tpu.memory_space<hbm>>
        tpu.enqueue_indirect_dma source(%dma_start3A_1828 : memref<52428800xf32, #tpu.memory_space<hbm>>) target(%dma_start3A_1824 : memref<128xf32, #tpu.memory_space<vmem>>) offsets(%dma_start3A_1826 : memref<128xi32, #tpu.memory_space<vmem>>) semaphore(%arg10 : memref<!tpu.dma_semaphore, #tpu.memory_space<semaphore_mem>>)
        %dma_start3A_1829 = arith.constant 0 : i32
        %dma_start3A_1830 = arith.constant 1280 : i32
        %dma_start3A_1831 = tpu.memref_slice %arg8[%dma_start3A_1829, %dma_start3A_1830] : memref<8x1664xf32, #tpu.memory_space<vmem>> -> memref<1x128xf32, #tpu.memory_space<vmem>>
        %dma_start3A_1832 = tpu.memref_squeeze %dma_start3A_1831 : memref<1x128xf32, #tpu.memory_space<vmem>> -> memref<128xf32, #tpu.memory_space<vmem>>
        %dma_start3A_1833 = arith.constant 1280 : i32
        %dma_start3A_1834 = tpu.memref_slice %arg6[%dma_start3A_1833] : memref<13312xi32, #tpu.memory_space<vmem>> -> memref<128xi32, #tpu.memory_space<vmem>>
        %dma_start3A_1835 = arith.constant 0 : i32
        %dma_start3A_1836 = tpu.memref_slice %arg2[%dma_start3A_1835] : memref<52428800xf32, #tpu.memory_space<hbm>> -> memref<52428800xf32, #tpu.memory_space<hbm>>
        tpu.enqueue_indirect_dma source(%dma_start3A_1836 : memref<52428800xf32, #tpu.memory_space<hbm>>) target(%dma_start3A_1832 : memref<128xf32, #tpu.memory_space<vmem>>) offsets(%dma_start3A_1834 : memref<128xi32, #tpu.memory_space<vmem>>) semaphore(%arg10 : memref<!tpu.dma_semaphore, #tpu.memory_space<semaphore_mem>>)
        %dma_start3A_1837 = arith.constant 0 : i32
        %dma_start3A_1838 = arith.constant 1408 : i32
        %dma_start3A_1839 = tpu.memref_slice %arg8[%dma_start3A_1837, %dma_start3A_1838] : memref<8x1664xf32, #tpu.memory_space<vmem>> -> memref<1x128xf32, #tpu.memory_space<vmem>>
        %dma_start3A_1840 = tpu.memref_squeeze %dma_start3A_1839 : memref<1x128xf32, #tpu.memory_space<vmem>> -> memref<128xf32, #tpu.memory_space<vmem>>
        %dma_start3A_1841 = arith.constant 1408 : i32
        %dma_start3A_1842 = tpu.memref_slice %arg6[%dma_start3A_1841] : memref<13312xi32, #tpu.memory_space<vmem>> -> memref<128xi32, #tpu.memory_space<vmem>>
        %dma_start3A_1843 = arith.constant 0 : i32
        %dma_start3A_1844 = tpu.memref_slice %arg2[%dma_start3A_1843] : memref<52428800xf32, #tpu.memory_space<hbm>> -> memref<52428800xf32, #tpu.memory_space<hbm>>
        tpu.enqueue_indirect_dma source(%dma_start3A_1844 : memref<52428800xf32, #tpu.memory_space<hbm>>) target(%dma_start3A_1840 : memref<128xf32, #tpu.memory_space<vmem>>) offsets(%dma_start3A_1842 : memref<128xi32, #tpu.memory_space<vmem>>) semaphore(%arg10 : memref<!tpu.dma_semaphore, #tpu.memory_space<semaphore_mem>>)
        %dma_start3A_1845 = arith.constant 0 : i32
        %dma_start3A_1846 = arith.constant 1536 : i32
        %dma_start3A_1847 = tpu.memref_slice %arg8[%dma_start3A_1845, %dma_start3A_1846] : memref<8x1664xf32, #tpu.memory_space<vmem>> -> memref<1x128xf32, #tpu.memory_space<vmem>>
        %dma_start3A_1848 = tpu.memref_squeeze %dma_start3A_1847 : memref<1x128xf32, #tpu.memory_space<vmem>> -> memref<128xf32, #tpu.memory_space<vmem>>
        %dma_start3A_1849 = arith.constant 1536 : i32
        %dma_start3A_1850 = tpu.memref_slice %arg6[%dma_start3A_1849] : memref<13312xi32, #tpu.memory_space<vmem>> -> memref<128xi32, #tpu.memory_space<vmem>>
        %dma_start3A_1851 = arith.constant 0 : i32
        %dma_start3A_1852 = tpu.memref_slice %arg2[%dma_start3A_1851] : memref<52428800xf32, #tpu.memory_space<hbm>> -> memref<52428800xf32, #tpu.memory_space<hbm>>
        tpu.enqueue_indirect_dma source(%dma_start3A_1852 : memref<52428800xf32, #tpu.memory_space<hbm>>) target(%dma_start3A_1848 : memref<128xf32, #tpu.memory_space<vmem>>) offsets(%dma_start3A_1850 : memref<128xi32, #tpu.memory_space<vmem>>) semaphore(%arg10 : memref<!tpu.dma_semaphore, #tpu.memory_space<semaphore_mem>>)
        %dma_start3A_1853 = arith.constant 1 : i32
        %dma_start3A_1854 = arith.constant 0 : i32
        %dma_start3A_1855 = tpu.memref_slice %arg8[%dma_start3A_1853, %dma_start3A_1854] : memref<8x1664xf32, #tpu.memory_space<vmem>> -> memref<1x128xf32, #tpu.memory_space<vmem>>
        %dma_start3A_1856 = tpu.memref_squeeze %dma_start3A_1855 : memref<1x128xf32, #tpu.memory_space<vmem>> -> memref<128xf32, #tpu.memory_space<vmem>>
        %dma_start3A_1857 = arith.constant 1664 : i32
        %dma_start3A_1858 = tpu.memref_slice %arg6[%dma_start3A_1857] : memref<13312xi32, #tpu.memory_space<vmem>> -> memref<128xi32, #tpu.memory_space<vmem>>
        %dma_start3A_1859 = arith.constant 0 : i32
        %dma_start3A_1860 = tpu.memref_slice %arg2[%dma_start3A_1859] : memref<52428800xf32, #tpu.memory_space<hbm>> -> memref<52428800xf32, #tpu.memory_space<hbm>>
        tpu.enqueue_indirect_dma source(%dma_start3A_1860 : memref<52428800xf32, #tpu.memory_space<hbm>>) target(%dma_start3A_1856 : memref<128xf32, #tpu.memory_space<vmem>>) offsets(%dma_start3A_1858 : memref<128xi32, #tpu.memory_space<vmem>>) semaphore(%arg10 : memref<!tpu.dma_semaphore, #tpu.memory_space<semaphore_mem>>)
        %dma_start3A_1861 = arith.constant 1 : i32
        %dma_start3A_1862 = arith.constant 128 : i32
        %dma_start3A_1863 = tpu.memref_slice %arg8[%dma_start3A_1861, %dma_start3A_1862] : memref<8x1664xf32, #tpu.memory_space<vmem>> -> memref<1x128xf32, #tpu.memory_space<vmem>>
        %dma_start3A_1864 = tpu.memref_squeeze %dma_start3A_1863 : memref<1x128xf32, #tpu.memory_space<vmem>> -> memref<128xf32, #tpu.memory_space<vmem>>
        %dma_start3A_1865 = arith.constant 1792 : i32
        %dma_start3A_1866 = tpu.memref_slice %arg6[%dma_start3A_1865] : memref<13312xi32, #tpu.memory_space<vmem>> -> memref<128xi32, #tpu.memory_space<vmem>>
        %dma_start3A_1867 = arith.constant 0 : i32
        %dma_start3A_1868 = tpu.memref_slice %arg2[%dma_start3A_1867] : memref<52428800xf32, #tpu.memory_space<hbm>> -> memref<52428800xf32, #tpu.memory_space<hbm>>
        tpu.enqueue_indirect_dma source(%dma_start3A_1868 : memref<52428800xf32, #tpu.memory_space<hbm>>) target(%dma_start3A_1864 : memref<128xf32, #tpu.memory_space<vmem>>) offsets(%dma_start3A_1866 : memref<128xi32, #tpu.memory_space<vmem>>) semaphore(%arg10 : memref<!tpu.dma_semaphore, #tpu.memory_space<semaphore_mem>>)
        %dma_start3A_1869 = arith.constant 1 : i32
        %dma_start3A_1870 = arith.constant 256 : i32
        %dma_start3A_1871 = tpu.memref_slice %arg8[%dma_start3A_1869, %dma_start3A_1870] : memref<8x1664xf32, #tpu.memory_space<vmem>> -> memref<1x128xf32, #tpu.memory_space<vmem>>
        %dma_start3A_1872 = tpu.memref_squeeze %dma_start3A_1871 : memref<1x128xf32, #tpu.memory_space<vmem>> -> memref<128xf32, #tpu.memory_space<vmem>>
        %dma_start3A_1873 = arith.constant 1920 : i32
        %dma_start3A_1874 = tpu.memref_slice %arg6[%dma_start3A_1873] : memref<13312xi32, #tpu.memory_space<vmem>> -> memref<128xi32, #tpu.memory_space<vmem>>
        %dma_start3A_1875 = arith.constant 0 : i32
        %dma_start3A_1876 = tpu.memref_slice %arg2[%dma_start3A_1875] : memref<52428800xf32, #tpu.memory_space<hbm>> -> memref<52428800xf32, #tpu.memory_space<hbm>>
        tpu.enqueue_indirect_dma source(%dma_start3A_1876 : memref<52428800xf32, #tpu.memory_space<hbm>>) target(%dma_start3A_1872 : memref<128xf32, #tpu.memory_space<vmem>>) offsets(%dma_start3A_1874 : memref<128xi32, #tpu.memory_space<vmem>>) semaphore(%arg10 : memref<!tpu.dma_semaphore, #tpu.memory_space<semaphore_mem>>)
        %dma_start3A_1877 = arith.constant 1 : i32
        %dma_start3A_1878 = arith.constant 384 : i32
        %dma_start3A_1879 = tpu.memref_slice %arg8[%dma_start3A_1877, %dma_start3A_1878] : memref<8x1664xf32, #tpu.memory_space<vmem>> -> memref<1x128xf32, #tpu.memory_space<vmem>>
        %dma_start3A_1880 = tpu.memref_squeeze %dma_start3A_1879 : memref<1x128xf32, #tpu.memory_space<vmem>> -> memref<128xf32, #tpu.memory_space<vmem>>
        %dma_start3A_1881 = arith.constant 2048 : i32
        %dma_start3A_1882 = tpu.memref_slice %arg6[%dma_start3A_1881] : memref<13312xi32, #tpu.memory_space<vmem>> -> memref<128xi32, #tpu.memory_space<vmem>>
        %dma_start3A_1883 = arith.constant 0 : i32
        %dma_start3A_1884 = tpu.memref_slice %arg2[%dma_start3A_1883] : memref<52428800xf32, #tpu.memory_space<hbm>> -> memref<52428800xf32, #tpu.memory_space<hbm>>
        tpu.enqueue_indirect_dma source(%dma_start3A_1884 : memref<52428800xf32, #tpu.memory_space<hbm>>) target(%dma_start3A_1880 : memref<128xf32, #tpu.memory_space<vmem>>) offsets(%dma_start3A_1882 : memref<128xi32, #tpu.memory_space<vmem>>) semaphore(%arg10 : memref<!tpu.dma_semaphore, #tpu.memory_space<semaphore_mem>>)
        %dma_start3A_1885 = arith.constant 1 : i32
        %dma_start3A_1886 = arith.constant 512 : i32
        %dma_start3A_1887 = tpu.memref_slice %arg8[%dma_start3A_1885, %dma_start3A_1886] : memref<8x1664xf32, #tpu.memory_space<vmem>> -> memref<1x128xf32, #tpu.memory_space<vmem>>
        %dma_start3A_1888 = tpu.memref_squeeze %dma_start3A_1887 : memref<1x128xf32, #tpu.memory_space<vmem>> -> memref<128xf32, #tpu.memory_space<vmem>>
        %dma_start3A_1889 = arith.constant 2176 : i32
        %dma_start3A_1890 = tpu.memref_slice %arg6[%dma_start3A_1889] : memref<13312xi32, #tpu.memory_space<vmem>> -> memref<128xi32, #tpu.memory_space<vmem>>
        %dma_start3A_1891 = arith.constant 0 : i32
        %dma_start3A_1892 = tpu.memref_slice %arg2[%dma_start3A_1891] : memref<52428800xf32, #tpu.memory_space<hbm>> -> memref<52428800xf32, #tpu.memory_space<hbm>>
        tpu.enqueue_indirect_dma source(%dma_start3A_1892 : memref<52428800xf32, #tpu.memory_space<hbm>>) target(%dma_start3A_1888 : memref<128xf32, #tpu.memory_space<vmem>>) offsets(%dma_start3A_1890 : memref<128xi32, #tpu.memory_space<vmem>>) semaphore(%arg10 : memref<!tpu.dma_semaphore, #tpu.memory_space<semaphore_mem>>)
        %dma_start3A_1893 = arith.constant 1 : i32
        %dma_start3A_1894 = arith.constant 640 : i32
        %dma_start3A_1895 = tpu.memref_slice %arg8[%dma_start3A_1893, %dma_start3A_1894] : memref<8x1664xf32, #tpu.memory_space<vmem>> -> memref<1x128xf32, #tpu.memory_space<vmem>>
        %dma_start3A_1896 = tpu.memref_squeeze %dma_start3A_1895 : memref<1x128xf32, #tpu.memory_space<vmem>> -> memref<128xf32, #tpu.memory_space<vmem>>
        %dma_start3A_1897 = arith.constant 2304 : i32
        %dma_start3A_1898 = tpu.memref_slice %arg6[%dma_start3A_1897] : memref<13312xi32, #tpu.memory_space<vmem>> -> memref<128xi32, #tpu.memory_space<vmem>>
        %dma_start3A_1899 = arith.constant 0 : i32
        %dma_start3A_1900 = tpu.memref_slice %arg2[%dma_start3A_1899] : memref<52428800xf32, #tpu.memory_space<hbm>> -> memref<52428800xf32, #tpu.memory_space<hbm>>
        tpu.enqueue_indirect_dma source(%dma_start3A_1900 : memref<52428800xf32, #tpu.memory_space<hbm>>) target(%dma_start3A_1896 : memref<128xf32, #tpu.memory_space<vmem>>) offsets(%dma_start3A_1898 : memref<128xi32, #tpu.memory_space<vmem>>) semaphore(%arg10 : memref<!tpu.dma_semaphore, #tpu.memory_space<semaphore_mem>>)
        %dma_start3A_1901 = arith.constant 1 : i32
        %dma_start3A_1902 = arith.constant 768 : i32
        %dma_start3A_1903 = tpu.memref_slice %arg8[%dma_start3A_1901, %dma_start3A_1902] : memref<8x1664xf32, #tpu.memory_space<vmem>> -> memref<1x128xf32, #tpu.memory_space<vmem>>
        %dma_start3A_1904 = tpu.memref_squeeze %dma_start3A_1903 : memref<1x128xf32, #tpu.memory_space<vmem>> -> memref<128xf32, #tpu.memory_space<vmem>>
        %dma_start3A_1905 = arith.constant 2432 : i32
        %dma_start3A_1906 = tpu.memref_slice %arg6[%dma_start3A_1905] : memref<13312xi32, #tpu.memory_space<vmem>> -> memref<128xi32, #tpu.memory_space<vmem>>
        %dma_start3A_1907 = arith.constant 0 : i32
        %dma_start3A_1908 = tpu.memref_slice %arg2[%dma_start3A_1907] : memref<52428800xf32, #tpu.memory_space<hbm>> -> memref<52428800xf32, #tpu.memory_space<hbm>>
        tpu.enqueue_indirect_dma source(%dma_start3A_1908 : memref<52428800xf32, #tpu.memory_space<hbm>>) target(%dma_start3A_1904 : memref<128xf32, #tpu.memory_space<vmem>>) offsets(%dma_start3A_1906 : memref<128xi32, #tpu.memory_space<vmem>>) semaphore(%arg10 : memref<!tpu.dma_semaphore, #tpu.memory_space<semaphore_mem>>)
        %dma_start3A_1909 = arith.constant 1 : i32
        %dma_start3A_1910 = arith.constant 896 : i32
        %dma_start3A_1911 = tpu.memref_slice %arg8[%dma_start3A_1909, %dma_start3A_1910] : memref<8x1664xf32, #tpu.memory_space<vmem>> -> memref<1x128xf32, #tpu.memory_space<vmem>>
        %dma_start3A_1912 = tpu.memref_squeeze %dma_start3A_1911 : memref<1x128xf32, #tpu.memory_space<vmem>> -> memref<128xf32, #tpu.memory_space<vmem>>
        %dma_start3A_1913 = arith.constant 2560 : i32
        %dma_start3A_1914 = tpu.memref_slice %arg6[%dma_start3A_1913] : memref<13312xi32, #tpu.memory_space<vmem>> -> memref<128xi32, #tpu.memory_space<vmem>>
        %dma_start3A_1915 = arith.constant 0 : i32
        %dma_start3A_1916 = tpu.memref_slice %arg2[%dma_start3A_1915] : memref<52428800xf32, #tpu.memory_space<hbm>> -> memref<52428800xf32, #tpu.memory_space<hbm>>
        tpu.enqueue_indirect_dma source(%dma_start3A_1916 : memref<52428800xf32, #tpu.memory_space<hbm>>) target(%dma_start3A_1912 : memref<128xf32, #tpu.memory_space<vmem>>) offsets(%dma_start3A_1914 : memref<128xi32, #tpu.memory_space<vmem>>) semaphore(%arg10 : memref<!tpu.dma_semaphore, #tpu.memory_space<semaphore_mem>>)
        %dma_start3A_1917 = arith.constant 1 : i32
        %dma_start3A_1918 = arith.constant 1024 : i32
        %dma_start3A_1919 = tpu.memref_slice %arg8[%dma_start3A_1917, %dma_start3A_1918] : memref<8x1664xf32, #tpu.memory_space<vmem>> -> memref<1x128xf32, #tpu.memory_space<vmem>>
        %dma_start3A_1920 = tpu.memref_squeeze %dma_start3A_1919 : memref<1x128xf32, #tpu.memory_space<vmem>> -> memref<128xf32, #tpu.memory_space<vmem>>
        %dma_start3A_1921 = arith.constant 2688 : i32
        %dma_start3A_1922 = tpu.memref_slice %arg6[%dma_start3A_1921] : memref<13312xi32, #tpu.memory_space<vmem>> -> memref<128xi32, #tpu.memory_space<vmem>>
        %dma_start3A_1923 = arith.constant 0 : i32
        %dma_start3A_1924 = tpu.memref_slice %arg2[%dma_start3A_1923] : memref<52428800xf32, #tpu.memory_space<hbm>> -> memref<52428800xf32, #tpu.memory_space<hbm>>
        tpu.enqueue_indirect_dma source(%dma_start3A_1924 : memref<52428800xf32, #tpu.memory_space<hbm>>) target(%dma_start3A_1920 : memref<128xf32, #tpu.memory_space<vmem>>) offsets(%dma_start3A_1922 : memref<128xi32, #tpu.memory_space<vmem>>) semaphore(%arg10 : memref<!tpu.dma_semaphore, #tpu.memory_space<semaphore_mem>>)
        %dma_start3A_1925 = arith.constant 1 : i32
        %dma_start3A_1926 = arith.constant 1152 : i32
        %dma_start3A_1927 = tpu.memref_slice %arg8[%dma_start3A_1925, %dma_start3A_1926] : memref<8x1664xf32, #tpu.memory_space<vmem>> -> memref<1x128xf32, #tpu.memory_space<vmem>>
        %dma_start3A_1928 = tpu.memref_squeeze %dma_start3A_1927 : memref<1x128xf32, #tpu.memory_space<vmem>> -> memref<128xf32, #tpu.memory_space<vmem>>
        %dma_start3A_1929 = arith.constant 2816 : i32
        %dma_start3A_1930 = tpu.memref_slice %arg6[%dma_start3A_1929] : memref<13312xi32, #tpu.memory_space<vmem>> -> memref<128xi32, #tpu.memory_space<vmem>>
        %dma_start3A_1931 = arith.constant 0 : i32
        %dma_start3A_1932 = tpu.memref_slice %arg2[%dma_start3A_1931] : memref<52428800xf32, #tpu.memory_space<hbm>> -> memref<52428800xf32, #tpu.memory_space<hbm>>
        tpu.enqueue_indirect_dma source(%dma_start3A_1932 : memref<52428800xf32, #tpu.memory_space<hbm>>) target(%dma_start3A_1928 : memref<128xf32, #tpu.memory_space<vmem>>) offsets(%dma_start3A_1930 : memref<128xi32, #tpu.memory_space<vmem>>) semaphore(%arg10 : memref<!tpu.dma_semaphore, #tpu.memory_space<semaphore_mem>>)
        %dma_start3A_1933 = arith.constant 1 : i32
        %dma_start3A_1934 = arith.constant 1280 : i32
        %dma_start3A_1935 = tpu.memref_slice %arg8[%dma_start3A_1933, %dma_start3A_1934] : memref<8x1664xf32, #tpu.memory_space<vmem>> -> memref<1x128xf32, #tpu.memory_space<vmem>>
        %dma_start3A_1936 = tpu.memref_squeeze %dma_start3A_1935 : memref<1x128xf32, #tpu.memory_space<vmem>> -> memref<128xf32, #tpu.memory_space<vmem>>
        %dma_start3A_1937 = arith.constant 2944 : i32
        %dma_start3A_1938 = tpu.memref_slice %arg6[%dma_start3A_1937] : memref<13312xi32, #tpu.memory_space<vmem>> -> memref<128xi32, #tpu.memory_space<vmem>>
        %dma_start3A_1939 = arith.constant 0 : i32
        %dma_start3A_1940 = tpu.memref_slice %arg2[%dma_start3A_1939] : memref<52428800xf32, #tpu.memory_space<hbm>> -> memref<52428800xf32, #tpu.memory_space<hbm>>
        tpu.enqueue_indirect_dma source(%dma_start3A_1940 : memref<52428800xf32, #tpu.memory_space<hbm>>) target(%dma_start3A_1936 : memref<128xf32, #tpu.memory_space<vmem>>) offsets(%dma_start3A_1938 : memref<128xi32, #tpu.memory_space<vmem>>) semaphore(%arg10 : memref<!tpu.dma_semaphore, #tpu.memory_space<semaphore_mem>>)
        %dma_start3A_1941 = arith.constant 1 : i32
        %dma_start3A_1942 = arith.constant 1408 : i32
        %dma_start3A_1943 = tpu.memref_slice %arg8[%dma_start3A_1941, %dma_start3A_1942] : memref<8x1664xf32, #tpu.memory_space<vmem>> -> memref<1x128xf32, #tpu.memory_space<vmem>>
        %dma_start3A_1944 = tpu.memref_squeeze %dma_start3A_1943 : memref<1x128xf32, #tpu.memory_space<vmem>> -> memref<128xf32, #tpu.memory_space<vmem>>
        %dma_start3A_1945 = arith.constant 3072 : i32
        %dma_start3A_1946 = tpu.memref_slice %arg6[%dma_start3A_1945] : memref<13312xi32, #tpu.memory_space<vmem>> -> memref<128xi32, #tpu.memory_space<vmem>>
        %dma_start3A_1947 = arith.constant 0 : i32
        %dma_start3A_1948 = tpu.memref_slice %arg2[%dma_start3A_1947] : memref<52428800xf32, #tpu.memory_space<hbm>> -> memref<52428800xf32, #tpu.memory_space<hbm>>
        tpu.enqueue_indirect_dma source(%dma_start3A_1948 : memref<52428800xf32, #tpu.memory_space<hbm>>) target(%dma_start3A_1944 : memref<128xf32, #tpu.memory_space<vmem>>) offsets(%dma_start3A_1946 : memref<128xi32, #tpu.memory_space<vmem>>) semaphore(%arg10 : memref<!tpu.dma_semaphore, #tpu.memory_space<semaphore_mem>>)
        %dma_start3A_1949 = arith.constant 1 : i32
        %dma_start3A_1950 = arith.constant 1536 : i32
        %dma_start3A_1951 = tpu.memref_slice %arg8[%dma_start3A_1949, %dma_start3A_1950] : memref<8x1664xf32, #tpu.memory_space<vmem>> -> memref<1x128xf32, #tpu.memory_space<vmem>>
        %dma_start3A_1952 = tpu.memref_squeeze %dma_start3A_1951 : memref<1x128xf32, #tpu.memory_space<vmem>> -> memref<128xf32, #tpu.memory_space<vmem>>
        %dma_start3A_1953 = arith.constant 3200 : i32
        %dma_start3A_1954 = tpu.memref_slice %arg6[%dma_start3A_1953] : memref<13312xi32, #tpu.memory_space<vmem>> -> memref<128xi32, #tpu.memory_space<vmem>>
        %dma_start3A_1955 = arith.constant 0 : i32
        %dma_start3A_1956 = tpu.memref_slice %arg2[%dma_start3A_1955] : memref<52428800xf32, #tpu.memory_space<hbm>> -> memref<52428800xf32, #tpu.memory_space<hbm>>
        tpu.enqueue_indirect_dma source(%dma_start3A_1956 : memref<52428800xf32, #tpu.memory_space<hbm>>) target(%dma_start3A_1952 : memref<128xf32, #tpu.memory_space<vmem>>) offsets(%dma_start3A_1954 : memref<128xi32, #tpu.memory_space<vmem>>) semaphore(%arg10 : memref<!tpu.dma_semaphore, #tpu.memory_space<semaphore_mem>>)
        %dma_start3A_1957 = arith.constant 2 : i32
        %dma_start3A_1958 = arith.constant 0 : i32
        %dma_start3A_1959 = tpu.memref_slice %arg8[%dma_start3A_1957, %dma_start3A_1958] : memref<8x1664xf32, #tpu.memory_space<vmem>> -> memref<1x128xf32, #tpu.memory_space<vmem>>
        %dma_start3A_1960 = tpu.memref_squeeze %dma_start3A_1959 : memref<1x128xf32, #tpu.memory_space<vmem>> -> memref<128xf32, #tpu.memory_space<vmem>>
        %dma_start3A_1961 = arith.constant 3328 : i32
        %dma_start3A_1962 = tpu.memref_slice %arg6[%dma_start3A_1961] : memref<13312xi32, #tpu.memory_space<vmem>> -> memref<128xi32, #tpu.memory_space<vmem>>
        %dma_start3A_1963 = arith.constant 0 : i32
        %dma_start3A_1964 = tpu.memref_slice %arg2[%dma_start3A_1963] : memref<52428800xf32, #tpu.memory_space<hbm>> -> memref<52428800xf32, #tpu.memory_space<hbm>>
        tpu.enqueue_indirect_dma source(%dma_start3A_1964 : memref<52428800xf32, #tpu.memory_space<hbm>>) target(%dma_start3A_1960 : memref<128xf32, #tpu.memory_space<vmem>>) offsets(%dma_start3A_1962 : memref<128xi32, #tpu.memory_space<vmem>>) semaphore(%arg10 : memref<!tpu.dma_semaphore, #tpu.memory_space<semaphore_mem>>)
        %dma_start3A_1965 = arith.constant 2 : i32
        %dma_start3A_1966 = arith.constant 128 : i32
        %dma_start3A_1967 = tpu.memref_slice %arg8[%dma_start3A_1965, %dma_start3A_1966] : memref<8x1664xf32, #tpu.memory_space<vmem>> -> memref<1x128xf32, #tpu.memory_space<vmem>>
        %dma_start3A_1968 = tpu.memref_squeeze %dma_start3A_1967 : memref<1x128xf32, #tpu.memory_space<vmem>> -> memref<128xf32, #tpu.memory_space<vmem>>
        %dma_start3A_1969 = arith.constant 3456 : i32
        %dma_start3A_1970 = tpu.memref_slice %arg6[%dma_start3A_1969] : memref<13312xi32, #tpu.memory_space<vmem>> -> memref<128xi32, #tpu.memory_space<vmem>>
        %dma_start3A_1971 = arith.constant 0 : i32
        %dma_start3A_1972 = tpu.memref_slice %arg2[%dma_start3A_1971] : memref<52428800xf32, #tpu.memory_space<hbm>> -> memref<52428800xf32, #tpu.memory_space<hbm>>
        tpu.enqueue_indirect_dma source(%dma_start3A_1972 : memref<52428800xf32, #tpu.memory_space<hbm>>) target(%dma_start3A_1968 : memref<128xf32, #tpu.memory_space<vmem>>) offsets(%dma_start3A_1970 : memref<128xi32, #tpu.memory_space<vmem>>) semaphore(%arg10 : memref<!tpu.dma_semaphore, #tpu.memory_space<semaphore_mem>>)
        %dma_start3A_1973 = arith.constant 2 : i32
        %dma_start3A_1974 = arith.constant 256 : i32
        %dma_start3A_1975 = tpu.memref_slice %arg8[%dma_start3A_1973, %dma_start3A_1974] : memref<8x1664xf32, #tpu.memory_space<vmem>> -> memref<1x128xf32, #tpu.memory_space<vmem>>
        %dma_start3A_1976 = tpu.memref_squeeze %dma_start3A_1975 : memref<1x128xf32, #tpu.memory_space<vmem>> -> memref<128xf32, #tpu.memory_space<vmem>>
        %dma_start3A_1977 = arith.constant 3584 : i32
        %dma_start3A_1978 = tpu.memref_slice %arg6[%dma_start3A_1977] : memref<13312xi32, #tpu.memory_space<vmem>> -> memref<128xi32, #tpu.memory_space<vmem>>
        %dma_start3A_1979 = arith.constant 0 : i32
        %dma_start3A_1980 = tpu.memref_slice %arg2[%dma_start3A_1979] : memref<52428800xf32, #tpu.memory_space<hbm>> -> memref<52428800xf32, #tpu.memory_space<hbm>>
        tpu.enqueue_indirect_dma source(%dma_start3A_1980 : memref<52428800xf32, #tpu.memory_space<hbm>>) target(%dma_start3A_1976 : memref<128xf32, #tpu.memory_space<vmem>>) offsets(%dma_start3A_1978 : memref<128xi32, #tpu.memory_space<vmem>>) semaphore(%arg10 : memref<!tpu.dma_semaphore, #tpu.memory_space<semaphore_mem>>)
        %dma_start3A_1981 = arith.constant 2 : i32
        %dma_start3A_1982 = arith.constant 384 : i32
        %dma_start3A_1983 = tpu.memref_slice %arg8[%dma_start3A_1981, %dma_start3A_1982] : memref<8x1664xf32, #tpu.memory_space<vmem>> -> memref<1x128xf32, #tpu.memory_space<vmem>>
        %dma_start3A_1984 = tpu.memref_squeeze %dma_start3A_1983 : memref<1x128xf32, #tpu.memory_space<vmem>> -> memref<128xf32, #tpu.memory_space<vmem>>
        %dma_start3A_1985 = arith.constant 3712 : i32
        %dma_start3A_1986 = tpu.memref_slice %arg6[%dma_start3A_1985] : memref<13312xi32, #tpu.memory_space<vmem>> -> memref<128xi32, #tpu.memory_space<vmem>>
        %dma_start3A_1987 = arith.constant 0 : i32
        %dma_start3A_1988 = tpu.memref_slice %arg2[%dma_start3A_1987] : memref<52428800xf32, #tpu.memory_space<hbm>> -> memref<52428800xf32, #tpu.memory_space<hbm>>
        tpu.enqueue_indirect_dma source(%dma_start3A_1988 : memref<52428800xf32, #tpu.memory_space<hbm>>) target(%dma_start3A_1984 : memref<128xf32, #tpu.memory_space<vmem>>) offsets(%dma_start3A_1986 : memref<128xi32, #tpu.memory_space<vmem>>) semaphore(%arg10 : memref<!tpu.dma_semaphore, #tpu.memory_space<semaphore_mem>>)
        %dma_start3A_1989 = arith.constant 2 : i32
        %dma_start3A_1990 = arith.constant 512 : i32
        %dma_start3A_1991 = tpu.memref_slice %arg8[%dma_start3A_1989, %dma_start3A_1990] : memref<8x1664xf32, #tpu.memory_space<vmem>> -> memref<1x128xf32, #tpu.memory_space<vmem>>
        %dma_start3A_1992 = tpu.memref_squeeze %dma_start3A_1991 : memref<1x128xf32, #tpu.memory_space<vmem>> -> memref<128xf32, #tpu.memory_space<vmem>>
        %dma_start3A_1993 = arith.constant 3840 : i32
        %dma_start3A_1994 = tpu.memref_slice %arg6[%dma_start3A_1993] : memref<13312xi32, #tpu.memory_space<vmem>> -> memref<128xi32, #tpu.memory_space<vmem>>
        %dma_start3A_1995 = arith.constant 0 : i32
        %dma_start3A_1996 = tpu.memref_slice %arg2[%dma_start3A_1995] : memref<52428800xf32, #tpu.memory_space<hbm>> -> memref<52428800xf32, #tpu.memory_space<hbm>>
        tpu.enqueue_indirect_dma source(%dma_start3A_1996 : memref<52428800xf32, #tpu.memory_space<hbm>>) target(%dma_start3A_1992 : memref<128xf32, #tpu.memory_space<vmem>>) offsets(%dma_start3A_1994 : memref<128xi32, #tpu.memory_space<vmem>>) semaphore(%arg10 : memref<!tpu.dma_semaphore, #tpu.memory_space<semaphore_mem>>)
        %dma_start3A_1997 = arith.constant 2 : i32
        %dma_start3A_1998 = arith.constant 640 : i32
        %dma_start3A_1999 = tpu.memref_slice %arg8[%dma_start3A_1997, %dma_start3A_1998] : memref<8x1664xf32, #tpu.memory_space<vmem>> -> memref<1x128xf32, #tpu.memory_space<vmem>>
        %dma_start3A_2000 = tpu.memref_squeeze %dma_start3A_1999 : memref<1x128xf32, #tpu.memory_space<vmem>> -> memref<128xf32, #tpu.memory_space<vmem>>
        %dma_start3A_2001 = arith.constant 3968 : i32
        %dma_start3A_2002 = tpu.memref_slice %arg6[%dma_start3A_2001] : memref<13312xi32, #tpu.memory_space<vmem>> -> memref<128xi32, #tpu.memory_space<vmem>>
        %dma_start3A_2003 = arith.constant 0 : i32
        %dma_start3A_2004 = tpu.memref_slice %arg2[%dma_start3A_2003] : memref<52428800xf32, #tpu.memory_space<hbm>> -> memref<52428800xf32, #tpu.memory_space<hbm>>
        tpu.enqueue_indirect_dma source(%dma_start3A_2004 : memref<52428800xf32, #tpu.memory_space<hbm>>) target(%dma_start3A_2000 : memref<128xf32, #tpu.memory_space<vmem>>) offsets(%dma_start3A_2002 : memref<128xi32, #tpu.memory_space<vmem>>) semaphore(%arg10 : memref<!tpu.dma_semaphore, #tpu.memory_space<semaphore_mem>>)
        %dma_start3A_2005 = arith.constant 2 : i32
        %dma_start3A_2006 = arith.constant 768 : i32
        %dma_start3A_2007 = tpu.memref_slice %arg8[%dma_start3A_2005, %dma_start3A_2006] : memref<8x1664xf32, #tpu.memory_space<vmem>> -> memref<1x128xf32, #tpu.memory_space<vmem>>
        %dma_start3A_2008 = tpu.memref_squeeze %dma_start3A_2007 : memref<1x128xf32, #tpu.memory_space<vmem>> -> memref<128xf32, #tpu.memory_space<vmem>>
        %dma_start3A_2009 = arith.constant 4096 : i32
        %dma_start3A_2010 = tpu.memref_slice %arg6[%dma_start3A_2009] : memref<13312xi32, #tpu.memory_space<vmem>> -> memref<128xi32, #tpu.memory_space<vmem>>
        %dma_start3A_2011 = arith.constant 0 : i32
        %dma_start3A_2012 = tpu.memref_slice %arg2[%dma_start3A_2011] : memref<52428800xf32, #tpu.memory_space<hbm>> -> memref<52428800xf32, #tpu.memory_space<hbm>>
        tpu.enqueue_indirect_dma source(%dma_start3A_2012 : memref<52428800xf32, #tpu.memory_space<hbm>>) target(%dma_start3A_2008 : memref<128xf32, #tpu.memory_space<vmem>>) offsets(%dma_start3A_2010 : memref<128xi32, #tpu.memory_space<vmem>>) semaphore(%arg10 : memref<!tpu.dma_semaphore, #tpu.memory_space<semaphore_mem>>)
        %dma_start3A_2013 = arith.constant 2 : i32
        %dma_start3A_2014 = arith.constant 896 : i32
        %dma_start3A_2015 = tpu.memref_slice %arg8[%dma_start3A_2013, %dma_start3A_2014] : memref<8x1664xf32, #tpu.memory_space<vmem>> -> memref<1x128xf32, #tpu.memory_space<vmem>>
        %dma_start3A_2016 = tpu.memref_squeeze %dma_start3A_2015 : memref<1x128xf32, #tpu.memory_space<vmem>> -> memref<128xf32, #tpu.memory_space<vmem>>
        %dma_start3A_2017 = arith.constant 4224 : i32
        %dma_start3A_2018 = tpu.memref_slice %arg6[%dma_start3A_2017] : memref<13312xi32, #tpu.memory_space<vmem>> -> memref<128xi32, #tpu.memory_space<vmem>>
        %dma_start3A_2019 = arith.constant 0 : i32
        %dma_start3A_2020 = tpu.memref_slice %arg2[%dma_start3A_2019] : memref<52428800xf32, #tpu.memory_space<hbm>> -> memref<52428800xf32, #tpu.memory_space<hbm>>
        tpu.enqueue_indirect_dma source(%dma_start3A_2020 : memref<52428800xf32, #tpu.memory_space<hbm>>) target(%dma_start3A_2016 : memref<128xf32, #tpu.memory_space<vmem>>) offsets(%dma_start3A_2018 : memref<128xi32, #tpu.memory_space<vmem>>) semaphore(%arg10 : memref<!tpu.dma_semaphore, #tpu.memory_space<semaphore_mem>>)
        %dma_start3A_2021 = arith.constant 2 : i32
        %dma_start3A_2022 = arith.constant 1024 : i32
        %dma_start3A_2023 = tpu.memref_slice %arg8[%dma_start3A_2021, %dma_start3A_2022] : memref<8x1664xf32, #tpu.memory_space<vmem>> -> memref<1x128xf32, #tpu.memory_space<vmem>>
        %dma_start3A_2024 = tpu.memref_squeeze %dma_start3A_2023 : memref<1x128xf32, #tpu.memory_space<vmem>> -> memref<128xf32, #tpu.memory_space<vmem>>
        %dma_start3A_2025 = arith.constant 4352 : i32
        %dma_start3A_2026 = tpu.memref_slice %arg6[%dma_start3A_2025] : memref<13312xi32, #tpu.memory_space<vmem>> -> memref<128xi32, #tpu.memory_space<vmem>>
        %dma_start3A_2027 = arith.constant 0 : i32
        %dma_start3A_2028 = tpu.memref_slice %arg2[%dma_start3A_2027] : memref<52428800xf32, #tpu.memory_space<hbm>> -> memref<52428800xf32, #tpu.memory_space<hbm>>
        tpu.enqueue_indirect_dma source(%dma_start3A_2028 : memref<52428800xf32, #tpu.memory_space<hbm>>) target(%dma_start3A_2024 : memref<128xf32, #tpu.memory_space<vmem>>) offsets(%dma_start3A_2026 : memref<128xi32, #tpu.memory_space<vmem>>) semaphore(%arg10 : memref<!tpu.dma_semaphore, #tpu.memory_space<semaphore_mem>>)
        %dma_start3A_2029 = arith.constant 2 : i32
        %dma_start3A_2030 = arith.constant 1152 : i32
        %dma_start3A_2031 = tpu.memref_slice %arg8[%dma_start3A_2029, %dma_start3A_2030] : memref<8x1664xf32, #tpu.memory_space<vmem>> -> memref<1x128xf32, #tpu.memory_space<vmem>>
        %dma_start3A_2032 = tpu.memref_squeeze %dma_start3A_2031 : memref<1x128xf32, #tpu.memory_space<vmem>> -> memref<128xf32, #tpu.memory_space<vmem>>
        %dma_start3A_2033 = arith.constant 4480 : i32
        %dma_start3A_2034 = tpu.memref_slice %arg6[%dma_start3A_2033] : memref<13312xi32, #tpu.memory_space<vmem>> -> memref<128xi32, #tpu.memory_space<vmem>>
        %dma_start3A_2035 = arith.constant 0 : i32
        %dma_start3A_2036 = tpu.memref_slice %arg2[%dma_start3A_2035] : memref<52428800xf32, #tpu.memory_space<hbm>> -> memref<52428800xf32, #tpu.memory_space<hbm>>
        tpu.enqueue_indirect_dma source(%dma_start3A_2036 : memref<52428800xf32, #tpu.memory_space<hbm>>) target(%dma_start3A_2032 : memref<128xf32, #tpu.memory_space<vmem>>) offsets(%dma_start3A_2034 : memref<128xi32, #tpu.memory_space<vmem>>) semaphore(%arg10 : memref<!tpu.dma_semaphore, #tpu.memory_space<semaphore_mem>>)
        %dma_start3A_2037 = arith.constant 2 : i32
        %dma_start3A_2038 = arith.constant 1280 : i32
        %dma_start3A_2039 = tpu.memref_slice %arg8[%dma_start3A_2037, %dma_start3A_2038] : memref<8x1664xf32, #tpu.memory_space<vmem>> -> memref<1x128xf32, #tpu.memory_space<vmem>>
        %dma_start3A_2040 = tpu.memref_squeeze %dma_start3A_2039 : memref<1x128xf32, #tpu.memory_space<vmem>> -> memref<128xf32, #tpu.memory_space<vmem>>
        %dma_start3A_2041 = arith.constant 4608 : i32
        %dma_start3A_2042 = tpu.memref_slice %arg6[%dma_start3A_2041] : memref<13312xi32, #tpu.memory_space<vmem>> -> memref<128xi32, #tpu.memory_space<vmem>>
        %dma_start3A_2043 = arith.constant 0 : i32
        %dma_start3A_2044 = tpu.memref_slice %arg2[%dma_start3A_2043] : memref<52428800xf32, #tpu.memory_space<hbm>> -> memref<52428800xf32, #tpu.memory_space<hbm>>
        tpu.enqueue_indirect_dma source(%dma_start3A_2044 : memref<52428800xf32, #tpu.memory_space<hbm>>) target(%dma_start3A_2040 : memref<128xf32, #tpu.memory_space<vmem>>) offsets(%dma_start3A_2042 : memref<128xi32, #tpu.memory_space<vmem>>) semaphore(%arg10 : memref<!tpu.dma_semaphore, #tpu.memory_space<semaphore_mem>>)
        %dma_start3A_2045 = arith.constant 2 : i32
        %dma_start3A_2046 = arith.constant 1408 : i32
        %dma_start3A_2047 = tpu.memref_slice %arg8[%dma_start3A_2045, %dma_start3A_2046] : memref<8x1664xf32, #tpu.memory_space<vmem>> -> memref<1x128xf32, #tpu.memory_space<vmem>>
        %dma_start3A_2048 = tpu.memref_squeeze %dma_start3A_2047 : memref<1x128xf32, #tpu.memory_space<vmem>> -> memref<128xf32, #tpu.memory_space<vmem>>
        %dma_start3A_2049 = arith.constant 4736 : i32
        %dma_start3A_2050 = tpu.memref_slice %arg6[%dma_start3A_2049] : memref<13312xi32, #tpu.memory_space<vmem>> -> memref<128xi32, #tpu.memory_space<vmem>>
        %dma_start3A_2051 = arith.constant 0 : i32
        %dma_start3A_2052 = tpu.memref_slice %arg2[%dma_start3A_2051] : memref<52428800xf32, #tpu.memory_space<hbm>> -> memref<52428800xf32, #tpu.memory_space<hbm>>
        tpu.enqueue_indirect_dma source(%dma_start3A_2052 : memref<52428800xf32, #tpu.memory_space<hbm>>) target(%dma_start3A_2048 : memref<128xf32, #tpu.memory_space<vmem>>) offsets(%dma_start3A_2050 : memref<128xi32, #tpu.memory_space<vmem>>) semaphore(%arg10 : memref<!tpu.dma_semaphore, #tpu.memory_space<semaphore_mem>>)
        %dma_start3A_2053 = arith.constant 2 : i32
        %dma_start3A_2054 = arith.constant 1536 : i32
        %dma_start3A_2055 = tpu.memref_slice %arg8[%dma_start3A_2053, %dma_start3A_2054] : memref<8x1664xf32, #tpu.memory_space<vmem>> -> memref<1x128xf32, #tpu.memory_space<vmem>>
        %dma_start3A_2056 = tpu.memref_squeeze %dma_start3A_2055 : memref<1x128xf32, #tpu.memory_space<vmem>> -> memref<128xf32, #tpu.memory_space<vmem>>
        %dma_start3A_2057 = arith.constant 4864 : i32
        %dma_start3A_2058 = tpu.memref_slice %arg6[%dma_start3A_2057] : memref<13312xi32, #tpu.memory_space<vmem>> -> memref<128xi32, #tpu.memory_space<vmem>>
        %dma_start3A_2059 = arith.constant 0 : i32
        %dma_start3A_2060 = tpu.memref_slice %arg2[%dma_start3A_2059] : memref<52428800xf32, #tpu.memory_space<hbm>> -> memref<52428800xf32, #tpu.memory_space<hbm>>
        tpu.enqueue_indirect_dma source(%dma_start3A_2060 : memref<52428800xf32, #tpu.memory_space<hbm>>) target(%dma_start3A_2056 : memref<128xf32, #tpu.memory_space<vmem>>) offsets(%dma_start3A_2058 : memref<128xi32, #tpu.memory_space<vmem>>) semaphore(%arg10 : memref<!tpu.dma_semaphore, #tpu.memory_space<semaphore_mem>>)
        %dma_start3A_2061 = arith.constant 3 : i32
        %dma_start3A_2062 = arith.constant 0 : i32
        %dma_start3A_2063 = tpu.memref_slice %arg8[%dma_start3A_2061, %dma_start3A_2062] : memref<8x1664xf32, #tpu.memory_space<vmem>> -> memref<1x128xf32, #tpu.memory_space<vmem>>
        %dma_start3A_2064 = tpu.memref_squeeze %dma_start3A_2063 : memref<1x128xf32, #tpu.memory_space<vmem>> -> memref<128xf32, #tpu.memory_space<vmem>>
        %dma_start3A_2065 = arith.constant 4992 : i32
        %dma_start3A_2066 = tpu.memref_slice %arg6[%dma_start3A_2065] : memref<13312xi32, #tpu.memory_space<vmem>> -> memref<128xi32, #tpu.memory_space<vmem>>
        %dma_start3A_2067 = arith.constant 0 : i32
        %dma_start3A_2068 = tpu.memref_slice %arg2[%dma_start3A_2067] : memref<52428800xf32, #tpu.memory_space<hbm>> -> memref<52428800xf32, #tpu.memory_space<hbm>>
        tpu.enqueue_indirect_dma source(%dma_start3A_2068 : memref<52428800xf32, #tpu.memory_space<hbm>>) target(%dma_start3A_2064 : memref<128xf32, #tpu.memory_space<vmem>>) offsets(%dma_start3A_2066 : memref<128xi32, #tpu.memory_space<vmem>>) semaphore(%arg10 : memref<!tpu.dma_semaphore, #tpu.memory_space<semaphore_mem>>)
        %dma_start3A_2069 = arith.constant 3 : i32
        %dma_start3A_2070 = arith.constant 128 : i32
        %dma_start3A_2071 = tpu.memref_slice %arg8[%dma_start3A_2069, %dma_start3A_2070] : memref<8x1664xf32, #tpu.memory_space<vmem>> -> memref<1x128xf32, #tpu.memory_space<vmem>>
        %dma_start3A_2072 = tpu.memref_squeeze %dma_start3A_2071 : memref<1x128xf32, #tpu.memory_space<vmem>> -> memref<128xf32, #tpu.memory_space<vmem>>
        %dma_start3A_2073 = arith.constant 5120 : i32
        %dma_start3A_2074 = tpu.memref_slice %arg6[%dma_start3A_2073] : memref<13312xi32, #tpu.memory_space<vmem>> -> memref<128xi32, #tpu.memory_space<vmem>>
        %dma_start3A_2075 = arith.constant 0 : i32
        %dma_start3A_2076 = tpu.memref_slice %arg2[%dma_start3A_2075] : memref<52428800xf32, #tpu.memory_space<hbm>> -> memref<52428800xf32, #tpu.memory_space<hbm>>
        tpu.enqueue_indirect_dma source(%dma_start3A_2076 : memref<52428800xf32, #tpu.memory_space<hbm>>) target(%dma_start3A_2072 : memref<128xf32, #tpu.memory_space<vmem>>) offsets(%dma_start3A_2074 : memref<128xi32, #tpu.memory_space<vmem>>) semaphore(%arg10 : memref<!tpu.dma_semaphore, #tpu.memory_space<semaphore_mem>>)
        %dma_start3A_2077 = arith.constant 3 : i32
        %dma_start3A_2078 = arith.constant 256 : i32
        %dma_start3A_2079 = tpu.memref_slice %arg8[%dma_start3A_2077, %dma_start3A_2078] : memref<8x1664xf32, #tpu.memory_space<vmem>> -> memref<1x128xf32, #tpu.memory_space<vmem>>
        %dma_start3A_2080 = tpu.memref_squeeze %dma_start3A_2079 : memref<1x128xf32, #tpu.memory_space<vmem>> -> memref<128xf32, #tpu.memory_space<vmem>>
        %dma_start3A_2081 = arith.constant 5248 : i32
        %dma_start3A_2082 = tpu.memref_slice %arg6[%dma_start3A_2081] : memref<13312xi32, #tpu.memory_space<vmem>> -> memref<128xi32, #tpu.memory_space<vmem>>
        %dma_start3A_2083 = arith.constant 0 : i32
        %dma_start3A_2084 = tpu.memref_slice %arg2[%dma_start3A_2083] : memref<52428800xf32, #tpu.memory_space<hbm>> -> memref<52428800xf32, #tpu.memory_space<hbm>>
        tpu.enqueue_indirect_dma source(%dma_start3A_2084 : memref<52428800xf32, #tpu.memory_space<hbm>>) target(%dma_start3A_2080 : memref<128xf32, #tpu.memory_space<vmem>>) offsets(%dma_start3A_2082 : memref<128xi32, #tpu.memory_space<vmem>>) semaphore(%arg10 : memref<!tpu.dma_semaphore, #tpu.memory_space<semaphore_mem>>)
        %dma_start3A_2085 = arith.constant 3 : i32
        %dma_start3A_2086 = arith.constant 384 : i32
        %dma_start3A_2087 = tpu.memref_slice %arg8[%dma_start3A_2085, %dma_start3A_2086] : memref<8x1664xf32, #tpu.memory_space<vmem>> -> memref<1x128xf32, #tpu.memory_space<vmem>>
        %dma_start3A_2088 = tpu.memref_squeeze %dma_start3A_2087 : memref<1x128xf32, #tpu.memory_space<vmem>> -> memref<128xf32, #tpu.memory_space<vmem>>
        %dma_start3A_2089 = arith.constant 5376 : i32
        %dma_start3A_2090 = tpu.memref_slice %arg6[%dma_start3A_2089] : memref<13312xi32, #tpu.memory_space<vmem>> -> memref<128xi32, #tpu.memory_space<vmem>>
        %dma_start3A_2091 = arith.constant 0 : i32
        %dma_start3A_2092 = tpu.memref_slice %arg2[%dma_start3A_2091] : memref<52428800xf32, #tpu.memory_space<hbm>> -> memref<52428800xf32, #tpu.memory_space<hbm>>
        tpu.enqueue_indirect_dma source(%dma_start3A_2092 : memref<52428800xf32, #tpu.memory_space<hbm>>) target(%dma_start3A_2088 : memref<128xf32, #tpu.memory_space<vmem>>) offsets(%dma_start3A_2090 : memref<128xi32, #tpu.memory_space<vmem>>) semaphore(%arg10 : memref<!tpu.dma_semaphore, #tpu.memory_space<semaphore_mem>>)
        %dma_start3A_2093 = arith.constant 3 : i32
        %dma_start3A_2094 = arith.constant 512 : i32
        %dma_start3A_2095 = tpu.memref_slice %arg8[%dma_start3A_2093, %dma_start3A_2094] : memref<8x1664xf32, #tpu.memory_space<vmem>> -> memref<1x128xf32, #tpu.memory_space<vmem>>
        %dma_start3A_2096 = tpu.memref_squeeze %dma_start3A_2095 : memref<1x128xf32, #tpu.memory_space<vmem>> -> memref<128xf32, #tpu.memory_space<vmem>>
        %dma_start3A_2097 = arith.constant 5504 : i32
        %dma_start3A_2098 = tpu.memref_slice %arg6[%dma_start3A_2097] : memref<13312xi32, #tpu.memory_space<vmem>> -> memref<128xi32, #tpu.memory_space<vmem>>
        %dma_start3A_2099 = arith.constant 0 : i32
        %dma_start3A_2100 = tpu.memref_slice %arg2[%dma_start3A_2099] : memref<52428800xf32, #tpu.memory_space<hbm>> -> memref<52428800xf32, #tpu.memory_space<hbm>>
        tpu.enqueue_indirect_dma source(%dma_start3A_2100 : memref<52428800xf32, #tpu.memory_space<hbm>>) target(%dma_start3A_2096 : memref<128xf32, #tpu.memory_space<vmem>>) offsets(%dma_start3A_2098 : memref<128xi32, #tpu.memory_space<vmem>>) semaphore(%arg10 : memref<!tpu.dma_semaphore, #tpu.memory_space<semaphore_mem>>)
        %dma_start3A_2101 = arith.constant 3 : i32
        %dma_start3A_2102 = arith.constant 640 : i32
        %dma_start3A_2103 = tpu.memref_slice %arg8[%dma_start3A_2101, %dma_start3A_2102] : memref<8x1664xf32, #tpu.memory_space<vmem>> -> memref<1x128xf32, #tpu.memory_space<vmem>>
        %dma_start3A_2104 = tpu.memref_squeeze %dma_start3A_2103 : memref<1x128xf32, #tpu.memory_space<vmem>> -> memref<128xf32, #tpu.memory_space<vmem>>
        %dma_start3A_2105 = arith.constant 5632 : i32
        %dma_start3A_2106 = tpu.memref_slice %arg6[%dma_start3A_2105] : memref<13312xi32, #tpu.memory_space<vmem>> -> memref<128xi32, #tpu.memory_space<vmem>>
        %dma_start3A_2107 = arith.constant 0 : i32
        %dma_start3A_2108 = tpu.memref_slice %arg2[%dma_start3A_2107] : memref<52428800xf32, #tpu.memory_space<hbm>> -> memref<52428800xf32, #tpu.memory_space<hbm>>
        tpu.enqueue_indirect_dma source(%dma_start3A_2108 : memref<52428800xf32, #tpu.memory_space<hbm>>) target(%dma_start3A_2104 : memref<128xf32, #tpu.memory_space<vmem>>) offsets(%dma_start3A_2106 : memref<128xi32, #tpu.memory_space<vmem>>) semaphore(%arg10 : memref<!tpu.dma_semaphore, #tpu.memory_space<semaphore_mem>>)
        %dma_start3A_2109 = arith.constant 3 : i32
        %dma_start3A_2110 = arith.constant 768 : i32
        %dma_start3A_2111 = tpu.memref_slice %arg8[%dma_start3A_2109, %dma_start3A_2110] : memref<8x1664xf32, #tpu.memory_space<vmem>> -> memref<1x128xf32, #tpu.memory_space<vmem>>
        %dma_start3A_2112 = tpu.memref_squeeze %dma_start3A_2111 : memref<1x128xf32, #tpu.memory_space<vmem>> -> memref<128xf32, #tpu.memory_space<vmem>>
        %dma_start3A_2113 = arith.constant 5760 : i32
        %dma_start3A_2114 = tpu.memref_slice %arg6[%dma_start3A_2113] : memref<13312xi32, #tpu.memory_space<vmem>> -> memref<128xi32, #tpu.memory_space<vmem>>
        %dma_start3A_2115 = arith.constant 0 : i32
        %dma_start3A_2116 = tpu.memref_slice %arg2[%dma_start3A_2115] : memref<52428800xf32, #tpu.memory_space<hbm>> -> memref<52428800xf32, #tpu.memory_space<hbm>>
        tpu.enqueue_indirect_dma source(%dma_start3A_2116 : memref<52428800xf32, #tpu.memory_space<hbm>>) target(%dma_start3A_2112 : memref<128xf32, #tpu.memory_space<vmem>>) offsets(%dma_start3A_2114 : memref<128xi32, #tpu.memory_space<vmem>>) semaphore(%arg10 : memref<!tpu.dma_semaphore, #tpu.memory_space<semaphore_mem>>)
        %dma_start3A_2117 = arith.constant 3 : i32
        %dma_start3A_2118 = arith.constant 896 : i32
        %dma_start3A_2119 = tpu.memref_slice %arg8[%dma_start3A_2117, %dma_start3A_2118] : memref<8x1664xf32, #tpu.memory_space<vmem>> -> memref<1x128xf32, #tpu.memory_space<vmem>>
        %dma_start3A_2120 = tpu.memref_squeeze %dma_start3A_2119 : memref<1x128xf32, #tpu.memory_space<vmem>> -> memref<128xf32, #tpu.memory_space<vmem>>
        %dma_start3A_2121 = arith.constant 5888 : i32
        %dma_start3A_2122 = tpu.memref_slice %arg6[%dma_start3A_2121] : memref<13312xi32, #tpu.memory_space<vmem>> -> memref<128xi32, #tpu.memory_space<vmem>>
        %dma_start3A_2123 = arith.constant 0 : i32
        %dma_start3A_2124 = tpu.memref_slice %arg2[%dma_start3A_2123] : memref<52428800xf32, #tpu.memory_space<hbm>> -> memref<52428800xf32, #tpu.memory_space<hbm>>
        tpu.enqueue_indirect_dma source(%dma_start3A_2124 : memref<52428800xf32, #tpu.memory_space<hbm>>) target(%dma_start3A_2120 : memref<128xf32, #tpu.memory_space<vmem>>) offsets(%dma_start3A_2122 : memref<128xi32, #tpu.memory_space<vmem>>) semaphore(%arg10 : memref<!tpu.dma_semaphore, #tpu.memory_space<semaphore_mem>>)
        %dma_start3A_2125 = arith.constant 3 : i32
        %dma_start3A_2126 = arith.constant 1024 : i32
        %dma_start3A_2127 = tpu.memref_slice %arg8[%dma_start3A_2125, %dma_start3A_2126] : memref<8x1664xf32, #tpu.memory_space<vmem>> -> memref<1x128xf32, #tpu.memory_space<vmem>>
        %dma_start3A_2128 = tpu.memref_squeeze %dma_start3A_2127 : memref<1x128xf32, #tpu.memory_space<vmem>> -> memref<128xf32, #tpu.memory_space<vmem>>
        %dma_start3A_2129 = arith.constant 6016 : i32
        %dma_start3A_2130 = tpu.memref_slice %arg6[%dma_start3A_2129] : memref<13312xi32, #tpu.memory_space<vmem>> -> memref<128xi32, #tpu.memory_space<vmem>>
        %dma_start3A_2131 = arith.constant 0 : i32
        %dma_start3A_2132 = tpu.memref_slice %arg2[%dma_start3A_2131] : memref<52428800xf32, #tpu.memory_space<hbm>> -> memref<52428800xf32, #tpu.memory_space<hbm>>
        tpu.enqueue_indirect_dma source(%dma_start3A_2132 : memref<52428800xf32, #tpu.memory_space<hbm>>) target(%dma_start3A_2128 : memref<128xf32, #tpu.memory_space<vmem>>) offsets(%dma_start3A_2130 : memref<128xi32, #tpu.memory_space<vmem>>) semaphore(%arg10 : memref<!tpu.dma_semaphore, #tpu.memory_space<semaphore_mem>>)
        %dma_start3A_2133 = arith.constant 3 : i32
        %dma_start3A_2134 = arith.constant 1152 : i32
        %dma_start3A_2135 = tpu.memref_slice %arg8[%dma_start3A_2133, %dma_start3A_2134] : memref<8x1664xf32, #tpu.memory_space<vmem>> -> memref<1x128xf32, #tpu.memory_space<vmem>>
        %dma_start3A_2136 = tpu.memref_squeeze %dma_start3A_2135 : memref<1x128xf32, #tpu.memory_space<vmem>> -> memref<128xf32, #tpu.memory_space<vmem>>
        %dma_start3A_2137 = arith.constant 6144 : i32
        %dma_start3A_2138 = tpu.memref_slice %arg6[%dma_start3A_2137] : memref<13312xi32, #tpu.memory_space<vmem>> -> memref<128xi32, #tpu.memory_space<vmem>>
        %dma_start3A_2139 = arith.constant 0 : i32
        %dma_start3A_2140 = tpu.memref_slice %arg2[%dma_start3A_2139] : memref<52428800xf32, #tpu.memory_space<hbm>> -> memref<52428800xf32, #tpu.memory_space<hbm>>
        tpu.enqueue_indirect_dma source(%dma_start3A_2140 : memref<52428800xf32, #tpu.memory_space<hbm>>) target(%dma_start3A_2136 : memref<128xf32, #tpu.memory_space<vmem>>) offsets(%dma_start3A_2138 : memref<128xi32, #tpu.memory_space<vmem>>) semaphore(%arg10 : memref<!tpu.dma_semaphore, #tpu.memory_space<semaphore_mem>>)
        %dma_start3A_2141 = arith.constant 3 : i32
        %dma_start3A_2142 = arith.constant 1280 : i32
        %dma_start3A_2143 = tpu.memref_slice %arg8[%dma_start3A_2141, %dma_start3A_2142] : memref<8x1664xf32, #tpu.memory_space<vmem>> -> memref<1x128xf32, #tpu.memory_space<vmem>>
        %dma_start3A_2144 = tpu.memref_squeeze %dma_start3A_2143 : memref<1x128xf32, #tpu.memory_space<vmem>> -> memref<128xf32, #tpu.memory_space<vmem>>
        %dma_start3A_2145 = arith.constant 6272 : i32
        %dma_start3A_2146 = tpu.memref_slice %arg6[%dma_start3A_2145] : memref<13312xi32, #tpu.memory_space<vmem>> -> memref<128xi32, #tpu.memory_space<vmem>>
        %dma_start3A_2147 = arith.constant 0 : i32
        %dma_start3A_2148 = tpu.memref_slice %arg2[%dma_start3A_2147] : memref<52428800xf32, #tpu.memory_space<hbm>> -> memref<52428800xf32, #tpu.memory_space<hbm>>
        tpu.enqueue_indirect_dma source(%dma_start3A_2148 : memref<52428800xf32, #tpu.memory_space<hbm>>) target(%dma_start3A_2144 : memref<128xf32, #tpu.memory_space<vmem>>) offsets(%dma_start3A_2146 : memref<128xi32, #tpu.memory_space<vmem>>) semaphore(%arg10 : memref<!tpu.dma_semaphore, #tpu.memory_space<semaphore_mem>>)
        %dma_start3A_2149 = arith.constant 3 : i32
        %dma_start3A_2150 = arith.constant 1408 : i32
        %dma_start3A_2151 = tpu.memref_slice %arg8[%dma_start3A_2149, %dma_start3A_2150] : memref<8x1664xf32, #tpu.memory_space<vmem>> -> memref<1x128xf32, #tpu.memory_space<vmem>>
        %dma_start3A_2152 = tpu.memref_squeeze %dma_start3A_2151 : memref<1x128xf32, #tpu.memory_space<vmem>> -> memref<128xf32, #tpu.memory_space<vmem>>
        %dma_start3A_2153 = arith.constant 6400 : i32
        %dma_start3A_2154 = tpu.memref_slice %arg6[%dma_start3A_2153] : memref<13312xi32, #tpu.memory_space<vmem>> -> memref<128xi32, #tpu.memory_space<vmem>>
        %dma_start3A_2155 = arith.constant 0 : i32
        %dma_start3A_2156 = tpu.memref_slice %arg2[%dma_start3A_2155] : memref<52428800xf32, #tpu.memory_space<hbm>> -> memref<52428800xf32, #tpu.memory_space<hbm>>
        tpu.enqueue_indirect_dma source(%dma_start3A_2156 : memref<52428800xf32, #tpu.memory_space<hbm>>) target(%dma_start3A_2152 : memref<128xf32, #tpu.memory_space<vmem>>) offsets(%dma_start3A_2154 : memref<128xi32, #tpu.memory_space<vmem>>) semaphore(%arg10 : memref<!tpu.dma_semaphore, #tpu.memory_space<semaphore_mem>>)
        %dma_start3A_2157 = arith.constant 3 : i32
        %dma_start3A_2158 = arith.constant 1536 : i32
        %dma_start3A_2159 = tpu.memref_slice %arg8[%dma_start3A_2157, %dma_start3A_2158] : memref<8x1664xf32, #tpu.memory_space<vmem>> -> memref<1x128xf32, #tpu.memory_space<vmem>>
        %dma_start3A_2160 = tpu.memref_squeeze %dma_start3A_2159 : memref<1x128xf32, #tpu.memory_space<vmem>> -> memref<128xf32, #tpu.memory_space<vmem>>
        %dma_start3A_2161 = arith.constant 6528 : i32
        %dma_start3A_2162 = tpu.memref_slice %arg6[%dma_start3A_2161] : memref<13312xi32, #tpu.memory_space<vmem>> -> memref<128xi32, #tpu.memory_space<vmem>>
        %dma_start3A_2163 = arith.constant 0 : i32
        %dma_start3A_2164 = tpu.memref_slice %arg2[%dma_start3A_2163] : memref<52428800xf32, #tpu.memory_space<hbm>> -> memref<52428800xf32, #tpu.memory_space<hbm>>
        tpu.enqueue_indirect_dma source(%dma_start3A_2164 : memref<52428800xf32, #tpu.memory_space<hbm>>) target(%dma_start3A_2160 : memref<128xf32, #tpu.memory_space<vmem>>) offsets(%dma_start3A_2162 : memref<128xi32, #tpu.memory_space<vmem>>) semaphore(%arg10 : memref<!tpu.dma_semaphore, #tpu.memory_space<semaphore_mem>>)
        %dma_start3A_2165 = arith.constant 4 : i32
        %dma_start3A_2166 = arith.constant 0 : i32
        %dma_start3A_2167 = tpu.memref_slice %arg8[%dma_start3A_2165, %dma_start3A_2166] : memref<8x1664xf32, #tpu.memory_space<vmem>> -> memref<1x128xf32, #tpu.memory_space<vmem>>
        %dma_start3A_2168 = tpu.memref_squeeze %dma_start3A_2167 : memref<1x128xf32, #tpu.memory_space<vmem>> -> memref<128xf32, #tpu.memory_space<vmem>>
        %dma_start3A_2169 = arith.constant 6656 : i32
        %dma_start3A_2170 = tpu.memref_slice %arg6[%dma_start3A_2169] : memref<13312xi32, #tpu.memory_space<vmem>> -> memref<128xi32, #tpu.memory_space<vmem>>
        %dma_start3A_2171 = arith.constant 0 : i32
        %dma_start3A_2172 = tpu.memref_slice %arg2[%dma_start3A_2171] : memref<52428800xf32, #tpu.memory_space<hbm>> -> memref<52428800xf32, #tpu.memory_space<hbm>>
        tpu.enqueue_indirect_dma source(%dma_start3A_2172 : memref<52428800xf32, #tpu.memory_space<hbm>>) target(%dma_start3A_2168 : memref<128xf32, #tpu.memory_space<vmem>>) offsets(%dma_start3A_2170 : memref<128xi32, #tpu.memory_space<vmem>>) semaphore(%arg10 : memref<!tpu.dma_semaphore, #tpu.memory_space<semaphore_mem>>)
        %dma_start3A_2173 = arith.constant 4 : i32
        %dma_start3A_2174 = arith.constant 128 : i32
        %dma_start3A_2175 = tpu.memref_slice %arg8[%dma_start3A_2173, %dma_start3A_2174] : memref<8x1664xf32, #tpu.memory_space<vmem>> -> memref<1x128xf32, #tpu.memory_space<vmem>>
        %dma_start3A_2176 = tpu.memref_squeeze %dma_start3A_2175 : memref<1x128xf32, #tpu.memory_space<vmem>> -> memref<128xf32, #tpu.memory_space<vmem>>
        %dma_start3A_2177 = arith.constant 6784 : i32
        %dma_start3A_2178 = tpu.memref_slice %arg6[%dma_start3A_2177] : memref<13312xi32, #tpu.memory_space<vmem>> -> memref<128xi32, #tpu.memory_space<vmem>>
        %dma_start3A_2179 = arith.constant 0 : i32
        %dma_start3A_2180 = tpu.memref_slice %arg2[%dma_start3A_2179] : memref<52428800xf32, #tpu.memory_space<hbm>> -> memref<52428800xf32, #tpu.memory_space<hbm>>
        tpu.enqueue_indirect_dma source(%dma_start3A_2180 : memref<52428800xf32, #tpu.memory_space<hbm>>) target(%dma_start3A_2176 : memref<128xf32, #tpu.memory_space<vmem>>) offsets(%dma_start3A_2178 : memref<128xi32, #tpu.memory_space<vmem>>) semaphore(%arg10 : memref<!tpu.dma_semaphore, #tpu.memory_space<semaphore_mem>>)
        %dma_start3A_2181 = arith.constant 4 : i32
        %dma_start3A_2182 = arith.constant 256 : i32
        %dma_start3A_2183 = tpu.memref_slice %arg8[%dma_start3A_2181, %dma_start3A_2182] : memref<8x1664xf32, #tpu.memory_space<vmem>> -> memref<1x128xf32, #tpu.memory_space<vmem>>
        %dma_start3A_2184 = tpu.memref_squeeze %dma_start3A_2183 : memref<1x128xf32, #tpu.memory_space<vmem>> -> memref<128xf32, #tpu.memory_space<vmem>>
        %dma_start3A_2185 = arith.constant 6912 : i32
        %dma_start3A_2186 = tpu.memref_slice %arg6[%dma_start3A_2185] : memref<13312xi32, #tpu.memory_space<vmem>> -> memref<128xi32, #tpu.memory_space<vmem>>
        %dma_start3A_2187 = arith.constant 0 : i32
        %dma_start3A_2188 = tpu.memref_slice %arg2[%dma_start3A_2187] : memref<52428800xf32, #tpu.memory_space<hbm>> -> memref<52428800xf32, #tpu.memory_space<hbm>>
        tpu.enqueue_indirect_dma source(%dma_start3A_2188 : memref<52428800xf32, #tpu.memory_space<hbm>>) target(%dma_start3A_2184 : memref<128xf32, #tpu.memory_space<vmem>>) offsets(%dma_start3A_2186 : memref<128xi32, #tpu.memory_space<vmem>>) semaphore(%arg10 : memref<!tpu.dma_semaphore, #tpu.memory_space<semaphore_mem>>)
        %dma_start3A_2189 = arith.constant 4 : i32
        %dma_start3A_2190 = arith.constant 384 : i32
        %dma_start3A_2191 = tpu.memref_slice %arg8[%dma_start3A_2189, %dma_start3A_2190] : memref<8x1664xf32, #tpu.memory_space<vmem>> -> memref<1x128xf32, #tpu.memory_space<vmem>>
        %dma_start3A_2192 = tpu.memref_squeeze %dma_start3A_2191 : memref<1x128xf32, #tpu.memory_space<vmem>> -> memref<128xf32, #tpu.memory_space<vmem>>
        %dma_start3A_2193 = arith.constant 7040 : i32
        %dma_start3A_2194 = tpu.memref_slice %arg6[%dma_start3A_2193] : memref<13312xi32, #tpu.memory_space<vmem>> -> memref<128xi32, #tpu.memory_space<vmem>>
        %dma_start3A_2195 = arith.constant 0 : i32
        %dma_start3A_2196 = tpu.memref_slice %arg2[%dma_start3A_2195] : memref<52428800xf32, #tpu.memory_space<hbm>> -> memref<52428800xf32, #tpu.memory_space<hbm>>
        tpu.enqueue_indirect_dma source(%dma_start3A_2196 : memref<52428800xf32, #tpu.memory_space<hbm>>) target(%dma_start3A_2192 : memref<128xf32, #tpu.memory_space<vmem>>) offsets(%dma_start3A_2194 : memref<128xi32, #tpu.memory_space<vmem>>) semaphore(%arg10 : memref<!tpu.dma_semaphore, #tpu.memory_space<semaphore_mem>>)
        %dma_start3A_2197 = arith.constant 4 : i32
        %dma_start3A_2198 = arith.constant 512 : i32
        %dma_start3A_2199 = tpu.memref_slice %arg8[%dma_start3A_2197, %dma_start3A_2198] : memref<8x1664xf32, #tpu.memory_space<vmem>> -> memref<1x128xf32, #tpu.memory_space<vmem>>
        %dma_start3A_2200 = tpu.memref_squeeze %dma_start3A_2199 : memref<1x128xf32, #tpu.memory_space<vmem>> -> memref<128xf32, #tpu.memory_space<vmem>>
        %dma_start3A_2201 = arith.constant 7168 : i32
        %dma_start3A_2202 = tpu.memref_slice %arg6[%dma_start3A_2201] : memref<13312xi32, #tpu.memory_space<vmem>> -> memref<128xi32, #tpu.memory_space<vmem>>
        %dma_start3A_2203 = arith.constant 0 : i32
        %dma_start3A_2204 = tpu.memref_slice %arg2[%dma_start3A_2203] : memref<52428800xf32, #tpu.memory_space<hbm>> -> memref<52428800xf32, #tpu.memory_space<hbm>>
        tpu.enqueue_indirect_dma source(%dma_start3A_2204 : memref<52428800xf32, #tpu.memory_space<hbm>>) target(%dma_start3A_2200 : memref<128xf32, #tpu.memory_space<vmem>>) offsets(%dma_start3A_2202 : memref<128xi32, #tpu.memory_space<vmem>>) semaphore(%arg10 : memref<!tpu.dma_semaphore, #tpu.memory_space<semaphore_mem>>)
        %dma_start3A_2205 = arith.constant 4 : i32
        %dma_start3A_2206 = arith.constant 640 : i32
        %dma_start3A_2207 = tpu.memref_slice %arg8[%dma_start3A_2205, %dma_start3A_2206] : memref<8x1664xf32, #tpu.memory_space<vmem>> -> memref<1x128xf32, #tpu.memory_space<vmem>>
        %dma_start3A_2208 = tpu.memref_squeeze %dma_start3A_2207 : memref<1x128xf32, #tpu.memory_space<vmem>> -> memref<128xf32, #tpu.memory_space<vmem>>
        %dma_start3A_2209 = arith.constant 7296 : i32
        %dma_start3A_2210 = tpu.memref_slice %arg6[%dma_start3A_2209] : memref<13312xi32, #tpu.memory_space<vmem>> -> memref<128xi32, #tpu.memory_space<vmem>>
        %dma_start3A_2211 = arith.constant 0 : i32
        %dma_start3A_2212 = tpu.memref_slice %arg2[%dma_start3A_2211] : memref<52428800xf32, #tpu.memory_space<hbm>> -> memref<52428800xf32, #tpu.memory_space<hbm>>
        tpu.enqueue_indirect_dma source(%dma_start3A_2212 : memref<52428800xf32, #tpu.memory_space<hbm>>) target(%dma_start3A_2208 : memref<128xf32, #tpu.memory_space<vmem>>) offsets(%dma_start3A_2210 : memref<128xi32, #tpu.memory_space<vmem>>) semaphore(%arg10 : memref<!tpu.dma_semaphore, #tpu.memory_space<semaphore_mem>>)
        %dma_start3A_2213 = arith.constant 4 : i32
        %dma_start3A_2214 = arith.constant 768 : i32
        %dma_start3A_2215 = tpu.memref_slice %arg8[%dma_start3A_2213, %dma_start3A_2214] : memref<8x1664xf32, #tpu.memory_space<vmem>> -> memref<1x128xf32, #tpu.memory_space<vmem>>
        %dma_start3A_2216 = tpu.memref_squeeze %dma_start3A_2215 : memref<1x128xf32, #tpu.memory_space<vmem>> -> memref<128xf32, #tpu.memory_space<vmem>>
        %dma_start3A_2217 = arith.constant 7424 : i32
        %dma_start3A_2218 = tpu.memref_slice %arg6[%dma_start3A_2217] : memref<13312xi32, #tpu.memory_space<vmem>> -> memref<128xi32, #tpu.memory_space<vmem>>
        %dma_start3A_2219 = arith.constant 0 : i32
        %dma_start3A_2220 = tpu.memref_slice %arg2[%dma_start3A_2219] : memref<52428800xf32, #tpu.memory_space<hbm>> -> memref<52428800xf32, #tpu.memory_space<hbm>>
        tpu.enqueue_indirect_dma source(%dma_start3A_2220 : memref<52428800xf32, #tpu.memory_space<hbm>>) target(%dma_start3A_2216 : memref<128xf32, #tpu.memory_space<vmem>>) offsets(%dma_start3A_2218 : memref<128xi32, #tpu.memory_space<vmem>>) semaphore(%arg10 : memref<!tpu.dma_semaphore, #tpu.memory_space<semaphore_mem>>)
        %dma_start3A_2221 = arith.constant 4 : i32
        %dma_start3A_2222 = arith.constant 896 : i32
        %dma_start3A_2223 = tpu.memref_slice %arg8[%dma_start3A_2221, %dma_start3A_2222] : memref<8x1664xf32, #tpu.memory_space<vmem>> -> memref<1x128xf32, #tpu.memory_space<vmem>>
        %dma_start3A_2224 = tpu.memref_squeeze %dma_start3A_2223 : memref<1x128xf32, #tpu.memory_space<vmem>> -> memref<128xf32, #tpu.memory_space<vmem>>
        %dma_start3A_2225 = arith.constant 7552 : i32
        %dma_start3A_2226 = tpu.memref_slice %arg6[%dma_start3A_2225] : memref<13312xi32, #tpu.memory_space<vmem>> -> memref<128xi32, #tpu.memory_space<vmem>>
        %dma_start3A_2227 = arith.constant 0 : i32
        %dma_start3A_2228 = tpu.memref_slice %arg2[%dma_start3A_2227] : memref<52428800xf32, #tpu.memory_space<hbm>> -> memref<52428800xf32, #tpu.memory_space<hbm>>
        tpu.enqueue_indirect_dma source(%dma_start3A_2228 : memref<52428800xf32, #tpu.memory_space<hbm>>) target(%dma_start3A_2224 : memref<128xf32, #tpu.memory_space<vmem>>) offsets(%dma_start3A_2226 : memref<128xi32, #tpu.memory_space<vmem>>) semaphore(%arg10 : memref<!tpu.dma_semaphore, #tpu.memory_space<semaphore_mem>>)
        %dma_start3A_2229 = arith.constant 4 : i32
        %dma_start3A_2230 = arith.constant 1024 : i32
        %dma_start3A_2231 = tpu.memref_slice %arg8[%dma_start3A_2229, %dma_start3A_2230] : memref<8x1664xf32, #tpu.memory_space<vmem>> -> memref<1x128xf32, #tpu.memory_space<vmem>>
        %dma_start3A_2232 = tpu.memref_squeeze %dma_start3A_2231 : memref<1x128xf32, #tpu.memory_space<vmem>> -> memref<128xf32, #tpu.memory_space<vmem>>
        %dma_start3A_2233 = arith.constant 7680 : i32
        %dma_start3A_2234 = tpu.memref_slice %arg6[%dma_start3A_2233] : memref<13312xi32, #tpu.memory_space<vmem>> -> memref<128xi32, #tpu.memory_space<vmem>>
        %dma_start3A_2235 = arith.constant 0 : i32
        %dma_start3A_2236 = tpu.memref_slice %arg2[%dma_start3A_2235] : memref<52428800xf32, #tpu.memory_space<hbm>> -> memref<52428800xf32, #tpu.memory_space<hbm>>
        tpu.enqueue_indirect_dma source(%dma_start3A_2236 : memref<52428800xf32, #tpu.memory_space<hbm>>) target(%dma_start3A_2232 : memref<128xf32, #tpu.memory_space<vmem>>) offsets(%dma_start3A_2234 : memref<128xi32, #tpu.memory_space<vmem>>) semaphore(%arg10 : memref<!tpu.dma_semaphore, #tpu.memory_space<semaphore_mem>>)
        %dma_start3A_2237 = arith.constant 4 : i32
        %dma_start3A_2238 = arith.constant 1152 : i32
        %dma_start3A_2239 = tpu.memref_slice %arg8[%dma_start3A_2237, %dma_start3A_2238] : memref<8x1664xf32, #tpu.memory_space<vmem>> -> memref<1x128xf32, #tpu.memory_space<vmem>>
        %dma_start3A_2240 = tpu.memref_squeeze %dma_start3A_2239 : memref<1x128xf32, #tpu.memory_space<vmem>> -> memref<128xf32, #tpu.memory_space<vmem>>
        %dma_start3A_2241 = arith.constant 7808 : i32
        %dma_start3A_2242 = tpu.memref_slice %arg6[%dma_start3A_2241] : memref<13312xi32, #tpu.memory_space<vmem>> -> memref<128xi32, #tpu.memory_space<vmem>>
        %dma_start3A_2243 = arith.constant 0 : i32
        %dma_start3A_2244 = tpu.memref_slice %arg2[%dma_start3A_2243] : memref<52428800xf32, #tpu.memory_space<hbm>> -> memref<52428800xf32, #tpu.memory_space<hbm>>
        tpu.enqueue_indirect_dma source(%dma_start3A_2244 : memref<52428800xf32, #tpu.memory_space<hbm>>) target(%dma_start3A_2240 : memref<128xf32, #tpu.memory_space<vmem>>) offsets(%dma_start3A_2242 : memref<128xi32, #tpu.memory_space<vmem>>) semaphore(%arg10 : memref<!tpu.dma_semaphore, #tpu.memory_space<semaphore_mem>>)
        %dma_start3A_2245 = arith.constant 4 : i32
        %dma_start3A_2246 = arith.constant 1280 : i32
        %dma_start3A_2247 = tpu.memref_slice %arg8[%dma_start3A_2245, %dma_start3A_2246] : memref<8x1664xf32, #tpu.memory_space<vmem>> -> memref<1x128xf32, #tpu.memory_space<vmem>>
        %dma_start3A_2248 = tpu.memref_squeeze %dma_start3A_2247 : memref<1x128xf32, #tpu.memory_space<vmem>> -> memref<128xf32, #tpu.memory_space<vmem>>
        %dma_start3A_2249 = arith.constant 7936 : i32
        %dma_start3A_2250 = tpu.memref_slice %arg6[%dma_start3A_2249] : memref<13312xi32, #tpu.memory_space<vmem>> -> memref<128xi32, #tpu.memory_space<vmem>>
        %dma_start3A_2251 = arith.constant 0 : i32
        %dma_start3A_2252 = tpu.memref_slice %arg2[%dma_start3A_2251] : memref<52428800xf32, #tpu.memory_space<hbm>> -> memref<52428800xf32, #tpu.memory_space<hbm>>
        tpu.enqueue_indirect_dma source(%dma_start3A_2252 : memref<52428800xf32, #tpu.memory_space<hbm>>) target(%dma_start3A_2248 : memref<128xf32, #tpu.memory_space<vmem>>) offsets(%dma_start3A_2250 : memref<128xi32, #tpu.memory_space<vmem>>) semaphore(%arg10 : memref<!tpu.dma_semaphore, #tpu.memory_space<semaphore_mem>>)
        %dma_start3A_2253 = arith.constant 4 : i32
        %dma_start3A_2254 = arith.constant 1408 : i32
        %dma_start3A_2255 = tpu.memref_slice %arg8[%dma_start3A_2253, %dma_start3A_2254] : memref<8x1664xf32, #tpu.memory_space<vmem>> -> memref<1x128xf32, #tpu.memory_space<vmem>>
        %dma_start3A_2256 = tpu.memref_squeeze %dma_start3A_2255 : memref<1x128xf32, #tpu.memory_space<vmem>> -> memref<128xf32, #tpu.memory_space<vmem>>
        %dma_start3A_2257 = arith.constant 8064 : i32
        %dma_start3A_2258 = tpu.memref_slice %arg6[%dma_start3A_2257] : memref<13312xi32, #tpu.memory_space<vmem>> -> memref<128xi32, #tpu.memory_space<vmem>>
        %dma_start3A_2259 = arith.constant 0 : i32
        %dma_start3A_2260 = tpu.memref_slice %arg2[%dma_start3A_2259] : memref<52428800xf32, #tpu.memory_space<hbm>> -> memref<52428800xf32, #tpu.memory_space<hbm>>
        tpu.enqueue_indirect_dma source(%dma_start3A_2260 : memref<52428800xf32, #tpu.memory_space<hbm>>) target(%dma_start3A_2256 : memref<128xf32, #tpu.memory_space<vmem>>) offsets(%dma_start3A_2258 : memref<128xi32, #tpu.memory_space<vmem>>) semaphore(%arg10 : memref<!tpu.dma_semaphore, #tpu.memory_space<semaphore_mem>>)
        %dma_start3A_2261 = arith.constant 4 : i32
        %dma_start3A_2262 = arith.constant 1536 : i32
        %dma_start3A_2263 = tpu.memref_slice %arg8[%dma_start3A_2261, %dma_start3A_2262] : memref<8x1664xf32, #tpu.memory_space<vmem>> -> memref<1x128xf32, #tpu.memory_space<vmem>>
        %dma_start3A_2264 = tpu.memref_squeeze %dma_start3A_2263 : memref<1x128xf32, #tpu.memory_space<vmem>> -> memref<128xf32, #tpu.memory_space<vmem>>
        %dma_start3A_2265 = arith.constant 8192 : i32
        %dma_start3A_2266 = tpu.memref_slice %arg6[%dma_start3A_2265] : memref<13312xi32, #tpu.memory_space<vmem>> -> memref<128xi32, #tpu.memory_space<vmem>>
        %dma_start3A_2267 = arith.constant 0 : i32
        %dma_start3A_2268 = tpu.memref_slice %arg2[%dma_start3A_2267] : memref<52428800xf32, #tpu.memory_space<hbm>> -> memref<52428800xf32, #tpu.memory_space<hbm>>
        tpu.enqueue_indirect_dma source(%dma_start3A_2268 : memref<52428800xf32, #tpu.memory_space<hbm>>) target(%dma_start3A_2264 : memref<128xf32, #tpu.memory_space<vmem>>) offsets(%dma_start3A_2266 : memref<128xi32, #tpu.memory_space<vmem>>) semaphore(%arg10 : memref<!tpu.dma_semaphore, #tpu.memory_space<semaphore_mem>>)
        %dma_start3A_2269 = arith.constant 5 : i32
        %dma_start3A_2270 = arith.constant 0 : i32
        %dma_start3A_2271 = tpu.memref_slice %arg8[%dma_start3A_2269, %dma_start3A_2270] : memref<8x1664xf32, #tpu.memory_space<vmem>> -> memref<1x128xf32, #tpu.memory_space<vmem>>
        %dma_start3A_2272 = tpu.memref_squeeze %dma_start3A_2271 : memref<1x128xf32, #tpu.memory_space<vmem>> -> memref<128xf32, #tpu.memory_space<vmem>>
        %dma_start3A_2273 = arith.constant 8320 : i32
        %dma_start3A_2274 = tpu.memref_slice %arg6[%dma_start3A_2273] : memref<13312xi32, #tpu.memory_space<vmem>> -> memref<128xi32, #tpu.memory_space<vmem>>
        %dma_start3A_2275 = arith.constant 0 : i32
        %dma_start3A_2276 = tpu.memref_slice %arg2[%dma_start3A_2275] : memref<52428800xf32, #tpu.memory_space<hbm>> -> memref<52428800xf32, #tpu.memory_space<hbm>>
        tpu.enqueue_indirect_dma source(%dma_start3A_2276 : memref<52428800xf32, #tpu.memory_space<hbm>>) target(%dma_start3A_2272 : memref<128xf32, #tpu.memory_space<vmem>>) offsets(%dma_start3A_2274 : memref<128xi32, #tpu.memory_space<vmem>>) semaphore(%arg10 : memref<!tpu.dma_semaphore, #tpu.memory_space<semaphore_mem>>)
        %dma_start3A_2277 = arith.constant 5 : i32
        %dma_start3A_2278 = arith.constant 128 : i32
        %dma_start3A_2279 = tpu.memref_slice %arg8[%dma_start3A_2277, %dma_start3A_2278] : memref<8x1664xf32, #tpu.memory_space<vmem>> -> memref<1x128xf32, #tpu.memory_space<vmem>>
        %dma_start3A_2280 = tpu.memref_squeeze %dma_start3A_2279 : memref<1x128xf32, #tpu.memory_space<vmem>> -> memref<128xf32, #tpu.memory_space<vmem>>
        %dma_start3A_2281 = arith.constant 8448 : i32
        %dma_start3A_2282 = tpu.memref_slice %arg6[%dma_start3A_2281] : memref<13312xi32, #tpu.memory_space<vmem>> -> memref<128xi32, #tpu.memory_space<vmem>>
        %dma_start3A_2283 = arith.constant 0 : i32
        %dma_start3A_2284 = tpu.memref_slice %arg2[%dma_start3A_2283] : memref<52428800xf32, #tpu.memory_space<hbm>> -> memref<52428800xf32, #tpu.memory_space<hbm>>
        tpu.enqueue_indirect_dma source(%dma_start3A_2284 : memref<52428800xf32, #tpu.memory_space<hbm>>) target(%dma_start3A_2280 : memref<128xf32, #tpu.memory_space<vmem>>) offsets(%dma_start3A_2282 : memref<128xi32, #tpu.memory_space<vmem>>) semaphore(%arg10 : memref<!tpu.dma_semaphore, #tpu.memory_space<semaphore_mem>>)
        %dma_start3A_2285 = arith.constant 5 : i32
        %dma_start3A_2286 = arith.constant 256 : i32
        %dma_start3A_2287 = tpu.memref_slice %arg8[%dma_start3A_2285, %dma_start3A_2286] : memref<8x1664xf32, #tpu.memory_space<vmem>> -> memref<1x128xf32, #tpu.memory_space<vmem>>
        %dma_start3A_2288 = tpu.memref_squeeze %dma_start3A_2287 : memref<1x128xf32, #tpu.memory_space<vmem>> -> memref<128xf32, #tpu.memory_space<vmem>>
        %dma_start3A_2289 = arith.constant 8576 : i32
        %dma_start3A_2290 = tpu.memref_slice %arg6[%dma_start3A_2289] : memref<13312xi32, #tpu.memory_space<vmem>> -> memref<128xi32, #tpu.memory_space<vmem>>
        %dma_start3A_2291 = arith.constant 0 : i32
        %dma_start3A_2292 = tpu.memref_slice %arg2[%dma_start3A_2291] : memref<52428800xf32, #tpu.memory_space<hbm>> -> memref<52428800xf32, #tpu.memory_space<hbm>>
        tpu.enqueue_indirect_dma source(%dma_start3A_2292 : memref<52428800xf32, #tpu.memory_space<hbm>>) target(%dma_start3A_2288 : memref<128xf32, #tpu.memory_space<vmem>>) offsets(%dma_start3A_2290 : memref<128xi32, #tpu.memory_space<vmem>>) semaphore(%arg10 : memref<!tpu.dma_semaphore, #tpu.memory_space<semaphore_mem>>)
        %dma_start3A_2293 = arith.constant 5 : i32
        %dma_start3A_2294 = arith.constant 384 : i32
        %dma_start3A_2295 = tpu.memref_slice %arg8[%dma_start3A_2293, %dma_start3A_2294] : memref<8x1664xf32, #tpu.memory_space<vmem>> -> memref<1x128xf32, #tpu.memory_space<vmem>>
        %dma_start3A_2296 = tpu.memref_squeeze %dma_start3A_2295 : memref<1x128xf32, #tpu.memory_space<vmem>> -> memref<128xf32, #tpu.memory_space<vmem>>
        %dma_start3A_2297 = arith.constant 8704 : i32
        %dma_start3A_2298 = tpu.memref_slice %arg6[%dma_start3A_2297] : memref<13312xi32, #tpu.memory_space<vmem>> -> memref<128xi32, #tpu.memory_space<vmem>>
        %dma_start3A_2299 = arith.constant 0 : i32
        %dma_start3A_2300 = tpu.memref_slice %arg2[%dma_start3A_2299] : memref<52428800xf32, #tpu.memory_space<hbm>> -> memref<52428800xf32, #tpu.memory_space<hbm>>
        tpu.enqueue_indirect_dma source(%dma_start3A_2300 : memref<52428800xf32, #tpu.memory_space<hbm>>) target(%dma_start3A_2296 : memref<128xf32, #tpu.memory_space<vmem>>) offsets(%dma_start3A_2298 : memref<128xi32, #tpu.memory_space<vmem>>) semaphore(%arg10 : memref<!tpu.dma_semaphore, #tpu.memory_space<semaphore_mem>>)
        %dma_start3A_2301 = arith.constant 5 : i32
        %dma_start3A_2302 = arith.constant 512 : i32
        %dma_start3A_2303 = tpu.memref_slice %arg8[%dma_start3A_2301, %dma_start3A_2302] : memref<8x1664xf32, #tpu.memory_space<vmem>> -> memref<1x128xf32, #tpu.memory_space<vmem>>
        %dma_start3A_2304 = tpu.memref_squeeze %dma_start3A_2303 : memref<1x128xf32, #tpu.memory_space<vmem>> -> memref<128xf32, #tpu.memory_space<vmem>>
        %dma_start3A_2305 = arith.constant 8832 : i32
        %dma_start3A_2306 = tpu.memref_slice %arg6[%dma_start3A_2305] : memref<13312xi32, #tpu.memory_space<vmem>> -> memref<128xi32, #tpu.memory_space<vmem>>
        %dma_start3A_2307 = arith.constant 0 : i32
        %dma_start3A_2308 = tpu.memref_slice %arg2[%dma_start3A_2307] : memref<52428800xf32, #tpu.memory_space<hbm>> -> memref<52428800xf32, #tpu.memory_space<hbm>>
        tpu.enqueue_indirect_dma source(%dma_start3A_2308 : memref<52428800xf32, #tpu.memory_space<hbm>>) target(%dma_start3A_2304 : memref<128xf32, #tpu.memory_space<vmem>>) offsets(%dma_start3A_2306 : memref<128xi32, #tpu.memory_space<vmem>>) semaphore(%arg10 : memref<!tpu.dma_semaphore, #tpu.memory_space<semaphore_mem>>)
        %dma_start3A_2309 = arith.constant 5 : i32
        %dma_start3A_2310 = arith.constant 640 : i32
        %dma_start3A_2311 = tpu.memref_slice %arg8[%dma_start3A_2309, %dma_start3A_2310] : memref<8x1664xf32, #tpu.memory_space<vmem>> -> memref<1x128xf32, #tpu.memory_space<vmem>>
        %dma_start3A_2312 = tpu.memref_squeeze %dma_start3A_2311 : memref<1x128xf32, #tpu.memory_space<vmem>> -> memref<128xf32, #tpu.memory_space<vmem>>
        %dma_start3A_2313 = arith.constant 8960 : i32
        %dma_start3A_2314 = tpu.memref_slice %arg6[%dma_start3A_2313] : memref<13312xi32, #tpu.memory_space<vmem>> -> memref<128xi32, #tpu.memory_space<vmem>>
        %dma_start3A_2315 = arith.constant 0 : i32
        %dma_start3A_2316 = tpu.memref_slice %arg2[%dma_start3A_2315] : memref<52428800xf32, #tpu.memory_space<hbm>> -> memref<52428800xf32, #tpu.memory_space<hbm>>
        tpu.enqueue_indirect_dma source(%dma_start3A_2316 : memref<52428800xf32, #tpu.memory_space<hbm>>) target(%dma_start3A_2312 : memref<128xf32, #tpu.memory_space<vmem>>) offsets(%dma_start3A_2314 : memref<128xi32, #tpu.memory_space<vmem>>) semaphore(%arg10 : memref<!tpu.dma_semaphore, #tpu.memory_space<semaphore_mem>>)
        %dma_start3A_2317 = arith.constant 5 : i32
        %dma_start3A_2318 = arith.constant 768 : i32
        %dma_start3A_2319 = tpu.memref_slice %arg8[%dma_start3A_2317, %dma_start3A_2318] : memref<8x1664xf32, #tpu.memory_space<vmem>> -> memref<1x128xf32, #tpu.memory_space<vmem>>
        %dma_start3A_2320 = tpu.memref_squeeze %dma_start3A_2319 : memref<1x128xf32, #tpu.memory_space<vmem>> -> memref<128xf32, #tpu.memory_space<vmem>>
        %dma_start3A_2321 = arith.constant 9088 : i32
        %dma_start3A_2322 = tpu.memref_slice %arg6[%dma_start3A_2321] : memref<13312xi32, #tpu.memory_space<vmem>> -> memref<128xi32, #tpu.memory_space<vmem>>
        %dma_start3A_2323 = arith.constant 0 : i32
        %dma_start3A_2324 = tpu.memref_slice %arg2[%dma_start3A_2323] : memref<52428800xf32, #tpu.memory_space<hbm>> -> memref<52428800xf32, #tpu.memory_space<hbm>>
        tpu.enqueue_indirect_dma source(%dma_start3A_2324 : memref<52428800xf32, #tpu.memory_space<hbm>>) target(%dma_start3A_2320 : memref<128xf32, #tpu.memory_space<vmem>>) offsets(%dma_start3A_2322 : memref<128xi32, #tpu.memory_space<vmem>>) semaphore(%arg10 : memref<!tpu.dma_semaphore, #tpu.memory_space<semaphore_mem>>)
        %dma_start3A_2325 = arith.constant 5 : i32
        %dma_start3A_2326 = arith.constant 896 : i32
        %dma_start3A_2327 = tpu.memref_slice %arg8[%dma_start3A_2325, %dma_start3A_2326] : memref<8x1664xf32, #tpu.memory_space<vmem>> -> memref<1x128xf32, #tpu.memory_space<vmem>>
        %dma_start3A_2328 = tpu.memref_squeeze %dma_start3A_2327 : memref<1x128xf32, #tpu.memory_space<vmem>> -> memref<128xf32, #tpu.memory_space<vmem>>
        %dma_start3A_2329 = arith.constant 9216 : i32
        %dma_start3A_2330 = tpu.memref_slice %arg6[%dma_start3A_2329] : memref<13312xi32, #tpu.memory_space<vmem>> -> memref<128xi32, #tpu.memory_space<vmem>>
        %dma_start3A_2331 = arith.constant 0 : i32
        %dma_start3A_2332 = tpu.memref_slice %arg2[%dma_start3A_2331] : memref<52428800xf32, #tpu.memory_space<hbm>> -> memref<52428800xf32, #tpu.memory_space<hbm>>
        tpu.enqueue_indirect_dma source(%dma_start3A_2332 : memref<52428800xf32, #tpu.memory_space<hbm>>) target(%dma_start3A_2328 : memref<128xf32, #tpu.memory_space<vmem>>) offsets(%dma_start3A_2330 : memref<128xi32, #tpu.memory_space<vmem>>) semaphore(%arg10 : memref<!tpu.dma_semaphore, #tpu.memory_space<semaphore_mem>>)
        %dma_start3A_2333 = arith.constant 5 : i32
        %dma_start3A_2334 = arith.constant 1024 : i32
        %dma_start3A_2335 = tpu.memref_slice %arg8[%dma_start3A_2333, %dma_start3A_2334] : memref<8x1664xf32, #tpu.memory_space<vmem>> -> memref<1x128xf32, #tpu.memory_space<vmem>>
        %dma_start3A_2336 = tpu.memref_squeeze %dma_start3A_2335 : memref<1x128xf32, #tpu.memory_space<vmem>> -> memref<128xf32, #tpu.memory_space<vmem>>
        %dma_start3A_2337 = arith.constant 9344 : i32
        %dma_start3A_2338 = tpu.memref_slice %arg6[%dma_start3A_2337] : memref<13312xi32, #tpu.memory_space<vmem>> -> memref<128xi32, #tpu.memory_space<vmem>>
        %dma_start3A_2339 = arith.constant 0 : i32
        %dma_start3A_2340 = tpu.memref_slice %arg2[%dma_start3A_2339] : memref<52428800xf32, #tpu.memory_space<hbm>> -> memref<52428800xf32, #tpu.memory_space<hbm>>
        tpu.enqueue_indirect_dma source(%dma_start3A_2340 : memref<52428800xf32, #tpu.memory_space<hbm>>) target(%dma_start3A_2336 : memref<128xf32, #tpu.memory_space<vmem>>) offsets(%dma_start3A_2338 : memref<128xi32, #tpu.memory_space<vmem>>) semaphore(%arg10 : memref<!tpu.dma_semaphore, #tpu.memory_space<semaphore_mem>>)
        %dma_start3A_2341 = arith.constant 5 : i32
        %dma_start3A_2342 = arith.constant 1152 : i32
        %dma_start3A_2343 = tpu.memref_slice %arg8[%dma_start3A_2341, %dma_start3A_2342] : memref<8x1664xf32, #tpu.memory_space<vmem>> -> memref<1x128xf32, #tpu.memory_space<vmem>>
        %dma_start3A_2344 = tpu.memref_squeeze %dma_start3A_2343 : memref<1x128xf32, #tpu.memory_space<vmem>> -> memref<128xf32, #tpu.memory_space<vmem>>
        %dma_start3A_2345 = arith.constant 9472 : i32
        %dma_start3A_2346 = tpu.memref_slice %arg6[%dma_start3A_2345] : memref<13312xi32, #tpu.memory_space<vmem>> -> memref<128xi32, #tpu.memory_space<vmem>>
        %dma_start3A_2347 = arith.constant 0 : i32
        %dma_start3A_2348 = tpu.memref_slice %arg2[%dma_start3A_2347] : memref<52428800xf32, #tpu.memory_space<hbm>> -> memref<52428800xf32, #tpu.memory_space<hbm>>
        tpu.enqueue_indirect_dma source(%dma_start3A_2348 : memref<52428800xf32, #tpu.memory_space<hbm>>) target(%dma_start3A_2344 : memref<128xf32, #tpu.memory_space<vmem>>) offsets(%dma_start3A_2346 : memref<128xi32, #tpu.memory_space<vmem>>) semaphore(%arg10 : memref<!tpu.dma_semaphore, #tpu.memory_space<semaphore_mem>>)
        %dma_start3A_2349 = arith.constant 5 : i32
        %dma_start3A_2350 = arith.constant 1280 : i32
        %dma_start3A_2351 = tpu.memref_slice %arg8[%dma_start3A_2349, %dma_start3A_2350] : memref<8x1664xf32, #tpu.memory_space<vmem>> -> memref<1x128xf32, #tpu.memory_space<vmem>>
        %dma_start3A_2352 = tpu.memref_squeeze %dma_start3A_2351 : memref<1x128xf32, #tpu.memory_space<vmem>> -> memref<128xf32, #tpu.memory_space<vmem>>
        %dma_start3A_2353 = arith.constant 9600 : i32
        %dma_start3A_2354 = tpu.memref_slice %arg6[%dma_start3A_2353] : memref<13312xi32, #tpu.memory_space<vmem>> -> memref<128xi32, #tpu.memory_space<vmem>>
        %dma_start3A_2355 = arith.constant 0 : i32
        %dma_start3A_2356 = tpu.memref_slice %arg2[%dma_start3A_2355] : memref<52428800xf32, #tpu.memory_space<hbm>> -> memref<52428800xf32, #tpu.memory_space<hbm>>
        tpu.enqueue_indirect_dma source(%dma_start3A_2356 : memref<52428800xf32, #tpu.memory_space<hbm>>) target(%dma_start3A_2352 : memref<128xf32, #tpu.memory_space<vmem>>) offsets(%dma_start3A_2354 : memref<128xi32, #tpu.memory_space<vmem>>) semaphore(%arg10 : memref<!tpu.dma_semaphore, #tpu.memory_space<semaphore_mem>>)
        %dma_start3A_2357 = arith.constant 5 : i32
        %dma_start3A_2358 = arith.constant 1408 : i32
        %dma_start3A_2359 = tpu.memref_slice %arg8[%dma_start3A_2357, %dma_start3A_2358] : memref<8x1664xf32, #tpu.memory_space<vmem>> -> memref<1x128xf32, #tpu.memory_space<vmem>>
        %dma_start3A_2360 = tpu.memref_squeeze %dma_start3A_2359 : memref<1x128xf32, #tpu.memory_space<vmem>> -> memref<128xf32, #tpu.memory_space<vmem>>
        %dma_start3A_2361 = arith.constant 9728 : i32
        %dma_start3A_2362 = tpu.memref_slice %arg6[%dma_start3A_2361] : memref<13312xi32, #tpu.memory_space<vmem>> -> memref<128xi32, #tpu.memory_space<vmem>>
        %dma_start3A_2363 = arith.constant 0 : i32
        %dma_start3A_2364 = tpu.memref_slice %arg2[%dma_start3A_2363] : memref<52428800xf32, #tpu.memory_space<hbm>> -> memref<52428800xf32, #tpu.memory_space<hbm>>
        tpu.enqueue_indirect_dma source(%dma_start3A_2364 : memref<52428800xf32, #tpu.memory_space<hbm>>) target(%dma_start3A_2360 : memref<128xf32, #tpu.memory_space<vmem>>) offsets(%dma_start3A_2362 : memref<128xi32, #tpu.memory_space<vmem>>) semaphore(%arg10 : memref<!tpu.dma_semaphore, #tpu.memory_space<semaphore_mem>>)
        %dma_start3A_2365 = arith.constant 5 : i32
        %dma_start3A_2366 = arith.constant 1536 : i32
        %dma_start3A_2367 = tpu.memref_slice %arg8[%dma_start3A_2365, %dma_start3A_2366] : memref<8x1664xf32, #tpu.memory_space<vmem>> -> memref<1x128xf32, #tpu.memory_space<vmem>>
        %dma_start3A_2368 = tpu.memref_squeeze %dma_start3A_2367 : memref<1x128xf32, #tpu.memory_space<vmem>> -> memref<128xf32, #tpu.memory_space<vmem>>
        %dma_start3A_2369 = arith.constant 9856 : i32
        %dma_start3A_2370 = tpu.memref_slice %arg6[%dma_start3A_2369] : memref<13312xi32, #tpu.memory_space<vmem>> -> memref<128xi32, #tpu.memory_space<vmem>>
        %dma_start3A_2371 = arith.constant 0 : i32
        %dma_start3A_2372 = tpu.memref_slice %arg2[%dma_start3A_2371] : memref<52428800xf32, #tpu.memory_space<hbm>> -> memref<52428800xf32, #tpu.memory_space<hbm>>
        tpu.enqueue_indirect_dma source(%dma_start3A_2372 : memref<52428800xf32, #tpu.memory_space<hbm>>) target(%dma_start3A_2368 : memref<128xf32, #tpu.memory_space<vmem>>) offsets(%dma_start3A_2370 : memref<128xi32, #tpu.memory_space<vmem>>) semaphore(%arg10 : memref<!tpu.dma_semaphore, #tpu.memory_space<semaphore_mem>>)
        %dma_start3A_2373 = arith.constant 6 : i32
        %dma_start3A_2374 = arith.constant 0 : i32
        %dma_start3A_2375 = tpu.memref_slice %arg8[%dma_start3A_2373, %dma_start3A_2374] : memref<8x1664xf32, #tpu.memory_space<vmem>> -> memref<1x128xf32, #tpu.memory_space<vmem>>
        %dma_start3A_2376 = tpu.memref_squeeze %dma_start3A_2375 : memref<1x128xf32, #tpu.memory_space<vmem>> -> memref<128xf32, #tpu.memory_space<vmem>>
        %dma_start3A_2377 = arith.constant 9984 : i32
        %dma_start3A_2378 = tpu.memref_slice %arg6[%dma_start3A_2377] : memref<13312xi32, #tpu.memory_space<vmem>> -> memref<128xi32, #tpu.memory_space<vmem>>
        %dma_start3A_2379 = arith.constant 0 : i32
        %dma_start3A_2380 = tpu.memref_slice %arg2[%dma_start3A_2379] : memref<52428800xf32, #tpu.memory_space<hbm>> -> memref<52428800xf32, #tpu.memory_space<hbm>>
        tpu.enqueue_indirect_dma source(%dma_start3A_2380 : memref<52428800xf32, #tpu.memory_space<hbm>>) target(%dma_start3A_2376 : memref<128xf32, #tpu.memory_space<vmem>>) offsets(%dma_start3A_2378 : memref<128xi32, #tpu.memory_space<vmem>>) semaphore(%arg10 : memref<!tpu.dma_semaphore, #tpu.memory_space<semaphore_mem>>)
        %dma_start3A_2381 = arith.constant 6 : i32
        %dma_start3A_2382 = arith.constant 128 : i32
        %dma_start3A_2383 = tpu.memref_slice %arg8[%dma_start3A_2381, %dma_start3A_2382] : memref<8x1664xf32, #tpu.memory_space<vmem>> -> memref<1x128xf32, #tpu.memory_space<vmem>>
        %dma_start3A_2384 = tpu.memref_squeeze %dma_start3A_2383 : memref<1x128xf32, #tpu.memory_space<vmem>> -> memref<128xf32, #tpu.memory_space<vmem>>
        %dma_start3A_2385 = arith.constant 10112 : i32
        %dma_start3A_2386 = tpu.memref_slice %arg6[%dma_start3A_2385] : memref<13312xi32, #tpu.memory_space<vmem>> -> memref<128xi32, #tpu.memory_space<vmem>>
        %dma_start3A_2387 = arith.constant 0 : i32
        %dma_start3A_2388 = tpu.memref_slice %arg2[%dma_start3A_2387] : memref<52428800xf32, #tpu.memory_space<hbm>> -> memref<52428800xf32, #tpu.memory_space<hbm>>
        tpu.enqueue_indirect_dma source(%dma_start3A_2388 : memref<52428800xf32, #tpu.memory_space<hbm>>) target(%dma_start3A_2384 : memref<128xf32, #tpu.memory_space<vmem>>) offsets(%dma_start3A_2386 : memref<128xi32, #tpu.memory_space<vmem>>) semaphore(%arg10 : memref<!tpu.dma_semaphore, #tpu.memory_space<semaphore_mem>>)
        %dma_start3A_2389 = arith.constant 6 : i32
        %dma_start3A_2390 = arith.constant 256 : i32
        %dma_start3A_2391 = tpu.memref_slice %arg8[%dma_start3A_2389, %dma_start3A_2390] : memref<8x1664xf32, #tpu.memory_space<vmem>> -> memref<1x128xf32, #tpu.memory_space<vmem>>
        %dma_start3A_2392 = tpu.memref_squeeze %dma_start3A_2391 : memref<1x128xf32, #tpu.memory_space<vmem>> -> memref<128xf32, #tpu.memory_space<vmem>>
        %dma_start3A_2393 = arith.constant 10240 : i32
        %dma_start3A_2394 = tpu.memref_slice %arg6[%dma_start3A_2393] : memref<13312xi32, #tpu.memory_space<vmem>> -> memref<128xi32, #tpu.memory_space<vmem>>
        %dma_start3A_2395 = arith.constant 0 : i32
        %dma_start3A_2396 = tpu.memref_slice %arg2[%dma_start3A_2395] : memref<52428800xf32, #tpu.memory_space<hbm>> -> memref<52428800xf32, #tpu.memory_space<hbm>>
        tpu.enqueue_indirect_dma source(%dma_start3A_2396 : memref<52428800xf32, #tpu.memory_space<hbm>>) target(%dma_start3A_2392 : memref<128xf32, #tpu.memory_space<vmem>>) offsets(%dma_start3A_2394 : memref<128xi32, #tpu.memory_space<vmem>>) semaphore(%arg10 : memref<!tpu.dma_semaphore, #tpu.memory_space<semaphore_mem>>)
        %dma_start3A_2397 = arith.constant 6 : i32
        %dma_start3A_2398 = arith.constant 384 : i32
        %dma_start3A_2399 = tpu.memref_slice %arg8[%dma_start3A_2397, %dma_start3A_2398] : memref<8x1664xf32, #tpu.memory_space<vmem>> -> memref<1x128xf32, #tpu.memory_space<vmem>>
        %dma_start3A_2400 = tpu.memref_squeeze %dma_start3A_2399 : memref<1x128xf32, #tpu.memory_space<vmem>> -> memref<128xf32, #tpu.memory_space<vmem>>
        %dma_start3A_2401 = arith.constant 10368 : i32
        %dma_start3A_2402 = tpu.memref_slice %arg6[%dma_start3A_2401] : memref<13312xi32, #tpu.memory_space<vmem>> -> memref<128xi32, #tpu.memory_space<vmem>>
        %dma_start3A_2403 = arith.constant 0 : i32
        %dma_start3A_2404 = tpu.memref_slice %arg2[%dma_start3A_2403] : memref<52428800xf32, #tpu.memory_space<hbm>> -> memref<52428800xf32, #tpu.memory_space<hbm>>
        tpu.enqueue_indirect_dma source(%dma_start3A_2404 : memref<52428800xf32, #tpu.memory_space<hbm>>) target(%dma_start3A_2400 : memref<128xf32, #tpu.memory_space<vmem>>) offsets(%dma_start3A_2402 : memref<128xi32, #tpu.memory_space<vmem>>) semaphore(%arg10 : memref<!tpu.dma_semaphore, #tpu.memory_space<semaphore_mem>>)
        %dma_start3A_2405 = arith.constant 6 : i32
        %dma_start3A_2406 = arith.constant 512 : i32
        %dma_start3A_2407 = tpu.memref_slice %arg8[%dma_start3A_2405, %dma_start3A_2406] : memref<8x1664xf32, #tpu.memory_space<vmem>> -> memref<1x128xf32, #tpu.memory_space<vmem>>
        %dma_start3A_2408 = tpu.memref_squeeze %dma_start3A_2407 : memref<1x128xf32, #tpu.memory_space<vmem>> -> memref<128xf32, #tpu.memory_space<vmem>>
        %dma_start3A_2409 = arith.constant 10496 : i32
        %dma_start3A_2410 = tpu.memref_slice %arg6[%dma_start3A_2409] : memref<13312xi32, #tpu.memory_space<vmem>> -> memref<128xi32, #tpu.memory_space<vmem>>
        %dma_start3A_2411 = arith.constant 0 : i32
        %dma_start3A_2412 = tpu.memref_slice %arg2[%dma_start3A_2411] : memref<52428800xf32, #tpu.memory_space<hbm>> -> memref<52428800xf32, #tpu.memory_space<hbm>>
        tpu.enqueue_indirect_dma source(%dma_start3A_2412 : memref<52428800xf32, #tpu.memory_space<hbm>>) target(%dma_start3A_2408 : memref<128xf32, #tpu.memory_space<vmem>>) offsets(%dma_start3A_2410 : memref<128xi32, #tpu.memory_space<vmem>>) semaphore(%arg10 : memref<!tpu.dma_semaphore, #tpu.memory_space<semaphore_mem>>)
        %dma_start3A_2413 = arith.constant 6 : i32
        %dma_start3A_2414 = arith.constant 640 : i32
        %dma_start3A_2415 = tpu.memref_slice %arg8[%dma_start3A_2413, %dma_start3A_2414] : memref<8x1664xf32, #tpu.memory_space<vmem>> -> memref<1x128xf32, #tpu.memory_space<vmem>>
        %dma_start3A_2416 = tpu.memref_squeeze %dma_start3A_2415 : memref<1x128xf32, #tpu.memory_space<vmem>> -> memref<128xf32, #tpu.memory_space<vmem>>
        %dma_start3A_2417 = arith.constant 10624 : i32
        %dma_start3A_2418 = tpu.memref_slice %arg6[%dma_start3A_2417] : memref<13312xi32, #tpu.memory_space<vmem>> -> memref<128xi32, #tpu.memory_space<vmem>>
        %dma_start3A_2419 = arith.constant 0 : i32
        %dma_start3A_2420 = tpu.memref_slice %arg2[%dma_start3A_2419] : memref<52428800xf32, #tpu.memory_space<hbm>> -> memref<52428800xf32, #tpu.memory_space<hbm>>
        tpu.enqueue_indirect_dma source(%dma_start3A_2420 : memref<52428800xf32, #tpu.memory_space<hbm>>) target(%dma_start3A_2416 : memref<128xf32, #tpu.memory_space<vmem>>) offsets(%dma_start3A_2418 : memref<128xi32, #tpu.memory_space<vmem>>) semaphore(%arg10 : memref<!tpu.dma_semaphore, #tpu.memory_space<semaphore_mem>>)
        %dma_start3A_2421 = arith.constant 6 : i32
        %dma_start3A_2422 = arith.constant 768 : i32
        %dma_start3A_2423 = tpu.memref_slice %arg8[%dma_start3A_2421, %dma_start3A_2422] : memref<8x1664xf32, #tpu.memory_space<vmem>> -> memref<1x128xf32, #tpu.memory_space<vmem>>
        %dma_start3A_2424 = tpu.memref_squeeze %dma_start3A_2423 : memref<1x128xf32, #tpu.memory_space<vmem>> -> memref<128xf32, #tpu.memory_space<vmem>>
        %dma_start3A_2425 = arith.constant 10752 : i32
        %dma_start3A_2426 = tpu.memref_slice %arg6[%dma_start3A_2425] : memref<13312xi32, #tpu.memory_space<vmem>> -> memref<128xi32, #tpu.memory_space<vmem>>
        %dma_start3A_2427 = arith.constant 0 : i32
        %dma_start3A_2428 = tpu.memref_slice %arg2[%dma_start3A_2427] : memref<52428800xf32, #tpu.memory_space<hbm>> -> memref<52428800xf32, #tpu.memory_space<hbm>>
        tpu.enqueue_indirect_dma source(%dma_start3A_2428 : memref<52428800xf32, #tpu.memory_space<hbm>>) target(%dma_start3A_2424 : memref<128xf32, #tpu.memory_space<vmem>>) offsets(%dma_start3A_2426 : memref<128xi32, #tpu.memory_space<vmem>>) semaphore(%arg10 : memref<!tpu.dma_semaphore, #tpu.memory_space<semaphore_mem>>)
        %dma_start3A_2429 = arith.constant 6 : i32
        %dma_start3A_2430 = arith.constant 896 : i32
        %dma_start3A_2431 = tpu.memref_slice %arg8[%dma_start3A_2429, %dma_start3A_2430] : memref<8x1664xf32, #tpu.memory_space<vmem>> -> memref<1x128xf32, #tpu.memory_space<vmem>>
        %dma_start3A_2432 = tpu.memref_squeeze %dma_start3A_2431 : memref<1x128xf32, #tpu.memory_space<vmem>> -> memref<128xf32, #tpu.memory_space<vmem>>
        %dma_start3A_2433 = arith.constant 10880 : i32
        %dma_start3A_2434 = tpu.memref_slice %arg6[%dma_start3A_2433] : memref<13312xi32, #tpu.memory_space<vmem>> -> memref<128xi32, #tpu.memory_space<vmem>>
        %dma_start3A_2435 = arith.constant 0 : i32
        %dma_start3A_2436 = tpu.memref_slice %arg2[%dma_start3A_2435] : memref<52428800xf32, #tpu.memory_space<hbm>> -> memref<52428800xf32, #tpu.memory_space<hbm>>
        tpu.enqueue_indirect_dma source(%dma_start3A_2436 : memref<52428800xf32, #tpu.memory_space<hbm>>) target(%dma_start3A_2432 : memref<128xf32, #tpu.memory_space<vmem>>) offsets(%dma_start3A_2434 : memref<128xi32, #tpu.memory_space<vmem>>) semaphore(%arg10 : memref<!tpu.dma_semaphore, #tpu.memory_space<semaphore_mem>>)
        %dma_start3A_2437 = arith.constant 6 : i32
        %dma_start3A_2438 = arith.constant 1024 : i32
        %dma_start3A_2439 = tpu.memref_slice %arg8[%dma_start3A_2437, %dma_start3A_2438] : memref<8x1664xf32, #tpu.memory_space<vmem>> -> memref<1x128xf32, #tpu.memory_space<vmem>>
        %dma_start3A_2440 = tpu.memref_squeeze %dma_start3A_2439 : memref<1x128xf32, #tpu.memory_space<vmem>> -> memref<128xf32, #tpu.memory_space<vmem>>
        %dma_start3A_2441 = arith.constant 11008 : i32
        %dma_start3A_2442 = tpu.memref_slice %arg6[%dma_start3A_2441] : memref<13312xi32, #tpu.memory_space<vmem>> -> memref<128xi32, #tpu.memory_space<vmem>>
        %dma_start3A_2443 = arith.constant 0 : i32
        %dma_start3A_2444 = tpu.memref_slice %arg2[%dma_start3A_2443] : memref<52428800xf32, #tpu.memory_space<hbm>> -> memref<52428800xf32, #tpu.memory_space<hbm>>
        tpu.enqueue_indirect_dma source(%dma_start3A_2444 : memref<52428800xf32, #tpu.memory_space<hbm>>) target(%dma_start3A_2440 : memref<128xf32, #tpu.memory_space<vmem>>) offsets(%dma_start3A_2442 : memref<128xi32, #tpu.memory_space<vmem>>) semaphore(%arg10 : memref<!tpu.dma_semaphore, #tpu.memory_space<semaphore_mem>>)
        %dma_start3A_2445 = arith.constant 6 : i32
        %dma_start3A_2446 = arith.constant 1152 : i32
        %dma_start3A_2447 = tpu.memref_slice %arg8[%dma_start3A_2445, %dma_start3A_2446] : memref<8x1664xf32, #tpu.memory_space<vmem>> -> memref<1x128xf32, #tpu.memory_space<vmem>>
        %dma_start3A_2448 = tpu.memref_squeeze %dma_start3A_2447 : memref<1x128xf32, #tpu.memory_space<vmem>> -> memref<128xf32, #tpu.memory_space<vmem>>
        %dma_start3A_2449 = arith.constant 11136 : i32
        %dma_start3A_2450 = tpu.memref_slice %arg6[%dma_start3A_2449] : memref<13312xi32, #tpu.memory_space<vmem>> -> memref<128xi32, #tpu.memory_space<vmem>>
        %dma_start3A_2451 = arith.constant 0 : i32
        %dma_start3A_2452 = tpu.memref_slice %arg2[%dma_start3A_2451] : memref<52428800xf32, #tpu.memory_space<hbm>> -> memref<52428800xf32, #tpu.memory_space<hbm>>
        tpu.enqueue_indirect_dma source(%dma_start3A_2452 : memref<52428800xf32, #tpu.memory_space<hbm>>) target(%dma_start3A_2448 : memref<128xf32, #tpu.memory_space<vmem>>) offsets(%dma_start3A_2450 : memref<128xi32, #tpu.memory_space<vmem>>) semaphore(%arg10 : memref<!tpu.dma_semaphore, #tpu.memory_space<semaphore_mem>>)
        %dma_start3A_2453 = arith.constant 6 : i32
        %dma_start3A_2454 = arith.constant 1280 : i32
        %dma_start3A_2455 = tpu.memref_slice %arg8[%dma_start3A_2453, %dma_start3A_2454] : memref<8x1664xf32, #tpu.memory_space<vmem>> -> memref<1x128xf32, #tpu.memory_space<vmem>>
        %dma_start3A_2456 = tpu.memref_squeeze %dma_start3A_2455 : memref<1x128xf32, #tpu.memory_space<vmem>> -> memref<128xf32, #tpu.memory_space<vmem>>
        %dma_start3A_2457 = arith.constant 11264 : i32
        %dma_start3A_2458 = tpu.memref_slice %arg6[%dma_start3A_2457] : memref<13312xi32, #tpu.memory_space<vmem>> -> memref<128xi32, #tpu.memory_space<vmem>>
        %dma_start3A_2459 = arith.constant 0 : i32
        %dma_start3A_2460 = tpu.memref_slice %arg2[%dma_start3A_2459] : memref<52428800xf32, #tpu.memory_space<hbm>> -> memref<52428800xf32, #tpu.memory_space<hbm>>
        tpu.enqueue_indirect_dma source(%dma_start3A_2460 : memref<52428800xf32, #tpu.memory_space<hbm>>) target(%dma_start3A_2456 : memref<128xf32, #tpu.memory_space<vmem>>) offsets(%dma_start3A_2458 : memref<128xi32, #tpu.memory_space<vmem>>) semaphore(%arg10 : memref<!tpu.dma_semaphore, #tpu.memory_space<semaphore_mem>>)
        %dma_start3A_2461 = arith.constant 6 : i32
        %dma_start3A_2462 = arith.constant 1408 : i32
        %dma_start3A_2463 = tpu.memref_slice %arg8[%dma_start3A_2461, %dma_start3A_2462] : memref<8x1664xf32, #tpu.memory_space<vmem>> -> memref<1x128xf32, #tpu.memory_space<vmem>>
        %dma_start3A_2464 = tpu.memref_squeeze %dma_start3A_2463 : memref<1x128xf32, #tpu.memory_space<vmem>> -> memref<128xf32, #tpu.memory_space<vmem>>
        %dma_start3A_2465 = arith.constant 11392 : i32
        %dma_start3A_2466 = tpu.memref_slice %arg6[%dma_start3A_2465] : memref<13312xi32, #tpu.memory_space<vmem>> -> memref<128xi32, #tpu.memory_space<vmem>>
        %dma_start3A_2467 = arith.constant 0 : i32
        %dma_start3A_2468 = tpu.memref_slice %arg2[%dma_start3A_2467] : memref<52428800xf32, #tpu.memory_space<hbm>> -> memref<52428800xf32, #tpu.memory_space<hbm>>
        tpu.enqueue_indirect_dma source(%dma_start3A_2468 : memref<52428800xf32, #tpu.memory_space<hbm>>) target(%dma_start3A_2464 : memref<128xf32, #tpu.memory_space<vmem>>) offsets(%dma_start3A_2466 : memref<128xi32, #tpu.memory_space<vmem>>) semaphore(%arg10 : memref<!tpu.dma_semaphore, #tpu.memory_space<semaphore_mem>>)
        %dma_start3A_2469 = arith.constant 6 : i32
        %dma_start3A_2470 = arith.constant 1536 : i32
        %dma_start3A_2471 = tpu.memref_slice %arg8[%dma_start3A_2469, %dma_start3A_2470] : memref<8x1664xf32, #tpu.memory_space<vmem>> -> memref<1x128xf32, #tpu.memory_space<vmem>>
        %dma_start3A_2472 = tpu.memref_squeeze %dma_start3A_2471 : memref<1x128xf32, #tpu.memory_space<vmem>> -> memref<128xf32, #tpu.memory_space<vmem>>
        %dma_start3A_2473 = arith.constant 11520 : i32
        %dma_start3A_2474 = tpu.memref_slice %arg6[%dma_start3A_2473] : memref<13312xi32, #tpu.memory_space<vmem>> -> memref<128xi32, #tpu.memory_space<vmem>>
        %dma_start3A_2475 = arith.constant 0 : i32
        %dma_start3A_2476 = tpu.memref_slice %arg2[%dma_start3A_2475] : memref<52428800xf32, #tpu.memory_space<hbm>> -> memref<52428800xf32, #tpu.memory_space<hbm>>
        tpu.enqueue_indirect_dma source(%dma_start3A_2476 : memref<52428800xf32, #tpu.memory_space<hbm>>) target(%dma_start3A_2472 : memref<128xf32, #tpu.memory_space<vmem>>) offsets(%dma_start3A_2474 : memref<128xi32, #tpu.memory_space<vmem>>) semaphore(%arg10 : memref<!tpu.dma_semaphore, #tpu.memory_space<semaphore_mem>>)
        %dma_start3A_2477 = arith.constant 7 : i32
        %dma_start3A_2478 = arith.constant 0 : i32
        %dma_start3A_2479 = tpu.memref_slice %arg8[%dma_start3A_2477, %dma_start3A_2478] : memref<8x1664xf32, #tpu.memory_space<vmem>> -> memref<1x128xf32, #tpu.memory_space<vmem>>
        %dma_start3A_2480 = tpu.memref_squeeze %dma_start3A_2479 : memref<1x128xf32, #tpu.memory_space<vmem>> -> memref<128xf32, #tpu.memory_space<vmem>>
        %dma_start3A_2481 = arith.constant 11648 : i32
        %dma_start3A_2482 = tpu.memref_slice %arg6[%dma_start3A_2481] : memref<13312xi32, #tpu.memory_space<vmem>> -> memref<128xi32, #tpu.memory_space<vmem>>
        %dma_start3A_2483 = arith.constant 0 : i32
        %dma_start3A_2484 = tpu.memref_slice %arg2[%dma_start3A_2483] : memref<52428800xf32, #tpu.memory_space<hbm>> -> memref<52428800xf32, #tpu.memory_space<hbm>>
        tpu.enqueue_indirect_dma source(%dma_start3A_2484 : memref<52428800xf32, #tpu.memory_space<hbm>>) target(%dma_start3A_2480 : memref<128xf32, #tpu.memory_space<vmem>>) offsets(%dma_start3A_2482 : memref<128xi32, #tpu.memory_space<vmem>>) semaphore(%arg10 : memref<!tpu.dma_semaphore, #tpu.memory_space<semaphore_mem>>)
        %dma_start3A_2485 = arith.constant 7 : i32
        %dma_start3A_2486 = arith.constant 128 : i32
        %dma_start3A_2487 = tpu.memref_slice %arg8[%dma_start3A_2485, %dma_start3A_2486] : memref<8x1664xf32, #tpu.memory_space<vmem>> -> memref<1x128xf32, #tpu.memory_space<vmem>>
        %dma_start3A_2488 = tpu.memref_squeeze %dma_start3A_2487 : memref<1x128xf32, #tpu.memory_space<vmem>> -> memref<128xf32, #tpu.memory_space<vmem>>
        %dma_start3A_2489 = arith.constant 11776 : i32
        %dma_start3A_2490 = tpu.memref_slice %arg6[%dma_start3A_2489] : memref<13312xi32, #tpu.memory_space<vmem>> -> memref<128xi32, #tpu.memory_space<vmem>>
        %dma_start3A_2491 = arith.constant 0 : i32
        %dma_start3A_2492 = tpu.memref_slice %arg2[%dma_start3A_2491] : memref<52428800xf32, #tpu.memory_space<hbm>> -> memref<52428800xf32, #tpu.memory_space<hbm>>
        tpu.enqueue_indirect_dma source(%dma_start3A_2492 : memref<52428800xf32, #tpu.memory_space<hbm>>) target(%dma_start3A_2488 : memref<128xf32, #tpu.memory_space<vmem>>) offsets(%dma_start3A_2490 : memref<128xi32, #tpu.memory_space<vmem>>) semaphore(%arg10 : memref<!tpu.dma_semaphore, #tpu.memory_space<semaphore_mem>>)
        %dma_start3A_2493 = arith.constant 7 : i32
        %dma_start3A_2494 = arith.constant 256 : i32
        %dma_start3A_2495 = tpu.memref_slice %arg8[%dma_start3A_2493, %dma_start3A_2494] : memref<8x1664xf32, #tpu.memory_space<vmem>> -> memref<1x128xf32, #tpu.memory_space<vmem>>
        %dma_start3A_2496 = tpu.memref_squeeze %dma_start3A_2495 : memref<1x128xf32, #tpu.memory_space<vmem>> -> memref<128xf32, #tpu.memory_space<vmem>>
        %dma_start3A_2497 = arith.constant 11904 : i32
        %dma_start3A_2498 = tpu.memref_slice %arg6[%dma_start3A_2497] : memref<13312xi32, #tpu.memory_space<vmem>> -> memref<128xi32, #tpu.memory_space<vmem>>
        %dma_start3A_2499 = arith.constant 0 : i32
        %dma_start3A_2500 = tpu.memref_slice %arg2[%dma_start3A_2499] : memref<52428800xf32, #tpu.memory_space<hbm>> -> memref<52428800xf32, #tpu.memory_space<hbm>>
        tpu.enqueue_indirect_dma source(%dma_start3A_2500 : memref<52428800xf32, #tpu.memory_space<hbm>>) target(%dma_start3A_2496 : memref<128xf32, #tpu.memory_space<vmem>>) offsets(%dma_start3A_2498 : memref<128xi32, #tpu.memory_space<vmem>>) semaphore(%arg10 : memref<!tpu.dma_semaphore, #tpu.memory_space<semaphore_mem>>)
        %dma_start3A_2501 = arith.constant 7 : i32
        %dma_start3A_2502 = arith.constant 384 : i32
        %dma_start3A_2503 = tpu.memref_slice %arg8[%dma_start3A_2501, %dma_start3A_2502] : memref<8x1664xf32, #tpu.memory_space<vmem>> -> memref<1x128xf32, #tpu.memory_space<vmem>>
        %dma_start3A_2504 = tpu.memref_squeeze %dma_start3A_2503 : memref<1x128xf32, #tpu.memory_space<vmem>> -> memref<128xf32, #tpu.memory_space<vmem>>
        %dma_start3A_2505 = arith.constant 12032 : i32
        %dma_start3A_2506 = tpu.memref_slice %arg6[%dma_start3A_2505] : memref<13312xi32, #tpu.memory_space<vmem>> -> memref<128xi32, #tpu.memory_space<vmem>>
        %dma_start3A_2507 = arith.constant 0 : i32
        %dma_start3A_2508 = tpu.memref_slice %arg2[%dma_start3A_2507] : memref<52428800xf32, #tpu.memory_space<hbm>> -> memref<52428800xf32, #tpu.memory_space<hbm>>
        tpu.enqueue_indirect_dma source(%dma_start3A_2508 : memref<52428800xf32, #tpu.memory_space<hbm>>) target(%dma_start3A_2504 : memref<128xf32, #tpu.memory_space<vmem>>) offsets(%dma_start3A_2506 : memref<128xi32, #tpu.memory_space<vmem>>) semaphore(%arg10 : memref<!tpu.dma_semaphore, #tpu.memory_space<semaphore_mem>>)
        %dma_start3A_2509 = arith.constant 7 : i32
        %dma_start3A_2510 = arith.constant 512 : i32
        %dma_start3A_2511 = tpu.memref_slice %arg8[%dma_start3A_2509, %dma_start3A_2510] : memref<8x1664xf32, #tpu.memory_space<vmem>> -> memref<1x128xf32, #tpu.memory_space<vmem>>
        %dma_start3A_2512 = tpu.memref_squeeze %dma_start3A_2511 : memref<1x128xf32, #tpu.memory_space<vmem>> -> memref<128xf32, #tpu.memory_space<vmem>>
        %dma_start3A_2513 = arith.constant 12160 : i32
        %dma_start3A_2514 = tpu.memref_slice %arg6[%dma_start3A_2513] : memref<13312xi32, #tpu.memory_space<vmem>> -> memref<128xi32, #tpu.memory_space<vmem>>
        %dma_start3A_2515 = arith.constant 0 : i32
        %dma_start3A_2516 = tpu.memref_slice %arg2[%dma_start3A_2515] : memref<52428800xf32, #tpu.memory_space<hbm>> -> memref<52428800xf32, #tpu.memory_space<hbm>>
        tpu.enqueue_indirect_dma source(%dma_start3A_2516 : memref<52428800xf32, #tpu.memory_space<hbm>>) target(%dma_start3A_2512 : memref<128xf32, #tpu.memory_space<vmem>>) offsets(%dma_start3A_2514 : memref<128xi32, #tpu.memory_space<vmem>>) semaphore(%arg10 : memref<!tpu.dma_semaphore, #tpu.memory_space<semaphore_mem>>)
        %dma_start3A_2517 = arith.constant 7 : i32
        %dma_start3A_2518 = arith.constant 640 : i32
        %dma_start3A_2519 = tpu.memref_slice %arg8[%dma_start3A_2517, %dma_start3A_2518] : memref<8x1664xf32, #tpu.memory_space<vmem>> -> memref<1x128xf32, #tpu.memory_space<vmem>>
        %dma_start3A_2520 = tpu.memref_squeeze %dma_start3A_2519 : memref<1x128xf32, #tpu.memory_space<vmem>> -> memref<128xf32, #tpu.memory_space<vmem>>
        %dma_start3A_2521 = arith.constant 12288 : i32
        %dma_start3A_2522 = tpu.memref_slice %arg6[%dma_start3A_2521] : memref<13312xi32, #tpu.memory_space<vmem>> -> memref<128xi32, #tpu.memory_space<vmem>>
        %dma_start3A_2523 = arith.constant 0 : i32
        %dma_start3A_2524 = tpu.memref_slice %arg2[%dma_start3A_2523] : memref<52428800xf32, #tpu.memory_space<hbm>> -> memref<52428800xf32, #tpu.memory_space<hbm>>
        tpu.enqueue_indirect_dma source(%dma_start3A_2524 : memref<52428800xf32, #tpu.memory_space<hbm>>) target(%dma_start3A_2520 : memref<128xf32, #tpu.memory_space<vmem>>) offsets(%dma_start3A_2522 : memref<128xi32, #tpu.memory_space<vmem>>) semaphore(%arg10 : memref<!tpu.dma_semaphore, #tpu.memory_space<semaphore_mem>>)
        %dma_start3A_2525 = arith.constant 7 : i32
        %dma_start3A_2526 = arith.constant 768 : i32
        %dma_start3A_2527 = tpu.memref_slice %arg8[%dma_start3A_2525, %dma_start3A_2526] : memref<8x1664xf32, #tpu.memory_space<vmem>> -> memref<1x128xf32, #tpu.memory_space<vmem>>
        %dma_start3A_2528 = tpu.memref_squeeze %dma_start3A_2527 : memref<1x128xf32, #tpu.memory_space<vmem>> -> memref<128xf32, #tpu.memory_space<vmem>>
        %dma_start3A_2529 = arith.constant 12416 : i32
        %dma_start3A_2530 = tpu.memref_slice %arg6[%dma_start3A_2529] : memref<13312xi32, #tpu.memory_space<vmem>> -> memref<128xi32, #tpu.memory_space<vmem>>
        %dma_start3A_2531 = arith.constant 0 : i32
        %dma_start3A_2532 = tpu.memref_slice %arg2[%dma_start3A_2531] : memref<52428800xf32, #tpu.memory_space<hbm>> -> memref<52428800xf32, #tpu.memory_space<hbm>>
        tpu.enqueue_indirect_dma source(%dma_start3A_2532 : memref<52428800xf32, #tpu.memory_space<hbm>>) target(%dma_start3A_2528 : memref<128xf32, #tpu.memory_space<vmem>>) offsets(%dma_start3A_2530 : memref<128xi32, #tpu.memory_space<vmem>>) semaphore(%arg10 : memref<!tpu.dma_semaphore, #tpu.memory_space<semaphore_mem>>)
        %dma_start3A_2533 = arith.constant 7 : i32
        %dma_start3A_2534 = arith.constant 896 : i32
        %dma_start3A_2535 = tpu.memref_slice %arg8[%dma_start3A_2533, %dma_start3A_2534] : memref<8x1664xf32, #tpu.memory_space<vmem>> -> memref<1x128xf32, #tpu.memory_space<vmem>>
        %dma_start3A_2536 = tpu.memref_squeeze %dma_start3A_2535 : memref<1x128xf32, #tpu.memory_space<vmem>> -> memref<128xf32, #tpu.memory_space<vmem>>
        %dma_start3A_2537 = arith.constant 12544 : i32
        %dma_start3A_2538 = tpu.memref_slice %arg6[%dma_start3A_2537] : memref<13312xi32, #tpu.memory_space<vmem>> -> memref<128xi32, #tpu.memory_space<vmem>>
        %dma_start3A_2539 = arith.constant 0 : i32
        %dma_start3A_2540 = tpu.memref_slice %arg2[%dma_start3A_2539] : memref<52428800xf32, #tpu.memory_space<hbm>> -> memref<52428800xf32, #tpu.memory_space<hbm>>
        tpu.enqueue_indirect_dma source(%dma_start3A_2540 : memref<52428800xf32, #tpu.memory_space<hbm>>) target(%dma_start3A_2536 : memref<128xf32, #tpu.memory_space<vmem>>) offsets(%dma_start3A_2538 : memref<128xi32, #tpu.memory_space<vmem>>) semaphore(%arg10 : memref<!tpu.dma_semaphore, #tpu.memory_space<semaphore_mem>>)
        %dma_start3A_2541 = arith.constant 7 : i32
        %dma_start3A_2542 = arith.constant 1024 : i32
        %dma_start3A_2543 = tpu.memref_slice %arg8[%dma_start3A_2541, %dma_start3A_2542] : memref<8x1664xf32, #tpu.memory_space<vmem>> -> memref<1x128xf32, #tpu.memory_space<vmem>>
        %dma_start3A_2544 = tpu.memref_squeeze %dma_start3A_2543 : memref<1x128xf32, #tpu.memory_space<vmem>> -> memref<128xf32, #tpu.memory_space<vmem>>
        %dma_start3A_2545 = arith.constant 12672 : i32
        %dma_start3A_2546 = tpu.memref_slice %arg6[%dma_start3A_2545] : memref<13312xi32, #tpu.memory_space<vmem>> -> memref<128xi32, #tpu.memory_space<vmem>>
        %dma_start3A_2547 = arith.constant 0 : i32
        %dma_start3A_2548 = tpu.memref_slice %arg2[%dma_start3A_2547] : memref<52428800xf32, #tpu.memory_space<hbm>> -> memref<52428800xf32, #tpu.memory_space<hbm>>
        tpu.enqueue_indirect_dma source(%dma_start3A_2548 : memref<52428800xf32, #tpu.memory_space<hbm>>) target(%dma_start3A_2544 : memref<128xf32, #tpu.memory_space<vmem>>) offsets(%dma_start3A_2546 : memref<128xi32, #tpu.memory_space<vmem>>) semaphore(%arg10 : memref<!tpu.dma_semaphore, #tpu.memory_space<semaphore_mem>>)
        %dma_start3A_2549 = arith.constant 7 : i32
        %dma_start3A_2550 = arith.constant 1152 : i32
        %dma_start3A_2551 = tpu.memref_slice %arg8[%dma_start3A_2549, %dma_start3A_2550] : memref<8x1664xf32, #tpu.memory_space<vmem>> -> memref<1x128xf32, #tpu.memory_space<vmem>>
        %dma_start3A_2552 = tpu.memref_squeeze %dma_start3A_2551 : memref<1x128xf32, #tpu.memory_space<vmem>> -> memref<128xf32, #tpu.memory_space<vmem>>
        %dma_start3A_2553 = arith.constant 12800 : i32
        %dma_start3A_2554 = tpu.memref_slice %arg6[%dma_start3A_2553] : memref<13312xi32, #tpu.memory_space<vmem>> -> memref<128xi32, #tpu.memory_space<vmem>>
        %dma_start3A_2555 = arith.constant 0 : i32
        %dma_start3A_2556 = tpu.memref_slice %arg2[%dma_start3A_2555] : memref<52428800xf32, #tpu.memory_space<hbm>> -> memref<52428800xf32, #tpu.memory_space<hbm>>
        tpu.enqueue_indirect_dma source(%dma_start3A_2556 : memref<52428800xf32, #tpu.memory_space<hbm>>) target(%dma_start3A_2552 : memref<128xf32, #tpu.memory_space<vmem>>) offsets(%dma_start3A_2554 : memref<128xi32, #tpu.memory_space<vmem>>) semaphore(%arg10 : memref<!tpu.dma_semaphore, #tpu.memory_space<semaphore_mem>>)
        %dma_start3A_2557 = arith.constant 7 : i32
        %dma_start3A_2558 = arith.constant 1280 : i32
        %dma_start3A_2559 = tpu.memref_slice %arg8[%dma_start3A_2557, %dma_start3A_2558] : memref<8x1664xf32, #tpu.memory_space<vmem>> -> memref<1x128xf32, #tpu.memory_space<vmem>>
        %dma_start3A_2560 = tpu.memref_squeeze %dma_start3A_2559 : memref<1x128xf32, #tpu.memory_space<vmem>> -> memref<128xf32, #tpu.memory_space<vmem>>
        %dma_start3A_2561 = arith.constant 12928 : i32
        %dma_start3A_2562 = tpu.memref_slice %arg6[%dma_start3A_2561] : memref<13312xi32, #tpu.memory_space<vmem>> -> memref<128xi32, #tpu.memory_space<vmem>>
        %dma_start3A_2563 = arith.constant 0 : i32
        %dma_start3A_2564 = tpu.memref_slice %arg2[%dma_start3A_2563] : memref<52428800xf32, #tpu.memory_space<hbm>> -> memref<52428800xf32, #tpu.memory_space<hbm>>
        tpu.enqueue_indirect_dma source(%dma_start3A_2564 : memref<52428800xf32, #tpu.memory_space<hbm>>) target(%dma_start3A_2560 : memref<128xf32, #tpu.memory_space<vmem>>) offsets(%dma_start3A_2562 : memref<128xi32, #tpu.memory_space<vmem>>) semaphore(%arg10 : memref<!tpu.dma_semaphore, #tpu.memory_space<semaphore_mem>>)
        %dma_start3A_2565 = arith.constant 7 : i32
        %dma_start3A_2566 = arith.constant 1408 : i32
        %dma_start3A_2567 = tpu.memref_slice %arg8[%dma_start3A_2565, %dma_start3A_2566] : memref<8x1664xf32, #tpu.memory_space<vmem>> -> memref<1x128xf32, #tpu.memory_space<vmem>>
        %dma_start3A_2568 = tpu.memref_squeeze %dma_start3A_2567 : memref<1x128xf32, #tpu.memory_space<vmem>> -> memref<128xf32, #tpu.memory_space<vmem>>
        %dma_start3A_2569 = arith.constant 13056 : i32
        %dma_start3A_2570 = tpu.memref_slice %arg6[%dma_start3A_2569] : memref<13312xi32, #tpu.memory_space<vmem>> -> memref<128xi32, #tpu.memory_space<vmem>>
        %dma_start3A_2571 = arith.constant 0 : i32
        %dma_start3A_2572 = tpu.memref_slice %arg2[%dma_start3A_2571] : memref<52428800xf32, #tpu.memory_space<hbm>> -> memref<52428800xf32, #tpu.memory_space<hbm>>
        tpu.enqueue_indirect_dma source(%dma_start3A_2572 : memref<52428800xf32, #tpu.memory_space<hbm>>) target(%dma_start3A_2568 : memref<128xf32, #tpu.memory_space<vmem>>) offsets(%dma_start3A_2570 : memref<128xi32, #tpu.memory_space<vmem>>) semaphore(%arg10 : memref<!tpu.dma_semaphore, #tpu.memory_space<semaphore_mem>>)
        %dma_start3A_2573 = arith.constant 7 : i32
        %dma_start3A_2574 = arith.constant 1536 : i32
        %dma_start3A_2575 = tpu.memref_slice %arg8[%dma_start3A_2573, %dma_start3A_2574] : memref<8x1664xf32, #tpu.memory_space<vmem>> -> memref<1x128xf32, #tpu.memory_space<vmem>>
        %dma_start3A_2576 = tpu.memref_squeeze %dma_start3A_2575 : memref<1x128xf32, #tpu.memory_space<vmem>> -> memref<128xf32, #tpu.memory_space<vmem>>
        %dma_start3A_2577 = arith.constant 13184 : i32
        %dma_start3A_2578 = tpu.memref_slice %arg6[%dma_start3A_2577] : memref<13312xi32, #tpu.memory_space<vmem>> -> memref<128xi32, #tpu.memory_space<vmem>>
        %dma_start3A_2579 = arith.constant 0 : i32
        %dma_start3A_2580 = tpu.memref_slice %arg2[%dma_start3A_2579] : memref<52428800xf32, #tpu.memory_space<hbm>> -> memref<52428800xf32, #tpu.memory_space<hbm>>
        tpu.enqueue_indirect_dma source(%dma_start3A_2580 : memref<52428800xf32, #tpu.memory_space<hbm>>) target(%dma_start3A_2576 : memref<128xf32, #tpu.memory_space<vmem>>) offsets(%dma_start3A_2578 : memref<128xi32, #tpu.memory_space<vmem>>) semaphore(%arg10 : memref<!tpu.dma_semaphore, #tpu.memory_space<semaphore_mem>>)
      } else {
      }
      %dma_wait3A_1720 = arith.constant 0 : i32
      %dma_wait3A_1721 = arith.constant 0 : i32
      %dma_wait3A_1722 = tpu.memref_slice %arg4[%dma_wait3A_1720, %dma_wait3A_1721] : memref<4096x1664xf32, #tpu.memory_space<hbm>> -> memref<8x1664xf32, #tpu.memory_space<hbm>>
      %dma_wait3A_1723 = arith.constant 0 : i32
      %dma_wait3A_1724 = arith.constant 0 : i32
      %dma_wait3A_1725 = tpu.memref_slice %arg4[%dma_wait3A_1723, %dma_wait3A_1724] : memref<4096x1664xf32, #tpu.memory_space<hbm>> -> memref<8x1664xf32, #tpu.memory_space<hbm>>
      tpu.wait_dma2 semaphore(%arg11 : memref<!tpu.dma_semaphore, #tpu.memory_space<semaphore_mem>>) src(%dma_wait3A_1725 : memref<8x1664xf32, #tpu.memory_space<hbm>>) dst(%arg9 : memref<8x1664xf32, #tpu.memory_space<vmem>>)
      %add3A_1726 = arith.constant 1 : i32
      %add3A_1727 = arith.addi %mul3A_860, %add3A_1726 : i32
      %mul3A_1728 = arith.constant 8 : i32
      %mul3A_1729 = arith.muli %add3A_1727, %mul3A_1728 : i32
      %add3A_1730 = arith.addi %mul3A_4, %mul3A_1729 : i32
      %dma_start3A_1731 = arith.constant 0 : i32
      %dma_start3A_1732 = tpu.memref_slice %arg4[%add3A_1730, %dma_start3A_1731] : memref<4096x1664xf32, #tpu.memory_space<hbm>> -> memref<8x1664xf32, #tpu.memory_space<hbm>>
      %dma_start3A_1733 = arith.constant 0 : i32
      %dma_start3A_1734 = tpu.memref_slice %arg4[%add3A_1730, %dma_start3A_1733] : memref<4096x1664xf32, #tpu.memory_space<hbm>> -> memref<8x1664xf32, #tpu.memory_space<hbm>>
      tpu.enqueue_dma source(%arg9 : memref<8x1664xf32, #tpu.memory_space<vmem>>) target(%dma_start3A_1734 : memref<8x1664xf32, #tpu.memory_space<hbm>>) target_semaphore(%arg13 : memref<!tpu.dma_semaphore, #tpu.memory_space<semaphore_mem>>)
    }
    %scan3A_846 = arith.constant 8 : i32
    %dma_wait3A = arith.constant 0 : i32
    %dma_wait3A_847 = arith.constant 0 : i32
    %dma_wait3A_848 = tpu.memref_slice %arg4[%dma_wait3A, %dma_wait3A_847] : memref<4096x1664xf32, #tpu.memory_space<hbm>> -> memref<8x1664xf32, #tpu.memory_space<hbm>>
    %dma_wait3A_849 = arith.constant 0 : i32
    %dma_wait3A_850 = arith.constant 0 : i32
    %dma_wait3A_851 = tpu.memref_slice %arg4[%dma_wait3A_849, %dma_wait3A_850] : memref<4096x1664xf32, #tpu.memory_space<hbm>> -> memref<8x1664xf32, #tpu.memory_space<hbm>>
    tpu.wait_dma2 semaphore(%arg12 : memref<!tpu.dma_semaphore, #tpu.memory_space<semaphore_mem>>) src(%arg8 : memref<8x1664xf32, #tpu.memory_space<vmem>>) dst(%dma_wait3A_851 : memref<8x1664xf32, #tpu.memory_space<hbm>>)
    %dma_wait3A_852 = arith.constant 0 : i32
    %dma_wait3A_853 = arith.constant 0 : i32
    %dma_wait3A_854 = tpu.memref_slice %arg4[%dma_wait3A_852, %dma_wait3A_853] : memref<4096x1664xf32, #tpu.memory_space<hbm>> -> memref<8x1664xf32, #tpu.memory_space<hbm>>
    %dma_wait3A_855 = arith.constant 0 : i32
    %dma_wait3A_856 = arith.constant 0 : i32
    %dma_wait3A_857 = tpu.memref_slice %arg4[%dma_wait3A_855, %dma_wait3A_856] : memref<4096x1664xf32, #tpu.memory_space<hbm>> -> memref<8x1664xf32, #tpu.memory_space<hbm>>
    tpu.wait_dma2 semaphore(%arg13 : memref<!tpu.dma_semaphore, #tpu.memory_space<semaphore_mem>>) src(%arg9 : memref<8x1664xf32, #tpu.memory_space<vmem>>) dst(%dma_wait3A_857 : memref<8x1664xf32, #tpu.memory_space<hbm>>)
    return
  }
}

module attributes {stable_mosaic.version = 14 : i64} {
  func.func @body(%arg0: i32, %arg1: memref<8x64x4096xf32, #tpu.memory_space<vmem>>, %arg2: memref<64x4096xf32, #tpu.memory_space<vmem>>) attributes {dimension_semantics = [#tpu.dimension_semantics<arbitrary>], iteration_bounds = array<i64: 25>, scalar_prefetch = 0 : i64, scratch_operands = 0 : i64, tpu.core_type = #tpu.core_type<tc>, window_params = [{transform_indices = @transform_0, window_bounds = array<i64: 8, 64, 4096>}, {pipeline_mode = #tpu.pipeline_mode<synchronous>, transform_indices = @transform_1, window_bounds = array<i64: 64, 4096>}]} {
    %get3A = arith.constant 0 : index
    %get3A_0 = arith.constant 0 : index
    %get3A_1 = arith.constant 0 : index
    %get3A_2 = vector.load %arg1[%get3A, %get3A_0, %get3A_1] : memref<8x64x4096xf32, #tpu.memory_space<vmem>>, vector<8x64x4096xf32>
    %reduce_sum3A = arith.constant dense<0.000000e+00> : vector<64x4096xf32>
    %reduce_sum3A_3 = vector.multi_reduction <add>, %get3A_2, %reduce_sum3A [0] : vector<8x64x4096xf32> to vector<64x4096xf32>
    %eq3A = arith.constant 0 : i32
    %eq3A_4 = arith.cmpi eq, %arg0, %eq3A : i32
    %convert_element_type3A = arith.extui %eq3A_4 : i1 to i32
    %cond3A = arith.constant 0 : i32
    %cond3A_5 = arith.cmpi ne, %convert_element_type3A, %cond3A : i32
    scf.if %cond3A_5 {
      %mul3A = arith.constant 5.000000e-03 : f32
      %mul3A_10 = vector.broadcast %mul3A : f32 to vector<64x4096xf32>
      %mul3A_11 = arith.mulf %reduce_sum3A_3, %mul3A_10 : vector<64x4096xf32>
      %swap3A = arith.constant 0 : index
      %swap3A_12 = arith.constant 0 : index
      %swap3A_13 = vector.load %arg2[%swap3A, %swap3A_12] : memref<64x4096xf32, #tpu.memory_space<vmem>>, vector<64x4096xf32>
      tpu.vector_store %arg2[%swap3A, %swap3A_12], %mul3A_11 {strides = array<i32>} : memref<64x4096xf32, #tpu.memory_space<vmem>>, vector<64x4096xf32>,
    } else {
    }
    %gt3A = arith.constant 0 : i32
    %gt3A_6 = arith.cmpi sgt, %arg0, %gt3A : i32
    %convert_element_type3A_7 = arith.extui %gt3A_6 : i1 to i32
    %cond3A_8 = arith.constant 0 : i32
    %cond3A_9 = arith.cmpi ne, %convert_element_type3A_7, %cond3A_8 : i32
    scf.if %cond3A_9 {
      %get3A_10 = arith.constant 0 : index
      %get3A_11 = arith.constant 0 : index
      %get3A_12 = vector.load %arg2[%get3A_10, %get3A_11] : memref<64x4096xf32, #tpu.memory_space<vmem>>, vector<64x4096xf32>
      %mul3A = arith.constant 5.000000e-03 : f32
      %mul3A_13 = vector.broadcast %mul3A : f32 to vector<64x4096xf32>
      %mul3A_14 = arith.mulf %reduce_sum3A_3, %mul3A_13 : vector<64x4096xf32>
      %add3A = arith.addf %get3A_12, %mul3A_14 : vector<64x4096xf32>
      %swap3A = arith.constant 0 : index
      %swap3A_15 = arith.constant 0 : index
      %swap3A_16 = vector.load %arg2[%swap3A, %swap3A_15] : memref<64x4096xf32, #tpu.memory_space<vmem>>, vector<64x4096xf32>
      tpu.vector_store %arg2[%swap3A, %swap3A_15], %add3A {strides = array<i32>} : memref<64x4096xf32, #tpu.memory_space<vmem>>, vector<64x4096xf32>,
    } else {
    }
    return
  }
  func.func @transform_0(%arg0: i32) -> (i32, i32, i32) {
    %c0_i32 = arith.constant 0 : i32
    %c0_i32_0 = arith.constant 0 : i32
    %c0_i32_1 = arith.constant 0 : i32
    return %arg0, %c0_i32, %c0_i32_0 : i32, i32, i32
  }
  func.func @transform_1(%arg0: i32) -> (i32, i32) {
    %c0_i32 = arith.constant 0 : i32
    %c0_i32_0 = arith.constant 0 : i32
    %c0_i32_1 = arith.constant 0 : i32
    return %c0_i32, %c0_i32_0 : i32, i32
  }
}

module attributes {stable_mosaic.version = 14 : i64} {
  func.func @body(%arg0: i32, %arg1: memref<512x1664xf32, #tpu.memory_space<vmem>>, %arg2: memref<512x64xf32, #tpu.memory_space<vmem>>, %arg3: memref<1728x64xf32, #tpu.memory_space<vmem>>, %arg4: memref<512x64xf32, #tpu.memory_space<vmem>>) attributes {dimension_semantics = [#tpu.dimension_semantics<arbitrary>], iteration_bounds = array<i64: 8>, scalar_prefetch = 0 : i64, scratch_operands = 0 : i64, tpu.core_type = #tpu.core_type<tc>, window_params = [{transform_indices = @transform_0, window_bounds = array<i64: 512, 1664>}, {transform_indices = @transform_1, window_bounds = array<i64: 512, 64>}, {pipeline_mode = #tpu.pipeline_mode<synchronous>, transform_indices = @transform_2, window_bounds = array<i64: 1728, 64>}, {transform_indices = @transform_3, window_bounds = array<i64: 512, 64>}]} {
    %get3A = arith.constant 0 : index
    %get3A_0 = arith.constant 0 : index
    %get3A_1 = vector.load %arg1[%get3A, %get3A_0] : memref<512x1664xf32, #tpu.memory_space<vmem>>, vector<512x1664xf32>
    %max3A = arith.constant 0.000000e+00 : f32
    %max3A_2 = vector.broadcast %max3A : f32 to vector<512x1664xf32>
    %max3A_3 = arith.maximumf %get3A_1, %max3A_2 : vector<512x1664xf32>
    %get3A_4 = arith.constant 0 : index
    %get3A_5 = arith.constant 0 : index
    %get3A_6 = vector.load %arg3[%get3A_4, %get3A_5] : memref<1728x64xf32, #tpu.memory_space<vmem>>, vector<1664x64xf32>
    %dot_general3A = arith.constant dense<0.000000e+00> : vector<512x64xf32>
    %dot_general3A_7 = tpu.matmul %max3A_3, %get3A_6, %dot_general3A {dimension_numbers = #tpu.dot_dimension_numbers<[1], [0], [0], [1], [0, 0, 1, 1], [], []>, transpose_lhs_hint = false} : vector<512x1664xf32>, vector<1664x64xf32>, vector<512x64xf32> -> vector<512x64xf32>
    %get3A_8 = arith.constant 0 : index
    %get3A_9 = arith.constant 0 : index
    %get3A_10 = vector.load %arg2[%get3A_8, %get3A_9] : memref<512x64xf32, #tpu.memory_space<vmem>>, vector<512x64xf32>
    %get3A_11 = arith.constant 1664 : index
    %get3A_12 = arith.constant 0 : index
    %get3A_13 = vector.load %arg3[%get3A_11, %get3A_12] : memref<1728x64xf32, #tpu.memory_space<vmem>>, vector<64x64xf32>
    %dot_general3A_14 = arith.constant dense<0.000000e+00> : vector<512x64xf32>
    %dot_general3A_15 = tpu.matmul %get3A_10, %get3A_13, %dot_general3A_14 {dimension_numbers = #tpu.dot_dimension_numbers<[1], [0], [0], [1], [0, 0, 1, 1], [], []>, transpose_lhs_hint = false} : vector<512x64xf32>, vector<64x64xf32>, vector<512x64xf32> -> vector<512x64xf32>
    %add3A = arith.addf %dot_general3A_7, %dot_general3A_15 : vector<512x64xf32>
    %max3A_16 = arith.constant 0.000000e+00 : f32
    %max3A_17 = vector.broadcast %max3A_16 : f32 to vector<512x64xf32>
    %max3A_18 = arith.maximumf %add3A, %max3A_17 : vector<512x64xf32>
    %swap3A = arith.constant 0 : index
    %swap3A_19 = arith.constant 0 : index
    %swap3A_20 = vector.load %arg4[%swap3A, %swap3A_19] : memref<512x64xf32, #tpu.memory_space<vmem>>, vector<512x64xf32>
    tpu.vector_store %arg4[%swap3A, %swap3A_19], %max3A_18 {strides = array<i32>} : memref<512x64xf32, #tpu.memory_space<vmem>>, vector<512x64xf32>,
    return
  }
  func.func @transform_0(%arg0: i32) -> (i32, i32) {
    %c0_i32 = arith.constant 0 : i32
    %c0_i32_0 = arith.constant 0 : i32
    return %arg0, %c0_i32 : i32, i32
  }
  func.func @transform_1(%arg0: i32) -> (i32, i32) {
    %c0_i32 = arith.constant 0 : i32
    %c0_i32_0 = arith.constant 0 : i32
    return %arg0, %c0_i32 : i32, i32
  }
  func.func @transform_2(%arg0: i32) -> (i32, i32) {
    %c0_i32 = arith.constant 0 : i32
    %c0_i32_0 = arith.constant 0 : i32
    %c0_i32_1 = arith.constant 0 : i32
    return %c0_i32, %c0_i32_0 : i32, i32
  }
  func.func @transform_3(%arg0: i32) -> (i32, i32) {
    %c0_i32 = arith.constant 0 : i32
    %c0_i32_0 = arith.constant 0 : i32
    return %arg0, %c0_i32 : i32, i32
  }
}

</mosaic_0001>

<sc_bundles>
// kernel: kernel.5.cloned.1.call-start
scs
__scs_entry_jumppad:
0x0: {  	(pc) =	sbr.rel $0x88, $3  }
0x1: {  	(tag) =	ssettag $0x0;
	lr =	simm.s32 $0x1  }
0x2: {  	[smem:$0x3F9E] =	sst lr;
	_ =	strace $0xD0000000  }
0x3: {  	_ = 	snop  }
0x4: {  	_ = 	snop  }
0x5: {  	_ = 	snop  }
0x6: {  	_ = 	snop  }
0x7: {  	_ = 	snop  }
__scs_overlays_trampoline_lowered:
0x8: {  	[smem:$0x3FAD] =	sst s0  }
0x9: {  	[smem:$0x3FAE] =	sst s1  }
0xa: {  	[smem:$0x3FAF] =	sst s2  }
0xb: {  	[smem:$0x3FB0] =	sst s3  }
0xc: {  	[smem:$0x3FB1] =	sst s4  }
0xd: {  	[smem:$0x3FB2] =	sst s5  }
0xe: {  	[smem:$0x3FB3] =	sst s6  }
0xf: {  	[smem:$0x3FB4] =	sst s7  }
0x10: {  	[smem:$0x3FB5] =	sst s8  }
0x11: {  	[smem:$0x3FB6] =	sst s9;
	s0 =	simm.s32 @!p0 $0x0  }
0x12: {  	s1 =	sld [smem:$0x3F9C];
	s0 =	simm.s32 @p0 $0x1  }
0x13: {  	[smem:$0x3FB7] =	sst s0;
	s0 =	simm.s32 @!p1 $0x0  }
0x14: {  	s2 =	sld [smem:$0x3F9B];
	s0 =	simm.s32 @p1 $0x1  }
0x15: {  	[smem:$0x3FB8] =	sst s0;
	s0 =	simm.s32 @!p2 $0x0  }
0x16: {  	s3 =	sld [smem:$0x3FDB];
	s0 =	simm.s32 @p2 $0x1  }
0x17: {  	s4 =	simm.s32 $0x1BF5;
	[smem:$0x3FBA] =	sst s0  }
0x18: {  	s0 =	sld [smem:$0x3F9D];
	_ =	swait.ge [sflag:s4], $0x0  }
0x19: {  	s7 =	sld [smem:$0x3F9E]  }
0x1a: {  	s8 =	sadd.s32 $0xFFFFE003, lr  }
0x1b: {  	s9 =	sadd.s32 $0xFFFFFEF7, lr;
	s5 =	simm.s32 $0xFFFFFFFF;
	p2 =	slt.u32 s8, $0xFFFFF086  }
0x1c: {  	p1 =	slt.u32 s9, $0xF7A;
	s5 =	simm.s32 @!p2 $0x0  }
0x1d: {  	s5 =	simm.s32 @p1 $0x1;
	p0 =	seq.s32 s7, s2  }
0x1e: {  	s7 =	smul.u32 @!p0 $0xF7A, s2;
	p2 =	seq.s32 @!p0 s5, $0x0  }
0x1f: {  	s9 =	smul.u32 $0xF7A, s1;
	s8 =	simm.s32 @!p0 $0x1BF5;
	p2 =	por !p2, p0  }
0x20: {  	[sflag:s8] =	ssyncset.s32 @!p0 $0xFFFFF086;
	s6 =	sadd.s32 @!p0 s3, s7;
	s7 =	simm.s32 @!p0 $0x108  }
0x21: {  	s3 =	sadd.s32 s3, s9;
	s6 =	sadd.s32 @!p0 $0x88, s6;
	s7 =	simm.s32 @p2 $0x1082  }
0x22: {  	[simem:s7], [sflag:s8] =	dma.local @!p0 [hbm:s6], $0xF7A  }
0x23: {  	s9 =	sor.u32 $0xD0000000, s2;
	s6 =	simm.s32 $0x108;
	_ =	swait.ge @!p0 [sflag:s8], $0x0  }
0x24: {  	s3 =	sadd.s32 $0x88, s3;
	s6 =	simm.s32 @!p1 $0x1082;
	[sflag:s4] =	ssyncset.s32 $0xFFFFF086  }
0x25: {  	[simem:s6], [sflag:s4] =	dma.local [hbm:s3], $0xF7A  }
0x26: {  	[smem:$0x3F9E] =	sst s1;
	(tag) =	ssettag s2;
	_ =	strace s9  }
0x27: {  	s1 =	sld [smem:$0x3FAE]  }
0x28: {  	s2 =	sld [smem:$0x3FAF]  }
0x29: {  	s4 =	sld [smem:$0x3FB1]  }
0x2a: {  	p0 =	seq.s32 s5, $0x0;
	s5 =	sld [smem:$0x3FB2]  }
0x2b: {  	s6 =	sld [smem:$0x3FB3]  }
0x2c: {  	s7 =	sld [smem:$0x3FB4]  }
0x2d: {  	s3 =	simm.s32 $0x108;
	s8 =	sld [smem:$0x3FB5]  }
0x2e: {  	s3 =	simm.s32 @!p0 $0x1082;
	s9 =	sld [smem:$0x3FB6]  }
0x2f: {  	lr =	sadd.s32 s0, s3;
	s0 =	sld [smem:$0x3FAD]  }
0x30: {  	s3 =	sld [smem:$0x3FB0]  }
0x31: {  	[smem:$0x3FB9] =	sst s10  }
0x32: {  	s10 =	sld [smem:$0x3FB7];
	_ =	sdelay $0x3  }
0x33: {  	p0 =	seq.s32 s10, $0x1;
	s10 =	sld [smem:$0x3FB9];
	_ =	sdelay $0x3  }
0x34: {  	[smem:$0x3FB9] =	sst s10  }
0x35: {  	s10 =	sld [smem:$0x3FB8];
	_ =	sdelay $0x3  }
0x36: {  	p1 =	seq.s32 s10, $0x1;
	s10 =	sld [smem:$0x3FB9];
	_ =	sdelay $0x3  }
0x37: {  	[smem:$0x3FB9] =	sst s10  }
0x38: {  	s10 =	sld [smem:$0x3FBA]  }
0x39: {  	_ = 	snop;
	(pc) =	sbr.ind lr, $3  }
0x3a: {  	_ = 	snop  }
0x3b: {  	_ = 	snop  }
0x3c: {  	p2 =	seq.s32 s10, $0x1;
	s10 =	sld [smem:$0x3FB9]  }
0x3d: {  	_ =	shalt  }
0x3e: {  	_ =	shalt  }
0x3f: {  	_ =	shalt  }
0x40: {  	_ =	shalt  }
0x41: {  	_ =	shalt  }
0x42: {  	_ =	shalt  }
0x43: {  	_ =	shalt  }
0x44: {  	_ =	shalt  }
0x45: {  	_ =	shalt  }
0x46: {  	_ =	shalt  }
0x47: {  	_ =	shalt  }
0x48: {  	_ =	shalt  }
0x49: {  	_ =	shalt  }
0x4a: {  	_ =	shalt  }
0x4b: {  	_ =	shalt  }
0x4c: {  	_ =	shalt  }
0x4d: {  	_ =	shalt  }
0x4e: {  	_ =	shalt  }
0x4f: {  	_ =	shalt  }
0x50: {  	_ =	shalt  }
0x51: {  	_ =	shalt  }
0x52: {  	_ =	shalt  }
0x53: {  	_ =	shalt  }
0x54: {  	_ =	shalt  }
0x55: {  	_ =	shalt  }
0x56: {  	_ =	shalt  }
0x57: {  	_ =	shalt  }
0x58: {  	_ =	shalt  }
0x59: {  	_ =	shalt  }
0x5a: {  	_ =	shalt  }
0x5b: {  	_ =	shalt  }
0x5c: {  	_ =	shalt  }
0x5d: {  	_ =	shalt  }
0x5e: {  	_ =	shalt  }
0x5f: {  	_ =	shalt  }
0x60: {  	_ =	shalt  }
0x61: {  	_ =	shalt  }
0x62: {  	_ =	shalt  }
0x63: {  	_ =	shalt  }
0x64: {  	_ =	shalt  }
0x65: {  	_ =	shalt  }
0x66: {  	_ =	shalt  }
0x67: {  	_ =	shalt  }
0x68: {  	_ =	shalt  }
0x69: {  	_ =	shalt  }
0x6a: {  	_ =	shalt  }
0x6b: {  	_ =	shalt  }
0x6c: {  	_ =	shalt  }
0x6d: {  	_ =	shalt  }
0x6e: {  	_ =	shalt  }
0x6f: {  	_ =	shalt  }
0x70: {  	_ =	shalt  }
0x71: {  	_ =	shalt  }
0x72: {  	_ =	shalt  }
0x73: {  	_ =	shalt  }
0x74: {  	_ =	shalt  }
0x75: {  	_ =	shalt  }
0x76: {  	_ =	shalt  }
0x77: {  	_ =	shalt  }
0x78: {  	_ =	shalt  }
0x79: {  	_ =	shalt  }
0x7a: {  	_ =	shalt  }
0x7b: {  	_ =	shalt  }
0x7c: {  	_ =	shalt  }
0x7d: {  	_ =	shalt  }
0x7e: {  	_ =	shalt  }
0x7f: {  	_ =	shalt  }
0x80: {  	_ =	shalt  }
0x81: {  	_ =	shalt  }
0x82: {  	_ =	shalt  }
0x83: {  	_ =	shalt  }
0x84: {  	_ =	shalt  }
0x85: {  	_ =	shalt  }
0x86: {  	_ =	shalt  }
0x87: {  	_ =	shalt  }
.Lfunc_end0:
.L_simem_size_0:
called_computation_lowered:
.L_overlay_start_0:
0x88: {  	s2 =	sld [smem:$0x3FD9]  }
0x89: {  	s3 =	sld [smem:$0x3FFE];
	_ =	sdelay $0x1  }
0x8a: {  	s1 =	srdreg.scid  }
0x8b: {  	s0 =	sand.u32 $0x1, s1  }
0x8c: {  	s17 =	sshll.u32 s0, $0xA;
	s2 =	sadd.s32 s3, s2  }
0x8d: {  	s2 =	sadd.s32 s2, s17  }
0x8e: {  	[smem:$0x3FC5] =	sst s2  }
0x8f: {  	_ = 	snop  }
0x90: {  	s2 =	sld [smem:$0x3FC9]  }
0x91: {  	s18 =	sld [smem:$0x3FD0];
	(tm) =	ssettm $0x1  }
0x92: {  	s4 =	sld [smem:$0x3FFB];
	_ =	sdelay $0x3  }
0x93: {  	_ =	strace s4  }
0x94: {  	s4 =	sld [smem:$0x3FFC];
	_ =	sdelay $0x3  }
0x95: {  	_ =	strace s4  }
0x96: {  	s4 =	sld [smem:$0x3FFD];
	_ =	sdelay $0x3  }
0x97: {  	_ =	strace s4  }
0x98: {  	_ =	strace $0x8FFFFFFF  }
0x99: {  	s19 =	sld [smem:$0x3FDB];
	_ =	sdelay $0x1  }
0x9a: {  	s5 =	simm.s32 $_scs_section_size  }
0x9b: {  	s6 =	simm.s32 $_size__tile_overlayer_lowered;
	s7 =	simm.s32 $_tile_overlayer_lowered  }
0x9c: {  	s22 =	simm.s32 $0x1BFF;
	s21 =	sshll.u32 s7, $0x1;
	s4 =	sadd.s32 s5, s19  }
0x9d: {  	s8 =	simm.s32 $0x0;
	s20 =	sshll.u32 s6, $0x1;
	s6 =	sadd.s32 s21, s4  }
0x9e: {  	[timem:s8], [sflag:s22] =	dma.local [hbm:s6], s20  }
0x9f: {  	_ =	swait.ge [sflag:s22], s20  }
0xa0: {  	s5 =	ssub.s32 $0x0, s20;
	[sflag:s22] =	ssyncset.done $0x0  }
0xa1: {  	[sflag:s22] =	ssyncadd.s32 s5;
	_ =	sdelay $0x1  }
0xa2: {  	s23 =	simm.s32 $0x1B8B  }
0xa3: {  	_ =	swait.ge [sflag:s23], $0x1  }
0xa4: {  	[sflag:s23] =	ssyncset.done $0x0  }
0xa5: {  	s25 =	simm.s32 $0x1B8E;
	s24 =	sld [smem:$0x3FFE];
	[sflag:s23] =	ssyncadd.s32 $0xFFFFFFFF  }
0xa6: {  	s26 =	simm.s32 $execute0_lowered;
	[smem:$0x3FD2] =	sst s25  }
0xa7: {  	s6 =	sshll.u32 s26, $0x1;
	_ =	strace $0x80000046;
	[dreg:$0x1] =	wrdreg $0xFFFFFFFF  }
0xa8: {  	s28 =	simm.s32 $_size_execute0_lowered;
	s4 =	sadd.s32 s4, s6;
	[dreg:$0x0] =	wrdreg $0x0  }
0xa9: {  	s6 =	sshll.u32 s28, $0x1;
	[dreg:$0x2] =	wrdreg s4  }
0xaa: {  	[dreg:$0x3] =	wrdreg s6  }
0xab: {  	[dreg:$0x4] =	wrdreg $0xC0  }
0xac: {  	_ =	task [dreg:s8], $0x5FFFF  }
0xad: {  	[dreg:$0x1] =	wrdreg $0xFFFFFFFF  }
0xae: {  	[dreg:$0x0] =	wrdreg $0x60  }
0xaf: {  	[dreg:$0x2] =	wrdreg s2  }
0xb0: {  	[dreg:$0x3] =	wrdreg s18  }
0xb1: {  	[dreg:$0x4] =	wrdreg s24  }
0xb2: {  	[dreg:$0x5] =	wrdreg $0x9  }
0xb3: {  	_ =	task.clear_ibuf [dreg:s8], $0x6FFFF;
	_ =	strace $0x90000046  }
0xb4: {  	s29 =	simm.s32 $0x9;
	_ =	strace $0x80000048  }
0xb5: {  	_ =	swait.ge [sflag:s29], $0x1  }
0xb6: {  	[sflag:s29] =	ssyncadd.s32 $0xFFFFFFFF  }
0xb7: {  	_ =	strace $0x90000048  }
0xb8: {  	_ =	sfence  }
0xb9: {  	s30 =	sld [smem:$0x0];
	_ =	sdelay $0x2  }
0xba: {  	s31 =	sshll.u32 s1, $0xD;
	s1 =	sshrl.u32 s1, $0x2  }
0xbb: {  	s3 =	sand.u32 $0x4000, s31;
	s1 =	sadd.s32 s1, s30  }
0xbc: {  	s0 =	sor.u32 s3, s0;
	s1 =	sshll.u32 s1, $0x11  }
0xbd: {  	s0 =	sor.u32 s1, s0  }
0xbe: {  	s0 =	sadd.s32 $0x8F2B, s0  }
0xbf: {  	[sflag:s0] =	ssyncadd.remote.s32 $0x1  }
0xc0: {  	_ =	sfence.sel $0xFFFF  }
0xc1: {  	[dreg:$0x0] =	wrdreg $0xFFFFFFFF;
	(pc) =	sbr.abs _section_cstart, $3  }
0xc2: {  	[dreg:$0x1] =	wrdreg $0xFFFFFFFF  }
0xc3: {  	_ =	task.clear_ibuf [dreg:s8], $0x2FFFF;
	_ =	strace $0x9FFFFFFF  }
0xc4: {  	(tm) =	ssettm $0x7FFFFFFF  }
0xc5: {  	_ =	shalt  }
tec
execute0_lowered:
.L_overlay_start_1:
0x0: {  	(tag) =	ssettag $0x1  }
0x1: {  	s1 =	rddreg [dreg:$0x0]  }
0x2: {  	s0 =	rddreg [dreg:$0x1]  }
0x3: {  	s2 =	rddreg [dreg:$0x2];
	s4 =	srdreg.scid  }
0x4: {  	s5 =	stileid.u32;
	s3 =	simm.s32 $0x0;
	s10 =	simm.s32 $0xD00  }
0x5: {  	s11 =	simm.s32 $0x80;
	s23 =	simm.s32 $0x7500;
	s9 =	simm.s32 $0x4100  }
0x6: {  	s13 =	simm.s32 $0xA900;
	s28 =	simm.s32 $0xD880;
	s29 =	simm.s32 $0x7480  }
0x7: {  	s30 =	simm.s32 $0xDC80;
	s4 =	sand.u32 $0x1, s4;
	s5 =	sshll.u32 s5, $0x1  }
0x8: {  	s31 =	simm.s32 $0x1;
	[smem:$0x7FF] =	sst s3;
	s7 =	sor.u32 s4, s5  }
0x9: {  	s6 =	ssub.s32 $0x2, s4;
	_ =	strace $0x80000047;
	s8 =	smul.u32 $0x1A0, s7  }
.Ltmp0:
0xa: {  	v0 =	vlaneseq.u32;
	s4 =	sadd.s32 $0x600, s2;
	s24 =	sshrl.u32 s6, $0x1;
	(pc) =	sbr.rel .LBB2_1-.Ltmp0, $4  }
0xb: {  	v1 =	vmul.u32 $0x40, v0;
	s5 =	sshll.u32 s7, $0x7;
	s7 =	sshll.u32 s7, $0x4;
	s25 =	ssub.s32 s6, s24  }
0xc: {  	s24 =	simm.s32 $0xD480;
	s0 =	sadd.s32 s0, s8;
	s26 =	smax.u32 s25, $0x1  }
0xd: {  	v3 =	vor.u32 $0x1, v1;
	s25 =	simm.s32 $0x2;
	s8 =	simm.s32 $0x0;
	[dreg:$0x4] =	wrdreg s0  }
0xe: {  	v4 =	vor.u32 $0x2, v1;
	v5 =	vor.u32 $0x3, v1;
	v2 =	vmov s5;
	[dreg:$0x5] =	wrdreg s26;
	s26 =	simm.s32 $0x7400;
	s0 =	simm.s32 $0x3  }
.LBB2_17:
0xf: {  	_ =	swait.ge [sflag:s0], $0x3400  }
0x10: {  	[sflag:s0] =	ssyncset.done $0x0  }
0x11: {  	s6 =	simm.s32 $0x4;
	[sflag:s0] =	ssyncadd.s32 $0xFFFFCC00  }
0x12: {  	_ =	swait.ge [sflag:s6], $0x3400  }
0x13: {  	s8 =	rddreg [dreg:$0x6]  }
0x14: {  	s2 =	rddreg [dreg:$0x5];
	s8 =	sadd.s32 $0x1, s8  }
0x15: {  	p0 =	sne.s32 s8, s2  }
.Ltmp1:
0x16: {  	_ = 	snop;
	(pc) =	sbr.rel @!p0 .LBB2_18-.Ltmp1, $3  }
0x17: {  	_ =	sdelay $0x1  }
0x18: {  	[sflag:s6] =	ssyncset.done $0x0  }
0x19: {  	[sflag:s6] =	ssyncadd.s32 $0xFFFFCC00  }
.LBB2_1:
0x1a: {  	[dreg:$0x6] =	wrdreg s8  }
0x1b: {  	s2 =	rddreg [dreg:$0x4];
	s22 =	simm.s32 $0x5  }
0x1c: {  	[tilespmem:s3], [sflag:$0x5] =	stream.linear.gather [hbm4b:s2+s3], $0xD00, $0x38;
	[tilespmem:$0xDD00] =	vst v63  }
0x1d: {  	_ =	swait.ge [sflag:s22], $0xD00  }
0x1e: {  	[sflag:s22] =	ssyncset.done $0x0  }
0x1f: {  	s2 =	simm.s32 $0x0;
	[sflag:s22] =	ssyncadd.s32 $0xFFFFF300  }
.LBB2_2:
0x20: {  	s6 =	sshll.u32 s2, $0x4  }
0x21: {  	v6 =	vor.u32 s6, v0  }
0x22: {  	v7 =	vld [tilespmem:s6+$0x0];
	v6 =	vmulhi.u32 $0x4EC4EC4F, v6;
	_ =	sdelay $0x1  }
0x23: {  	v6 =	vshrl.u32 v6, $0x3  }
0x24: {  	v8 =	vadd.s32 v2, v6  }
0x25: {  	s8 =	simm.s32 $0x0;
	s6 =	sshll.u32 s2, $0xA;
	v8 =	vshll.u32 v8, $0x3  }
0x26: {  	s15 =	sor.u32 s6, s8;
	v7 =	vshll.u32 v7, $0x12;
	v8 =	vand.u32 $0x7FFFFC00, v8  }
0x27: {  	v7 =	vadd.s32 v8, v7;
	v8 =	vor.u32 s15, v1;
	_ =	sdelay $0x1  }
0x28: {  	s12 =	sand.u32 $0x38000, s8;
	s14 =	sand.u32 $0x200, s8  }
0x29: {  	s14 =	sor.u32 s14, s12;
	v9 =	vor.u32 s15, v3;
	v6 =	vadd.s32 v6, v7  }
0x2a: {  	s16 =	simm.s32 $0x4;
	s17 =	simm.s32 $0x0;
	v7 =	vor.u32 s15, v4;
	v10 =	vadd.s32 s14, v6  }
.LBB2_3:
0x2b: {  	[tilespmem:v8+s10+$0x0] =	vst.idx.msk $0xffff, v10;
	v11 =	vor.u32 s15, v5;
	s15 =	sor.u32 s6, s16;
	p0 =	sne.s32 s16, $0x3C  }
.Ltmp2:
0x2c: {  	s12 =	sor.u32 $0x80, s14;
	v8 =	vor.u32 s15, v1;
	(pc) =	sbr.rel @p0 .LBB2_3-.Ltmp2, $4  }
0x2d: {  	s8 =	sadd.s32 $0x200, s8;
	s17 =	sadd.s32 $0x4000, s17;
	v10 =	vadd.s32 s12, v6;
	s12 =	sor.u32 $0x100, s14  }
0x2e: {  	s18 =	sand.u32 $0x38000, s17;
	s19 =	sand.u32 $0x200, s8;
	[tilespmem:v9+s10+$0x0] =	vst.idx.msk $0xffff, v10;
	v10 =	vadd.s32 s12, v6;
	s12 =	sor.u32 $0x180, s14  }
0x2f: {  	s14 =	sor.u32 s19, s18;
	v9 =	vor.u32 s15, v3;
	[tilespmem:v7+s10+$0x0] =	vst.idx.msk $0xffff, v10;
	v12 =	vadd.s32 s12, v6  }
0x30: {  	s16 =	sadd.s32 $0x4, s16;
	v10 =	vadd.s32 s14, v6;
	v7 =	vor.u32 s15, v4;
	[tilespmem:v11+s10+$0x0] =	vst.idx.msk $0xffff, v12  }
0x31: {  	_ = 	snop  }
0x32: {  	s2 =	sadd.s32 $0x1, s2  }
0x33: {  	v11 =	vor.u32 s15, v5;
	p0 =	sne.s32 s2, $0xD  }
.Ltmp3:
0x34: {  	s6 =	sor.u32 $0x80, s14;
	(pc) =	sbr.rel @p0 .LBB2_2-.Ltmp3, $4  }
0x35: {  	[tilespmem:v8+s10+$0x0] =	vst.idx.msk $0xffff, v10;
	s21 =	sor.u32 $0x100, s14;
	v62 =	vadd.s32 s6, v6  }
0x36: {  	s22 =	sor.u32 $0x180, s14;
	v63 =	vadd.s32 s21, v6;
	[tilespmem:v9+s10+$0x0] =	vst.idx.msk $0xffff, v62  }
0x37: {  	v6 =	vadd.s32 s22, v6;
	[tilespmem:v7+s10+$0x0] =	vst.idx.msk $0xffff, v63  }
0x38: {  	[tilespmem:v11+s10+$0x0] =	vst.idx.msk $0xffff, v6  }
0x39: {  	[tilespmem:s23], [sflag:$0x1] =	stream.indirect.gather [hbm4b:s1+s11], $0x1, s10, s11, $0xb8;
	[tilespmem:$0xDD00] =	vst v63  }
0x3a: {  	s2 =	simm.s32 $0xD80;
	s6 =	simm.s32 $0x7900  }
0x3b: {  	[tilespmem:s6], [sflag:$0x1] =	stream.indirect.gather [hbm4b:s1+s11], $0x1, s2, s11, $0xb8;
	[tilespmem:$0xDD00] =	vst v63  }
0x3c: {  	s8 =	simm.s32 $0x7D00;
	s6 =	simm.s32 $0xE00  }
0x3d: {  	[tilespmem:s8], [sflag:$0x1] =	stream.indirect.gather [hbm4b:s1+s11], $0x1, s6, s11, $0xb8;
	[tilespmem:$0xDD00] =	vst v63  }
0x3e: {  	s12 =	simm.s32 $0xE80;
	s14 =	simm.s32 $0x8100  }
0x3f: {  	[tilespmem:s14], [sflag:$0x1] =	stream.indirect.gather [hbm4b:s1+s11], $0x1, s12, s11, $0xb8;
	[tilespmem:$0xDD00] =	vst v63  }
0x40: {  	s15 =	simm.s32 $0xF00;
	s16 =	simm.s32 $0x8500  }
0x41: {  	[tilespmem:s16], [sflag:$0x1] =	stream.indirect.gather [hbm4b:s1+s11], $0x1, s15, s11, $0xb8;
	[tilespmem:$0xDD00] =	vst v63  }
0x42: {  	s17 =	simm.s32 $0xF80;
	s18 =	simm.s32 $0x8900  }
0x43: {  	[tilespmem:s18], [sflag:$0x1] =	stream.indirect.gather [hbm4b:s1+s11], $0x1, s17, s11, $0xb8;
	[tilespmem:$0xDD00] =	vst v63  }
0x44: {  	s19 =	simm.s32 $0x1000;
	s20 =	simm.s32 $0x8D00  }
0x45: {  	[tilespmem:s20], [sflag:$0x1] =	stream.indirect.gather [hbm4b:s1+s11], $0x1, s19, s11, $0xb8;
	[tilespmem:$0xDD00] =	vst v63  }
0x46: {  	s21 =	simm.s32 $0x1080;
	s22 =	simm.s32 $0x9100  }
0x47: {  	[tilespmem:s22], [sflag:$0x1] =	stream.indirect.gather [hbm4b:s1+s11], $0x1, s21, s11, $0xb8;
	[tilespmem:$0xDD00] =	vst v63  }
0x48: {  	s6 =	simm.s32 $0x1100;
	s8 =	simm.s32 $0x9500  }
0x49: {  	[tilespmem:s8], [sflag:$0x1] =	stream.indirect.gather [hbm4b:s1+s11], $0x1, s6, s11, $0xb8;
	[tilespmem:$0xDD00] =	vst v63  }
0x4a: {  	s12 =	simm.s32 $0x1180;
	s14 =	simm.s32 $0x9900  }
0x4b: {  	[tilespmem:s14], [sflag:$0x1] =	stream.indirect.gather [hbm4b:s1+s11], $0x1, s12, s11, $0xb8;
	[tilespmem:$0xDD00] =	vst v63  }
0x4c: {  	s15 =	simm.s32 $0x1200;
	s16 =	simm.s32 $0x9D00  }
0x4d: {  	[tilespmem:s16], [sflag:$0x1] =	stream.indirect.gather [hbm4b:s1+s11], $0x1, s15, s11, $0xb8;
	[tilespmem:$0xDD00] =	vst v63  }
0x4e: {  	s17 =	simm.s32 $0x1280;
	s18 =	simm.s32 $0xA100  }
0x4f: {  	[tilespmem:s18], [sflag:$0x1] =	stream.indirect.gather [hbm4b:s1+s11], $0x1, s17, s11, $0xb8;
	[tilespmem:$0xDD00] =	vst v63  }
0x50: {  	s19 =	simm.s32 $0x1300;
	s20 =	simm.s32 $0xA500  }
0x51: {  	[tilespmem:s20], [sflag:$0x1] =	stream.indirect.gather [hbm4b:s1+s11], $0x1, s19, s11, $0xb8;
	[tilespmem:$0xDD00] =	vst v63  }
0x52: {  	s21 =	simm.s32 $0x1380;
	s22 =	simm.s32 $0x7580  }
0x53: {  	[tilespmem:s22], [sflag:$0x1] =	stream.indirect.gather [hbm4b:s1+s11], $0x1, s21, s11, $0xb8;
	[tilespmem:$0xDD00] =	vst v63  }
0x54: {  	s6 =	simm.s32 $0x1400;
	s8 =	simm.s32 $0x7980  }
0x55: {  	[tilespmem:s8], [sflag:$0x1] =	stream.indirect.gather [hbm4b:s1+s11], $0x1, s6, s11, $0xb8;
	[tilespmem:$0xDD00] =	vst v63  }
0x56: {  	s12 =	simm.s32 $0x1480;
	s14 =	simm.s32 $0x7D80  }
0x57: {  	[tilespmem:s14], [sflag:$0x1] =	stream.indirect.gather [hbm4b:s1+s11], $0x1, s12, s11, $0xb8;
	[tilespmem:$0xDD00] =	vst v63  }
0x58: {  	s15 =	simm.s32 $0x1500;
	s16 =	simm.s32 $0x8180  }
0x59: {  	[tilespmem:s16], [sflag:$0x1] =	stream.indirect.gather [hbm4b:s1+s11], $0x1, s15, s11, $0xb8;
	[tilespmem:$0xDD00] =	vst v63  }
0x5a: {  	s17 =	simm.s32 $0x1580;
	s18 =	simm.s32 $0x8580  }
0x5b: {  	[tilespmem:s18], [sflag:$0x1] =	stream.indirect.gather [hbm4b:s1+s11], $0x1, s17, s11, $0xb8;
	[tilespmem:$0xDD00] =	vst v63  }
0x5c: {  	s19 =	simm.s32 $0x1600;
	s20 =	simm.s32 $0x8980  }
0x5d: {  	[tilespmem:s20], [sflag:$0x1] =	stream.indirect.gather [hbm4b:s1+s11], $0x1, s19, s11, $0xb8;
	[tilespmem:$0xDD00] =	vst v63  }
0x5e: {  	s21 =	simm.s32 $0x1680;
	s22 =	simm.s32 $0x8D80  }
0x5f: {  	[tilespmem:s22], [sflag:$0x1] =	stream.indirect.gather [hbm4b:s1+s11], $0x1, s21, s11, $0xb8;
	[tilespmem:$0xDD00] =	vst v63  }
0x60: {  	s6 =	simm.s32 $0x1700;
	s8 =	simm.s32 $0x9180  }
0x61: {  	[tilespmem:s8], [sflag:$0x1] =	stream.indirect.gather [hbm4b:s1+s11], $0x1, s6, s11, $0xb8;
	[tilespmem:$0xDD00] =	vst v63  }
0x62: {  	s12 =	simm.s32 $0x1780;
	s14 =	simm.s32 $0x9580  }
0x63: {  	[tilespmem:s14], [sflag:$0x1] =	stream.indirect.gather [hbm4b:s1+s11], $0x1, s12, s11, $0xb8;
	[tilespmem:$0xDD00] =	vst v63  }
0x64: {  	s15 =	simm.s32 $0x1800;
	s16 =	simm.s32 $0x9980  }
0x65: {  	[tilespmem:s16], [sflag:$0x1] =	stream.indirect.gather [hbm4b:s1+s11], $0x1, s15, s11, $0xb8;
	[tilespmem:$0xDD00] =	vst v63  }
0x66: {  	s17 =	simm.s32 $0x1880;
	s18 =	simm.s32 $0x9D80  }
0x67: {  	[tilespmem:s18], [sflag:$0x1] =	stream.indirect.gather [hbm4b:s1+s11], $0x1, s17, s11, $0xb8;
	[tilespmem:$0xDD00] =	vst v63  }
0x68: {  	s19 =	simm.s32 $0x1900;
	s20 =	simm.s32 $0xA180  }
0x69: {  	[tilespmem:s20], [sflag:$0x1] =	stream.indirect.gather [hbm4b:s1+s11], $0x1, s19, s11, $0xb8;
	[tilespmem:$0xDD00] =	vst v63  }
0x6a: {  	s21 =	simm.s32 $0x1980;
	s22 =	simm.s32 $0xA580  }
0x6b: {  	[tilespmem:s22], [sflag:$0x1] =	stream.indirect.gather [hbm4b:s1+s11], $0x1, s21, s11, $0xb8;
	[tilespmem:$0xDD00] =	vst v63  }
0x6c: {  	s6 =	simm.s32 $0x1A00;
	s8 =	simm.s32 $0x7600  }
0x6d: {  	[tilespmem:s8], [sflag:$0x1] =	stream.indirect.gather [hbm4b:s1+s11], $0x1, s6, s11, $0xb8;
	[tilespmem:$0xDD00] =	vst v63  }
0x6e: {  	s12 =	simm.s32 $0x1A80;
	s14 =	simm.s32 $0x7A00  }
0x6f: {  	[tilespmem:s14], [sflag:$0x1] =	stream.indirect.gather [hbm4b:s1+s11], $0x1, s12, s11, $0xb8;
	[tilespmem:$0xDD00] =	vst v63  }
0x70: {  	s15 =	simm.s32 $0x1B00;
	s16 =	simm.s32 $0x7E00  }
0x71: {  	[tilespmem:s16], [sflag:$0x1] =	stream.indirect.gather [hbm4b:s1+s11], $0x1, s15, s11, $0xb8;
	[tilespmem:$0xDD00] =	vst v63  }
0x72: {  	s17 =	simm.s32 $0x1B80;
	s18 =	simm.s32 $0x8200  }
0x73: {  	[tilespmem:s18], [sflag:$0x1] =	stream.indirect.gather [hbm4b:s1+s11], $0x1, s17, s11, $0xb8;
	[tilespmem:$0xDD00] =	vst v63  }
0x74: {  	s19 =	simm.s32 $0x1C00;
	s20 =	simm.s32 $0x8600  }
0x75: {  	[tilespmem:s20], [sflag:$0x1] =	stream.indirect.gather [hbm4b:s1+s11], $0x1, s19, s11, $0xb8;
	[tilespmem:$0xDD00] =	vst v63  }
0x76: {  	s21 =	simm.s32 $0x1C80;
	s22 =	simm.s32 $0x8A00  }
0x77: {  	[tilespmem:s22], [sflag:$0x1] =	stream.indirect.gather [hbm4b:s1+s11], $0x1, s21, s11, $0xb8;
	[tilespmem:$0xDD00] =	vst v63  }
0x78: {  	s6 =	simm.s32 $0x1D00;
	s8 =	simm.s32 $0x8E00  }
0x79: {  	[tilespmem:s8], [sflag:$0x1] =	stream.indirect.gather [hbm4b:s1+s11], $0x1, s6, s11, $0xb8;
	[tilespmem:$0xDD00] =	vst v63  }
0x7a: {  	s12 =	simm.s32 $0x1D80;
	s14 =	simm.s32 $0x9200  }
0x7b: {  	[tilespmem:s14], [sflag:$0x1] =	stream.indirect.gather [hbm4b:s1+s11], $0x1, s12, s11, $0xb8;
	[tilespmem:$0xDD00] =	vst v63  }
0x7c: {  	s15 =	simm.s32 $0x1E00;
	s16 =	simm.s32 $0x9600  }
0x7d: {  	[tilespmem:s16], [sflag:$0x1] =	stream.indirect.gather [hbm4b:s1+s11], $0x1, s15, s11, $0xb8;
	[tilespmem:$0xDD00] =	vst v63  }
0x7e: {  	s17 =	simm.s32 $0x1E80;
	s18 =	simm.s32 $0x9A00  }
0x7f: {  	[tilespmem:s18], [sflag:$0x1] =	stream.indirect.gather [hbm4b:s1+s11], $0x1, s17, s11, $0xb8;
	[tilespmem:$0xDD00] =	vst v63  }
0x80: {  	s19 =	simm.s32 $0x1F00;
	s20 =	simm.s32 $0x9E00  }
0x81: {  	[tilespmem:s20], [sflag:$0x1] =	stream.indirect.gather [hbm4b:s1+s11], $0x1, s19, s11, $0xb8;
	[tilespmem:$0xDD00] =	vst v63  }
0x82: {  	s21 =	simm.s32 $0x1F80;
	s22 =	simm.s32 $0xA200  }
0x83: {  	[tilespmem:s22], [sflag:$0x1] =	stream.indirect.gather [hbm4b:s1+s11], $0x1, s21, s11, $0xb8;
	[tilespmem:$0xDD00] =	vst v63  }
0x84: {  	s6 =	simm.s32 $0x2000;
	s8 =	simm.s32 $0xA600  }
0x85: {  	[tilespmem:s8], [sflag:$0x1] =	stream.indirect.gather [hbm4b:s1+s11], $0x1, s6, s11, $0xb8;
	[tilespmem:$0xDD00] =	vst v63  }
0x86: {  	s12 =	simm.s32 $0x2080;
	s14 =	simm.s32 $0x7680  }
0x87: {  	[tilespmem:s14], [sflag:$0x1] =	stream.indirect.gather [hbm4b:s1+s11], $0x1, s12, s11, $0xb8;
	[tilespmem:$0xDD00] =	vst v63  }
0x88: {  	s15 =	simm.s32 $0x2100;
	s16 =	simm.s32 $0x7A80  }
0x89: {  	[tilespmem:s16], [sflag:$0x1] =	stream.indirect.gather [hbm4b:s1+s11], $0x1, s15, s11, $0xb8;
	[tilespmem:$0xDD00] =	vst v63  }
0x8a: {  	s17 =	simm.s32 $0x2180;
	s18 =	simm.s32 $0x7E80  }
0x8b: {  	[tilespmem:s18], [sflag:$0x1] =	stream.indirect.gather [hbm4b:s1+s11], $0x1, s17, s11, $0xb8;
	[tilespmem:$0xDD00] =	vst v63  }
0x8c: {  	s19 =	simm.s32 $0x2200;
	s20 =	simm.s32 $0x8280  }
0x8d: {  	[tilespmem:s20], [sflag:$0x1] =	stream.indirect.gather [hbm4b:s1+s11], $0x1, s19, s11, $0xb8;
	[tilespmem:$0xDD00] =	vst v63  }
0x8e: {  	s21 =	simm.s32 $0x2280;
	s22 =	simm.s32 $0x8680  }
0x8f: {  	[tilespmem:s22], [sflag:$0x1] =	stream.indirect.gather [hbm4b:s1+s11], $0x1, s21, s11, $0xb8;
	[tilespmem:$0xDD00] =	vst v63  }
0x90: {  	s6 =	simm.s32 $0x2300;
	s8 =	simm.s32 $0x8A80  }
0x91: {  	[tilespmem:s8], [sflag:$0x1] =	stream.indirect.gather [hbm4b:s1+s11], $0x1, s6, s11, $0xb8;
	[tilespmem:$0xDD00] =	vst v63  }
0x92: {  	s12 =	simm.s32 $0x2380;
	s14 =	simm.s32 $0x8E80  }
0x93: {  	[tilespmem:s14], [sflag:$0x1] =	stream.indirect.gather [hbm4b:s1+s11], $0x1, s12, s11, $0xb8;
	[tilespmem:$0xDD00] =	vst v63  }
0x94: {  	s15 =	simm.s32 $0x2400;
	s16 =	simm.s32 $0x9280  }
0x95: {  	[tilespmem:s16], [sflag:$0x1] =	stream.indirect.gather [hbm4b:s1+s11], $0x1, s15, s11, $0xb8;
	[tilespmem:$0xDD00] =	vst v63  }
0x96: {  	s17 =	simm.s32 $0x2480;
	s18 =	simm.s32 $0x9680  }
0x97: {  	[tilespmem:s18], [sflag:$0x1] =	stream.indirect.gather [hbm4b:s1+s11], $0x1, s17, s11, $0xb8;
	[tilespmem:$0xDD00] =	vst v63  }
0x98: {  	s19 =	simm.s32 $0x2500;
	s20 =	simm.s32 $0x9A80  }
0x99: {  	[tilespmem:s20], [sflag:$0x1] =	stream.indirect.gather [hbm4b:s1+s11], $0x1, s19, s11, $0xb8;
	[tilespmem:$0xDD00] =	vst v63  }
0x9a: {  	s21 =	simm.s32 $0x2580;
	s22 =	simm.s32 $0x9E80  }
0x9b: {  	[tilespmem:s22], [sflag:$0x1] =	stream.indirect.gather [hbm4b:s1+s11], $0x1, s21, s11, $0xb8;
	[tilespmem:$0xDD00] =	vst v63  }
0x9c: {  	s6 =	simm.s32 $0x2600;
	s8 =	simm.s32 $0xA280  }
0x9d: {  	[tilespmem:s8], [sflag:$0x1] =	stream.indirect.gather [hbm4b:s1+s11], $0x1, s6, s11, $0xb8;
	[tilespmem:$0xDD00] =	vst v63  }
0x9e: {  	s12 =	simm.s32 $0x2680;
	s14 =	simm.s32 $0xA680  }
0x9f: {  	[tilespmem:s14], [sflag:$0x1] =	stream.indirect.gather [hbm4b:s1+s11], $0x1, s12, s11, $0xb8;
	[tilespmem:$0xDD00] =	vst v63  }
0xa0: {  	s15 =	simm.s32 $0x2700;
	s16 =	simm.s32 $0x7700  }
0xa1: {  	[tilespmem:s16], [sflag:$0x1] =	stream.indirect.gather [hbm4b:s1+s11], $0x1, s15, s11, $0xb8;
	[tilespmem:$0xDD00] =	vst v63  }
0xa2: {  	s17 =	simm.s32 $0x2780;
	s18 =	simm.s32 $0x7B00  }
0xa3: {  	[tilespmem:s18], [sflag:$0x1] =	stream.indirect.gather [hbm4b:s1+s11], $0x1, s17, s11, $0xb8;
	[tilespmem:$0xDD00] =	vst v63  }
0xa4: {  	s19 =	simm.s32 $0x2800;
	s20 =	simm.s32 $0x7F00  }
0xa5: {  	[tilespmem:s20], [sflag:$0x1] =	stream.indirect.gather [hbm4b:s1+s11], $0x1, s19, s11, $0xb8;
	[tilespmem:$0xDD00] =	vst v63  }
0xa6: {  	s21 =	simm.s32 $0x2880;
	s22 =	simm.s32 $0x8300  }
0xa7: {  	[tilespmem:s22], [sflag:$0x1] =	stream.indirect.gather [hbm4b:s1+s11], $0x1, s21, s11, $0xb8;
	[tilespmem:$0xDD00] =	vst v63  }
0xa8: {  	s6 =	simm.s32 $0x2900;
	s8 =	simm.s32 $0x8700  }
0xa9: {  	[tilespmem:s8], [sflag:$0x1] =	stream.indirect.gather [hbm4b:s1+s11], $0x1, s6, s11, $0xb8;
	[tilespmem:$0xDD00] =	vst v63  }
0xaa: {  	s12 =	simm.s32 $0x2980;
	s14 =	simm.s32 $0x8B00  }
0xab: {  	[tilespmem:s14], [sflag:$0x1] =	stream.indirect.gather [hbm4b:s1+s11], $0x1, s12, s11, $0xb8;
	[tilespmem:$0xDD00] =	vst v63  }
0xac: {  	s15 =	simm.s32 $0x2A00;
	s16 =	simm.s32 $0x8F00  }
0xad: {  	[tilespmem:s16], [sflag:$0x1] =	stream.indirect.gather [hbm4b:s1+s11], $0x1, s15, s11, $0xb8;
	[tilespmem:$0xDD00] =	vst v63  }
0xae: {  	s17 =	simm.s32 $0x2A80;
	s18 =	simm.s32 $0x9300  }
0xaf: {  	[tilespmem:s18], [sflag:$0x1] =	stream.indirect.gather [hbm4b:s1+s11], $0x1, s17, s11, $0xb8;
	[tilespmem:$0xDD00] =	vst v63  }
0xb0: {  	s19 =	simm.s32 $0x2B00;
	s20 =	simm.s32 $0x9700  }
0xb1: {  	[tilespmem:s20], [sflag:$0x1] =	stream.indirect.gather [hbm4b:s1+s11], $0x1, s19, s11, $0xb8;
	[tilespmem:$0xDD00] =	vst v63  }
0xb2: {  	s21 =	simm.s32 $0x2B80;
	s22 =	simm.s32 $0x9B00  }
0xb3: {  	[tilespmem:s22], [sflag:$0x1] =	stream.indirect.gather [hbm4b:s1+s11], $0x1, s21, s11, $0xb8;
	[tilespmem:$0xDD00] =	vst v63  }
0xb4: {  	s6 =	simm.s32 $0x2C00;
	s8 =	simm.s32 $0x9F00  }
0xb5: {  	[tilespmem:s8], [sflag:$0x1] =	stream.indirect.gather [hbm4b:s1+s11], $0x1, s6, s11, $0xb8;
	[tilespmem:$0xDD00] =	vst v63  }
0xb6: {  	s12 =	simm.s32 $0x2C80;
	s14 =	simm.s32 $0xA300  }
0xb7: {  	[tilespmem:s14], [sflag:$0x1] =	stream.indirect.gather [hbm4b:s1+s11], $0x1, s12, s11, $0xb8;
	[tilespmem:$0xDD00] =	vst v63  }
0xb8: {  	s15 =	simm.s32 $0x2D00;
	s16 =	simm.s32 $0xA700  }
0xb9: {  	[tilespmem:s16], [sflag:$0x1] =	stream.indirect.gather [hbm4b:s1+s11], $0x1, s15, s11, $0xb8;
	[tilespmem:$0xDD00] =	vst v63  }
0xba: {  	s17 =	simm.s32 $0x2D80;
	s18 =	simm.s32 $0x7780  }
0xbb: {  	[tilespmem:s18], [sflag:$0x1] =	stream.indirect.gather [hbm4b:s1+s11], $0x1, s17, s11, $0xb8;
	[tilespmem:$0xDD00] =	vst v63  }
0xbc: {  	s19 =	simm.s32 $0x2E00;
	s20 =	simm.s32 $0x7B80  }
0xbd: {  	[tilespmem:s20], [sflag:$0x1] =	stream.indirect.gather [hbm4b:s1+s11], $0x1, s19, s11, $0xb8;
	[tilespmem:$0xDD00] =	vst v63  }
0xbe: {  	s21 =	simm.s32 $0x2E80;
	s22 =	simm.s32 $0x7F80  }
0xbf: {  	[tilespmem:s22], [sflag:$0x1] =	stream.indirect.gather [hbm4b:s1+s11], $0x1, s21, s11, $0xb8;
	[tilespmem:$0xDD00] =	vst v63  }
0xc0: {  	s6 =	simm.s32 $0x2F00;
	s8 =	simm.s32 $0x8380  }
0xc1: {  	[tilespmem:s8], [sflag:$0x1] =	stream.indirect.gather [hbm4b:s1+s11], $0x1, s6, s11, $0xb8;
	[tilespmem:$0xDD00] =	vst v63  }
0xc2: {  	s12 =	simm.s32 $0x2F80;
	s14 =	simm.s32 $0x8780  }
0xc3: {  	[tilespmem:s14], [sflag:$0x1] =	stream.indirect.gather [hbm4b:s1+s11], $0x1, s12, s11, $0xb8;
	[tilespmem:$0xDD00] =	vst v63  }
0xc4: {  	s15 =	simm.s32 $0x3000;
	s16 =	simm.s32 $0x8B80  }
0xc5: {  	[tilespmem:s16], [sflag:$0x1] =	stream.indirect.gather [hbm4b:s1+s11], $0x1, s15, s11, $0xb8;
	[tilespmem:$0xDD00] =	vst v63  }
0xc6: {  	s17 =	simm.s32 $0x3080;
	s18 =	simm.s32 $0x8F80  }
0xc7: {  	[tilespmem:s18], [sflag:$0x1] =	stream.indirect.gather [hbm4b:s1+s11], $0x1, s17, s11, $0xb8;
	[tilespmem:$0xDD00] =	vst v63  }
0xc8: {  	s19 =	simm.s32 $0x3100;
	s20 =	simm.s32 $0x9380  }
0xc9: {  	[tilespmem:s20], [sflag:$0x1] =	stream.indirect.gather [hbm4b:s1+s11], $0x1, s19, s11, $0xb8;
	[tilespmem:$0xDD00] =	vst v63  }
0xca: {  	s21 =	simm.s32 $0x3180;
	s22 =	simm.s32 $0x9780  }
0xcb: {  	[tilespmem:s22], [sflag:$0x1] =	stream.indirect.gather [hbm4b:s1+s11], $0x1, s21, s11, $0xb8;
	[tilespmem:$0xDD00] =	vst v63  }
0xcc: {  	s6 =	simm.s32 $0x3200;
	s8 =	simm.s32 $0x9B80  }
0xcd: {  	[tilespmem:s8], [sflag:$0x1] =	stream.indirect.gather [hbm4b:s1+s11], $0x1, s6, s11, $0xb8;
	[tilespmem:$0xDD00] =	vst v63  }
0xce: {  	s12 =	simm.s32 $0x3280;
	s14 =	simm.s32 $0x9F80  }
0xcf: {  	[tilespmem:s14], [sflag:$0x1] =	stream.indirect.gather [hbm4b:s1+s11], $0x1, s12, s11, $0xb8;
	[tilespmem:$0xDD00] =	vst v63  }
0xd0: {  	s15 =	simm.s32 $0x3300;
	s16 =	simm.s32 $0xA380  }
0xd1: {  	[tilespmem:s16], [sflag:$0x1] =	stream.indirect.gather [hbm4b:s1+s11], $0x1, s15, s11, $0xb8;
	[tilespmem:$0xDD00] =	vst v63  }
0xd2: {  	s17 =	simm.s32 $0x3380;
	s18 =	simm.s32 $0xA780  }
0xd3: {  	[tilespmem:s18], [sflag:$0x1] =	stream.indirect.gather [hbm4b:s1+s11], $0x1, s17, s11, $0xb8;
	[tilespmem:$0xDD00] =	vst v63  }
0xd4: {  	s19 =	simm.s32 $0x3400;
	s20 =	simm.s32 $0x7800  }
0xd5: {  	[tilespmem:s20], [sflag:$0x1] =	stream.indirect.gather [hbm4b:s1+s11], $0x1, s19, s11, $0xb8;
	[tilespmem:$0xDD00] =	vst v63  }
0xd6: {  	s21 =	simm.s32 $0x3480;
	s22 =	simm.s32 $0x7C00  }
0xd7: {  	[tilespmem:s22], [sflag:$0x1] =	stream.indirect.gather [hbm4b:s1+s11], $0x1, s21, s11, $0xb8;
	[tilespmem:$0xDD00] =	vst v63  }
0xd8: {  	s6 =	simm.s32 $0x3500;
	s8 =	simm.s32 $0x8000  }
0xd9: {  	[tilespmem:s8], [sflag:$0x1] =	stream.indirect.gather [hbm4b:s1+s11], $0x1, s6, s11, $0xb8;
	[tilespmem:$0xDD00] =	vst v63  }
0xda: {  	s12 =	simm.s32 $0x3580;
	s14 =	simm.s32 $0x8400  }
0xdb: {  	[tilespmem:s14], [sflag:$0x1] =	stream.indirect.gather [hbm4b:s1+s11], $0x1, s12, s11, $0xb8;
	[tilespmem:$0xDD00] =	vst v63  }
0xdc: {  	s15 =	simm.s32 $0x3600;
	s16 =	simm.s32 $0x8800  }
0xdd: {  	[tilespmem:s16], [sflag:$0x1] =	stream.indirect.gather [hbm4b:s1+s11], $0x1, s15, s11, $0xb8;
	[tilespmem:$0xDD00] =	vst v63  }
0xde: {  	s17 =	simm.s32 $0x3680;
	s18 =	simm.s32 $0x8C00  }
0xdf: {  	[tilespmem:s18], [sflag:$0x1] =	stream.indirect.gather [hbm4b:s1+s11], $0x1, s17, s11, $0xb8;
	[tilespmem:$0xDD00] =	vst v63  }
0xe0: {  	s19 =	simm.s32 $0x3700;
	s20 =	simm.s32 $0x9000  }
0xe1: {  	[tilespmem:s20], [sflag:$0x1] =	stream.indirect.gather [hbm4b:s1+s11], $0x1, s19, s11, $0xb8;
	[tilespmem:$0xDD00] =	vst v63  }
0xe2: {  	s21 =	simm.s32 $0x3780;
	s22 =	simm.s32 $0x9400  }
0xe3: {  	[tilespmem:s22], [sflag:$0x1] =	stream.indirect.gather [hbm4b:s1+s11], $0x1, s21, s11, $0xb8;
	[tilespmem:$0xDD00] =	vst v63  }
0xe4: {  	s6 =	simm.s32 $0x3800;
	s8 =	simm.s32 $0x9800  }
0xe5: {  	[tilespmem:s8], [sflag:$0x1] =	stream.indirect.gather [hbm4b:s1+s11], $0x1, s6, s11, $0xb8;
	[tilespmem:$0xDD00] =	vst v63  }
0xe6: {  	s12 =	simm.s32 $0x3880;
	s14 =	simm.s32 $0x9C00  }
0xe7: {  	[tilespmem:s14], [sflag:$0x1] =	stream.indirect.gather [hbm4b:s1+s11], $0x1, s12, s11, $0xb8;
	[tilespmem:$0xDD00] =	vst v63  }
0xe8: {  	s15 =	simm.s32 $0x3900;
	s16 =	simm.s32 $0xA000  }
0xe9: {  	[tilespmem:s16], [sflag:$0x1] =	stream.indirect.gather [hbm4b:s1+s11], $0x1, s15, s11, $0xb8;
	[tilespmem:$0xDD00] =	vst v63  }
0xea: {  	s17 =	simm.s32 $0x3980;
	s18 =	simm.s32 $0xA400  }
0xeb: {  	[tilespmem:s18], [sflag:$0x1] =	stream.indirect.gather [hbm4b:s1+s11], $0x1, s17, s11, $0xb8;
	[tilespmem:$0xDD00] =	vst v63  }
0xec: {  	s19 =	simm.s32 $0x3A00;
	s20 =	simm.s32 $0xA800  }
0xed: {  	[tilespmem:s20], [sflag:$0x1] =	stream.indirect.gather [hbm4b:s1+s11], $0x1, s19, s11, $0xb8;
	[tilespmem:$0xDD00] =	vst v63  }
0xee: {  	s21 =	simm.s32 $0x3A80;
	s22 =	simm.s32 $0x7880  }
0xef: {  	[tilespmem:s22], [sflag:$0x1] =	stream.indirect.gather [hbm4b:s1+s11], $0x1, s21, s11, $0xb8;
	[tilespmem:$0xDD00] =	vst v63  }
0xf0: {  	s6 =	simm.s32 $0x3B00;
	s8 =	simm.s32 $0x7C80  }
0xf1: {  	[tilespmem:s8], [sflag:$0x1] =	stream.indirect.gather [hbm4b:s1+s11], $0x1, s6, s11, $0xb8;
	[tilespmem:$0xDD00] =	vst v63  }
0xf2: {  	s12 =	simm.s32 $0x3B80;
	s14 =	simm.s32 $0x8080  }
0xf3: {  	[tilespmem:s14], [sflag:$0x1] =	stream.indirect.gather [hbm4b:s1+s11], $0x1, s12, s11, $0xb8;
	[tilespmem:$0xDD00] =	vst v63  }
0xf4: {  	s15 =	simm.s32 $0x3C00;
	s16 =	simm.s32 $0x8480  }
0xf5: {  	[tilespmem:s16], [sflag:$0x1] =	stream.indirect.gather [hbm4b:s1+s11], $0x1, s15, s11, $0xb8;
	[tilespmem:$0xDD00] =	vst v63  }
0xf6: {  	s17 =	simm.s32 $0x3C80;
	s18 =	simm.s32 $0x8880  }
0xf7: {  	[tilespmem:s18], [sflag:$0x1] =	stream.indirect.gather [hbm4b:s1+s11], $0x1, s17, s11, $0xb8;
	[tilespmem:$0xDD00] =	vst v63  }
0xf8: {  	s19 =	simm.s32 $0x3D00;
	s20 =	simm.s32 $0x8C80  }
0xf9: {  	[tilespmem:s20], [sflag:$0x1] =	stream.indirect.gather [hbm4b:s1+s11], $0x1, s19, s11, $0xb8;
	[tilespmem:$0xDD00] =	vst v63  }
0xfa: {  	s21 =	simm.s32 $0x3D80;
	s22 =	simm.s32 $0x9080  }
0xfb: {  	[tilespmem:s22], [sflag:$0x1] =	stream.indirect.gather [hbm4b:s1+s11], $0x1, s21, s11, $0xb8;
	[tilespmem:$0xDD00] =	vst v63  }
0xfc: {  	s6 =	simm.s32 $0x3E00;
	s8 =	simm.s32 $0x9480  }
0xfd: {  	[tilespmem:s8], [sflag:$0x1] =	stream.indirect.gather [hbm4b:s1+s11], $0x1, s6, s11, $0xb8;
	[tilespmem:$0xDD00] =	vst v63  }
0xfe: {  	s12 =	simm.s32 $0x3E80;
	s14 =	simm.s32 $0x9880  }
0xff: {  	[tilespmem:s14], [sflag:$0x1] =	stream.indirect.gather [hbm4b:s1+s11], $0x1, s12, s11, $0xb8;
	[tilespmem:$0xDD00] =	vst v63  }
0x100: {  	s15 =	simm.s32 $0x3F00;
	s16 =	simm.s32 $0x9C80  }
0x101: {  	[tilespmem:s16], [sflag:$0x1] =	stream.indirect.gather [hbm4b:s1+s11], $0x1, s15, s11, $0xb8;
	[tilespmem:$0xDD00] =	vst v63  }
0x102: {  	s17 =	simm.s32 $0x3F80;
	s18 =	simm.s32 $0xA080  }
0x103: {  	[tilespmem:s18], [sflag:$0x1] =	stream.indirect.gather [hbm4b:s1+s11], $0x1, s17, s11, $0xb8;
	[tilespmem:$0xDD00] =	vst v63  }
.Ltmp4:
0x104: {  	_ = 	snop;
	(pc) =	sbr.rel .LBB2_6-.Ltmp4, $4  }
0x105: {  	s19 =	simm.s32 $0x4000;
	s20 =	simm.s32 $0xA480  }
0x106: {  	[tilespmem:s20], [sflag:$0x1] =	stream.indirect.gather [hbm4b:s1+s11], $0x1, s19, s11, $0xb8;
	[tilespmem:$0xDD00] =	vst v63  }
0x107: {  	s2 =	simm.s32 $0x0;
	s21 =	simm.s32 $0x4080;
	s22 =	simm.s32 $0xA880  }
0x108: {  	[tilespmem:s22], [sflag:$0x1] =	stream.indirect.gather [hbm4b:s1+s11], $0x1, s21, s11, $0xb8;
	[tilespmem:$0xDD00] =	vst v63  }
.LBB2_16:
0x109: {  	s2 =	sadd.s32 $0x1, s2  }
0x10a: {  	p0 =	sne.s32 s2, $0x8  }
.Ltmp5:
0x10b: {  	s6 =	sadd.s32 s7, s6;
	(pc) =	sbr.rel @!p0 .LBB2_17-.Ltmp5, $4  }
0x10c: {  	_ =	swait.ge [sflag:s25], $0x3400;
	s6 =	smul.u32 $0x680, s6  }
0x10d: {  	[sflag:s25] =	ssyncset.done $0x0  }
0x10e: {  	[sflag:s25] =	ssyncadd.s32 $0xFFFFCC00;
	s6 =	sadd.s32 s4, s6  }
0x10f: {  	[hbm4b:s6+s3] =	stream.linear.scatter [tilespmem:s13], [sflag:$0x4], $0x3400, $0x38;
	[tilespmem:$0xDD00] =	vst v63  }
.LBB2_6:
0x110: {  	s6 =	sshllo.u32 s2, $0x1  }
0x111: {  	s8 =	smul.u32 $0xD0, s6;
	_ =	sdelay $0x1  }
0x112: {  	s14 =	simm.s32 $0x0;
	v6 =	vmov s8  }
.LBB2_7:
0x113: {  	_ = 	snop  }
0x114: {  	s12 =	sshll.u32 s14, $0x4  }
0x115: {  	s15 =	sadd.s32 s8, s12  }
0x116: {  	v7 =	vor.u32 s15, v0  }
0x117: {  	v8 =	vld.idx.msk [tilespmem:v6+s12+$0x0 ss:$0x1], $0xffff;
	v7 =	vmulhi.u32 $0x4EC4EC4F, v7;
	_ =	sdelay $0x1  }
0x118: {  	v7 =	vshrl.u32 v7, $0x3  }
0x119: {  	v9 =	vadd.s32 v2, v7  }
0x11a: {  	s16 =	simm.s32 $0x0;
	s15 =	sshll.u32 s14, $0xA;
	v9 =	vshll.u32 v9, $0x3  }
0x11b: {  	s18 =	sor.u32 s15, s16;
	v8 =	vshll.u32 v8, $0x12;
	v9 =	vand.u32 $0x7FFFFC00, v9  }
0x11c: {  	v8 =	vadd.s32 v9, v8;
	v9 =	vor.u32 s18, v1;
	_ =	sdelay $0x1  }
0x11d: {  	s22 =	sand.u32 $0x38000, s16;
	s17 =	sand.u32 $0x200, s16;
	v7 =	vand.u32 $0x7F, v7  }
0x11e: {  	s17 =	sor.u32 s17, s22;
	v10 =	vor.u32 s18, v3;
	v7 =	vor.u32 v7, v8  }
0x11f: {  	s19 =	simm.s32 $0x4;
	s20 =	simm.s32 $0x0;
	v8 =	vor.u32 s18, v4;
	v11 =	vadd.s32 s17, v7  }
.LBB2_8:
0x120: {  	[tilespmem:v9+s9+$0x0] =	vst.idx.msk $0xffff, v11;
	v12 =	vor.u32 s18, v5;
	s18 =	sor.u32 s15, s19;
	p0 =	sne.s32 s19, $0x3C  }
.Ltmp6:
0x121: {  	s12 =	sor.u32 $0x80, s17;
	v9 =	vor.u32 s18, v1;
	(pc) =	sbr.rel @p0 .LBB2_8-.Ltmp6, $4  }
0x122: {  	s16 =	sadd.s32 $0x200, s16;
	s20 =	sadd.s32 $0x4000, s20;
	v11 =	vadd.s32 s12, v7;
	s12 =	sor.u32 $0x100, s17  }
0x123: {  	s21 =	sand.u32 $0x38000, s20;
	s22 =	sand.u32 $0x200, s16;
	[tilespmem:v10+s9+$0x0] =	vst.idx.msk $0xffff, v11;
	v11 =	vadd.s32 s12, v7;
	s12 =	sor.u32 $0x180, s17  }
0x124: {  	s17 =	sor.u32 s22, s21;
	v10 =	vor.u32 s18, v3;
	[tilespmem:v8+s9+$0x0] =	vst.idx.msk $0xffff, v11;
	v13 =	vadd.s32 s12, v7  }
0x125: {  	s19 =	sadd.s32 $0x4, s19;
	v11 =	vadd.s32 s17, v7;
	v8 =	vor.u32 s18, v4;
	[tilespmem:v12+s9+$0x0] =	vst.idx.msk $0xffff, v13  }
0x126: {  	_ = 	snop  }
0x127: {  	s14 =	sadd.s32 $0x1, s14  }
0x128: {  	v12 =	vor.u32 s18, v5;
	p0 =	sne.s32 s14, $0xD  }
.Ltmp7:
0x129: {  	s12 =	sor.u32 $0x80, s17;
	(pc) =	sbr.rel @p0 .LBB2_7-.Ltmp7, $4  }
0x12a: {  	[tilespmem:v9+s9+$0x0] =	vst.idx.msk $0xffff, v11;
	s21 =	sor.u32 $0x100, s17;
	v62 =	vadd.s32 s12, v7  }
0x12b: {  	s22 =	sor.u32 $0x180, s17;
	v63 =	vadd.s32 s21, v7;
	[tilespmem:v10+s9+$0x0] =	vst.idx.msk $0xffff, v62  }
0x12c: {  	v7 =	vadd.s32 s22, v7;
	[tilespmem:v8+s9+$0x0] =	vst.idx.msk $0xffff, v63  }
0x12d: {  	[tilespmem:v12+s9+$0x0] =	vst.idx.msk $0xffff, v7  }
0x12e: {  	p0 =	seq.s32 s2, $0x0  }
0x12f: {  	s8 =	simm.s32 @!p0 $0x4  }
0x130: {  	_ =	swait.ge @!p0 [sflag:s8], $0x3400  }
0x131: {  	[sflag:s8] =	ssyncset.done @!p0 $0x0  }
0x132: {  	[sflag:s8] =	ssyncadd.s32 @!p0 $0xFFFFCC00  }
0x133: {  	[tilespmem:s13], [sflag:$0x2] =	stream.indirect.gather [hbm4b:s1+s11], $0x1, s9, s11, $0xb8;
	[tilespmem:$0xDD00] =	vst v63  }
0x134: {  	s22 =	simm.s32 $0x4180;
	s12 =	simm.s32 $0xAD00  }
0x135: {  	[tilespmem:s12], [sflag:$0x2] =	stream.indirect.gather [hbm4b:s1+s11], $0x1, s22, s11, $0xb8;
	[tilespmem:$0xDD00] =	vst v63  }
0x136: {  	s14 =	simm.s32 $0xB100;
	s12 =	simm.s32 $0x4200  }
0x137: {  	[tilespmem:s14], [sflag:$0x2] =	stream.indirect.gather [hbm4b:s1+s11], $0x1, s12, s11, $0xb8;
	[tilespmem:$0xDD00] =	vst v63  }
0x138: {  	s15 =	simm.s32 $0x4280;
	s16 =	simm.s32 $0xB500  }
0x139: {  	[tilespmem:s16], [sflag:$0x2] =	stream.indirect.gather [hbm4b:s1+s11], $0x1, s15, s11, $0xb8;
	[tilespmem:$0xDD00] =	vst v63  }
0x13a: {  	s17 =	simm.s32 $0x4300;
	s18 =	simm.s32 $0xB900  }
0x13b: {  	[tilespmem:s18], [sflag:$0x2] =	stream.indirect.gather [hbm4b:s1+s11], $0x1, s17, s11, $0xb8;
	[tilespmem:$0xDD00] =	vst v63  }
0x13c: {  	s19 =	simm.s32 $0x4380;
	s20 =	simm.s32 $0xBD00  }
0x13d: {  	[tilespmem:s20], [sflag:$0x2] =	stream.indirect.gather [hbm4b:s1+s11], $0x1, s19, s11, $0xb8;
	[tilespmem:$0xDD00] =	vst v63  }
0x13e: {  	s21 =	simm.s32 $0x4400;
	s22 =	simm.s32 $0xC100  }
0x13f: {  	[tilespmem:s22], [sflag:$0x2] =	stream.indirect.gather [hbm4b:s1+s11], $0x1, s21, s11, $0xb8;
	[tilespmem:$0xDD00] =	vst v63  }
0x140: {  	s12 =	simm.s32 $0x4480;
	s14 =	simm.s32 $0xC500  }
0x141: {  	[tilespmem:s14], [sflag:$0x2] =	stream.indirect.gather [hbm4b:s1+s11], $0x1, s12, s11, $0xb8;
	[tilespmem:$0xDD00] =	vst v63  }
0x142: {  	s15 =	simm.s32 $0x4500;
	s16 =	simm.s32 $0xC900  }
0x143: {  	[tilespmem:s16], [sflag:$0x2] =	stream.indirect.gather [hbm4b:s1+s11], $0x1, s15, s11, $0xb8;
	[tilespmem:$0xDD00] =	vst v63  }
0x144: {  	s17 =	simm.s32 $0x4580;
	s18 =	simm.s32 $0xCD00  }
0x145: {  	[tilespmem:s18], [sflag:$0x2] =	stream.indirect.gather [hbm4b:s1+s11], $0x1, s17, s11, $0xb8;
	[tilespmem:$0xDD00] =	vst v63  }
0x146: {  	s19 =	simm.s32 $0x4600;
	s20 =	simm.s32 $0xD100  }
0x147: {  	[tilespmem:s20], [sflag:$0x2] =	stream.indirect.gather [hbm4b:s1+s11], $0x1, s19, s11, $0xb8;
	[tilespmem:$0xDD00] =	vst v63  }
0x148: {  	s21 =	simm.s32 $0x4680;
	s22 =	simm.s32 $0xD500  }
0x149: {  	[tilespmem:s22], [sflag:$0x2] =	stream.indirect.gather [hbm4b:s1+s11], $0x1, s21, s11, $0xb8;
	[tilespmem:$0xDD00] =	vst v63  }
0x14a: {  	s12 =	simm.s32 $0x4700;
	s14 =	simm.s32 $0xD900  }
0x14b: {  	[tilespmem:s14], [sflag:$0x2] =	stream.indirect.gather [hbm4b:s1+s11], $0x1, s12, s11, $0xb8;
	[tilespmem:$0xDD00] =	vst v63  }
0x14c: {  	s15 =	simm.s32 $0x4780;
	s16 =	simm.s32 $0xA980  }
0x14d: {  	[tilespmem:s16], [sflag:$0x2] =	stream.indirect.gather [hbm4b:s1+s11], $0x1, s15, s11, $0xb8;
	[tilespmem:$0xDD00] =	vst v63  }
0x14e: {  	s17 =	simm.s32 $0x4800;
	s18 =	simm.s32 $0xAD80  }
0x14f: {  	[tilespmem:s18], [sflag:$0x2] =	stream.indirect.gather [hbm4b:s1+s11], $0x1, s17, s11, $0xb8;
	[tilespmem:$0xDD00] =	vst v63  }
0x150: {  	s19 =	simm.s32 $0x4880;
	s20 =	simm.s32 $0xB180  }
0x151: {  	[tilespmem:s20], [sflag:$0x2] =	stream.indirect.gather [hbm4b:s1+s11], $0x1, s19, s11, $0xb8;
	[tilespmem:$0xDD00] =	vst v63  }
0x152: {  	s21 =	simm.s32 $0x4900;
	s22 =	simm.s32 $0xB580  }
0x153: {  	[tilespmem:s22], [sflag:$0x2] =	stream.indirect.gather [hbm4b:s1+s11], $0x1, s21, s11, $0xb8;
	[tilespmem:$0xDD00] =	vst v63  }
0x154: {  	s12 =	simm.s32 $0x4980;
	s14 =	simm.s32 $0xB980  }
0x155: {  	[tilespmem:s14], [sflag:$0x2] =	stream.indirect.gather [hbm4b:s1+s11], $0x1, s12, s11, $0xb8;
	[tilespmem:$0xDD00] =	vst v63  }
0x156: {  	s15 =	simm.s32 $0x4A00;
	s16 =	simm.s32 $0xBD80  }
0x157: {  	[tilespmem:s16], [sflag:$0x2] =	stream.indirect.gather [hbm4b:s1+s11], $0x1, s15, s11, $0xb8;
	[tilespmem:$0xDD00] =	vst v63  }
0x158: {  	s17 =	simm.s32 $0x4A80;
	s18 =	simm.s32 $0xC180  }
0x159: {  	[tilespmem:s18], [sflag:$0x2] =	stream.indirect.gather [hbm4b:s1+s11], $0x1, s17, s11, $0xb8;
	[tilespmem:$0xDD00] =	vst v63  }
0x15a: {  	s19 =	simm.s32 $0x4B00;
	s20 =	simm.s32 $0xC580  }
0x15b: {  	[tilespmem:s20], [sflag:$0x2] =	stream.indirect.gather [hbm4b:s1+s11], $0x1, s19, s11, $0xb8;
	[tilespmem:$0xDD00] =	vst v63  }
0x15c: {  	s21 =	simm.s32 $0x4B80;
	s22 =	simm.s32 $0xC980  }
0x15d: {  	[tilespmem:s22], [sflag:$0x2] =	stream.indirect.gather [hbm4b:s1+s11], $0x1, s21, s11, $0xb8;
	[tilespmem:$0xDD00] =	vst v63  }
0x15e: {  	s12 =	simm.s32 $0x4C00;
	s14 =	simm.s32 $0xCD80  }
0x15f: {  	[tilespmem:s14], [sflag:$0x2] =	stream.indirect.gather [hbm4b:s1+s11], $0x1, s12, s11, $0xb8;
	[tilespmem:$0xDD00] =	vst v63  }
0x160: {  	s15 =	simm.s32 $0x4C80;
	s16 =	simm.s32 $0xD180  }
0x161: {  	[tilespmem:s16], [sflag:$0x2] =	stream.indirect.gather [hbm4b:s1+s11], $0x1, s15, s11, $0xb8;
	[tilespmem:$0xDD00] =	vst v63  }
0x162: {  	s17 =	simm.s32 $0x4D00;
	s18 =	simm.s32 $0xD580  }
0x163: {  	[tilespmem:s18], [sflag:$0x2] =	stream.indirect.gather [hbm4b:s1+s11], $0x1, s17, s11, $0xb8;
	[tilespmem:$0xDD00] =	vst v63  }
0x164: {  	s19 =	simm.s32 $0x4D80;
	s20 =	simm.s32 $0xD980  }
0x165: {  	[tilespmem:s20], [sflag:$0x2] =	stream.indirect.gather [hbm4b:s1+s11], $0x1, s19, s11, $0xb8;
	[tilespmem:$0xDD00] =	vst v63  }
0x166: {  	s21 =	simm.s32 $0x4E00;
	s22 =	simm.s32 $0xAA00  }
0x167: {  	[tilespmem:s22], [sflag:$0x2] =	stream.indirect.gather [hbm4b:s1+s11], $0x1, s21, s11, $0xb8;
	[tilespmem:$0xDD00] =	vst v63  }
0x168: {  	s12 =	simm.s32 $0x4E80;
	s14 =	simm.s32 $0xAE00  }
0x169: {  	[tilespmem:s14], [sflag:$0x2] =	stream.indirect.gather [hbm4b:s1+s11], $0x1, s12, s11, $0xb8;
	[tilespmem:$0xDD00] =	vst v63  }
0x16a: {  	s15 =	simm.s32 $0x4F00;
	s16 =	simm.s32 $0xB200  }
0x16b: {  	[tilespmem:s16], [sflag:$0x2] =	stream.indirect.gather [hbm4b:s1+s11], $0x1, s15, s11, $0xb8;
	[tilespmem:$0xDD00] =	vst v63  }
0x16c: {  	s17 =	simm.s32 $0x4F80;
	s18 =	simm.s32 $0xB600  }
0x16d: {  	[tilespmem:s18], [sflag:$0x2] =	stream.indirect.gather [hbm4b:s1+s11], $0x1, s17, s11, $0xb8;
	[tilespmem:$0xDD00] =	vst v63  }
0x16e: {  	s19 =	simm.s32 $0x5000;
	s20 =	simm.s32 $0xBA00  }
0x16f: {  	[tilespmem:s20], [sflag:$0x2] =	stream.indirect.gather [hbm4b:s1+s11], $0x1, s19, s11, $0xb8;
	[tilespmem:$0xDD00] =	vst v63  }
0x170: {  	s21 =	simm.s32 $0x5080;
	s22 =	simm.s32 $0xBE00  }
0x171: {  	[tilespmem:s22], [sflag:$0x2] =	stream.indirect.gather [hbm4b:s1+s11], $0x1, s21, s11, $0xb8;
	[tilespmem:$0xDD00] =	vst v63  }
0x172: {  	s12 =	simm.s32 $0x5100;
	s14 =	simm.s32 $0xC200  }
0x173: {  	[tilespmem:s14], [sflag:$0x2] =	stream.indirect.gather [hbm4b:s1+s11], $0x1, s12, s11, $0xb8;
	[tilespmem:$0xDD00] =	vst v63  }
0x174: {  	s15 =	simm.s32 $0x5180;
	s16 =	simm.s32 $0xC600  }
0x175: {  	[tilespmem:s16], [sflag:$0x2] =	stream.indirect.gather [hbm4b:s1+s11], $0x1, s15, s11, $0xb8;
	[tilespmem:$0xDD00] =	vst v63  }
0x176: {  	s17 =	simm.s32 $0x5200;
	s18 =	simm.s32 $0xCA00  }
0x177: {  	[tilespmem:s18], [sflag:$0x2] =	stream.indirect.gather [hbm4b:s1+s11], $0x1, s17, s11, $0xb8;
	[tilespmem:$0xDD00] =	vst v63  }
0x178: {  	s19 =	simm.s32 $0x5280;
	s20 =	simm.s32 $0xCE00  }
0x179: {  	[tilespmem:s20], [sflag:$0x2] =	stream.indirect.gather [hbm4b:s1+s11], $0x1, s19, s11, $0xb8;
	[tilespmem:$0xDD00] =	vst v63  }
0x17a: {  	s21 =	simm.s32 $0x5300;
	s22 =	simm.s32 $0xD200  }
0x17b: {  	[tilespmem:s22], [sflag:$0x2] =	stream.indirect.gather [hbm4b:s1+s11], $0x1, s21, s11, $0xb8;
	[tilespmem:$0xDD00] =	vst v63  }
0x17c: {  	s12 =	simm.s32 $0x5380;
	s14 =	simm.s32 $0xD600  }
0x17d: {  	[tilespmem:s14], [sflag:$0x2] =	stream.indirect.gather [hbm4b:s1+s11], $0x1, s12, s11, $0xb8;
	[tilespmem:$0xDD00] =	vst v63  }
0x17e: {  	s15 =	simm.s32 $0x5400;
	s16 =	simm.s32 $0xDA00  }
0x17f: {  	[tilespmem:s16], [sflag:$0x2] =	stream.indirect.gather [hbm4b:s1+s11], $0x1, s15, s11, $0xb8;
	[tilespmem:$0xDD00] =	vst v63  }
0x180: {  	s17 =	simm.s32 $0x5480;
	s18 =	simm.s32 $0xAA80  }
0x181: {  	[tilespmem:s18], [sflag:$0x2] =	stream.indirect.gather [hbm4b:s1+s11], $0x1, s17, s11, $0xb8;
	[tilespmem:$0xDD00] =	vst v63  }
0x182: {  	s19 =	simm.s32 $0x5500;
	s20 =	simm.s32 $0xAE80  }
0x183: {  	[tilespmem:s20], [sflag:$0x2] =	stream.indirect.gather [hbm4b:s1+s11], $0x1, s19, s11, $0xb8;
	[tilespmem:$0xDD00] =	vst v63  }
0x184: {  	s21 =	simm.s32 $0x5580;
	s22 =	simm.s32 $0xB280  }
0x185: {  	[tilespmem:s22], [sflag:$0x2] =	stream.indirect.gather [hbm4b:s1+s11], $0x1, s21, s11, $0xb8;
	[tilespmem:$0xDD00] =	vst v63  }
0x186: {  	s12 =	simm.s32 $0x5600;
	s14 =	simm.s32 $0xB680  }
0x187: {  	[tilespmem:s14], [sflag:$0x2] =	stream.indirect.gather [hbm4b:s1+s11], $0x1, s12, s11, $0xb8;
	[tilespmem:$0xDD00] =	vst v63  }
0x188: {  	s15 =	simm.s32 $0x5680;
	s16 =	simm.s32 $0xBA80  }
0x189: {  	[tilespmem:s16], [sflag:$0x2] =	stream.indirect.gather [hbm4b:s1+s11], $0x1, s15, s11, $0xb8;
	[tilespmem:$0xDD00] =	vst v63  }
0x18a: {  	s17 =	simm.s32 $0x5700;
	s18 =	simm.s32 $0xBE80  }
0x18b: {  	[tilespmem:s18], [sflag:$0x2] =	stream.indirect.gather [hbm4b:s1+s11], $0x1, s17, s11, $0xb8;
	[tilespmem:$0xDD00] =	vst v63  }
0x18c: {  	s19 =	simm.s32 $0x5780;
	s20 =	simm.s32 $0xC280  }
0x18d: {  	[tilespmem:s20], [sflag:$0x2] =	stream.indirect.gather [hbm4b:s1+s11], $0x1, s19, s11, $0xb8;
	[tilespmem:$0xDD00] =	vst v63  }
0x18e: {  	s21 =	simm.s32 $0x5800;
	s22 =	simm.s32 $0xC680  }
0x18f: {  	[tilespmem:s22], [sflag:$0x2] =	stream.indirect.gather [hbm4b:s1+s11], $0x1, s21, s11, $0xb8;
	[tilespmem:$0xDD00] =	vst v63  }
0x190: {  	s12 =	simm.s32 $0x5880;
	s14 =	simm.s32 $0xCA80  }
0x191: {  	[tilespmem:s14], [sflag:$0x2] =	stream.indirect.gather [hbm4b:s1+s11], $0x1, s12, s11, $0xb8;
	[tilespmem:$0xDD00] =	vst v63  }
0x192: {  	s15 =	simm.s32 $0x5900;
	s16 =	simm.s32 $0xCE80  }
0x193: {  	[tilespmem:s16], [sflag:$0x2] =	stream.indirect.gather [hbm4b:s1+s11], $0x1, s15, s11, $0xb8;
	[tilespmem:$0xDD00] =	vst v63  }
0x194: {  	s17 =	simm.s32 $0x5980;
	s18 =	simm.s32 $0xD280  }
0x195: {  	[tilespmem:s18], [sflag:$0x2] =	stream.indirect.gather [hbm4b:s1+s11], $0x1, s17, s11, $0xb8;
	[tilespmem:$0xDD00] =	vst v63  }
0x196: {  	s19 =	simm.s32 $0x5A00;
	s20 =	simm.s32 $0xD680  }
0x197: {  	[tilespmem:s20], [sflag:$0x2] =	stream.indirect.gather [hbm4b:s1+s11], $0x1, s19, s11, $0xb8;
	[tilespmem:$0xDD00] =	vst v63  }
0x198: {  	s21 =	simm.s32 $0x5A80;
	s22 =	simm.s32 $0xDA80  }
0x199: {  	[tilespmem:s22], [sflag:$0x2] =	stream.indirect.gather [hbm4b:s1+s11], $0x1, s21, s11, $0xb8;
	[tilespmem:$0xDD00] =	vst v63  }
0x19a: {  	s12 =	simm.s32 $0x5B00;
	s14 =	simm.s32 $0xAB00  }
0x19b: {  	[tilespmem:s14], [sflag:$0x2] =	stream.indirect.gather [hbm4b:s1+s11], $0x1, s12, s11, $0xb8;
	[tilespmem:$0xDD00] =	vst v63  }
0x19c: {  	s15 =	simm.s32 $0x5B80;
	s16 =	simm.s32 $0xAF00  }
0x19d: {  	[tilespmem:s16], [sflag:$0x2] =	stream.indirect.gather [hbm4b:s1+s11], $0x1, s15, s11, $0xb8;
	[tilespmem:$0xDD00] =	vst v63  }
0x19e: {  	s17 =	simm.s32 $0x5C00;
	s18 =	simm.s32 $0xB300  }
0x19f: {  	[tilespmem:s18], [sflag:$0x2] =	stream.indirect.gather [hbm4b:s1+s11], $0x1, s17, s11, $0xb8;
	[tilespmem:$0xDD00] =	vst v63  }
0x1a0: {  	s19 =	simm.s32 $0x5C80;
	s20 =	simm.s32 $0xB700  }
0x1a1: {  	[tilespmem:s20], [sflag:$0x2] =	stream.indirect.gather [hbm4b:s1+s11], $0x1, s19, s11, $0xb8;
	[tilespmem:$0xDD00] =	vst v63  }
0x1a2: {  	s21 =	simm.s32 $0x5D00;
	s22 =	simm.s32 $0xBB00  }
0x1a3: {  	[tilespmem:s22], [sflag:$0x2] =	stream.indirect.gather [hbm4b:s1+s11], $0x1, s21, s11, $0xb8;
	[tilespmem:$0xDD00] =	vst v63  }
0x1a4: {  	s12 =	simm.s32 $0x5D80;
	s14 =	simm.s32 $0xBF00  }
0x1a5: {  	[tilespmem:s14], [sflag:$0x2] =	stream.indirect.gather [hbm4b:s1+s11], $0x1, s12, s11, $0xb8;
	[tilespmem:$0xDD00] =	vst v63  }
0x1a6: {  	s15 =	simm.s32 $0x5E00;
	s16 =	simm.s32 $0xC300  }
0x1a7: {  	[tilespmem:s16], [sflag:$0x2] =	stream.indirect.gather [hbm4b:s1+s11], $0x1, s15, s11, $0xb8;
	[tilespmem:$0xDD00] =	vst v63  }
0x1a8: {  	s17 =	simm.s32 $0x5E80;
	s18 =	simm.s32 $0xC700  }
0x1a9: {  	[tilespmem:s18], [sflag:$0x2] =	stream.indirect.gather [hbm4b:s1+s11], $0x1, s17, s11, $0xb8;
	[tilespmem:$0xDD00] =	vst v63  }
0x1aa: {  	s19 =	simm.s32 $0x5F00;
	s20 =	simm.s32 $0xCB00  }
0x1ab: {  	[tilespmem:s20], [sflag:$0x2] =	stream.indirect.gather [hbm4b:s1+s11], $0x1, s19, s11, $0xb8;
	[tilespmem:$0xDD00] =	vst v63  }
0x1ac: {  	s21 =	simm.s32 $0x5F80;
	s22 =	simm.s32 $0xCF00  }
0x1ad: {  	[tilespmem:s22], [sflag:$0x2] =	stream.indirect.gather [hbm4b:s1+s11], $0x1, s21, s11, $0xb8;
	[tilespmem:$0xDD00] =	vst v63  }
0x1ae: {  	s12 =	simm.s32 $0x6000;
	s14 =	simm.s32 $0xD300  }
0x1af: {  	[tilespmem:s14], [sflag:$0x2] =	stream.indirect.gather [hbm4b:s1+s11], $0x1, s12, s11, $0xb8;
	[tilespmem:$0xDD00] =	vst v63  }
0x1b0: {  	s15 =	simm.s32 $0x6080;
	s16 =	simm.s32 $0xD700  }
0x1b1: {  	[tilespmem:s16], [sflag:$0x2] =	stream.indirect.gather [hbm4b:s1+s11], $0x1, s15, s11, $0xb8;
	[tilespmem:$0xDD00] =	vst v63  }
0x1b2: {  	s17 =	simm.s32 $0x6100;
	s18 =	simm.s32 $0xDB00  }
0x1b3: {  	[tilespmem:s18], [sflag:$0x2] =	stream.indirect.gather [hbm4b:s1+s11], $0x1, s17, s11, $0xb8;
	[tilespmem:$0xDD00] =	vst v63  }
0x1b4: {  	s19 =	simm.s32 $0x6180;
	s20 =	simm.s32 $0xAB80  }
0x1b5: {  	[tilespmem:s20], [sflag:$0x2] =	stream.indirect.gather [hbm4b:s1+s11], $0x1, s19, s11, $0xb8;
	[tilespmem:$0xDD00] =	vst v63  }
0x1b6: {  	s21 =	simm.s32 $0x6200;
	s22 =	simm.s32 $0xAF80  }
0x1b7: {  	[tilespmem:s22], [sflag:$0x2] =	stream.indirect.gather [hbm4b:s1+s11], $0x1, s21, s11, $0xb8;
	[tilespmem:$0xDD00] =	vst v63  }
0x1b8: {  	s12 =	simm.s32 $0x6280;
	s14 =	simm.s32 $0xB380  }
0x1b9: {  	[tilespmem:s14], [sflag:$0x2] =	stream.indirect.gather [hbm4b:s1+s11], $0x1, s12, s11, $0xb8;
	[tilespmem:$0xDD00] =	vst v63  }
0x1ba: {  	s15 =	simm.s32 $0x6300;
	s16 =	simm.s32 $0xB780  }
0x1bb: {  	[tilespmem:s16], [sflag:$0x2] =	stream.indirect.gather [hbm4b:s1+s11], $0x1, s15, s11, $0xb8;
	[tilespmem:$0xDD00] =	vst v63  }
0x1bc: {  	s17 =	simm.s32 $0x6380;
	s18 =	simm.s32 $0xBB80  }
0x1bd: {  	[tilespmem:s18], [sflag:$0x2] =	stream.indirect.gather [hbm4b:s1+s11], $0x1, s17, s11, $0xb8;
	[tilespmem:$0xDD00] =	vst v63  }
0x1be: {  	s19 =	simm.s32 $0x6400;
	s20 =	simm.s32 $0xBF80  }
0x1bf: {  	[tilespmem:s20], [sflag:$0x2] =	stream.indirect.gather [hbm4b:s1+s11], $0x1, s19, s11, $0xb8;
	[tilespmem:$0xDD00] =	vst v63  }
0x1c0: {  	s21 =	simm.s32 $0x6480;
	s22 =	simm.s32 $0xC380  }
0x1c1: {  	[tilespmem:s22], [sflag:$0x2] =	stream.indirect.gather [hbm4b:s1+s11], $0x1, s21, s11, $0xb8;
	[tilespmem:$0xDD00] =	vst v63  }
0x1c2: {  	s12 =	simm.s32 $0x6500;
	s14 =	simm.s32 $0xC780  }
0x1c3: {  	[tilespmem:s14], [sflag:$0x2] =	stream.indirect.gather [hbm4b:s1+s11], $0x1, s12, s11, $0xb8;
	[tilespmem:$0xDD00] =	vst v63  }
0x1c4: {  	s15 =	simm.s32 $0x6580;
	s16 =	simm.s32 $0xCB80  }
0x1c5: {  	[tilespmem:s16], [sflag:$0x2] =	stream.indirect.gather [hbm4b:s1+s11], $0x1, s15, s11, $0xb8;
	[tilespmem:$0xDD00] =	vst v63  }
0x1c6: {  	s17 =	simm.s32 $0x6600;
	s18 =	simm.s32 $0xCF80  }
0x1c7: {  	[tilespmem:s18], [sflag:$0x2] =	stream.indirect.gather [hbm4b:s1+s11], $0x1, s17, s11, $0xb8;
	[tilespmem:$0xDD00] =	vst v63  }
0x1c8: {  	s19 =	simm.s32 $0x6680;
	s20 =	simm.s32 $0xD380  }
0x1c9: {  	[tilespmem:s20], [sflag:$0x2] =	stream.indirect.gather [hbm4b:s1+s11], $0x1, s19, s11, $0xb8;
	[tilespmem:$0xDD00] =	vst v63  }
0x1ca: {  	s21 =	simm.s32 $0x6700;
	s22 =	simm.s32 $0xD780  }
0x1cb: {  	[tilespmem:s22], [sflag:$0x2] =	stream.indirect.gather [hbm4b:s1+s11], $0x1, s21, s11, $0xb8;
	[tilespmem:$0xDD00] =	vst v63  }
0x1cc: {  	s12 =	simm.s32 $0x6780;
	s14 =	simm.s32 $0xDB80  }
0x1cd: {  	[tilespmem:s14], [sflag:$0x2] =	stream.indirect.gather [hbm4b:s1+s11], $0x1, s12, s11, $0xb8;
	[tilespmem:$0xDD00] =	vst v63  }
0x1ce: {  	s15 =	simm.s32 $0x6800;
	s16 =	simm.s32 $0xAC00  }
0x1cf: {  	[tilespmem:s16], [sflag:$0x2] =	stream.indirect.gather [hbm4b:s1+s11], $0x1, s15, s11, $0xb8;
	[tilespmem:$0xDD00] =	vst v63  }
0x1d0: {  	s17 =	simm.s32 $0x6880;
	s18 =	simm.s32 $0xB000  }
0x1d1: {  	[tilespmem:s18], [sflag:$0x2] =	stream.indirect.gather [hbm4b:s1+s11], $0x1, s17, s11, $0xb8;
	[tilespmem:$0xDD00] =	vst v63  }
0x1d2: {  	s19 =	simm.s32 $0x6900;
	s20 =	simm.s32 $0xB400  }
0x1d3: {  	[tilespmem:s20], [sflag:$0x2] =	stream.indirect.gather [hbm4b:s1+s11], $0x1, s19, s11, $0xb8;
	[tilespmem:$0xDD00] =	vst v63  }
0x1d4: {  	s21 =	simm.s32 $0x6980;
	s22 =	simm.s32 $0xB800  }
0x1d5: {  	[tilespmem:s22], [sflag:$0x2] =	stream.indirect.gather [hbm4b:s1+s11], $0x1, s21, s11, $0xb8;
	[tilespmem:$0xDD00] =	vst v63  }
0x1d6: {  	s12 =	simm.s32 $0x6A00;
	s14 =	simm.s32 $0xBC00  }
0x1d7: {  	[tilespmem:s14], [sflag:$0x2] =	stream.indirect.gather [hbm4b:s1+s11], $0x1, s12, s11, $0xb8;
	[tilespmem:$0xDD00] =	vst v63  }
0x1d8: {  	s15 =	simm.s32 $0x6A80;
	s16 =	simm.s32 $0xC000  }
0x1d9: {  	[tilespmem:s16], [sflag:$0x2] =	stream.indirect.gather [hbm4b:s1+s11], $0x1, s15, s11, $0xb8;
	[tilespmem:$0xDD00] =	vst v63  }
0x1da: {  	s17 =	simm.s32 $0x6B00;
	s18 =	simm.s32 $0xC400  }
0x1db: {  	[tilespmem:s18], [sflag:$0x2] =	stream.indirect.gather [hbm4b:s1+s11], $0x1, s17, s11, $0xb8;
	[tilespmem:$0xDD00] =	vst v63  }
0x1dc: {  	s19 =	simm.s32 $0x6B80;
	s20 =	simm.s32 $0xC800  }
0x1dd: {  	[tilespmem:s20], [sflag:$0x2] =	stream.indirect.gather [hbm4b:s1+s11], $0x1, s19, s11, $0xb8;
	[tilespmem:$0xDD00] =	vst v63  }
0x1de: {  	s21 =	simm.s32 $0x6C00;
	s22 =	simm.s32 $0xCC00  }
0x1df: {  	[tilespmem:s22], [sflag:$0x2] =	stream.indirect.gather [hbm4b:s1+s11], $0x1, s21, s11, $0xb8;
	[tilespmem:$0xDD00] =	vst v63  }
0x1e0: {  	s12 =	simm.s32 $0x6C80;
	s14 =	simm.s32 $0xD000  }
0x1e1: {  	[tilespmem:s14], [sflag:$0x2] =	stream.indirect.gather [hbm4b:s1+s11], $0x1, s12, s11, $0xb8;
	[tilespmem:$0xDD00] =	vst v63  }
0x1e2: {  	s15 =	simm.s32 $0x6D00;
	s16 =	simm.s32 $0xD400  }
0x1e3: {  	[tilespmem:s16], [sflag:$0x2] =	stream.indirect.gather [hbm4b:s1+s11], $0x1, s15, s11, $0xb8;
	[tilespmem:$0xDD00] =	vst v63  }
0x1e4: {  	s17 =	simm.s32 $0x6D80;
	s18 =	simm.s32 $0xD800  }
0x1e5: {  	[tilespmem:s18], [sflag:$0x2] =	stream.indirect.gather [hbm4b:s1+s11], $0x1, s17, s11, $0xb8;
	[tilespmem:$0xDD00] =	vst v63  }
0x1e6: {  	s19 =	simm.s32 $0x6E00;
	s20 =	simm.s32 $0xDC00  }
0x1e7: {  	[tilespmem:s20], [sflag:$0x2] =	stream.indirect.gather [hbm4b:s1+s11], $0x1, s19, s11, $0xb8;
	[tilespmem:$0xDD00] =	vst v63  }
0x1e8: {  	s21 =	simm.s32 $0x6E80;
	s22 =	simm.s32 $0xAC80  }
0x1e9: {  	[tilespmem:s22], [sflag:$0x2] =	stream.indirect.gather [hbm4b:s1+s11], $0x1, s21, s11, $0xb8;
	[tilespmem:$0xDD00] =	vst v63  }
0x1ea: {  	s12 =	simm.s32 $0x6F00;
	s14 =	simm.s32 $0xB080  }
0x1eb: {  	[tilespmem:s14], [sflag:$0x2] =	stream.indirect.gather [hbm4b:s1+s11], $0x1, s12, s11, $0xb8;
	[tilespmem:$0xDD00] =	vst v63  }
0x1ec: {  	s15 =	simm.s32 $0x6F80;
	s16 =	simm.s32 $0xB480  }
0x1ed: {  	[tilespmem:s16], [sflag:$0x2] =	stream.indirect.gather [hbm4b:s1+s11], $0x1, s15, s11, $0xb8;
	[tilespmem:$0xDD00] =	vst v63  }
0x1ee: {  	s17 =	simm.s32 $0x7000;
	s18 =	simm.s32 $0xB880  }
0x1ef: {  	[tilespmem:s18], [sflag:$0x2] =	stream.indirect.gather [hbm4b:s1+s11], $0x1, s17, s11, $0xb8;
	[tilespmem:$0xDD00] =	vst v63  }
0x1f0: {  	s19 =	simm.s32 $0x7080;
	s20 =	simm.s32 $0xBC80  }
0x1f1: {  	[tilespmem:s20], [sflag:$0x2] =	stream.indirect.gather [hbm4b:s1+s11], $0x1, s19, s11, $0xb8;
	[tilespmem:$0xDD00] =	vst v63  }
0x1f2: {  	s21 =	simm.s32 $0x7100;
	s22 =	simm.s32 $0xC080  }
0x1f3: {  	[tilespmem:s22], [sflag:$0x2] =	stream.indirect.gather [hbm4b:s1+s11], $0x1, s21, s11, $0xb8;
	[tilespmem:$0xDD00] =	vst v63  }
0x1f4: {  	s12 =	simm.s32 $0x7180;
	s14 =	simm.s32 $0xC480  }
0x1f5: {  	[tilespmem:s14], [sflag:$0x2] =	stream.indirect.gather [hbm4b:s1+s11], $0x1, s12, s11, $0xb8;
	[tilespmem:$0xDD00] =	vst v63  }
0x1f6: {  	s15 =	simm.s32 $0x7200;
	s16 =	simm.s32 $0xC880  }
0x1f7: {  	[tilespmem:s16], [sflag:$0x2] =	stream.indirect.gather [hbm4b:s1+s11], $0x1, s15, s11, $0xb8;
	[tilespmem:$0xDD00] =	vst v63  }
0x1f8: {  	s17 =	simm.s32 $0x7280;
	s18 =	simm.s32 $0xCC80  }
0x1f9: {  	[tilespmem:s18], [sflag:$0x2] =	stream.indirect.gather [hbm4b:s1+s11], $0x1, s17, s11, $0xb8;
	[tilespmem:$0xDD00] =	vst v63  }
0x1fa: {  	s19 =	simm.s32 $0x7300;
	s20 =	simm.s32 $0xD080  }
0x1fb: {  	[tilespmem:s20], [sflag:$0x2] =	stream.indirect.gather [hbm4b:s1+s11], $0x1, s19, s11, $0xb8;
	[tilespmem:$0xDD00] =	vst v63  }
0x1fc: {  	s21 =	simm.s32 $0x7380  }
0x1fd: {  	[tilespmem:s24], [sflag:$0x2] =	stream.indirect.gather [hbm4b:s1+s11], $0x1, s21, s11, $0xb8;
	[tilespmem:$0xDD00] =	vst v63  }
0x1fe: {  	s22 =	sshll.u32 s2, $0x4  }
0x1ff: {  	[tilespmem:s28], [sflag:$0x2] =	stream.indirect.gather [hbm4b:s1+s11], $0x1, s26, s11, $0xb8;
	[tilespmem:$0xDD00] =	vst v63  }
0x200: {  	p0 =	seq.s32 s2, $0x7;
	s8 =	sadd.s32 s5, s22  }
0x201: {  	[tilespmem:s30], [sflag:$0x2] =	stream.indirect.gather [hbm4b:s1+s11], $0x1, s29, s11, $0xb8;
	[tilespmem:$0xDD00] =	vst v63  }
.Ltmp8:
0x202: {  	s8 =	sshrl.u32 s8, $0x3;
	(pc) =	sbr.rel @p0 .LBB2_16-.Ltmp8, $4  }
0x203: {  	s8 =	smul.u32 $0x680, s8;
	_ =	swait.ge [sflag:s31], $0x3400  }
0x204: {  	[sflag:s31] =	ssyncset.done $0x0  }
0x205: {  	s8 =	sadd.s32 s4, s8;
	[sflag:s31] =	ssyncadd.s32 $0xFFFFCC00  }
0x206: {  	[hbm4b:s8+s3] =	stream.linear.scatter [tilespmem:s23], [sflag:$0x3], $0x3400, $0x38;
	[tilespmem:$0xDD00] =	vst v63  }
0x207: {  	s8 =	smul.u32 $0x1A0, s2;
	_ =	sdelay $0x1  }
0x208: {  	s8 =	sadd.s32 $0x1A0, s8  }
0x209: {  	s14 =	simm.s32 $0x0;
	s15 =	simm.s32 $0x0;
	v6 =	vmov s8  }
.LBB2_12:
0x20a: {  	_ = 	snop  }
0x20b: {  	s12 =	sshll.u32 s15, $0x4  }
0x20c: {  	s16 =	sadd.s32 s12, s8  }
0x20d: {  	v7 =	vor.u32 s16, v0  }
0x20e: {  	v8 =	vld.idx.msk [tilespmem:v6+s12+$0x0 ss:$0x1], $0xffff;
	v7 =	vmulhi.u32 $0x4EC4EC4F, v7;
	_ =	sdelay $0x1  }
0x20f: {  	v7 =	vshrl.u32 v7, $0x3  }
0x210: {  	v9 =	vadd.s32 v2, v7  }
0x211: {  	s16 =	sshll.u32 s15, $0xA;
	v9 =	vshll.u32 v9, $0x3  }
0x212: {  	s18 =	sor.u32 s16, s14;
	v8 =	vshll.u32 v8, $0x12;
	v9 =	vand.u32 $0xFFFFFC00, v9  }
0x213: {  	v8 =	vadd.s32 v9, v8;
	v9 =	vor.u32 s18, v1;
	_ =	sdelay $0x1  }
0x214: {  	s23 =	sand.u32 $0x38000, s14;
	s17 =	sand.u32 $0x200, s14;
	v7 =	vand.u32 $0x7F, v7  }
0x215: {  	s17 =	sor.u32 s17, s23;
	v10 =	vor.u32 s18, v3;
	v7 =	vor.u32 v7, v8  }
0x216: {  	s19 =	simm.s32 $0x4;
	s20 =	simm.s32 $0x0;
	s12 =	simm.s32 $0x0;
	v8 =	vor.u32 s18, v4;
	v11 =	vadd.s32 s17, v7  }
.LBB2_13:
0x217: {  	[tilespmem:v9+s10+$0x0] =	vst.idx.msk $0xffff, v11;
	v12 =	vor.u32 s18, v5;
	s18 =	sor.u32 s16, s19;
	p0 =	sne.s32 s19, $0x3C  }
.Ltmp9:
0x218: {  	s21 =	sor.u32 $0x80, s17;
	v9 =	vor.u32 s18, v1;
	(pc) =	sbr.rel @p0 .LBB2_13-.Ltmp9, $4  }
0x219: {  	s20 =	sadd.s32 $0x200, s20;
	s12 =	sadd.s32 $0x4000, s12;
	v11 =	vadd.s32 s21, v7;
	s21 =	sor.u32 $0x100, s17  }
0x21a: {  	s22 =	sand.u32 $0x38000, s12;
	s23 =	sand.u32 $0x200, s20;
	[tilespmem:v10+s10+$0x0] =	vst.idx.msk $0xffff, v11;
	v11 =	vadd.s32 s21, v7;
	s21 =	sor.u32 $0x180, s17  }
0x21b: {  	s17 =	sor.u32 s23, s22;
	v10 =	vor.u32 s18, v3;
	[tilespmem:v8+s10+$0x0] =	vst.idx.msk $0xffff, v11;
	v13 =	vadd.s32 s21, v7  }
0x21c: {  	s19 =	sadd.s32 $0x4, s19;
	v11 =	vadd.s32 s17, v7;
	v8 =	vor.u32 s18, v4;
	[tilespmem:v12+s10+$0x0] =	vst.idx.msk $0xffff, v13  }
0x21d: {  	_ = 	snop  }
0x21e: {  	s15 =	sadd.s32 $0x1, s15  }
0x21f: {  	v12 =	vor.u32 s18, v5;
	p0 =	sne.s32 s15, $0xD  }
.Ltmp10:
0x220: {  	s12 =	sor.u32 $0x80, s17;
	(pc) =	sbr.rel @p0 .LBB2_12-.Ltmp10, $4  }
0x221: {  	[tilespmem:v9+s10+$0x0] =	vst.idx.msk $0xffff, v11;
	s22 =	sor.u32 $0x100, s17;
	v62 =	vadd.s32 s12, v7  }
0x222: {  	s23 =	sor.u32 $0x180, s17;
	v63 =	vadd.s32 s22, v7;
	[tilespmem:v10+s10+$0x0] =	vst.idx.msk $0xffff, v62  }
0x223: {  	v7 =	vadd.s32 s23, v7;
	[tilespmem:v8+s10+$0x0] =	vst.idx.msk $0xffff, v63  }
0x224: {  	[tilespmem:v12+s10+$0x0] =	vst.idx.msk $0xffff, v7  }
0x225: {  	_ =	swait.ge [sflag:s0], $0x3400  }
0x226: {  	[sflag:s0] =	ssyncset.done $0x0  }
0x227: {  	s23 =	simm.s32 $0x7500;
	[sflag:s0] =	ssyncadd.s32 $0xFFFFCC00  }
0x228: {  	[tilespmem:s23], [sflag:$0x1] =	stream.indirect.gather [hbm4b:s1+s11], $0x1, s10, s11, $0xb8;
	[tilespmem:$0xDD00] =	vst v63  }
0x229: {  	s8 =	simm.s32 $0xD80;
	s12 =	simm.s32 $0x7900  }
0x22a: {  	[tilespmem:s12], [sflag:$0x1] =	stream.indirect.gather [hbm4b:s1+s11], $0x1, s8, s11, $0xb8;
	[tilespmem:$0xDD00] =	vst v63  }
0x22b: {  	s19 =	simm.s32 $0xE00;
	s20 =	simm.s32 $0x7D00  }
0x22c: {  	[tilespmem:s20], [sflag:$0x1] =	stream.indirect.gather [hbm4b:s1+s11], $0x1, s19, s11, $0xb8;
	[tilespmem:$0xDD00] =	vst v63  }
0x22d: {  	s21 =	simm.s32 $0xE80;
	s22 =	simm.s32 $0x8100  }
0x22e: {  	[tilespmem:s22], [sflag:$0x1] =	stream.indirect.gather [hbm4b:s1+s11], $0x1, s21, s11, $0xb8;
	[tilespmem:$0xDD00] =	vst v63  }
0x22f: {  	s14 =	simm.s32 $0x8500;
	s12 =	simm.s32 $0xF00  }
0x230: {  	[tilespmem:s14], [sflag:$0x1] =	stream.indirect.gather [hbm4b:s1+s11], $0x1, s12, s11, $0xb8;
	[tilespmem:$0xDD00] =	vst v63  }
0x231: {  	s15 =	simm.s32 $0xF80;
	s16 =	simm.s32 $0x8900  }
0x232: {  	[tilespmem:s16], [sflag:$0x1] =	stream.indirect.gather [hbm4b:s1+s11], $0x1, s15, s11, $0xb8;
	[tilespmem:$0xDD00] =	vst v63  }
0x233: {  	s17 =	simm.s32 $0x1000;
	s18 =	simm.s32 $0x8D00  }
0x234: {  	[tilespmem:s18], [sflag:$0x1] =	stream.indirect.gather [hbm4b:s1+s11], $0x1, s17, s11, $0xb8;
	[tilespmem:$0xDD00] =	vst v63  }
0x235: {  	s19 =	simm.s32 $0x1080;
	s20 =	simm.s32 $0x9100  }
0x236: {  	[tilespmem:s20], [sflag:$0x1] =	stream.indirect.gather [hbm4b:s1+s11], $0x1, s19, s11, $0xb8;
	[tilespmem:$0xDD00] =	vst v63  }
0x237: {  	s21 =	simm.s32 $0x1100;
	s22 =	simm.s32 $0x9500  }
0x238: {  	[tilespmem:s22], [sflag:$0x1] =	stream.indirect.gather [hbm4b:s1+s11], $0x1, s21, s11, $0xb8;
	[tilespmem:$0xDD00] =	vst v63  }
0x239: {  	s12 =	simm.s32 $0x1180;
	s14 =	simm.s32 $0x9900  }
0x23a: {  	[tilespmem:s14], [sflag:$0x1] =	stream.indirect.gather [hbm4b:s1+s11], $0x1, s12, s11, $0xb8;
	[tilespmem:$0xDD00] =	vst v63  }
0x23b: {  	s15 =	simm.s32 $0x1200;
	s16 =	simm.s32 $0x9D00  }
0x23c: {  	[tilespmem:s16], [sflag:$0x1] =	stream.indirect.gather [hbm4b:s1+s11], $0x1, s15, s11, $0xb8;
	[tilespmem:$0xDD00] =	vst v63  }
0x23d: {  	s17 =	simm.s32 $0x1280;
	s18 =	simm.s32 $0xA100  }
0x23e: {  	[tilespmem:s18], [sflag:$0x1] =	stream.indirect.gather [hbm4b:s1+s11], $0x1, s17, s11, $0xb8;
	[tilespmem:$0xDD00] =	vst v63  }
0x23f: {  	s19 =	simm.s32 $0x1300;
	s20 =	simm.s32 $0xA500  }
0x240: {  	[tilespmem:s20], [sflag:$0x1] =	stream.indirect.gather [hbm4b:s1+s11], $0x1, s19, s11, $0xb8;
	[tilespmem:$0xDD00] =	vst v63  }
0x241: {  	s21 =	simm.s32 $0x1380;
	s22 =	simm.s32 $0x7580  }
0x242: {  	[tilespmem:s22], [sflag:$0x1] =	stream.indirect.gather [hbm4b:s1+s11], $0x1, s21, s11, $0xb8;
	[tilespmem:$0xDD00] =	vst v63  }
0x243: {  	s12 =	simm.s32 $0x1400;
	s14 =	simm.s32 $0x7980  }
0x244: {  	[tilespmem:s14], [sflag:$0x1] =	stream.indirect.gather [hbm4b:s1+s11], $0x1, s12, s11, $0xb8;
	[tilespmem:$0xDD00] =	vst v63  }
0x245: {  	s15 =	simm.s32 $0x1480;
	s16 =	simm.s32 $0x7D80  }
0x246: {  	[tilespmem:s16], [sflag:$0x1] =	stream.indirect.gather [hbm4b:s1+s11], $0x1, s15, s11, $0xb8;
	[tilespmem:$0xDD00] =	vst v63  }
0x247: {  	s17 =	simm.s32 $0x1500;
	s18 =	simm.s32 $0x8180  }
0x248: {  	[tilespmem:s18], [sflag:$0x1] =	stream.indirect.gather [hbm4b:s1+s11], $0x1, s17, s11, $0xb8;
	[tilespmem:$0xDD00] =	vst v63  }
0x249: {  	s19 =	simm.s32 $0x1580;
	s20 =	simm.s32 $0x8580  }
0x24a: {  	[tilespmem:s20], [sflag:$0x1] =	stream.indirect.gather [hbm4b:s1+s11], $0x1, s19, s11, $0xb8;
	[tilespmem:$0xDD00] =	vst v63  }
0x24b: {  	s21 =	simm.s32 $0x1600;
	s22 =	simm.s32 $0x8980  }
0x24c: {  	[tilespmem:s22], [sflag:$0x1] =	stream.indirect.gather [hbm4b:s1+s11], $0x1, s21, s11, $0xb8;
	[tilespmem:$0xDD00] =	vst v63  }
0x24d: {  	s12 =	simm.s32 $0x1680;
	s14 =	simm.s32 $0x8D80  }
0x24e: {  	[tilespmem:s14], [sflag:$0x1] =	stream.indirect.gather [hbm4b:s1+s11], $0x1, s12, s11, $0xb8;
	[tilespmem:$0xDD00] =	vst v63  }
0x24f: {  	s15 =	simm.s32 $0x1700;
	s16 =	simm.s32 $0x9180  }
0x250: {  	[tilespmem:s16], [sflag:$0x1] =	stream.indirect.gather [hbm4b:s1+s11], $0x1, s15, s11, $0xb8;
	[tilespmem:$0xDD00] =	vst v63  }
0x251: {  	s17 =	simm.s32 $0x1780;
	s18 =	simm.s32 $0x9580  }
0x252: {  	[tilespmem:s18], [sflag:$0x1] =	stream.indirect.gather [hbm4b:s1+s11], $0x1, s17, s11, $0xb8;
	[tilespmem:$0xDD00] =	vst v63  }
0x253: {  	s19 =	simm.s32 $0x1800;
	s20 =	simm.s32 $0x9980  }
0x254: {  	[tilespmem:s20], [sflag:$0x1] =	stream.indirect.gather [hbm4b:s1+s11], $0x1, s19, s11, $0xb8;
	[tilespmem:$0xDD00] =	vst v63  }
0x255: {  	s21 =	simm.s32 $0x1880;
	s22 =	simm.s32 $0x9D80  }
0x256: {  	[tilespmem:s22], [sflag:$0x1] =	stream.indirect.gather [hbm4b:s1+s11], $0x1, s21, s11, $0xb8;
	[tilespmem:$0xDD00] =	vst v63  }
0x257: {  	s12 =	simm.s32 $0x1900;
	s14 =	simm.s32 $0xA180  }
0x258: {  	[tilespmem:s14], [sflag:$0x1] =	stream.indirect.gather [hbm4b:s1+s11], $0x1, s12, s11, $0xb8;
	[tilespmem:$0xDD00] =	vst v63  }
0x259: {  	s15 =	simm.s32 $0x1980;
	s16 =	simm.s32 $0xA580  }
0x25a: {  	[tilespmem:s16], [sflag:$0x1] =	stream.indirect.gather [hbm4b:s1+s11], $0x1, s15, s11, $0xb8;
	[tilespmem:$0xDD00] =	vst v63  }
0x25b: {  	s17 =	simm.s32 $0x1A00;
	s18 =	simm.s32 $0x7600  }
0x25c: {  	[tilespmem:s18], [sflag:$0x1] =	stream.indirect.gather [hbm4b:s1+s11], $0x1, s17, s11, $0xb8;
	[tilespmem:$0xDD00] =	vst v63  }
0x25d: {  	s19 =	simm.s32 $0x1A80;
	s20 =	simm.s32 $0x7A00  }
0x25e: {  	[tilespmem:s20], [sflag:$0x1] =	stream.indirect.gather [hbm4b:s1+s11], $0x1, s19, s11, $0xb8;
	[tilespmem:$0xDD00] =	vst v63  }
0x25f: {  	s21 =	simm.s32 $0x1B00;
	s22 =	simm.s32 $0x7E00  }
0x260: {  	[tilespmem:s22], [sflag:$0x1] =	stream.indirect.gather [hbm4b:s1+s11], $0x1, s21, s11, $0xb8;
	[tilespmem:$0xDD00] =	vst v63  }
0x261: {  	s12 =	simm.s32 $0x1B80;
	s14 =	simm.s32 $0x8200  }
0x262: {  	[tilespmem:s14], [sflag:$0x1] =	stream.indirect.gather [hbm4b:s1+s11], $0x1, s12, s11, $0xb8;
	[tilespmem:$0xDD00] =	vst v63  }
0x263: {  	s15 =	simm.s32 $0x1C00;
	s16 =	simm.s32 $0x8600  }
0x264: {  	[tilespmem:s16], [sflag:$0x1] =	stream.indirect.gather [hbm4b:s1+s11], $0x1, s15, s11, $0xb8;
	[tilespmem:$0xDD00] =	vst v63  }
0x265: {  	s17 =	simm.s32 $0x1C80;
	s18 =	simm.s32 $0x8A00  }
0x266: {  	[tilespmem:s18], [sflag:$0x1] =	stream.indirect.gather [hbm4b:s1+s11], $0x1, s17, s11, $0xb8;
	[tilespmem:$0xDD00] =	vst v63  }
0x267: {  	s19 =	simm.s32 $0x1D00;
	s20 =	simm.s32 $0x8E00  }
0x268: {  	[tilespmem:s20], [sflag:$0x1] =	stream.indirect.gather [hbm4b:s1+s11], $0x1, s19, s11, $0xb8;
	[tilespmem:$0xDD00] =	vst v63  }
0x269: {  	s21 =	simm.s32 $0x1D80;
	s22 =	simm.s32 $0x9200  }
0x26a: {  	[tilespmem:s22], [sflag:$0x1] =	stream.indirect.gather [hbm4b:s1+s11], $0x1, s21, s11, $0xb8;
	[tilespmem:$0xDD00] =	vst v63  }
0x26b: {  	s12 =	simm.s32 $0x1E00;
	s14 =	simm.s32 $0x9600  }
0x26c: {  	[tilespmem:s14], [sflag:$0x1] =	stream.indirect.gather [hbm4b:s1+s11], $0x1, s12, s11, $0xb8;
	[tilespmem:$0xDD00] =	vst v63  }
0x26d: {  	s15 =	simm.s32 $0x1E80;
	s16 =	simm.s32 $0x9A00  }
0x26e: {  	[tilespmem:s16], [sflag:$0x1] =	stream.indirect.gather [hbm4b:s1+s11], $0x1, s15, s11, $0xb8;
	[tilespmem:$0xDD00] =	vst v63  }
0x26f: {  	s17 =	simm.s32 $0x1F00;
	s18 =	simm.s32 $0x9E00  }
0x270: {  	[tilespmem:s18], [sflag:$0x1] =	stream.indirect.gather [hbm4b:s1+s11], $0x1, s17, s11, $0xb8;
	[tilespmem:$0xDD00] =	vst v63  }
0x271: {  	s19 =	simm.s32 $0x1F80;
	s20 =	simm.s32 $0xA200  }
0x272: {  	[tilespmem:s20], [sflag:$0x1] =	stream.indirect.gather [hbm4b:s1+s11], $0x1, s19, s11, $0xb8;
	[tilespmem:$0xDD00] =	vst v63  }
0x273: {  	s21 =	simm.s32 $0x2000;
	s22 =	simm.s32 $0xA600  }
0x274: {  	[tilespmem:s22], [sflag:$0x1] =	stream.indirect.gather [hbm4b:s1+s11], $0x1, s21, s11, $0xb8;
	[tilespmem:$0xDD00] =	vst v63  }
0x275: {  	s12 =	simm.s32 $0x2080;
	s14 =	simm.s32 $0x7680  }
0x276: {  	[tilespmem:s14], [sflag:$0x1] =	stream.indirect.gather [hbm4b:s1+s11], $0x1, s12, s11, $0xb8;
	[tilespmem:$0xDD00] =	vst v63  }
0x277: {  	s15 =	simm.s32 $0x2100;
	s16 =	simm.s32 $0x7A80  }
0x278: {  	[tilespmem:s16], [sflag:$0x1] =	stream.indirect.gather [hbm4b:s1+s11], $0x1, s15, s11, $0xb8;
	[tilespmem:$0xDD00] =	vst v63  }
0x279: {  	s17 =	simm.s32 $0x2180;
	s18 =	simm.s32 $0x7E80  }
0x27a: {  	[tilespmem:s18], [sflag:$0x1] =	stream.indirect.gather [hbm4b:s1+s11], $0x1, s17, s11, $0xb8;
	[tilespmem:$0xDD00] =	vst v63  }
0x27b: {  	s19 =	simm.s32 $0x2200;
	s20 =	simm.s32 $0x8280  }
0x27c: {  	[tilespmem:s20], [sflag:$0x1] =	stream.indirect.gather [hbm4b:s1+s11], $0x1, s19, s11, $0xb8;
	[tilespmem:$0xDD00] =	vst v63  }
0x27d: {  	s21 =	simm.s32 $0x2280;
	s22 =	simm.s32 $0x8680  }
0x27e: {  	[tilespmem:s22], [sflag:$0x1] =	stream.indirect.gather [hbm4b:s1+s11], $0x1, s21, s11, $0xb8;
	[tilespmem:$0xDD00] =	vst v63  }
0x27f: {  	s12 =	simm.s32 $0x2300;
	s14 =	simm.s32 $0x8A80  }
0x280: {  	[tilespmem:s14], [sflag:$0x1] =	stream.indirect.gather [hbm4b:s1+s11], $0x1, s12, s11, $0xb8;
	[tilespmem:$0xDD00] =	vst v63  }
0x281: {  	s15 =	simm.s32 $0x2380;
	s16 =	simm.s32 $0x8E80  }
0x282: {  	[tilespmem:s16], [sflag:$0x1] =	stream.indirect.gather [hbm4b:s1+s11], $0x1, s15, s11, $0xb8;
	[tilespmem:$0xDD00] =	vst v63  }
0x283: {  	s17 =	simm.s32 $0x2400;
	s18 =	simm.s32 $0x9280  }
0x284: {  	[tilespmem:s18], [sflag:$0x1] =	stream.indirect.gather [hbm4b:s1+s11], $0x1, s17, s11, $0xb8;
	[tilespmem:$0xDD00] =	vst v63  }
0x285: {  	s19 =	simm.s32 $0x2480;
	s20 =	simm.s32 $0x9680  }
0x286: {  	[tilespmem:s20], [sflag:$0x1] =	stream.indirect.gather [hbm4b:s1+s11], $0x1, s19, s11, $0xb8;
	[tilespmem:$0xDD00] =	vst v63  }
0x287: {  	s21 =	simm.s32 $0x2500;
	s22 =	simm.s32 $0x9A80  }
0x288: {  	[tilespmem:s22], [sflag:$0x1] =	stream.indirect.gather [hbm4b:s1+s11], $0x1, s21, s11, $0xb8;
	[tilespmem:$0xDD00] =	vst v63  }
0x289: {  	s12 =	simm.s32 $0x2580;
	s14 =	simm.s32 $0x9E80  }
0x28a: {  	[tilespmem:s14], [sflag:$0x1] =	stream.indirect.gather [hbm4b:s1+s11], $0x1, s12, s11, $0xb8;
	[tilespmem:$0xDD00] =	vst v63  }
0x28b: {  	s15 =	simm.s32 $0x2600;
	s16 =	simm.s32 $0xA280  }
0x28c: {  	[tilespmem:s16], [sflag:$0x1] =	stream.indirect.gather [hbm4b:s1+s11], $0x1, s15, s11, $0xb8;
	[tilespmem:$0xDD00] =	vst v63  }
0x28d: {  	s17 =	simm.s32 $0x2680;
	s18 =	simm.s32 $0xA680  }
0x28e: {  	[tilespmem:s18], [sflag:$0x1] =	stream.indirect.gather [hbm4b:s1+s11], $0x1, s17, s11, $0xb8;
	[tilespmem:$0xDD00] =	vst v63  }
0x28f: {  	s19 =	simm.s32 $0x2700;
	s20 =	simm.s32 $0x7700  }
0x290: {  	[tilespmem:s20], [sflag:$0x1] =	stream.indirect.gather [hbm4b:s1+s11], $0x1, s19, s11, $0xb8;
	[tilespmem:$0xDD00] =	vst v63  }
0x291: {  	s21 =	simm.s32 $0x2780;
	s22 =	simm.s32 $0x7B00  }
0x292: {  	[tilespmem:s22], [sflag:$0x1] =	stream.indirect.gather [hbm4b:s1+s11], $0x1, s21, s11, $0xb8;
	[tilespmem:$0xDD00] =	vst v63  }
0x293: {  	s12 =	simm.s32 $0x2800;
	s14 =	simm.s32 $0x7F00  }
0x294: {  	[tilespmem:s14], [sflag:$0x1] =	stream.indirect.gather [hbm4b:s1+s11], $0x1, s12, s11, $0xb8;
	[tilespmem:$0xDD00] =	vst v63  }
0x295: {  	s15 =	simm.s32 $0x2880;
	s16 =	simm.s32 $0x8300  }
0x296: {  	[tilespmem:s16], [sflag:$0x1] =	stream.indirect.gather [hbm4b:s1+s11], $0x1, s15, s11, $0xb8;
	[tilespmem:$0xDD00] =	vst v63  }
0x297: {  	s17 =	simm.s32 $0x2900;
	s18 =	simm.s32 $0x8700  }
0x298: {  	[tilespmem:s18], [sflag:$0x1] =	stream.indirect.gather [hbm4b:s1+s11], $0x1, s17, s11, $0xb8;
	[tilespmem:$0xDD00] =	vst v63  }
0x299: {  	s19 =	simm.s32 $0x2980;
	s20 =	simm.s32 $0x8B00  }
0x29a: {  	[tilespmem:s20], [sflag:$0x1] =	stream.indirect.gather [hbm4b:s1+s11], $0x1, s19, s11, $0xb8;
	[tilespmem:$0xDD00] =	vst v63  }
0x29b: {  	s21 =	simm.s32 $0x2A00;
	s22 =	simm.s32 $0x8F00  }
0x29c: {  	[tilespmem:s22], [sflag:$0x1] =	stream.indirect.gather [hbm4b:s1+s11], $0x1, s21, s11, $0xb8;
	[tilespmem:$0xDD00] =	vst v63  }
0x29d: {  	s12 =	simm.s32 $0x2A80;
	s14 =	simm.s32 $0x9300  }
0x29e: {  	[tilespmem:s14], [sflag:$0x1] =	stream.indirect.gather [hbm4b:s1+s11], $0x1, s12, s11, $0xb8;
	[tilespmem:$0xDD00] =	vst v63  }
0x29f: {  	s15 =	simm.s32 $0x2B00;
	s16 =	simm.s32 $0x9700  }
0x2a0: {  	[tilespmem:s16], [sflag:$0x1] =	stream.indirect.gather [hbm4b:s1+s11], $0x1, s15, s11, $0xb8;
	[tilespmem:$0xDD00] =	vst v63  }
0x2a1: {  	s17 =	simm.s32 $0x2B80;
	s18 =	simm.s32 $0x9B00  }
0x2a2: {  	[tilespmem:s18], [sflag:$0x1] =	stream.indirect.gather [hbm4b:s1+s11], $0x1, s17, s11, $0xb8;
	[tilespmem:$0xDD00] =	vst v63  }
0x2a3: {  	s19 =	simm.s32 $0x2C00;
	s20 =	simm.s32 $0x9F00  }
0x2a4: {  	[tilespmem:s20], [sflag:$0x1] =	stream.indirect.gather [hbm4b:s1+s11], $0x1, s19, s11, $0xb8;
	[tilespmem:$0xDD00] =	vst v63  }
0x2a5: {  	s21 =	simm.s32 $0x2C80;
	s22 =	simm.s32 $0xA300  }
0x2a6: {  	[tilespmem:s22], [sflag:$0x1] =	stream.indirect.gather [hbm4b:s1+s11], $0x1, s21, s11, $0xb8;
	[tilespmem:$0xDD00] =	vst v63  }
0x2a7: {  	s12 =	simm.s32 $0x2D00;
	s14 =	simm.s32 $0xA700  }
0x2a8: {  	[tilespmem:s14], [sflag:$0x1] =	stream.indirect.gather [hbm4b:s1+s11], $0x1, s12, s11, $0xb8;
	[tilespmem:$0xDD00] =	vst v63  }
0x2a9: {  	s15 =	simm.s32 $0x2D80;
	s16 =	simm.s32 $0x7780  }
0x2aa: {  	[tilespmem:s16], [sflag:$0x1] =	stream.indirect.gather [hbm4b:s1+s11], $0x1, s15, s11, $0xb8;
	[tilespmem:$0xDD00] =	vst v63  }
0x2ab: {  	s17 =	simm.s32 $0x2E00;
	s18 =	simm.s32 $0x7B80  }
0x2ac: {  	[tilespmem:s18], [sflag:$0x1] =	stream.indirect.gather [hbm4b:s1+s11], $0x1, s17, s11, $0xb8;
	[tilespmem:$0xDD00] =	vst v63  }
0x2ad: {  	s19 =	simm.s32 $0x2E80;
	s20 =	simm.s32 $0x7F80  }
0x2ae: {  	[tilespmem:s20], [sflag:$0x1] =	stream.indirect.gather [hbm4b:s1+s11], $0x1, s19, s11, $0xb8;
	[tilespmem:$0xDD00] =	vst v63  }
0x2af: {  	s21 =	simm.s32 $0x2F00;
	s22 =	simm.s32 $0x8380  }
0x2b0: {  	[tilespmem:s22], [sflag:$0x1] =	stream.indirect.gather [hbm4b:s1+s11], $0x1, s21, s11, $0xb8;
	[tilespmem:$0xDD00] =	vst v63  }
0x2b1: {  	s12 =	simm.s32 $0x2F80;
	s14 =	simm.s32 $0x8780  }
0x2b2: {  	[tilespmem:s14], [sflag:$0x1] =	stream.indirect.gather [hbm4b:s1+s11], $0x1, s12, s11, $0xb8;
	[tilespmem:$0xDD00] =	vst v63  }
0x2b3: {  	s15 =	simm.s32 $0x3000;
	s16 =	simm.s32 $0x8B80  }
0x2b4: {  	[tilespmem:s16], [sflag:$0x1] =	stream.indirect.gather [hbm4b:s1+s11], $0x1, s15, s11, $0xb8;
	[tilespmem:$0xDD00] =	vst v63  }
0x2b5: {  	s17 =	simm.s32 $0x3080;
	s18 =	simm.s32 $0x8F80  }
0x2b6: {  	[tilespmem:s18], [sflag:$0x1] =	stream.indirect.gather [hbm4b:s1+s11], $0x1, s17, s11, $0xb8;
	[tilespmem:$0xDD00] =	vst v63  }
0x2b7: {  	s19 =	simm.s32 $0x3100;
	s20 =	simm.s32 $0x9380  }
0x2b8: {  	[tilespmem:s20], [sflag:$0x1] =	stream.indirect.gather [hbm4b:s1+s11], $0x1, s19, s11, $0xb8;
	[tilespmem:$0xDD00] =	vst v63  }
0x2b9: {  	s21 =	simm.s32 $0x3180;
	s22 =	simm.s32 $0x9780  }
0x2ba: {  	[tilespmem:s22], [sflag:$0x1] =	stream.indirect.gather [hbm4b:s1+s11], $0x1, s21, s11, $0xb8;
	[tilespmem:$0xDD00] =	vst v63  }
0x2bb: {  	s12 =	simm.s32 $0x3200;
	s14 =	simm.s32 $0x9B80  }
0x2bc: {  	[tilespmem:s14], [sflag:$0x1] =	stream.indirect.gather [hbm4b:s1+s11], $0x1, s12, s11, $0xb8;
	[tilespmem:$0xDD00] =	vst v63  }
0x2bd: {  	s15 =	simm.s32 $0x3280;
	s16 =	simm.s32 $0x9F80  }
0x2be: {  	[tilespmem:s16], [sflag:$0x1] =	stream.indirect.gather [hbm4b:s1+s11], $0x1, s15, s11, $0xb8;
	[tilespmem:$0xDD00] =	vst v63  }
0x2bf: {  	s17 =	simm.s32 $0x3300;
	s18 =	simm.s32 $0xA380  }
0x2c0: {  	[tilespmem:s18], [sflag:$0x1] =	stream.indirect.gather [hbm4b:s1+s11], $0x1, s17, s11, $0xb8;
	[tilespmem:$0xDD00] =	vst v63  }
0x2c1: {  	s19 =	simm.s32 $0x3380;
	s20 =	simm.s32 $0xA780  }
0x2c2: {  	[tilespmem:s20], [sflag:$0x1] =	stream.indirect.gather [hbm4b:s1+s11], $0x1, s19, s11, $0xb8;
	[tilespmem:$0xDD00] =	vst v63  }
0x2c3: {  	s21 =	simm.s32 $0x3400;
	s22 =	simm.s32 $0x7800  }
0x2c4: {  	[tilespmem:s22], [sflag:$0x1] =	stream.indirect.gather [hbm4b:s1+s11], $0x1, s21, s11, $0xb8;
	[tilespmem:$0xDD00] =	vst v63  }
0x2c5: {  	s12 =	simm.s32 $0x3480;
	s14 =	simm.s32 $0x7C00  }
0x2c6: {  	[tilespmem:s14], [sflag:$0x1] =	stream.indirect.gather [hbm4b:s1+s11], $0x1, s12, s11, $0xb8;
	[tilespmem:$0xDD00] =	vst v63  }
0x2c7: {  	s15 =	simm.s32 $0x3500;
	s16 =	simm.s32 $0x8000  }
0x2c8: {  	[tilespmem:s16], [sflag:$0x1] =	stream.indirect.gather [hbm4b:s1+s11], $0x1, s15, s11, $0xb8;
	[tilespmem:$0xDD00] =	vst v63  }
0x2c9: {  	s17 =	simm.s32 $0x3580;
	s18 =	simm.s32 $0x8400  }
0x2ca: {  	[tilespmem:s18], [sflag:$0x1] =	stream.indirect.gather [hbm4b:s1+s11], $0x1, s17, s11, $0xb8;
	[tilespmem:$0xDD00] =	vst v63  }
0x2cb: {  	s19 =	simm.s32 $0x3600;
	s20 =	simm.s32 $0x8800  }
0x2cc: {  	[tilespmem:s20], [sflag:$0x1] =	stream.indirect.gather [hbm4b:s1+s11], $0x1, s19, s11, $0xb8;
	[tilespmem:$0xDD00] =	vst v63  }
0x2cd: {  	s21 =	simm.s32 $0x3680;
	s22 =	simm.s32 $0x8C00  }
0x2ce: {  	[tilespmem:s22], [sflag:$0x1] =	stream.indirect.gather [hbm4b:s1+s11], $0x1, s21, s11, $0xb8;
	[tilespmem:$0xDD00] =	vst v63  }
0x2cf: {  	s12 =	simm.s32 $0x3700;
	s14 =	simm.s32 $0x9000  }
0x2d0: {  	[tilespmem:s14], [sflag:$0x1] =	stream.indirect.gather [hbm4b:s1+s11], $0x1, s12, s11, $0xb8;
	[tilespmem:$0xDD00] =	vst v63  }
0x2d1: {  	s15 =	simm.s32 $0x3780;
	s16 =	simm.s32 $0x9400  }
0x2d2: {  	[tilespmem:s16], [sflag:$0x1] =	stream.indirect.gather [hbm4b:s1+s11], $0x1, s15, s11, $0xb8;
	[tilespmem:$0xDD00] =	vst v63  }
0x2d3: {  	s17 =	simm.s32 $0x3800;
	s18 =	simm.s32 $0x9800  }
0x2d4: {  	[tilespmem:s18], [sflag:$0x1] =	stream.indirect.gather [hbm4b:s1+s11], $0x1, s17, s11, $0xb8;
	[tilespmem:$0xDD00] =	vst v63  }
0x2d5: {  	s19 =	simm.s32 $0x3880;
	s20 =	simm.s32 $0x9C00  }
0x2d6: {  	[tilespmem:s20], [sflag:$0x1] =	stream.indirect.gather [hbm4b:s1+s11], $0x1, s19, s11, $0xb8;
	[tilespmem:$0xDD00] =	vst v63  }
0x2d7: {  	s21 =	simm.s32 $0x3900;
	s22 =	simm.s32 $0xA000  }
0x2d8: {  	[tilespmem:s22], [sflag:$0x1] =	stream.indirect.gather [hbm4b:s1+s11], $0x1, s21, s11, $0xb8;
	[tilespmem:$0xDD00] =	vst v63  }
0x2d9: {  	s12 =	simm.s32 $0x3980;
	s14 =	simm.s32 $0xA400  }
0x2da: {  	[tilespmem:s14], [sflag:$0x1] =	stream.indirect.gather [hbm4b:s1+s11], $0x1, s12, s11, $0xb8;
	[tilespmem:$0xDD00] =	vst v63  }
0x2db: {  	s15 =	simm.s32 $0x3A00;
	s16 =	simm.s32 $0xA800  }
0x2dc: {  	[tilespmem:s16], [sflag:$0x1] =	stream.indirect.gather [hbm4b:s1+s11], $0x1, s15, s11, $0xb8;
	[tilespmem:$0xDD00] =	vst v63  }
0x2dd: {  	s17 =	simm.s32 $0x3A80;
	s18 =	simm.s32 $0x7880  }
0x2de: {  	[tilespmem:s18], [sflag:$0x1] =	stream.indirect.gather [hbm4b:s1+s11], $0x1, s17, s11, $0xb8;
	[tilespmem:$0xDD00] =	vst v63  }
0x2df: {  	s19 =	simm.s32 $0x3B00;
	s20 =	simm.s32 $0x7C80  }
0x2e0: {  	[tilespmem:s20], [sflag:$0x1] =	stream.indirect.gather [hbm4b:s1+s11], $0x1, s19, s11, $0xb8;
	[tilespmem:$0xDD00] =	vst v63  }
0x2e1: {  	s21 =	simm.s32 $0x3B80;
	s22 =	simm.s32 $0x8080  }
0x2e2: {  	[tilespmem:s22], [sflag:$0x1] =	stream.indirect.gather [hbm4b:s1+s11], $0x1, s21, s11, $0xb8;
	[tilespmem:$0xDD00] =	vst v63  }
0x2e3: {  	s12 =	simm.s32 $0x3C00;
	s14 =	simm.s32 $0x8480  }
0x2e4: {  	[tilespmem:s14], [sflag:$0x1] =	stream.indirect.gather [hbm4b:s1+s11], $0x1, s12, s11, $0xb8;
	[tilespmem:$0xDD00] =	vst v63  }
0x2e5: {  	s15 =	simm.s32 $0x3C80;
	s16 =	simm.s32 $0x8880  }
0x2e6: {  	[tilespmem:s16], [sflag:$0x1] =	stream.indirect.gather [hbm4b:s1+s11], $0x1, s15, s11, $0xb8;
	[tilespmem:$0xDD00] =	vst v63  }
0x2e7: {  	s17 =	simm.s32 $0x3D00;
	s18 =	simm.s32 $0x8C80  }
0x2e8: {  	[tilespmem:s18], [sflag:$0x1] =	stream.indirect.gather [hbm4b:s1+s11], $0x1, s17, s11, $0xb8;
	[tilespmem:$0xDD00] =	vst v63  }
0x2e9: {  	s19 =	simm.s32 $0x3D80;
	s20 =	simm.s32 $0x9080  }
0x2ea: {  	[tilespmem:s20], [sflag:$0x1] =	stream.indirect.gather [hbm4b:s1+s11], $0x1, s19, s11, $0xb8;
	[tilespmem:$0xDD00] =	vst v63  }
0x2eb: {  	s21 =	simm.s32 $0x3E00;
	s22 =	simm.s32 $0x9480  }
0x2ec: {  	[tilespmem:s22], [sflag:$0x1] =	stream.indirect.gather [hbm4b:s1+s11], $0x1, s21, s11, $0xb8;
	[tilespmem:$0xDD00] =	vst v63  }
0x2ed: {  	s12 =	simm.s32 $0x3E80;
	s14 =	simm.s32 $0x9880  }
0x2ee: {  	[tilespmem:s14], [sflag:$0x1] =	stream.indirect.gather [hbm4b:s1+s11], $0x1, s12, s11, $0xb8;
	[tilespmem:$0xDD00] =	vst v63  }
0x2ef: {  	s15 =	simm.s32 $0x3F00;
	s16 =	simm.s32 $0x9C80  }
0x2f0: {  	[tilespmem:s16], [sflag:$0x1] =	stream.indirect.gather [hbm4b:s1+s11], $0x1, s15, s11, $0xb8;
	[tilespmem:$0xDD00] =	vst v63  }
0x2f1: {  	s17 =	simm.s32 $0x3F80;
	s18 =	simm.s32 $0xA080  }
0x2f2: {  	[tilespmem:s18], [sflag:$0x1] =	stream.indirect.gather [hbm4b:s1+s11], $0x1, s17, s11, $0xb8;
	[tilespmem:$0xDD00] =	vst v63  }
.Ltmp11:
0x2f3: {  	_ = 	snop;
	(pc) =	sbr.rel .LBB2_16-.Ltmp11, $4  }
0x2f4: {  	s19 =	simm.s32 $0x4000;
	s20 =	simm.s32 $0xA480  }
0x2f5: {  	[tilespmem:s20], [sflag:$0x1] =	stream.indirect.gather [hbm4b:s1+s11], $0x1, s19, s11, $0xb8;
	[tilespmem:$0xDD00] =	vst v63  }
0x2f6: {  	s21 =	simm.s32 $0x4080;
	s22 =	simm.s32 $0xA880  }
0x2f7: {  	[tilespmem:s22], [sflag:$0x1] =	stream.indirect.gather [hbm4b:s1+s11], $0x1, s21, s11, $0xb8;
	[tilespmem:$0xDD00] =	vst v63  }
.LBB2_18:
0x2f8: {  	_ =	sfence.sel $0x180000  }
0x2f9: {  	[bflag:$0x0] =	sbarrier.arrive $0xFFFF  }
0x2fa: {  	_ =	strace $0x90000047  }
0x2fb: {  	s0 =	stileid.u32;
	[bflag:$0x2] =	sbarrier.arrive $0xFFFF  }
0x2fc: {  	p0 =	sne.s32 s0, $0x0;
	s0 =	rddreg [dreg:$0x3]  }
0x2fd: {  	s0 =	sadd.s32 @!p0 $0x100000, s0  }
0x2fe: {  	[sflag:s0] =	ssyncadd.tile.s32 @!p0 $0x1;
	_ =	shalt  }
.Lfunc_end2:
_tile_overlayer_lowered:
.L_overlay_start_2:
0x2ff: {  	(tag) =	ssettag $0x2  }
0x300: {  	s0 =	rddreg [dreg:$0x0];
	s2 =	stileid.u32  }
0x301: {  	s1 =	rddreg [dreg:$0x1];
	p0 =	sne.s32 s2, $0x0  }
0x302: {  	s3 =	rddreg [dreg:$0x2];
	[bflag:$0x3] =	sbarrier.arrive $0xFFFF;
	s2 =	simm.s32 @!p0 $0x1C05  }
0x303: {  	[timem:s3], [sflag:s2] =	dma.local @!p0 [hbm:s0], s1  }
0x304: {  	s0 =	simm.s32 @!p0 $0x5  }
0x305: {  	_ =	swait.ge @!p0 [sflag:s0], s1  }
0x306: {  	s1 =	ssub.s32 @!p0 $0x0, s1;
	[sflag:s0] =	ssyncset.done @!p0 $0x0  }
0x307: {  	[sflag:s0] =	ssyncadd.s32 @!p0 s1  }
0x308: {  	[bflag:$0x3] =	sbarrier.arrive $0xFFFF  }
0x309: {  	_ =	shalt  }

</sc_bundles>
